<compile_context>
chip_gen: v7x
topology: tpu7x:2x2x1
jax: 0.10.2.dev20260603
libtpu: 0.0.44.dev20260713+nightly
codegen_flags: <defaults>
</compile_context>

<pallas_src>
import functools

import jax
import jax.numpy as jnp
from jax import lax
from jax.experimental import pallas as pl
from jax.experimental.pallas import tpu as pltpu
from jax.experimental.pallas import tpu_sc as plsc

N = 10000
E = 320000
D = 128
H = 64

NPAD = 10240
ROWB = 512
NBLK = NPAD // ROWB
NC = 2
NS = 16
NW = NC * NS
CH = 128
NCHUNK = 79
NCH0 = 89
NCH1 = 69
NCHM = 89
NBUF = 2
EPAD = NW * NCHUNK * CH
E0 = NS * NCH0 * CH
RA = 2 * NPAD
RPSA = RA // NS
RC = 2 * NPAD + 128
DUMP = 2 * NPAD
RPSC = RC // NS
NZR = 8
NPADZ = NPAD + ROWB



def _sc_mesh():
  return plsc.VectorSubcoreMesh(
      core_axis_name="c", subcore_axis_name="s",
      num_cores=NC, num_subcores=NS)


def _make_agg():
  out_type = (
      jax.ShapeDtypeStruct((NC, RA, 64), jnp.float32),
      jax.ShapeDtypeStruct((NC, RA, 64), jnp.float32),
  )
  scratch = [
      pltpu.VMEM((NCHM, CH), jnp.int32),
      pltpu.VMEM((NCHM, CH), jnp.int32),
  ] + [pltpu.VMEM((CH, 64), jnp.float32) for _ in range(NBUF)] + [
      pltpu.VMEM((CH, 64), jnp.float32),
      pltpu.VMEM_SHARED((RA, 64), jnp.float32),
  ] + [pltpu.SemaphoreType.DMA for _ in range(NBUF)]

  def body(fa, fb, gidx_h, sidx_h, zc64_h, oa, ob, gidx, sidx, *rest):
    bufs = rest[:NBUF]
    z64 = rest[NBUF]
    acc = rest[NBUF + 1]
    sems = rest[NBUF + 2:]
    cid = lax.axis_index("c")
    sid = lax.axis_index("s")
    wid = cid * NS + sid
    nch = jnp.where(cid == 0, NCH0, NCH1)
    base = sid * RPSA

    pltpu.sync_copy(gidx_h.at[wid], gidx)
    pltpu.sync_copy(sidx_h.at[wid], sidx)
    pltpu.sync_copy(zc64_h, z64)

    def zero_acc():
      for t in range(10):
        pltpu.sync_copy(z64, acc.at[pl.ds(base + t * CH, CH)])

    zero_acc()
    plsc.subcore_barrier()

    def run_phase(f_hbm, out_ref):
      def scat(k, buf):
        pltpu.sync_copy(buf, acc.at[sidx.at[k]], add=True)

      def gs(k, buf, sem):
        pltpu.async_copy(f_hbm.at[gidx.at[k]], buf, sem)

      def gw(buf, sem):
        pltpu.make_async_copy(f_hbm.at[gidx.at[0]], buf, sem).wait()

      buf0, buf1 = bufs[0], bufs[1]
      sem0, sem1 = sems[0], sems[1]
      gs(0, buf0, sem0)

      def loop(k, carry):
        a = 2 * k
        gs(a + 1, buf1, sem1)
        gw(buf0, sem0)
        scat(a, buf0)
        gs(a + 2, buf0, sem0)
        gw(buf1, sem1)
        scat(a + 1, buf1)
        return carry

      lax.fori_loop(0, (nch - 1) // 2, loop, 0)
      gw(buf0, sem0)
      scat(nch - 1, buf0)
      plsc.subcore_barrier()
      pltpu.sync_copy(acc.at[pl.ds(base, RPSA)],
                      out_ref.at[cid, pl.ds(base, RPSA)])

    run_phase(fa, oa)
    plsc.subcore_barrier()
    zero_acc()
    plsc.subcore_barrier()
    run_phase(fb, ob)

  return pl.kernel(body, out_type=out_type, mesh=_sc_mesh(),
                   scratch_types=scratch,
                   compiler_params=pltpu.CompilerParams(
                       use_tc_tiling_on_sc=False))


def _make_counts():
  scratch = [
      pltpu.VMEM((NCHUNK, CH), jnp.int32),
      pltpu.VMEM((CH, 16), jnp.float32),
      pltpu.VMEM((CH, 16), jnp.float32),
      pltpu.VMEM_SHARED((RC, 16), jnp.float32),
  ]

  def body(sidx_h, oc16_h, zc16_h, oc, sidx, ones16, z16, cacc):
    cid = lax.axis_index("c")
    sid = lax.axis_index("s")
    wid = sid * NC + cid
    base = sid * RPSC

    pltpu.sync_copy(sidx_h.at[wid], sidx)
    pltpu.sync_copy(oc16_h, ones16)
    pltpu.sync_copy(zc16_h, z16)
    for t in range(10):
      pltpu.sync_copy(z16, cacc.at[pl.ds(base + t * CH, CH)])
    pltpu.sync_copy(z16.at[pl.ds(0, 8)], cacc.at[pl.ds(base + 10 * CH, 8)])
    plsc.subcore_barrier()

    def loop(k, carry):
      pltpu.sync_copy(ones16, cacc.at[sidx.at[k]], add=True)
      return carry

    lax.fori_loop(0, NCHUNK, loop, 0)
    plsc.subcore_barrier()
    pltpu.sync_copy(cacc.at[pl.ds(base, RPSC)],
                    oc.at[cid, pl.ds(base, RPSC)])

  return pl.kernel(body,
                   out_type=jax.ShapeDtypeStruct((NC, RC, 16), jnp.float32),
                   mesh=_sc_mesh(), scratch_types=scratch,
                   compiler_params=pltpu.CompilerParams(
                       use_tc_tiling_on_sc=False))



def _t1_body(x_ref, w_ref, b_ref, oa_ref, ob_ref):
  live = pl.program_id(0) < NBLK
  h = jnp.dot(x_ref[...], w_ref[...],
              preferred_element_type=jnp.float32) + b_ref[...]
  oa_ref[...] = jnp.where(live, h[:, :H], 0.0)
  ob_ref[...] = jnp.where(live, h[:, H:], 0.0)


def _t2_body(pap, pan, pbp, pbn, cp_ref, cn_ref, h0a, h0b,
             wp1, wn1, bp1, bn1, zp_ref, zn_ref):
  live = pl.program_id(0) < NBLK
  cp = jnp.maximum(cp_ref[0, :, 0:1] + cp_ref[1, :, 0:1], 1.0)
  cn = jnp.maximum(cn_ref[0, :, 0:1] + cn_ref[1, :, 0:1], 1.0)
  a = h0a[...]
  b = h0b[...]
  dot = functools.partial(jnp.dot, preferred_element_type=jnp.float32)
  xp_cat = jnp.concatenate(
      [(pap[0] + pap[1]) / cp, (pbp[0] + pbp[1]) / cp, a, b], axis=1)
  xn_cat = jnp.concatenate(
      [(pan[0] + pan[1]) / cn, (pbn[0] + pbn[1]) / cn, a, b], axis=1)
  hp = dot(xp_cat, wp1[...]) + bp1[...]
  hn = dot(xn_cat, wn1[...]) + bn1[...]
  zp_ref[...] = jnp.where(live, jnp.tanh(hp), 0.0)
  zn_ref[...] = jnp.where(live, jnp.tanh(hn), 0.0)


def _t3_body(qap, qan, qbp, qbn, cp_ref, cn_ref, zp_ref, zn_ref,
             wp2, wn2, bp2, bn2, ww, bw, wm1, bm1, g1, be1,
             wm2, bm2, g2, be2, wm3t, bm3, z_ref, prob_ref):
  cp = jnp.maximum(cp_ref[0, :, 0:1] + cp_ref[1, :, 0:1], 1.0)
  cn = jnp.maximum(cn_ref[0, :, 0:1] + cn_ref[1, :, 0:1], 1.0)
  zp = zp_ref[...]
  zn = zn_ref[...]
  dot = functools.partial(jnp.dot, preferred_element_type=jnp.float32)
  xp_cat = jnp.concatenate(
      [(qap[0] + qap[1]) / cp, (qbn[0] + qbn[1]) / cn, zp], axis=1)
  xn_cat = jnp.concatenate(
      [(qbp[0] + qbp[1]) / cp, (qan[0] + qan[1]) / cn, zn], axis=1)
  hp = dot(xp_cat, wp2[...]) + bp2[...]
  hn = dot(xn_cat, wn2[...]) + bn2[...]
  z2 = jnp.concatenate([jnp.tanh(hp), jnp.tanh(hn)], axis=1)
  z = jnp.tanh(dot(z2, ww[...]) + bw[...])
  z_ref[...] = z
  rs = 1.0 / jnp.sqrt(1.0 + 1e-5)
  h1 = jax.nn.relu(g1[...] * (dot(z, wm1[...]) + bm1[...]) * rs + be1[...])
  h2 = jax.nn.relu(g2[...] * (dot(h1, wm2[...]) + bm2[...]) * rs + be2[...])
  logit = jnp.sum(h2 * wm3t[...], axis=1, keepdims=True) + bm3[0, 0]
  prob_ref[...] = jax.nn.sigmoid(logit)


def _row_spec(shape):
  return pl.BlockSpec((ROWB,) + shape[1:], lambda i: (i,) + (0,) * (len(shape) - 1))


def _row_spec_cl(shape):
  return pl.BlockSpec((ROWB,) + shape[1:],
                      lambda i: (jnp.minimum(i, NBLK - 1),)
                      + (0,) * (len(shape) - 1))


def _full_spec(shape):
  return pl.BlockSpec(shape, lambda i: (0,) * len(shape))


def _part_spec(width, neg):
  off = NBLK if neg else 0
  return pl.BlockSpec(
      (NC, ROWB, width),
      lambda i, off=off: (0, jnp.minimum(off + i, 2 * NBLK - 1), 0))



def kernel(x, edge_index, W_init, b_init, Wp1, bp1, Wn1, bn1, Wp2, bp2,
           Wn2, bn2, Ww, bw, Wm1, bm1, g1, be1, Wm2, bm2, g2, be2, Wm3, bm3):
  f32 = jnp.float32
  src = edge_index[:, 0].astype(jnp.int32)
  dst = edge_index[:, 1].astype(jnp.int32)
  sign = edge_index[:, 2]
  sidx = dst + NPAD * (sign < 0).astype(jnp.int32)
  npad_e = EPAD - E
  pad_ar = jnp.arange(npad_e, dtype=jnp.int32)
  gidx_p = jnp.concatenate([src, NPAD + pad_ar % NZR])
  sidx_p = jnp.concatenate([sidx, pad_ar % RA])
  cidx_p = jnp.concatenate([sidx, DUMP + pad_ar % 128])

  def _skew(a):
    c0 = jnp.pad(a[:E0].reshape(NS, NCH0, CH),
                 ((0, 0), (0, NCHM - NCH0), (0, 0)))
    c1 = jnp.pad(a[E0:].reshape(NS, NCH1, CH),
                 ((0, 0), (0, NCHM - NCH1), (0, 0)))
    return jnp.concatenate([c0, c1], axis=0)

  gidx3 = _skew(gidx_p)
  sidx3 = _skew(sidx_p)
  cidx3 = cidx_p.reshape(NW, NCHUNK, CH)

  xp = jnp.pad(x, ((0, NPAD - N), (0, 0)))
  z64 = jnp.zeros((CH, 64), f32)
  o16 = jnp.ones((CH, 16), f32)
  z16 = jnp.zeros((CH, 16), f32)

  h0a, h0b = pl.pallas_call(
      _t1_body,
      grid=(NBLK + 1,),
      in_specs=[_row_spec_cl((NPAD, H)), _full_spec((H, D)),
                _full_spec((1, D))],
      out_specs=[_row_spec((NPADZ, H)), _row_spec((NPADZ, H))],
      out_shape=[jax.ShapeDtypeStruct((NPADZ, H), f32)] * 2,
  )(xp, W_init, b_init.reshape(1, D))

  cnt = _make_counts()(cidx3, o16, z16)
  z64 = z64 + 0.0 * cnt[0, 0, 0]
  pa, pb = _make_agg()(h0a, h0b, gidx3, sidx3, z64)

  wspec = [_full_spec((4 * H, H)), _full_spec((4 * H, H)),
           _full_spec((1, H)), _full_spec((1, H))]
  zp, zn = pl.pallas_call(
      _t2_body,
      grid=(NBLK + 1,),
      in_specs=[_part_spec(64, False), _part_spec(64, True),
                _part_spec(64, False), _part_spec(64, True),
                _part_spec(16, False), _part_spec(16, True),
                _row_spec((NPADZ, H)), _row_spec((NPADZ, H))] + wspec,
      out_specs=[_row_spec((NPADZ, H)), _row_spec((NPADZ, H))],
      out_shape=[jax.ShapeDtypeStruct((NPADZ, H), f32)] * 2,
  )(pa, pa, pb, pb, cnt, cnt, h0a, h0b,
    Wp1, Wn1, bp1.reshape(1, H), bn1.reshape(1, H))

  qa, qb = _make_agg()(zp, zn, gidx3, sidx3, z64)

  w3spec = [_full_spec((3 * H, H)), _full_spec((3 * H, H)),
            _full_spec((1, H)), _full_spec((1, H)),
            _full_spec((D, D)), _full_spec((1, D)),
            _full_spec((D, D)), _full_spec((1, D)),
            _full_spec((1, D)), _full_spec((1, D)),
            _full_spec((D, D)), _full_spec((1, D)),
            _full_spec((1, D)), _full_spec((1, D)),
            _full_spec((1, D)), _full_spec((1, 1))]
  z, prob = pl.pallas_call(
      _t3_body,
      grid=(NBLK,),
      in_specs=[_part_spec(64, False), _part_spec(64, True),
                _part_spec(64, False), _part_spec(64, True),
                _part_spec(16, False), _part_spec(16, True),
                _row_spec((NPADZ, H)), _row_spec((NPADZ, H))] + w3spec,
      out_specs=[_row_spec((N, D)), _row_spec((N, 1))],
      out_shape=[jax.ShapeDtypeStruct((N, D), f32),
                 jax.ShapeDtypeStruct((N, 1), f32)],
  )(qa, qa, qb, qb, cnt, cnt, zp, zn,
    Wp2, Wn2, bp2.reshape(1, H), bn2.reshape(1, H),
    Ww, bw.reshape(1, D), Wm1, bm1.reshape(1, D),
    g1.reshape(1, D), be1.reshape(1, D), Wm2, bm2.reshape(1, D),
    g2.reshape(1, D), be2.reshape(1, D),
    Wm3.reshape(1, D), bm3.reshape(1, 1))

  return (z, prob)

# --- scband reference (transcript-rebuilt; emitter-appended) ---
"""Pipeline reference for scband-model-12206297055798 (READ-ONLY COPY).

The authoritative reference and input builder live on the scoring server;
editing this copy changes nothing except your own understanding.
"""

import jax, jax.numpy as jnp
import numpy as np

N = 10000
E = 320000
D = 128
H = D // 2

def _glorot(key, fan_in, fan_out):
    lim = np.sqrt(6.0 / (fan_in + fan_out))
    return jax.random.uniform(key, (fan_in, fan_out), minval=-lim, maxval=lim, dtype=jnp.float32)

def setup_inputs(seed: int = 0):
    key = jax.random.key(seed)
    ks = jax.random.split(key, 16)
    x = jax.random.normal(ks[0], (N, H), dtype=jnp.float32)
    src = jax.random.randint(ks[1], (E,), 0, N)
    dst = jax.random.randint(ks[2], (E,), 0, N)
    sign = jnp.where(jax.random.uniform(ks[3], (E,)) < 0.8, 1, -1)
    edge_index = jnp.stack([src, dst, sign], axis=1)
    return {
        "x": x,
        "edge_index": edge_index,
        "W_init": _glorot(ks[4], H, D), "b_init": jnp.zeros((D,), jnp.float32),
        "Wp1": _glorot(ks[5], 2 * D, H), "bp1": jnp.zeros((H,), jnp.float32),
        "Wn1": _glorot(ks[6], 2 * D, H), "bn1": jnp.zeros((H,), jnp.float32),
        "Wp2": _glorot(ks[7], 3 * H, H), "bp2": jnp.zeros((H,), jnp.float32),
        "Wn2": _glorot(ks[8], 3 * H, H), "bn2": jnp.zeros((H,), jnp.float32),
        "Ww": _glorot(ks[9], D, D), "bw": jnp.zeros((D,), jnp.float32),
        "Wm1": _glorot(ks[10], D, D), "bm1": jnp.zeros((D,), jnp.float32),
        "g1": jnp.ones((D,), jnp.float32), "be1": jnp.zeros((D,), jnp.float32),
        "Wm2": _glorot(ks[11], D, D), "bm2": jnp.zeros((D,), jnp.float32),
        "g2": jnp.ones((D,), jnp.float32), "be2": jnp.zeros((D,), jnp.float32),
        "Wm3": _glorot(ks[12], D, 1), "bm3": jnp.zeros((1,), jnp.float32),
    }

def _mean_agg(h, src, dst, mask):
    s = jax.ops.segment_sum(h[src] * mask[:, None], dst, num_segments=N)
    c = jax.ops.segment_sum(jnp.ones((src.shape[0], 1), h.dtype) * mask[:, None], dst, num_segments=N)
    return s / jnp.maximum(c, 1.0)

def reference(x, edge_index, W_init, b_init, Wp1, bp1, Wn1, bn1, Wp2, bp2, Wn2, bn2, Ww, bw, Wm1, bm1, g1, be1, Wm2, bm2, g2, be2, Wm3, bm3):
    src = edge_index[:, 0]
    dst = edge_index[:, 1]
    sign = edge_index[:, 2]
    mp = (sign > 0).astype(x.dtype)
    mn = (sign < 0).astype(x.dtype)
    # init_feature_ln
    h0 = x @ W_init + b_init
    # conv1: first_aggr=True signed conv (mean aggregation over pos/neg edge sets)
    hp = jnp.concatenate([_mean_agg(h0, src, dst, mp), h0], axis=-1) @ Wp1 + bp1
    hn = jnp.concatenate([_mean_agg(h0, src, dst, mn), h0], axis=-1) @ Wn1 + bn1
    z = jnp.tanh(jnp.concatenate([hp, hn], axis=-1))
    # conv2: first_aggr=False signed conv (balanced/unbalanced path mixing)
    zp, zn = z[:, :H], z[:, H:]
    hp = jnp.concatenate([_mean_agg(zp, src, dst, mp), _mean_agg(zn, src, dst, mn), zp], axis=-1) @ Wp2 + bp2
    hn = jnp.concatenate([_mean_agg(zn, src, dst, mp), _mean_agg(zp, src, dst, mn), zn], axis=-1) @ Wn2 + bn2
    z = jnp.tanh(jnp.concatenate([hp, hn], axis=-1))
    # weight linear
    z = jnp.tanh(z @ Ww + bw)
    # readout_prob MLP: Linear->BN(eval)->ReLU->Dropout(off) x2 -> Linear -> sigmoid
    eps = 1e-5
    h = z @ Wm1 + bm1
    h = jax.nn.relu(g1 * h / jnp.sqrt(1.0 + eps) + be1)
    h = h @ Wm2 + bm2
    h = jax.nn.relu(g2 * h / jnp.sqrt(1.0 + eps) + be2)
    prob = jax.nn.sigmoid(h @ Wm3 + bm3)
    return (z, prob)

if __name__ == "__main__":
    import jax
    _d = setup_inputs()
    print(jax.jit(kernel)(*tuple(_d.values())))

</pallas_src>

<mosaic_0001>
#map = affine_map<(d0, d1) -> (0, 0)>
#map1 = affine_map<(d0, d1) -> (0, 0, 0)>
module attributes {stable_mosaic.version = 14 : i64} {
  func.func @body(%arg0: i32, %arg1: i32, %arg2: memref<10752x64xf32, #tpu.memory_space<hbm>>, %arg3: memref<10752x64xf32, #tpu.memory_space<hbm>>, %arg4: memref<32x89x128xi32, #tpu.memory_space<hbm>>, %arg5: memref<32x89x128xi32, #tpu.memory_space<hbm>>, %arg6: memref<128x64xf32, #tpu.memory_space<hbm>>, %arg7: memref<2x20480x64xf32, #tpu.memory_space<hbm>>, %arg8: memref<2x20480x64xf32, #tpu.memory_space<hbm>>, %arg9: memref<89x128xi32, #tpu.memory_space<vmem>>, %arg10: memref<89x128xi32, #tpu.memory_space<vmem>>, %arg11: memref<128x64xf32, #tpu.memory_space<vmem>>, %arg12: memref<128x64xf32, #tpu.memory_space<vmem>>, %arg13: memref<128x64xf32, #tpu.memory_space<vmem>>, %arg14: memref<20480x64xf32, #tpu.memory_space<vmem_shared>>, %arg15: memref<!tpu.dma_semaphore, #tpu.memory_space<semaphore_mem>>, %arg16: memref<!tpu.dma_semaphore, #tpu.memory_space<semaphore_mem>>) attributes {dimension_semantics = [#tpu.dimension_semantics<core_parallel>, #tpu.dimension_semantics<subcore_parallel>], iteration_bounds = array<i64: 2, 16>, scalar_prefetch = 0 : i64, scratch_operands = 8 : i64, tpu.core_type = #tpu.core_type<sc_vector_subcore>, window_params = [{transform_indices = #map}, {transform_indices = #map}, {transform_indices = #map1}, {transform_indices = #map1}, {transform_indices = #map}, {transform_indices = #map1}, {transform_indices = #map1}]} {
    %mul3A = arith.constant 16 : i32
    %mul3A_0 = arith.muli %arg0, %mul3A : i32
    %add3A = arith.addi %mul3A_0, %arg1 : i32
    %eq3A = arith.constant 0 : i32
    %eq3A_1 = arith.cmpi eq, %arg0, %eq3A : i32
    %jit3A = arith.constant 89 : i32
    %jit3A_2 = arith.constant 69 : i32
    %select_n3A = arith.select %eq3A_1, %jit3A, %jit3A_2 : i32
    %mul3A_3 = arith.constant 1280 : i32
    %mul3A_4 = arith.muli %arg1, %mul3A_3 : i32
    "tpu.region"() ({
      %run_scoped3A = tpu.sem_alloc : memref<!tpu.dma_semaphore, #tpu.memory_space<semaphore_mem>>
      %dma_start3A_144 = arith.constant 0 : i32
      %dma_start3A_145 = arith.constant 0 : i32
      %dma_start3A_146 = tpu.memref_slice %arg4[%add3A, %dma_start3A_144, %dma_start3A_145] : memref<32x89x128xi32, #tpu.memory_space<hbm>> -> memref<1x89x128xi32, #tpu.memory_space<hbm>>
      %dma_start3A_147 = tpu.memref_squeeze %dma_start3A_146 : memref<1x89x128xi32, #tpu.memory_space<hbm>> -> memref<89x128xi32, #tpu.memory_space<hbm>>
      %dma_start3A_148 = arith.constant 0 : i32
      %dma_start3A_149 = arith.constant 0 : i32
      %dma_start3A_150 = tpu.memref_slice %arg4[%add3A, %dma_start3A_148, %dma_start3A_149] : memref<32x89x128xi32, #tpu.memory_space<hbm>> -> memref<1x89x128xi32, #tpu.memory_space<hbm>>
      %dma_start3A_151 = tpu.memref_squeeze %dma_start3A_150 : memref<1x89x128xi32, #tpu.memory_space<hbm>> -> memref<89x128xi32, #tpu.memory_space<hbm>>
      tpu.enqueue_dma source(%dma_start3A_151 : memref<89x128xi32, #tpu.memory_space<hbm>>) target(%arg9 : memref<89x128xi32, #tpu.memory_space<vmem>>) target_semaphore(%run_scoped3A : memref<!tpu.dma_semaphore, #tpu.memory_space<semaphore_mem>>)
      %dma_wait3A_152 = arith.constant 0 : i32
      %dma_wait3A_153 = arith.constant 0 : i32
      %dma_wait3A_154 = tpu.memref_slice %arg4[%add3A, %dma_wait3A_152, %dma_wait3A_153] : memref<32x89x128xi32, #tpu.memory_space<hbm>> -> memref<1x89x128xi32, #tpu.memory_space<hbm>>
      %dma_wait3A_155 = tpu.memref_squeeze %dma_wait3A_154 : memref<1x89x128xi32, #tpu.memory_space<hbm>> -> memref<89x128xi32, #tpu.memory_space<hbm>>
      %dma_wait3A_156 = arith.constant 0 : i32
      %dma_wait3A_157 = arith.constant 0 : i32
      %dma_wait3A_158 = tpu.memref_slice %arg4[%add3A, %dma_wait3A_156, %dma_wait3A_157] : memref<32x89x128xi32, #tpu.memory_space<hbm>> -> memref<1x89x128xi32, #tpu.memory_space<hbm>>
      %dma_wait3A_159 = tpu.memref_squeeze %dma_wait3A_158 : memref<1x89x128xi32, #tpu.memory_space<hbm>> -> memref<89x128xi32, #tpu.memory_space<hbm>>
      tpu.wait_dma2 semaphore(%run_scoped3A : memref<!tpu.dma_semaphore, #tpu.memory_space<semaphore_mem>>) src(%dma_wait3A_159 : memref<89x128xi32, #tpu.memory_space<hbm>>) dst(%arg9 : memref<89x128xi32, #tpu.memory_space<vmem>>)
      tpu.yield
    }) : () -> ()
    "tpu.region"() ({
      %run_scoped3A = tpu.sem_alloc : memref<!tpu.dma_semaphore, #tpu.memory_space<semaphore_mem>>
      %dma_start3A_144 = arith.constant 0 : i32
      %dma_start3A_145 = arith.constant 0 : i32
      %dma_start3A_146 = tpu.memref_slice %arg5[%add3A, %dma_start3A_144, %dma_start3A_145] : memref<32x89x128xi32, #tpu.memory_space<hbm>> -> memref<1x89x128xi32, #tpu.memory_space<hbm>>
      %dma_start3A_147 = tpu.memref_squeeze %dma_start3A_146 : memref<1x89x128xi32, #tpu.memory_space<hbm>> -> memref<89x128xi32, #tpu.memory_space<hbm>>
      %dma_start3A_148 = arith.constant 0 : i32
      %dma_start3A_149 = arith.constant 0 : i32
      %dma_start3A_150 = tpu.memref_slice %arg5[%add3A, %dma_start3A_148, %dma_start3A_149] : memref<32x89x128xi32, #tpu.memory_space<hbm>> -> memref<1x89x128xi32, #tpu.memory_space<hbm>>
      %dma_start3A_151 = tpu.memref_squeeze %dma_start3A_150 : memref<1x89x128xi32, #tpu.memory_space<hbm>> -> memref<89x128xi32, #tpu.memory_space<hbm>>
      tpu.enqueue_dma source(%dma_start3A_151 : memref<89x128xi32, #tpu.memory_space<hbm>>) target(%arg10 : memref<89x128xi32, #tpu.memory_space<vmem>>) target_semaphore(%run_scoped3A : memref<!tpu.dma_semaphore, #tpu.memory_space<semaphore_mem>>)
      %dma_wait3A_152 = arith.constant 0 : i32
      %dma_wait3A_153 = arith.constant 0 : i32
      %dma_wait3A_154 = tpu.memref_slice %arg5[%add3A, %dma_wait3A_152, %dma_wait3A_153] : memref<32x89x128xi32, #tpu.memory_space<hbm>> -> memref<1x89x128xi32, #tpu.memory_space<hbm>>
      %dma_wait3A_155 = tpu.memref_squeeze %dma_wait3A_154 : memref<1x89x128xi32, #tpu.memory_space<hbm>> -> memref<89x128xi32, #tpu.memory_space<hbm>>
      %dma_wait3A_156 = arith.constant 0 : i32
      %dma_wait3A_157 = arith.constant 0 : i32
      %dma_wait3A_158 = tpu.memref_slice %arg5[%add3A, %dma_wait3A_156, %dma_wait3A_157] : memref<32x89x128xi32, #tpu.memory_space<hbm>> -> memref<1x89x128xi32, #tpu.memory_space<hbm>>
      %dma_wait3A_159 = tpu.memref_squeeze %dma_wait3A_158 : memref<1x89x128xi32, #tpu.memory_space<hbm>> -> memref<89x128xi32, #tpu.memory_space<hbm>>
      tpu.wait_dma2 semaphore(%run_scoped3A : memref<!tpu.dma_semaphore, #tpu.memory_space<semaphore_mem>>) src(%dma_wait3A_159 : memref<89x128xi32, #tpu.memory_space<hbm>>) dst(%arg10 : memref<89x128xi32, #tpu.memory_space<vmem>>)
      tpu.yield
    }) : () -> ()
    "tpu.region"() ({
      %run_scoped3A = tpu.sem_alloc : memref<!tpu.dma_semaphore, #tpu.memory_space<semaphore_mem>>
      tpu.enqueue_dma source(%arg6 : memref<128x64xf32, #tpu.memory_space<hbm>>) target(%arg13 : memref<128x64xf32, #tpu.memory_space<vmem>>) target_semaphore(%run_scoped3A : memref<!tpu.dma_semaphore, #tpu.memory_space<semaphore_mem>>)
      tpu.wait_dma2 semaphore(%run_scoped3A : memref<!tpu.dma_semaphore, #tpu.memory_space<semaphore_mem>>) src(%arg6 : memref<128x64xf32, #tpu.memory_space<hbm>>) dst(%arg13 : memref<128x64xf32, #tpu.memory_space<vmem>>)
      tpu.yield
    }) : () -> ()
    %add3A_5 = arith.constant 0 : i32
    %add3A_6 = arith.addi %mul3A_4, %add3A_5 : i32
    "tpu.region"() ({
      %run_scoped3A = tpu.sem_alloc : memref<!tpu.dma_semaphore, #tpu.memory_space<semaphore_mem>>
      %dma_start3A_144 = arith.constant 0 : i32
      %dma_start3A_145 = tpu.memref_slice %arg14[%add3A_6, %dma_start3A_144] : memref<20480x64xf32, #tpu.memory_space<vmem_shared>> -> memref<128x64xf32, #tpu.memory_space<vmem_shared>>
      %dma_start3A_146 = arith.constant 0 : i32
      %dma_start3A_147 = tpu.memref_slice %arg14[%add3A_6, %dma_start3A_146] : memref<20480x64xf32, #tpu.memory_space<vmem_shared>> -> memref<128x64xf32, #tpu.memory_space<vmem_shared>>
      tpu.enqueue_dma source(%arg13 : memref<128x64xf32, #tpu.memory_space<vmem>>) target(%dma_start3A_147 : memref<128x64xf32, #tpu.memory_space<vmem_shared>>) target_semaphore(%run_scoped3A : memref<!tpu.dma_semaphore, #tpu.memory_space<semaphore_mem>>)
      %dma_wait3A_148 = arith.constant 0 : i32
      %dma_wait3A_149 = tpu.memref_slice %arg14[%add3A_6, %dma_wait3A_148] : memref<20480x64xf32, #tpu.memory_space<vmem_shared>> -> memref<128x64xf32, #tpu.memory_space<vmem_shared>>
      %dma_wait3A_150 = arith.constant 0 : i32
      %dma_wait3A_151 = tpu.memref_slice %arg14[%add3A_6, %dma_wait3A_150] : memref<20480x64xf32, #tpu.memory_space<vmem_shared>> -> memref<128x64xf32, #tpu.memory_space<vmem_shared>>
      tpu.wait_dma2 semaphore(%run_scoped3A : memref<!tpu.dma_semaphore, #tpu.memory_space<semaphore_mem>>) src(%arg13 : memref<128x64xf32, #tpu.memory_space<vmem>>) dst(%dma_wait3A_151 : memref<128x64xf32, #tpu.memory_space<vmem_shared>>)
      tpu.yield
    }) : () -> ()
    %add3A_7 = arith.constant 128 : i32
    %add3A_8 = arith.addi %mul3A_4, %add3A_7 : i32
    "tpu.region"() ({
      %run_scoped3A = tpu.sem_alloc : memref<!tpu.dma_semaphore, #tpu.memory_space<semaphore_mem>>
      %dma_start3A_144 = arith.constant 0 : i32
      %dma_start3A_145 = tpu.memref_slice %arg14[%add3A_8, %dma_start3A_144] : memref<20480x64xf32, #tpu.memory_space<vmem_shared>> -> memref<128x64xf32, #tpu.memory_space<vmem_shared>>
      %dma_start3A_146 = arith.constant 0 : i32
      %dma_start3A_147 = tpu.memref_slice %arg14[%add3A_8, %dma_start3A_146] : memref<20480x64xf32, #tpu.memory_space<vmem_shared>> -> memref<128x64xf32, #tpu.memory_space<vmem_shared>>
      tpu.enqueue_dma source(%arg13 : memref<128x64xf32, #tpu.memory_space<vmem>>) target(%dma_start3A_147 : memref<128x64xf32, #tpu.memory_space<vmem_shared>>) target_semaphore(%run_scoped3A : memref<!tpu.dma_semaphore, #tpu.memory_space<semaphore_mem>>)
      %dma_wait3A_148 = arith.constant 0 : i32
      %dma_wait3A_149 = tpu.memref_slice %arg14[%add3A_8, %dma_wait3A_148] : memref<20480x64xf32, #tpu.memory_space<vmem_shared>> -> memref<128x64xf32, #tpu.memory_space<vmem_shared>>
      %dma_wait3A_150 = arith.constant 0 : i32
      %dma_wait3A_151 = tpu.memref_slice %arg14[%add3A_8, %dma_wait3A_150] : memref<20480x64xf32, #tpu.memory_space<vmem_shared>> -> memref<128x64xf32, #tpu.memory_space<vmem_shared>>
      tpu.wait_dma2 semaphore(%run_scoped3A : memref<!tpu.dma_semaphore, #tpu.memory_space<semaphore_mem>>) src(%arg13 : memref<128x64xf32, #tpu.memory_space<vmem>>) dst(%dma_wait3A_151 : memref<128x64xf32, #tpu.memory_space<vmem_shared>>)
      tpu.yield
    }) : () -> ()
    %add3A_9 = arith.constant 256 : i32
    %add3A_10 = arith.addi %mul3A_4, %add3A_9 : i32
    "tpu.region"() ({
      %run_scoped3A = tpu.sem_alloc : memref<!tpu.dma_semaphore, #tpu.memory_space<semaphore_mem>>
      %dma_start3A_144 = arith.constant 0 : i32
      %dma_start3A_145 = tpu.memref_slice %arg14[%add3A_10, %dma_start3A_144] : memref<20480x64xf32, #tpu.memory_space<vmem_shared>> -> memref<128x64xf32, #tpu.memory_space<vmem_shared>>
      %dma_start3A_146 = arith.constant 0 : i32
      %dma_start3A_147 = tpu.memref_slice %arg14[%add3A_10, %dma_start3A_146] : memref<20480x64xf32, #tpu.memory_space<vmem_shared>> -> memref<128x64xf32, #tpu.memory_space<vmem_shared>>
      tpu.enqueue_dma source(%arg13 : memref<128x64xf32, #tpu.memory_space<vmem>>) target(%dma_start3A_147 : memref<128x64xf32, #tpu.memory_space<vmem_shared>>) target_semaphore(%run_scoped3A : memref<!tpu.dma_semaphore, #tpu.memory_space<semaphore_mem>>)
      %dma_wait3A_148 = arith.constant 0 : i32
      %dma_wait3A_149 = tpu.memref_slice %arg14[%add3A_10, %dma_wait3A_148] : memref<20480x64xf32, #tpu.memory_space<vmem_shared>> -> memref<128x64xf32, #tpu.memory_space<vmem_shared>>
      %dma_wait3A_150 = arith.constant 0 : i32
      %dma_wait3A_151 = tpu.memref_slice %arg14[%add3A_10, %dma_wait3A_150] : memref<20480x64xf32, #tpu.memory_space<vmem_shared>> -> memref<128x64xf32, #tpu.memory_space<vmem_shared>>
      tpu.wait_dma2 semaphore(%run_scoped3A : memref<!tpu.dma_semaphore, #tpu.memory_space<semaphore_mem>>) src(%arg13 : memref<128x64xf32, #tpu.memory_space<vmem>>) dst(%dma_wait3A_151 : memref<128x64xf32, #tpu.memory_space<vmem_shared>>)
      tpu.yield
    }) : () -> ()
    %add3A_11 = arith.constant 384 : i32
    %add3A_12 = arith.addi %mul3A_4, %add3A_11 : i32
    "tpu.region"() ({
      %run_scoped3A = tpu.sem_alloc : memref<!tpu.dma_semaphore, #tpu.memory_space<semaphore_mem>>
      %dma_start3A_144 = arith.constant 0 : i32
      %dma_start3A_145 = tpu.memref_slice %arg14[%add3A_12, %dma_start3A_144] : memref<20480x64xf32, #tpu.memory_space<vmem_shared>> -> memref<128x64xf32, #tpu.memory_space<vmem_shared>>
      %dma_start3A_146 = arith.constant 0 : i32
      %dma_start3A_147 = tpu.memref_slice %arg14[%add3A_12, %dma_start3A_146] : memref<20480x64xf32, #tpu.memory_space<vmem_shared>> -> memref<128x64xf32, #tpu.memory_space<vmem_shared>>
      tpu.enqueue_dma source(%arg13 : memref<128x64xf32, #tpu.memory_space<vmem>>) target(%dma_start3A_147 : memref<128x64xf32, #tpu.memory_space<vmem_shared>>) target_semaphore(%run_scoped3A : memref<!tpu.dma_semaphore, #tpu.memory_space<semaphore_mem>>)
      %dma_wait3A_148 = arith.constant 0 : i32
      %dma_wait3A_149 = tpu.memref_slice %arg14[%add3A_12, %dma_wait3A_148] : memref<20480x64xf32, #tpu.memory_space<vmem_shared>> -> memref<128x64xf32, #tpu.memory_space<vmem_shared>>
      %dma_wait3A_150 = arith.constant 0 : i32
      %dma_wait3A_151 = tpu.memref_slice %arg14[%add3A_12, %dma_wait3A_150] : memref<20480x64xf32, #tpu.memory_space<vmem_shared>> -> memref<128x64xf32, #tpu.memory_space<vmem_shared>>
      tpu.wait_dma2 semaphore(%run_scoped3A : memref<!tpu.dma_semaphore, #tpu.memory_space<semaphore_mem>>) src(%arg13 : memref<128x64xf32, #tpu.memory_space<vmem>>) dst(%dma_wait3A_151 : memref<128x64xf32, #tpu.memory_space<vmem_shared>>)
      tpu.yield
    }) : () -> ()
    %add3A_13 = arith.constant 512 : i32
    %add3A_14 = arith.addi %mul3A_4, %add3A_13 : i32
    "tpu.region"() ({
      %run_scoped3A = tpu.sem_alloc : memref<!tpu.dma_semaphore, #tpu.memory_space<semaphore_mem>>
      %dma_start3A_144 = arith.constant 0 : i32
      %dma_start3A_145 = tpu.memref_slice %arg14[%add3A_14, %dma_start3A_144] : memref<20480x64xf32, #tpu.memory_space<vmem_shared>> -> memref<128x64xf32, #tpu.memory_space<vmem_shared>>
      %dma_start3A_146 = arith.constant 0 : i32
      %dma_start3A_147 = tpu.memref_slice %arg14[%add3A_14, %dma_start3A_146] : memref<20480x64xf32, #tpu.memory_space<vmem_shared>> -> memref<128x64xf32, #tpu.memory_space<vmem_shared>>
      tpu.enqueue_dma source(%arg13 : memref<128x64xf32, #tpu.memory_space<vmem>>) target(%dma_start3A_147 : memref<128x64xf32, #tpu.memory_space<vmem_shared>>) target_semaphore(%run_scoped3A : memref<!tpu.dma_semaphore, #tpu.memory_space<semaphore_mem>>)
      %dma_wait3A_148 = arith.constant 0 : i32
      %dma_wait3A_149 = tpu.memref_slice %arg14[%add3A_14, %dma_wait3A_148] : memref<20480x64xf32, #tpu.memory_space<vmem_shared>> -> memref<128x64xf32, #tpu.memory_space<vmem_shared>>
      %dma_wait3A_150 = arith.constant 0 : i32
      %dma_wait3A_151 = tpu.memref_slice %arg14[%add3A_14, %dma_wait3A_150] : memref<20480x64xf32, #tpu.memory_space<vmem_shared>> -> memref<128x64xf32, #tpu.memory_space<vmem_shared>>
      tpu.wait_dma2 semaphore(%run_scoped3A : memref<!tpu.dma_semaphore, #tpu.memory_space<semaphore_mem>>) src(%arg13 : memref<128x64xf32, #tpu.memory_space<vmem>>) dst(%dma_wait3A_151 : memref<128x64xf32, #tpu.memory_space<vmem_shared>>)
      tpu.yield
    }) : () -> ()
    %add3A_15 = arith.constant 640 : i32
    %add3A_16 = arith.addi %mul3A_4, %add3A_15 : i32
    "tpu.region"() ({
      %run_scoped3A = tpu.sem_alloc : memref<!tpu.dma_semaphore, #tpu.memory_space<semaphore_mem>>
      %dma_start3A_144 = arith.constant 0 : i32
      %dma_start3A_145 = tpu.memref_slice %arg14[%add3A_16, %dma_start3A_144] : memref<20480x64xf32, #tpu.memory_space<vmem_shared>> -> memref<128x64xf32, #tpu.memory_space<vmem_shared>>
      %dma_start3A_146 = arith.constant 0 : i32
      %dma_start3A_147 = tpu.memref_slice %arg14[%add3A_16, %dma_start3A_146] : memref<20480x64xf32, #tpu.memory_space<vmem_shared>> -> memref<128x64xf32, #tpu.memory_space<vmem_shared>>
      tpu.enqueue_dma source(%arg13 : memref<128x64xf32, #tpu.memory_space<vmem>>) target(%dma_start3A_147 : memref<128x64xf32, #tpu.memory_space<vmem_shared>>) target_semaphore(%run_scoped3A : memref<!tpu.dma_semaphore, #tpu.memory_space<semaphore_mem>>)
      %dma_wait3A_148 = arith.constant 0 : i32
      %dma_wait3A_149 = tpu.memref_slice %arg14[%add3A_16, %dma_wait3A_148] : memref<20480x64xf32, #tpu.memory_space<vmem_shared>> -> memref<128x64xf32, #tpu.memory_space<vmem_shared>>
      %dma_wait3A_150 = arith.constant 0 : i32
      %dma_wait3A_151 = tpu.memref_slice %arg14[%add3A_16, %dma_wait3A_150] : memref<20480x64xf32, #tpu.memory_space<vmem_shared>> -> memref<128x64xf32, #tpu.memory_space<vmem_shared>>
      tpu.wait_dma2 semaphore(%run_scoped3A : memref<!tpu.dma_semaphore, #tpu.memory_space<semaphore_mem>>) src(%arg13 : memref<128x64xf32, #tpu.memory_space<vmem>>) dst(%dma_wait3A_151 : memref<128x64xf32, #tpu.memory_space<vmem_shared>>)
      tpu.yield
    }) : () -> ()
    %add3A_17 = arith.constant 768 : i32
    %add3A_18 = arith.addi %mul3A_4, %add3A_17 : i32
    "tpu.region"() ({
      %run_scoped3A = tpu.sem_alloc : memref<!tpu.dma_semaphore, #tpu.memory_space<semaphore_mem>>
      %dma_start3A_144 = arith.constant 0 : i32
      %dma_start3A_145 = tpu.memref_slice %arg14[%add3A_18, %dma_start3A_144] : memref<20480x64xf32, #tpu.memory_space<vmem_shared>> -> memref<128x64xf32, #tpu.memory_space<vmem_shared>>
      %dma_start3A_146 = arith.constant 0 : i32
      %dma_start3A_147 = tpu.memref_slice %arg14[%add3A_18, %dma_start3A_146] : memref<20480x64xf32, #tpu.memory_space<vmem_shared>> -> memref<128x64xf32, #tpu.memory_space<vmem_shared>>
      tpu.enqueue_dma source(%arg13 : memref<128x64xf32, #tpu.memory_space<vmem>>) target(%dma_start3A_147 : memref<128x64xf32, #tpu.memory_space<vmem_shared>>) target_semaphore(%run_scoped3A : memref<!tpu.dma_semaphore, #tpu.memory_space<semaphore_mem>>)
      %dma_wait3A_148 = arith.constant 0 : i32
      %dma_wait3A_149 = tpu.memref_slice %arg14[%add3A_18, %dma_wait3A_148] : memref<20480x64xf32, #tpu.memory_space<vmem_shared>> -> memref<128x64xf32, #tpu.memory_space<vmem_shared>>
      %dma_wait3A_150 = arith.constant 0 : i32
      %dma_wait3A_151 = tpu.memref_slice %arg14[%add3A_18, %dma_wait3A_150] : memref<20480x64xf32, #tpu.memory_space<vmem_shared>> -> memref<128x64xf32, #tpu.memory_space<vmem_shared>>
      tpu.wait_dma2 semaphore(%run_scoped3A : memref<!tpu.dma_semaphore, #tpu.memory_space<semaphore_mem>>) src(%arg13 : memref<128x64xf32, #tpu.memory_space<vmem>>) dst(%dma_wait3A_151 : memref<128x64xf32, #tpu.memory_space<vmem_shared>>)
      tpu.yield
    }) : () -> ()
    %add3A_19 = arith.constant 896 : i32
    %add3A_20 = arith.addi %mul3A_4, %add3A_19 : i32
    "tpu.region"() ({
      %run_scoped3A = tpu.sem_alloc : memref<!tpu.dma_semaphore, #tpu.memory_space<semaphore_mem>>
      %dma_start3A_144 = arith.constant 0 : i32
      %dma_start3A_145 = tpu.memref_slice %arg14[%add3A_20, %dma_start3A_144] : memref<20480x64xf32, #tpu.memory_space<vmem_shared>> -> memref<128x64xf32, #tpu.memory_space<vmem_shared>>
      %dma_start3A_146 = arith.constant 0 : i32
      %dma_start3A_147 = tpu.memref_slice %arg14[%add3A_20, %dma_start3A_146] : memref<20480x64xf32, #tpu.memory_space<vmem_shared>> -> memref<128x64xf32, #tpu.memory_space<vmem_shared>>
      tpu.enqueue_dma source(%arg13 : memref<128x64xf32, #tpu.memory_space<vmem>>) target(%dma_start3A_147 : memref<128x64xf32, #tpu.memory_space<vmem_shared>>) target_semaphore(%run_scoped3A : memref<!tpu.dma_semaphore, #tpu.memory_space<semaphore_mem>>)
      %dma_wait3A_148 = arith.constant 0 : i32
      %dma_wait3A_149 = tpu.memref_slice %arg14[%add3A_20, %dma_wait3A_148] : memref<20480x64xf32, #tpu.memory_space<vmem_shared>> -> memref<128x64xf32, #tpu.memory_space<vmem_shared>>
      %dma_wait3A_150 = arith.constant 0 : i32
      %dma_wait3A_151 = tpu.memref_slice %arg14[%add3A_20, %dma_wait3A_150] : memref<20480x64xf32, #tpu.memory_space<vmem_shared>> -> memref<128x64xf32, #tpu.memory_space<vmem_shared>>
      tpu.wait_dma2 semaphore(%run_scoped3A : memref<!tpu.dma_semaphore, #tpu.memory_space<semaphore_mem>>) src(%arg13 : memref<128x64xf32, #tpu.memory_space<vmem>>) dst(%dma_wait3A_151 : memref<128x64xf32, #tpu.memory_space<vmem_shared>>)
      tpu.yield
    }) : () -> ()
    %add3A_21 = arith.constant 1024 : i32
    %add3A_22 = arith.addi %mul3A_4, %add3A_21 : i32
    "tpu.region"() ({
      %run_scoped3A = tpu.sem_alloc : memref<!tpu.dma_semaphore, #tpu.memory_space<semaphore_mem>>
      %dma_start3A_144 = arith.constant 0 : i32
      %dma_start3A_145 = tpu.memref_slice %arg14[%add3A_22, %dma_start3A_144] : memref<20480x64xf32, #tpu.memory_space<vmem_shared>> -> memref<128x64xf32, #tpu.memory_space<vmem_shared>>
      %dma_start3A_146 = arith.constant 0 : i32
      %dma_start3A_147 = tpu.memref_slice %arg14[%add3A_22, %dma_start3A_146] : memref<20480x64xf32, #tpu.memory_space<vmem_shared>> -> memref<128x64xf32, #tpu.memory_space<vmem_shared>>
      tpu.enqueue_dma source(%arg13 : memref<128x64xf32, #tpu.memory_space<vmem>>) target(%dma_start3A_147 : memref<128x64xf32, #tpu.memory_space<vmem_shared>>) target_semaphore(%run_scoped3A : memref<!tpu.dma_semaphore, #tpu.memory_space<semaphore_mem>>)
      %dma_wait3A_148 = arith.constant 0 : i32
      %dma_wait3A_149 = tpu.memref_slice %arg14[%add3A_22, %dma_wait3A_148] : memref<20480x64xf32, #tpu.memory_space<vmem_shared>> -> memref<128x64xf32, #tpu.memory_space<vmem_shared>>
      %dma_wait3A_150 = arith.constant 0 : i32
      %dma_wait3A_151 = tpu.memref_slice %arg14[%add3A_22, %dma_wait3A_150] : memref<20480x64xf32, #tpu.memory_space<vmem_shared>> -> memref<128x64xf32, #tpu.memory_space<vmem_shared>>
      tpu.wait_dma2 semaphore(%run_scoped3A : memref<!tpu.dma_semaphore, #tpu.memory_space<semaphore_mem>>) src(%arg13 : memref<128x64xf32, #tpu.memory_space<vmem>>) dst(%dma_wait3A_151 : memref<128x64xf32, #tpu.memory_space<vmem_shared>>)
      tpu.yield
    }) : () -> ()
    %add3A_23 = arith.constant 1152 : i32
    %add3A_24 = arith.addi %mul3A_4, %add3A_23 : i32
    "tpu.region"() ({
      %run_scoped3A = tpu.sem_alloc : memref<!tpu.dma_semaphore, #tpu.memory_space<semaphore_mem>>
      %dma_start3A_144 = arith.constant 0 : i32
      %dma_start3A_145 = tpu.memref_slice %arg14[%add3A_24, %dma_start3A_144] : memref<20480x64xf32, #tpu.memory_space<vmem_shared>> -> memref<128x64xf32, #tpu.memory_space<vmem_shared>>
      %dma_start3A_146 = arith.constant 0 : i32
      %dma_start3A_147 = tpu.memref_slice %arg14[%add3A_24, %dma_start3A_146] : memref<20480x64xf32, #tpu.memory_space<vmem_shared>> -> memref<128x64xf32, #tpu.memory_space<vmem_shared>>
      tpu.enqueue_dma source(%arg13 : memref<128x64xf32, #tpu.memory_space<vmem>>) target(%dma_start3A_147 : memref<128x64xf32, #tpu.memory_space<vmem_shared>>) target_semaphore(%run_scoped3A : memref<!tpu.dma_semaphore, #tpu.memory_space<semaphore_mem>>)
      %dma_wait3A_148 = arith.constant 0 : i32
      %dma_wait3A_149 = tpu.memref_slice %arg14[%add3A_24, %dma_wait3A_148] : memref<20480x64xf32, #tpu.memory_space<vmem_shared>> -> memref<128x64xf32, #tpu.memory_space<vmem_shared>>
      %dma_wait3A_150 = arith.constant 0 : i32
      %dma_wait3A_151 = tpu.memref_slice %arg14[%add3A_24, %dma_wait3A_150] : memref<20480x64xf32, #tpu.memory_space<vmem_shared>> -> memref<128x64xf32, #tpu.memory_space<vmem_shared>>
      tpu.wait_dma2 semaphore(%run_scoped3A : memref<!tpu.dma_semaphore, #tpu.memory_space<semaphore_mem>>) src(%arg13 : memref<128x64xf32, #tpu.memory_space<vmem>>) dst(%dma_wait3A_151 : memref<128x64xf32, #tpu.memory_space<vmem_shared>>)
      tpu.yield
    }) : () -> ()
    %barrier3A = arith.constant 0 : index
    tpu.barrier barrier_id(%barrier3A)
    %dma_start3A = arith.constant 0 : i32
    %dma_start3A_25 = arith.constant 0 : i32
    %dma_start3A_26 = tpu.memref_slice %arg9[%dma_start3A, %dma_start3A_25] : memref<89x128xi32, #tpu.memory_space<vmem>> -> memref<1x128xi32, #tpu.memory_space<vmem>>
    %dma_start3A_27 = tpu.memref_squeeze %dma_start3A_26 : memref<1x128xi32, #tpu.memory_space<vmem>> -> memref<128xi32, #tpu.memory_space<vmem>>
    %dma_start3A_28 = arith.constant 0 : i32
    %dma_start3A_29 = arith.constant 0 : i32
    %dma_start3A_30 = tpu.memref_slice %arg2[%dma_start3A_28, %dma_start3A_29] : memref<10752x64xf32, #tpu.memory_space<hbm>> -> memref<10752x64xf32, #tpu.memory_space<hbm>>
    tpu.enqueue_indirect_dma source(%dma_start3A_30 : memref<10752x64xf32, #tpu.memory_space<hbm>>) target(%arg11 : memref<128x64xf32, #tpu.memory_space<vmem>>) offsets(%dma_start3A_27 : memref<128xi32, #tpu.memory_space<vmem>>) semaphore(%arg15 : memref<!tpu.dma_semaphore, #tpu.memory_space<semaphore_mem>>)
    %sub3A = arith.constant 1 : i32
    %sub3A_31 = arith.subi %select_n3A, %sub3A : i32
    %jit3A_32 = arith.constant 2 : i32
    %div3A = arith.divsi %sub3A_31, %jit3A_32 : i32
    %sign3A = arith.constant 0 : i32
    %sign3A_33 = arith.cmpi sgt, %sub3A_31, %sign3A : i32
    %sign3A_34 = arith.extui %sign3A_33 : i1 to i32
    %sign3A_35 = arith.constant 0 : i32
    %sign3A_36 = arith.cmpi slt, %sub3A_31, %sign3A_35 : i32
    %sign3A_37 = arith.extui %sign3A_36 : i1 to i32
    %sign3A_38 = arith.subi %sign3A_34, %sign3A_37 : i32
    %sign3A_39 = arith.constant 0 : i32
    %sign3A_40 = arith.cmpi sgt, %jit3A_32, %sign3A_39 : i32
    %sign3A_41 = arith.extui %sign3A_40 : i1 to i32
    %sign3A_42 = arith.constant 0 : i32
    %sign3A_43 = arith.cmpi slt, %jit3A_32, %sign3A_42 : i32
    %sign3A_44 = arith.extui %sign3A_43 : i1 to i32
    %sign3A_45 = arith.subi %sign3A_41, %sign3A_44 : i32
    %ne3A = arith.cmpi ne, %sign3A_38, %sign3A_45 : i32
    %rem3A = arith.remsi %sub3A_31, %jit3A_32 : i32
    %ne3A_46 = arith.constant 0 : i32
    %ne3A_47 = arith.cmpi ne, %rem3A, %ne3A_46 : i32
    %and3A = arith.andi %ne3A, %ne3A_47 : i1
    %sub3A_48 = arith.constant 1 : i32
    %sub3A_49 = arith.subi %div3A, %sub3A_48 : i32
    %select_n3A_50 = arith.select %and3A, %sub3A_49, %div3A : i32
    %while3A = arith.constant 0 : i32
    %while3A_51 = arith.constant 0 : i32
    %while3A_52 = arith.subi %select_n3A_50, %while3A_51 : i32
    %while3A_53 = arith.addi %while3A_51, %while3A_52 : i32
    %while3A_54 = arith.constant 1 : i32
    %while3A_55 = arith.divsi %while3A_52, %while3A_54 : i32
    %while3A_56 = arith.muli %while3A_55, %while3A_54 : i32
    %while3A_57 = arith.addi %while3A_51, %while3A_56 : i32
    %while3A_58 = arith.constant 1 : i32
    scf.for %while3A_144 = %while3A_51 to %while3A_57 step %while3A_58  : i32 {
      %mul3A_145 = arith.constant 2 : i32
      %mul3A_146 = arith.muli %mul3A_145, %while3A_144 : i32
      %add3A_147 = arith.constant 1 : i32
      %add3A_148 = arith.addi %mul3A_146, %add3A_147 : i32
      %dma_start3A_149 = arith.constant 0 : i32
      %dma_start3A_150 = tpu.memref_slice %arg9[%add3A_148, %dma_start3A_149] : memref<89x128xi32, #tpu.memory_space<vmem>> -> memref<1x128xi32, #tpu.memory_space<vmem>>
      %dma_start3A_151 = tpu.memref_squeeze %dma_start3A_150 : memref<1x128xi32, #tpu.memory_space<vmem>> -> memref<128xi32, #tpu.memory_space<vmem>>
      %dma_start3A_152 = arith.constant 0 : i32
      %dma_start3A_153 = arith.constant 0 : i32
      %dma_start3A_154 = tpu.memref_slice %arg2[%dma_start3A_152, %dma_start3A_153] : memref<10752x64xf32, #tpu.memory_space<hbm>> -> memref<10752x64xf32, #tpu.memory_space<hbm>>
      tpu.enqueue_indirect_dma source(%dma_start3A_154 : memref<10752x64xf32, #tpu.memory_space<hbm>>) target(%arg12 : memref<128x64xf32, #tpu.memory_space<vmem>>) offsets(%dma_start3A_151 : memref<128xi32, #tpu.memory_space<vmem>>) semaphore(%arg16 : memref<!tpu.dma_semaphore, #tpu.memory_space<semaphore_mem>>)
      %dma_wait3A_155 = arith.constant 0 : i32
      %dma_wait3A_156 = arith.constant 0 : i32
      %dma_wait3A_157 = tpu.memref_slice %arg9[%dma_wait3A_155, %dma_wait3A_156] : memref<89x128xi32, #tpu.memory_space<vmem>> -> memref<1x128xi32, #tpu.memory_space<vmem>>
      %dma_wait3A_158 = tpu.memref_squeeze %dma_wait3A_157 : memref<1x128xi32, #tpu.memory_space<vmem>> -> memref<128xi32, #tpu.memory_space<vmem>>
      %dma_wait3A_159 = arith.constant 0 : i32
      %dma_wait3A_160 = arith.constant 0 : i32
      %dma_wait3A_161 = tpu.memref_slice %arg2[%dma_wait3A_159, %dma_wait3A_160] : memref<10752x64xf32, #tpu.memory_space<hbm>> -> memref<10752x64xf32, #tpu.memory_space<hbm>>
      tpu.wait_indirect_dma semaphore(%arg15 : memref<!tpu.dma_semaphore, #tpu.memory_space<semaphore_mem>>) src(%dma_wait3A_161 : memref<10752x64xf32, #tpu.memory_space<hbm>>) dst(%arg11 : memref<128x64xf32, #tpu.memory_space<vmem>>)
      "tpu.region"() ({
        %run_scoped3A = tpu.sem_alloc : memref<!tpu.dma_semaphore, #tpu.memory_space<semaphore_mem>>
        %dma_start3A_179 = arith.constant 0 : i32
        %dma_start3A_180 = tpu.memref_slice %arg10[%mul3A_146, %dma_start3A_179] : memref<89x128xi32, #tpu.memory_space<vmem>> -> memref<1x128xi32, #tpu.memory_space<vmem>>
        %dma_start3A_181 = tpu.memref_squeeze %dma_start3A_180 : memref<1x128xi32, #tpu.memory_space<vmem>> -> memref<128xi32, #tpu.memory_space<vmem>>
        %dma_start3A_182 = arith.constant 0 : i32
        %dma_start3A_183 = arith.constant 0 : i32
        %dma_start3A_184 = tpu.memref_slice %arg14[%dma_start3A_182, %dma_start3A_183] : memref<20480x64xf32, #tpu.memory_space<vmem_shared>> -> memref<20480x64xf32, #tpu.memory_space<vmem_shared>>
        tpu.enqueue_indirect_dma source(%arg11 : memref<128x64xf32, #tpu.memory_space<vmem>>) target(%dma_start3A_184 : memref<20480x64xf32, #tpu.memory_space<vmem_shared>>) offsets(%dma_start3A_181 : memref<128xi32, #tpu.memory_space<vmem>>) semaphore(%run_scoped3A : memref<!tpu.dma_semaphore, #tpu.memory_space<semaphore_mem>>) {add = true}
        %dma_wait3A_185 = arith.constant 0 : i32
        %dma_wait3A_186 = tpu.memref_slice %arg10[%mul3A_146, %dma_wait3A_185] : memref<89x128xi32, #tpu.memory_space<vmem>> -> memref<1x128xi32, #tpu.memory_space<vmem>>
        %dma_wait3A_187 = tpu.memref_squeeze %dma_wait3A_186 : memref<1x128xi32, #tpu.memory_space<vmem>> -> memref<128xi32, #tpu.memory_space<vmem>>
        %dma_wait3A_188 = arith.constant 0 : i32
        %dma_wait3A_189 = arith.constant 0 : i32
        %dma_wait3A_190 = tpu.memref_slice %arg14[%dma_wait3A_188, %dma_wait3A_189] : memref<20480x64xf32, #tpu.memory_space<vmem_shared>> -> memref<20480x64xf32, #tpu.memory_space<vmem_shared>>
        tpu.wait_indirect_dma semaphore(%run_scoped3A : memref<!tpu.dma_semaphore, #tpu.memory_space<semaphore_mem>>) src(%arg11 : memref<128x64xf32, #tpu.memory_space<vmem>>) dst(%dma_wait3A_190 : memref<20480x64xf32, #tpu.memory_space<vmem_shared>>)
        tpu.yield
      }) : () -> ()
      %add3A_162 = arith.constant 2 : i32
      %add3A_163 = arith.addi %mul3A_146, %add3A_162 : i32
      %dma_start3A_164 = arith.constant 0 : i32
      %dma_start3A_165 = tpu.memref_slice %arg9[%add3A_163, %dma_start3A_164] : memref<89x128xi32, #tpu.memory_space<vmem>> -> memref<1x128xi32, #tpu.memory_space<vmem>>
      %dma_start3A_166 = tpu.memref_squeeze %dma_start3A_165 : memref<1x128xi32, #tpu.memory_space<vmem>> -> memref<128xi32, #tpu.memory_space<vmem>>
      %dma_start3A_167 = arith.constant 0 : i32
      %dma_start3A_168 = arith.constant 0 : i32
      %dma_start3A_169 = tpu.memref_slice %arg2[%dma_start3A_167, %dma_start3A_168] : memref<10752x64xf32, #tpu.memory_space<hbm>> -> memref<10752x64xf32, #tpu.memory_space<hbm>>
      tpu.enqueue_indirect_dma source(%dma_start3A_169 : memref<10752x64xf32, #tpu.memory_space<hbm>>) target(%arg11 : memref<128x64xf32, #tpu.memory_space<vmem>>) offsets(%dma_start3A_166 : memref<128xi32, #tpu.memory_space<vmem>>) semaphore(%arg15 : memref<!tpu.dma_semaphore, #tpu.memory_space<semaphore_mem>>)
      %dma_wait3A_170 = arith.constant 0 : i32
      %dma_wait3A_171 = arith.constant 0 : i32
      %dma_wait3A_172 = tpu.memref_slice %arg9[%dma_wait3A_170, %dma_wait3A_171] : memref<89x128xi32, #tpu.memory_space<vmem>> -> memref<1x128xi32, #tpu.memory_space<vmem>>
      %dma_wait3A_173 = tpu.memref_squeeze %dma_wait3A_172 : memref<1x128xi32, #tpu.memory_space<vmem>> -> memref<128xi32, #tpu.memory_space<vmem>>
      %dma_wait3A_174 = arith.constant 0 : i32
      %dma_wait3A_175 = arith.constant 0 : i32
      %dma_wait3A_176 = tpu.memref_slice %arg2[%dma_wait3A_174, %dma_wait3A_175] : memref<10752x64xf32, #tpu.memory_space<hbm>> -> memref<10752x64xf32, #tpu.memory_space<hbm>>
      tpu.wait_indirect_dma semaphore(%arg16 : memref<!tpu.dma_semaphore, #tpu.memory_space<semaphore_mem>>) src(%dma_wait3A_176 : memref<10752x64xf32, #tpu.memory_space<hbm>>) dst(%arg12 : memref<128x64xf32, #tpu.memory_space<vmem>>)
      %add3A_177 = arith.constant 1 : i32
      %add3A_178 = arith.addi %mul3A_146, %add3A_177 : i32
      "tpu.region"() ({
        %run_scoped3A = tpu.sem_alloc : memref<!tpu.dma_semaphore, #tpu.memory_space<semaphore_mem>>
        %dma_start3A_179 = arith.constant 0 : i32
        %dma_start3A_180 = tpu.memref_slice %arg10[%add3A_178, %dma_start3A_179] : memref<89x128xi32, #tpu.memory_space<vmem>> -> memref<1x128xi32, #tpu.memory_space<vmem>>
        %dma_start3A_181 = tpu.memref_squeeze %dma_start3A_180 : memref<1x128xi32, #tpu.memory_space<vmem>> -> memref<128xi32, #tpu.memory_space<vmem>>
        %dma_start3A_182 = arith.constant 0 : i32
        %dma_start3A_183 = arith.constant 0 : i32
        %dma_start3A_184 = tpu.memref_slice %arg14[%dma_start3A_182, %dma_start3A_183] : memref<20480x64xf32, #tpu.memory_space<vmem_shared>> -> memref<20480x64xf32, #tpu.memory_space<vmem_shared>>
        tpu.enqueue_indirect_dma source(%arg12 : memref<128x64xf32, #tpu.memory_space<vmem>>) target(%dma_start3A_184 : memref<20480x64xf32, #tpu.memory_space<vmem_shared>>) offsets(%dma_start3A_181 : memref<128xi32, #tpu.memory_space<vmem>>) semaphore(%run_scoped3A : memref<!tpu.dma_semaphore, #tpu.memory_space<semaphore_mem>>) {add = true}
        %dma_wait3A_185 = arith.constant 0 : i32
        %dma_wait3A_186 = tpu.memref_slice %arg10[%add3A_178, %dma_wait3A_185] : memref<89x128xi32, #tpu.memory_space<vmem>> -> memref<1x128xi32, #tpu.memory_space<vmem>>
        %dma_wait3A_187 = tpu.memref_squeeze %dma_wait3A_186 : memref<1x128xi32, #tpu.memory_space<vmem>> -> memref<128xi32, #tpu.memory_space<vmem>>
        %dma_wait3A_188 = arith.constant 0 : i32
        %dma_wait3A_189 = arith.constant 0 : i32
        %dma_wait3A_190 = tpu.memref_slice %arg14[%dma_wait3A_188, %dma_wait3A_189] : memref<20480x64xf32, #tpu.memory_space<vmem_shared>> -> memref<20480x64xf32, #tpu.memory_space<vmem_shared>>
        tpu.wait_indirect_dma semaphore(%run_scoped3A : memref<!tpu.dma_semaphore, #tpu.memory_space<semaphore_mem>>) src(%arg12 : memref<128x64xf32, #tpu.memory_space<vmem>>) dst(%dma_wait3A_190 : memref<20480x64xf32, #tpu.memory_space<vmem_shared>>)
        tpu.yield
      }) : () -> ()
    }
    %while3A_59 = arith.constant 1 : i32
    scf.for %while3A_144 = %while3A_57 to %while3A_53 step %while3A_59  : i32 {
      %mul3A_145 = arith.constant 2 : i32
      %mul3A_146 = arith.muli %mul3A_145, %while3A_144 : i32
      %add3A_147 = arith.constant 1 : i32
      %add3A_148 = arith.addi %mul3A_146, %add3A_147 : i32
      %dma_start3A_149 = arith.constant 0 : i32
      %dma_start3A_150 = tpu.memref_slice %arg9[%add3A_148, %dma_start3A_149] : memref<89x128xi32, #tpu.memory_space<vmem>> -> memref<1x128xi32, #tpu.memory_space<vmem>>
      %dma_start3A_151 = tpu.memref_squeeze %dma_start3A_150 : memref<1x128xi32, #tpu.memory_space<vmem>> -> memref<128xi32, #tpu.memory_space<vmem>>
      %dma_start3A_152 = arith.constant 0 : i32
      %dma_start3A_153 = arith.constant 0 : i32
      %dma_start3A_154 = tpu.memref_slice %arg2[%dma_start3A_152, %dma_start3A_153] : memref<10752x64xf32, #tpu.memory_space<hbm>> -> memref<10752x64xf32, #tpu.memory_space<hbm>>
      tpu.enqueue_indirect_dma source(%dma_start3A_154 : memref<10752x64xf32, #tpu.memory_space<hbm>>) target(%arg12 : memref<128x64xf32, #tpu.memory_space<vmem>>) offsets(%dma_start3A_151 : memref<128xi32, #tpu.memory_space<vmem>>) semaphore(%arg16 : memref<!tpu.dma_semaphore, #tpu.memory_space<semaphore_mem>>)
      %dma_wait3A_155 = arith.constant 0 : i32
      %dma_wait3A_156 = arith.constant 0 : i32
      %dma_wait3A_157 = tpu.memref_slice %arg9[%dma_wait3A_155, %dma_wait3A_156] : memref<89x128xi32, #tpu.memory_space<vmem>> -> memref<1x128xi32, #tpu.memory_space<vmem>>
      %dma_wait3A_158 = tpu.memref_squeeze %dma_wait3A_157 : memref<1x128xi32, #tpu.memory_space<vmem>> -> memref<128xi32, #tpu.memory_space<vmem>>
      %dma_wait3A_159 = arith.constant 0 : i32
      %dma_wait3A_160 = arith.constant 0 : i32
      %dma_wait3A_161 = tpu.memref_slice %arg2[%dma_wait3A_159, %dma_wait3A_160] : memref<10752x64xf32, #tpu.memory_space<hbm>> -> memref<10752x64xf32, #tpu.memory_space<hbm>>
      tpu.wait_indirect_dma semaphore(%arg15 : memref<!tpu.dma_semaphore, #tpu.memory_space<semaphore_mem>>) src(%dma_wait3A_161 : memref<10752x64xf32, #tpu.memory_space<hbm>>) dst(%arg11 : memref<128x64xf32, #tpu.memory_space<vmem>>)
      "tpu.region"() ({
        %run_scoped3A = tpu.sem_alloc : memref<!tpu.dma_semaphore, #tpu.memory_space<semaphore_mem>>
        %dma_start3A_179 = arith.constant 0 : i32
        %dma_start3A_180 = tpu.memref_slice %arg10[%mul3A_146, %dma_start3A_179] : memref<89x128xi32, #tpu.memory_space<vmem>> -> memref<1x128xi32, #tpu.memory_space<vmem>>
        %dma_start3A_181 = tpu.memref_squeeze %dma_start3A_180 : memref<1x128xi32, #tpu.memory_space<vmem>> -> memref<128xi32, #tpu.memory_space<vmem>>
        %dma_start3A_182 = arith.constant 0 : i32
        %dma_start3A_183 = arith.constant 0 : i32
        %dma_start3A_184 = tpu.memref_slice %arg14[%dma_start3A_182, %dma_start3A_183] : memref<20480x64xf32, #tpu.memory_space<vmem_shared>> -> memref<20480x64xf32, #tpu.memory_space<vmem_shared>>
        tpu.enqueue_indirect_dma source(%arg11 : memref<128x64xf32, #tpu.memory_space<vmem>>) target(%dma_start3A_184 : memref<20480x64xf32, #tpu.memory_space<vmem_shared>>) offsets(%dma_start3A_181 : memref<128xi32, #tpu.memory_space<vmem>>) semaphore(%run_scoped3A : memref<!tpu.dma_semaphore, #tpu.memory_space<semaphore_mem>>) {add = true}
        %dma_wait3A_185 = arith.constant 0 : i32
        %dma_wait3A_186 = tpu.memref_slice %arg10[%mul3A_146, %dma_wait3A_185] : memref<89x128xi32, #tpu.memory_space<vmem>> -> memref<1x128xi32, #tpu.memory_space<vmem>>
        %dma_wait3A_187 = tpu.memref_squeeze %dma_wait3A_186 : memref<1x128xi32, #tpu.memory_space<vmem>> -> memref<128xi32, #tpu.memory_space<vmem>>
        %dma_wait3A_188 = arith.constant 0 : i32
        %dma_wait3A_189 = arith.constant 0 : i32
        %dma_wait3A_190 = tpu.memref_slice %arg14[%dma_wait3A_188, %dma_wait3A_189] : memref<20480x64xf32, #tpu.memory_space<vmem_shared>> -> memref<20480x64xf32, #tpu.memory_space<vmem_shared>>
        tpu.wait_indirect_dma semaphore(%run_scoped3A : memref<!tpu.dma_semaphore, #tpu.memory_space<semaphore_mem>>) src(%arg11 : memref<128x64xf32, #tpu.memory_space<vmem>>) dst(%dma_wait3A_190 : memref<20480x64xf32, #tpu.memory_space<vmem_shared>>)
        tpu.yield
      }) : () -> ()
      %add3A_162 = arith.constant 2 : i32
      %add3A_163 = arith.addi %mul3A_146, %add3A_162 : i32
      %dma_start3A_164 = arith.constant 0 : i32
      %dma_start3A_165 = tpu.memref_slice %arg9[%add3A_163, %dma_start3A_164] : memref<89x128xi32, #tpu.memory_space<vmem>> -> memref<1x128xi32, #tpu.memory_space<vmem>>
      %dma_start3A_166 = tpu.memref_squeeze %dma_start3A_165 : memref<1x128xi32, #tpu.memory_space<vmem>> -> memref<128xi32, #tpu.memory_space<vmem>>
      %dma_start3A_167 = arith.constant 0 : i32
      %dma_start3A_168 = arith.constant 0 : i32
      %dma_start3A_169 = tpu.memref_slice %arg2[%dma_start3A_167, %dma_start3A_168] : memref<10752x64xf32, #tpu.memory_space<hbm>> -> memref<10752x64xf32, #tpu.memory_space<hbm>>
      tpu.enqueue_indirect_dma source(%dma_start3A_169 : memref<10752x64xf32, #tpu.memory_space<hbm>>) target(%arg11 : memref<128x64xf32, #tpu.memory_space<vmem>>) offsets(%dma_start3A_166 : memref<128xi32, #tpu.memory_space<vmem>>) semaphore(%arg15 : memref<!tpu.dma_semaphore, #tpu.memory_space<semaphore_mem>>)
      %dma_wait3A_170 = arith.constant 0 : i32
      %dma_wait3A_171 = arith.constant 0 : i32
      %dma_wait3A_172 = tpu.memref_slice %arg9[%dma_wait3A_170, %dma_wait3A_171] : memref<89x128xi32, #tpu.memory_space<vmem>> -> memref<1x128xi32, #tpu.memory_space<vmem>>
      %dma_wait3A_173 = tpu.memref_squeeze %dma_wait3A_172 : memref<1x128xi32, #tpu.memory_space<vmem>> -> memref<128xi32, #tpu.memory_space<vmem>>
      %dma_wait3A_174 = arith.constant 0 : i32
      %dma_wait3A_175 = arith.constant 0 : i32
      %dma_wait3A_176 = tpu.memref_slice %arg2[%dma_wait3A_174, %dma_wait3A_175] : memref<10752x64xf32, #tpu.memory_space<hbm>> -> memref<10752x64xf32, #tpu.memory_space<hbm>>
      tpu.wait_indirect_dma semaphore(%arg16 : memref<!tpu.dma_semaphore, #tpu.memory_space<semaphore_mem>>) src(%dma_wait3A_176 : memref<10752x64xf32, #tpu.memory_space<hbm>>) dst(%arg12 : memref<128x64xf32, #tpu.memory_space<vmem>>)
      %add3A_177 = arith.constant 1 : i32
      %add3A_178 = arith.addi %mul3A_146, %add3A_177 : i32
      "tpu.region"() ({
        %run_scoped3A = tpu.sem_alloc : memref<!tpu.dma_semaphore, #tpu.memory_space<semaphore_mem>>
        %dma_start3A_179 = arith.constant 0 : i32
        %dma_start3A_180 = tpu.memref_slice %arg10[%add3A_178, %dma_start3A_179] : memref<89x128xi32, #tpu.memory_space<vmem>> -> memref<1x128xi32, #tpu.memory_space<vmem>>
        %dma_start3A_181 = tpu.memref_squeeze %dma_start3A_180 : memref<1x128xi32, #tpu.memory_space<vmem>> -> memref<128xi32, #tpu.memory_space<vmem>>
        %dma_start3A_182 = arith.constant 0 : i32
        %dma_start3A_183 = arith.constant 0 : i32
        %dma_start3A_184 = tpu.memref_slice %arg14[%dma_start3A_182, %dma_start3A_183] : memref<20480x64xf32, #tpu.memory_space<vmem_shared>> -> memref<20480x64xf32, #tpu.memory_space<vmem_shared>>
        tpu.enqueue_indirect_dma source(%arg12 : memref<128x64xf32, #tpu.memory_space<vmem>>) target(%dma_start3A_184 : memref<20480x64xf32, #tpu.memory_space<vmem_shared>>) offsets(%dma_start3A_181 : memref<128xi32, #tpu.memory_space<vmem>>) semaphore(%run_scoped3A : memref<!tpu.dma_semaphore, #tpu.memory_space<semaphore_mem>>) {add = true}
        %dma_wait3A_185 = arith.constant 0 : i32
        %dma_wait3A_186 = tpu.memref_slice %arg10[%add3A_178, %dma_wait3A_185] : memref<89x128xi32, #tpu.memory_space<vmem>> -> memref<1x128xi32, #tpu.memory_space<vmem>>
        %dma_wait3A_187 = tpu.memref_squeeze %dma_wait3A_186 : memref<1x128xi32, #tpu.memory_space<vmem>> -> memref<128xi32, #tpu.memory_space<vmem>>
        %dma_wait3A_188 = arith.constant 0 : i32
        %dma_wait3A_189 = arith.constant 0 : i32
        %dma_wait3A_190 = tpu.memref_slice %arg14[%dma_wait3A_188, %dma_wait3A_189] : memref<20480x64xf32, #tpu.memory_space<vmem_shared>> -> memref<20480x64xf32, #tpu.memory_space<vmem_shared>>
        tpu.wait_indirect_dma semaphore(%run_scoped3A : memref<!tpu.dma_semaphore, #tpu.memory_space<semaphore_mem>>) src(%arg12 : memref<128x64xf32, #tpu.memory_space<vmem>>) dst(%dma_wait3A_190 : memref<20480x64xf32, #tpu.memory_space<vmem_shared>>)
        tpu.yield
      }) : () -> ()
    }
    %dma_wait3A = arith.constant 0 : i32
    %dma_wait3A_60 = arith.constant 0 : i32
    %dma_wait3A_61 = tpu.memref_slice %arg9[%dma_wait3A, %dma_wait3A_60] : memref<89x128xi32, #tpu.memory_space<vmem>> -> memref<1x128xi32, #tpu.memory_space<vmem>>
    %dma_wait3A_62 = tpu.memref_squeeze %dma_wait3A_61 : memref<1x128xi32, #tpu.memory_space<vmem>> -> memref<128xi32, #tpu.memory_space<vmem>>
    %dma_wait3A_63 = arith.constant 0 : i32
    %dma_wait3A_64 = arith.constant 0 : i32
    %dma_wait3A_65 = tpu.memref_slice %arg2[%dma_wait3A_63, %dma_wait3A_64] : memref<10752x64xf32, #tpu.memory_space<hbm>> -> memref<10752x64xf32, #tpu.memory_space<hbm>>
    tpu.wait_indirect_dma semaphore(%arg15 : memref<!tpu.dma_semaphore, #tpu.memory_space<semaphore_mem>>) src(%dma_wait3A_65 : memref<10752x64xf32, #tpu.memory_space<hbm>>) dst(%arg11 : memref<128x64xf32, #tpu.memory_space<vmem>>)
    %sub3A_66 = arith.constant 1 : i32
    %sub3A_67 = arith.subi %select_n3A, %sub3A_66 : i32
    "tpu.region"() ({
      %run_scoped3A = tpu.sem_alloc : memref<!tpu.dma_semaphore, #tpu.memory_space<semaphore_mem>>
      %dma_start3A_144 = arith.constant 0 : i32
      %dma_start3A_145 = tpu.memref_slice %arg10[%sub3A_67, %dma_start3A_144] : memref<89x128xi32, #tpu.memory_space<vmem>> -> memref<1x128xi32, #tpu.memory_space<vmem>>
      %dma_start3A_146 = tpu.memref_squeeze %dma_start3A_145 : memref<1x128xi32, #tpu.memory_space<vmem>> -> memref<128xi32, #tpu.memory_space<vmem>>
      %dma_start3A_147 = arith.constant 0 : i32
      %dma_start3A_148 = arith.constant 0 : i32
      %dma_start3A_149 = tpu.memref_slice %arg14[%dma_start3A_147, %dma_start3A_148] : memref<20480x64xf32, #tpu.memory_space<vmem_shared>> -> memref<20480x64xf32, #tpu.memory_space<vmem_shared>>
      tpu.enqueue_indirect_dma source(%arg11 : memref<128x64xf32, #tpu.memory_space<vmem>>) target(%dma_start3A_149 : memref<20480x64xf32, #tpu.memory_space<vmem_shared>>) offsets(%dma_start3A_146 : memref<128xi32, #tpu.memory_space<vmem>>) semaphore(%run_scoped3A : memref<!tpu.dma_semaphore, #tpu.memory_space<semaphore_mem>>) {add = true}
      %dma_wait3A_150 = arith.constant 0 : i32
      %dma_wait3A_151 = tpu.memref_slice %arg10[%sub3A_67, %dma_wait3A_150] : memref<89x128xi32, #tpu.memory_space<vmem>> -> memref<1x128xi32, #tpu.memory_space<vmem>>
      %dma_wait3A_152 = tpu.memref_squeeze %dma_wait3A_151 : memref<1x128xi32, #tpu.memory_space<vmem>> -> memref<128xi32, #tpu.memory_space<vmem>>
      %dma_wait3A_153 = arith.constant 0 : i32
      %dma_wait3A_154 = arith.constant 0 : i32
      %dma_wait3A_155 = tpu.memref_slice %arg14[%dma_wait3A_153, %dma_wait3A_154] : memref<20480x64xf32, #tpu.memory_space<vmem_shared>> -> memref<20480x64xf32, #tpu.memory_space<vmem_shared>>
      tpu.wait_indirect_dma semaphore(%run_scoped3A : memref<!tpu.dma_semaphore, #tpu.memory_space<semaphore_mem>>) src(%arg11 : memref<128x64xf32, #tpu.memory_space<vmem>>) dst(%dma_wait3A_155 : memref<20480x64xf32, #tpu.memory_space<vmem_shared>>)
      tpu.yield
    }) : () -> ()
    %barrier3A_68 = arith.constant 0 : index
    tpu.barrier barrier_id(%barrier3A_68)
    "tpu.region"() ({
      %run_scoped3A = tpu.sem_alloc : memref<!tpu.dma_semaphore, #tpu.memory_space<semaphore_mem>>
      %dma_start3A_144 = arith.constant 0 : i32
      %dma_start3A_145 = tpu.memref_slice %arg7[%arg0, %mul3A_4, %dma_start3A_144] : memref<2x20480x64xf32, #tpu.memory_space<hbm>> -> memref<1x1280x64xf32, #tpu.memory_space<hbm>>
      %dma_start3A_146 = tpu.memref_squeeze %dma_start3A_145 : memref<1x1280x64xf32, #tpu.memory_space<hbm>> -> memref<1280x64xf32, #tpu.memory_space<hbm>>
      %dma_start3A_147 = arith.constant 0 : i32
      %dma_start3A_148 = tpu.memref_slice %arg14[%mul3A_4, %dma_start3A_147] : memref<20480x64xf32, #tpu.memory_space<vmem_shared>> -> memref<1280x64xf32, #tpu.memory_space<vmem_shared>>
      tpu.enqueue_dma source(%dma_start3A_148 : memref<1280x64xf32, #tpu.memory_space<vmem_shared>>) target(%dma_start3A_146 : memref<1280x64xf32, #tpu.memory_space<hbm>>) target_semaphore(%run_scoped3A : memref<!tpu.dma_semaphore, #tpu.memory_space<semaphore_mem>>)
      %dma_wait3A_149 = arith.constant 0 : i32
      %dma_wait3A_150 = tpu.memref_slice %arg7[%arg0, %mul3A_4, %dma_wait3A_149] : memref<2x20480x64xf32, #tpu.memory_space<hbm>> -> memref<1x1280x64xf32, #tpu.memory_space<hbm>>
      %dma_wait3A_151 = tpu.memref_squeeze %dma_wait3A_150 : memref<1x1280x64xf32, #tpu.memory_space<hbm>> -> memref<1280x64xf32, #tpu.memory_space<hbm>>
      %dma_wait3A_152 = arith.constant 0 : i32
      %dma_wait3A_153 = tpu.memref_slice %arg14[%mul3A_4, %dma_wait3A_152] : memref<20480x64xf32, #tpu.memory_space<vmem_shared>> -> memref<1280x64xf32, #tpu.memory_space<vmem_shared>>
      tpu.wait_dma2 semaphore(%run_scoped3A : memref<!tpu.dma_semaphore, #tpu.memory_space<semaphore_mem>>) src(%dma_wait3A_153 : memref<1280x64xf32, #tpu.memory_space<vmem_shared>>) dst(%dma_wait3A_151 : memref<1280x64xf32, #tpu.memory_space<hbm>>)
      tpu.yield
    }) : () -> ()
    %barrier3A_69 = arith.constant 0 : index
    tpu.barrier barrier_id(%barrier3A_69)
    %add3A_70 = arith.constant 0 : i32
    %add3A_71 = arith.addi %mul3A_4, %add3A_70 : i32
    "tpu.region"() ({
      %run_scoped3A = tpu.sem_alloc : memref<!tpu.dma_semaphore, #tpu.memory_space<semaphore_mem>>
      %dma_start3A_144 = arith.constant 0 : i32
      %dma_start3A_145 = tpu.memref_slice %arg14[%add3A_71, %dma_start3A_144] : memref<20480x64xf32, #tpu.memory_space<vmem_shared>> -> memref<128x64xf32, #tpu.memory_space<vmem_shared>>
      %dma_start3A_146 = arith.constant 0 : i32
      %dma_start3A_147 = tpu.memref_slice %arg14[%add3A_71, %dma_start3A_146] : memref<20480x64xf32, #tpu.memory_space<vmem_shared>> -> memref<128x64xf32, #tpu.memory_space<vmem_shared>>
      tpu.enqueue_dma source(%arg13 : memref<128x64xf32, #tpu.memory_space<vmem>>) target(%dma_start3A_147 : memref<128x64xf32, #tpu.memory_space<vmem_shared>>) target_semaphore(%run_scoped3A : memref<!tpu.dma_semaphore, #tpu.memory_space<semaphore_mem>>)
      %dma_wait3A_148 = arith.constant 0 : i32
      %dma_wait3A_149 = tpu.memref_slice %arg14[%add3A_71, %dma_wait3A_148] : memref<20480x64xf32, #tpu.memory_space<vmem_shared>> -> memref<128x64xf32, #tpu.memory_space<vmem_shared>>
      %dma_wait3A_150 = arith.constant 0 : i32
      %dma_wait3A_151 = tpu.memref_slice %arg14[%add3A_71, %dma_wait3A_150] : memref<20480x64xf32, #tpu.memory_space<vmem_shared>> -> memref<128x64xf32, #tpu.memory_space<vmem_shared>>
      tpu.wait_dma2 semaphore(%run_scoped3A : memref<!tpu.dma_semaphore, #tpu.memory_space<semaphore_mem>>) src(%arg13 : memref<128x64xf32, #tpu.memory_space<vmem>>) dst(%dma_wait3A_151 : memref<128x64xf32, #tpu.memory_space<vmem_shared>>)
      tpu.yield
    }) : () -> ()
    %add3A_72 = arith.constant 128 : i32
    %add3A_73 = arith.addi %mul3A_4, %add3A_72 : i32
    "tpu.region"() ({
      %run_scoped3A = tpu.sem_alloc : memref<!tpu.dma_semaphore, #tpu.memory_space<semaphore_mem>>
      %dma_start3A_144 = arith.constant 0 : i32
      %dma_start3A_145 = tpu.memref_slice %arg14[%add3A_73, %dma_start3A_144] : memref<20480x64xf32, #tpu.memory_space<vmem_shared>> -> memref<128x64xf32, #tpu.memory_space<vmem_shared>>
      %dma_start3A_146 = arith.constant 0 : i32
      %dma_start3A_147 = tpu.memref_slice %arg14[%add3A_73, %dma_start3A_146] : memref<20480x64xf32, #tpu.memory_space<vmem_shared>> -> memref<128x64xf32, #tpu.memory_space<vmem_shared>>
      tpu.enqueue_dma source(%arg13 : memref<128x64xf32, #tpu.memory_space<vmem>>) target(%dma_start3A_147 : memref<128x64xf32, #tpu.memory_space<vmem_shared>>) target_semaphore(%run_scoped3A : memref<!tpu.dma_semaphore, #tpu.memory_space<semaphore_mem>>)
      %dma_wait3A_148 = arith.constant 0 : i32
      %dma_wait3A_149 = tpu.memref_slice %arg14[%add3A_73, %dma_wait3A_148] : memref<20480x64xf32, #tpu.memory_space<vmem_shared>> -> memref<128x64xf32, #tpu.memory_space<vmem_shared>>
      %dma_wait3A_150 = arith.constant 0 : i32
      %dma_wait3A_151 = tpu.memref_slice %arg14[%add3A_73, %dma_wait3A_150] : memref<20480x64xf32, #tpu.memory_space<vmem_shared>> -> memref<128x64xf32, #tpu.memory_space<vmem_shared>>
      tpu.wait_dma2 semaphore(%run_scoped3A : memref<!tpu.dma_semaphore, #tpu.memory_space<semaphore_mem>>) src(%arg13 : memref<128x64xf32, #tpu.memory_space<vmem>>) dst(%dma_wait3A_151 : memref<128x64xf32, #tpu.memory_space<vmem_shared>>)
      tpu.yield
    }) : () -> ()
    %add3A_74 = arith.constant 256 : i32
    %add3A_75 = arith.addi %mul3A_4, %add3A_74 : i32
    "tpu.region"() ({
      %run_scoped3A = tpu.sem_alloc : memref<!tpu.dma_semaphore, #tpu.memory_space<semaphore_mem>>
      %dma_start3A_144 = arith.constant 0 : i32
      %dma_start3A_145 = tpu.memref_slice %arg14[%add3A_75, %dma_start3A_144] : memref<20480x64xf32, #tpu.memory_space<vmem_shared>> -> memref<128x64xf32, #tpu.memory_space<vmem_shared>>
      %dma_start3A_146 = arith.constant 0 : i32
      %dma_start3A_147 = tpu.memref_slice %arg14[%add3A_75, %dma_start3A_146] : memref<20480x64xf32, #tpu.memory_space<vmem_shared>> -> memref<128x64xf32, #tpu.memory_space<vmem_shared>>
      tpu.enqueue_dma source(%arg13 : memref<128x64xf32, #tpu.memory_space<vmem>>) target(%dma_start3A_147 : memref<128x64xf32, #tpu.memory_space<vmem_shared>>) target_semaphore(%run_scoped3A : memref<!tpu.dma_semaphore, #tpu.memory_space<semaphore_mem>>)
      %dma_wait3A_148 = arith.constant 0 : i32
      %dma_wait3A_149 = tpu.memref_slice %arg14[%add3A_75, %dma_wait3A_148] : memref<20480x64xf32, #tpu.memory_space<vmem_shared>> -> memref<128x64xf32, #tpu.memory_space<vmem_shared>>
      %dma_wait3A_150 = arith.constant 0 : i32
      %dma_wait3A_151 = tpu.memref_slice %arg14[%add3A_75, %dma_wait3A_150] : memref<20480x64xf32, #tpu.memory_space<vmem_shared>> -> memref<128x64xf32, #tpu.memory_space<vmem_shared>>
      tpu.wait_dma2 semaphore(%run_scoped3A : memref<!tpu.dma_semaphore, #tpu.memory_space<semaphore_mem>>) src(%arg13 : memref<128x64xf32, #tpu.memory_space<vmem>>) dst(%dma_wait3A_151 : memref<128x64xf32, #tpu.memory_space<vmem_shared>>)
      tpu.yield
    }) : () -> ()
    %add3A_76 = arith.constant 384 : i32
    %add3A_77 = arith.addi %mul3A_4, %add3A_76 : i32
    "tpu.region"() ({
      %run_scoped3A = tpu.sem_alloc : memref<!tpu.dma_semaphore, #tpu.memory_space<semaphore_mem>>
      %dma_start3A_144 = arith.constant 0 : i32
      %dma_start3A_145 = tpu.memref_slice %arg14[%add3A_77, %dma_start3A_144] : memref<20480x64xf32, #tpu.memory_space<vmem_shared>> -> memref<128x64xf32, #tpu.memory_space<vmem_shared>>
      %dma_start3A_146 = arith.constant 0 : i32
      %dma_start3A_147 = tpu.memref_slice %arg14[%add3A_77, %dma_start3A_146] : memref<20480x64xf32, #tpu.memory_space<vmem_shared>> -> memref<128x64xf32, #tpu.memory_space<vmem_shared>>
      tpu.enqueue_dma source(%arg13 : memref<128x64xf32, #tpu.memory_space<vmem>>) target(%dma_start3A_147 : memref<128x64xf32, #tpu.memory_space<vmem_shared>>) target_semaphore(%run_scoped3A : memref<!tpu.dma_semaphore, #tpu.memory_space<semaphore_mem>>)
      %dma_wait3A_148 = arith.constant 0 : i32
      %dma_wait3A_149 = tpu.memref_slice %arg14[%add3A_77, %dma_wait3A_148] : memref<20480x64xf32, #tpu.memory_space<vmem_shared>> -> memref<128x64xf32, #tpu.memory_space<vmem_shared>>
      %dma_wait3A_150 = arith.constant 0 : i32
      %dma_wait3A_151 = tpu.memref_slice %arg14[%add3A_77, %dma_wait3A_150] : memref<20480x64xf32, #tpu.memory_space<vmem_shared>> -> memref<128x64xf32, #tpu.memory_space<vmem_shared>>
      tpu.wait_dma2 semaphore(%run_scoped3A : memref<!tpu.dma_semaphore, #tpu.memory_space<semaphore_mem>>) src(%arg13 : memref<128x64xf32, #tpu.memory_space<vmem>>) dst(%dma_wait3A_151 : memref<128x64xf32, #tpu.memory_space<vmem_shared>>)
      tpu.yield
    }) : () -> ()
    %add3A_78 = arith.constant 512 : i32
    %add3A_79 = arith.addi %mul3A_4, %add3A_78 : i32
    "tpu.region"() ({
      %run_scoped3A = tpu.sem_alloc : memref<!tpu.dma_semaphore, #tpu.memory_space<semaphore_mem>>
      %dma_start3A_144 = arith.constant 0 : i32
      %dma_start3A_145 = tpu.memref_slice %arg14[%add3A_79, %dma_start3A_144] : memref<20480x64xf32, #tpu.memory_space<vmem_shared>> -> memref<128x64xf32, #tpu.memory_space<vmem_shared>>
      %dma_start3A_146 = arith.constant 0 : i32
      %dma_start3A_147 = tpu.memref_slice %arg14[%add3A_79, %dma_start3A_146] : memref<20480x64xf32, #tpu.memory_space<vmem_shared>> -> memref<128x64xf32, #tpu.memory_space<vmem_shared>>
      tpu.enqueue_dma source(%arg13 : memref<128x64xf32, #tpu.memory_space<vmem>>) target(%dma_start3A_147 : memref<128x64xf32, #tpu.memory_space<vmem_shared>>) target_semaphore(%run_scoped3A : memref<!tpu.dma_semaphore, #tpu.memory_space<semaphore_mem>>)
      %dma_wait3A_148 = arith.constant 0 : i32
      %dma_wait3A_149 = tpu.memref_slice %arg14[%add3A_79, %dma_wait3A_148] : memref<20480x64xf32, #tpu.memory_space<vmem_shared>> -> memref<128x64xf32, #tpu.memory_space<vmem_shared>>
      %dma_wait3A_150 = arith.constant 0 : i32
      %dma_wait3A_151 = tpu.memref_slice %arg14[%add3A_79, %dma_wait3A_150] : memref<20480x64xf32, #tpu.memory_space<vmem_shared>> -> memref<128x64xf32, #tpu.memory_space<vmem_shared>>
      tpu.wait_dma2 semaphore(%run_scoped3A : memref<!tpu.dma_semaphore, #tpu.memory_space<semaphore_mem>>) src(%arg13 : memref<128x64xf32, #tpu.memory_space<vmem>>) dst(%dma_wait3A_151 : memref<128x64xf32, #tpu.memory_space<vmem_shared>>)
      tpu.yield
    }) : () -> ()
    %add3A_80 = arith.constant 640 : i32
    %add3A_81 = arith.addi %mul3A_4, %add3A_80 : i32
    "tpu.region"() ({
      %run_scoped3A = tpu.sem_alloc : memref<!tpu.dma_semaphore, #tpu.memory_space<semaphore_mem>>
      %dma_start3A_144 = arith.constant 0 : i32
      %dma_start3A_145 = tpu.memref_slice %arg14[%add3A_81, %dma_start3A_144] : memref<20480x64xf32, #tpu.memory_space<vmem_shared>> -> memref<128x64xf32, #tpu.memory_space<vmem_shared>>
      %dma_start3A_146 = arith.constant 0 : i32
      %dma_start3A_147 = tpu.memref_slice %arg14[%add3A_81, %dma_start3A_146] : memref<20480x64xf32, #tpu.memory_space<vmem_shared>> -> memref<128x64xf32, #tpu.memory_space<vmem_shared>>
      tpu.enqueue_dma source(%arg13 : memref<128x64xf32, #tpu.memory_space<vmem>>) target(%dma_start3A_147 : memref<128x64xf32, #tpu.memory_space<vmem_shared>>) target_semaphore(%run_scoped3A : memref<!tpu.dma_semaphore, #tpu.memory_space<semaphore_mem>>)
      %dma_wait3A_148 = arith.constant 0 : i32
      %dma_wait3A_149 = tpu.memref_slice %arg14[%add3A_81, %dma_wait3A_148] : memref<20480x64xf32, #tpu.memory_space<vmem_shared>> -> memref<128x64xf32, #tpu.memory_space<vmem_shared>>
      %dma_wait3A_150 = arith.constant 0 : i32
      %dma_wait3A_151 = tpu.memref_slice %arg14[%add3A_81, %dma_wait3A_150] : memref<20480x64xf32, #tpu.memory_space<vmem_shared>> -> memref<128x64xf32, #tpu.memory_space<vmem_shared>>
      tpu.wait_dma2 semaphore(%run_scoped3A : memref<!tpu.dma_semaphore, #tpu.memory_space<semaphore_mem>>) src(%arg13 : memref<128x64xf32, #tpu.memory_space<vmem>>) dst(%dma_wait3A_151 : memref<128x64xf32, #tpu.memory_space<vmem_shared>>)
      tpu.yield
    }) : () -> ()
    %add3A_82 = arith.constant 768 : i32
    %add3A_83 = arith.addi %mul3A_4, %add3A_82 : i32
    "tpu.region"() ({
      %run_scoped3A = tpu.sem_alloc : memref<!tpu.dma_semaphore, #tpu.memory_space<semaphore_mem>>
      %dma_start3A_144 = arith.constant 0 : i32
      %dma_start3A_145 = tpu.memref_slice %arg14[%add3A_83, %dma_start3A_144] : memref<20480x64xf32, #tpu.memory_space<vmem_shared>> -> memref<128x64xf32, #tpu.memory_space<vmem_shared>>
      %dma_start3A_146 = arith.constant 0 : i32
      %dma_start3A_147 = tpu.memref_slice %arg14[%add3A_83, %dma_start3A_146] : memref<20480x64xf32, #tpu.memory_space<vmem_shared>> -> memref<128x64xf32, #tpu.memory_space<vmem_shared>>
      tpu.enqueue_dma source(%arg13 : memref<128x64xf32, #tpu.memory_space<vmem>>) target(%dma_start3A_147 : memref<128x64xf32, #tpu.memory_space<vmem_shared>>) target_semaphore(%run_scoped3A : memref<!tpu.dma_semaphore, #tpu.memory_space<semaphore_mem>>)
      %dma_wait3A_148 = arith.constant 0 : i32
      %dma_wait3A_149 = tpu.memref_slice %arg14[%add3A_83, %dma_wait3A_148] : memref<20480x64xf32, #tpu.memory_space<vmem_shared>> -> memref<128x64xf32, #tpu.memory_space<vmem_shared>>
      %dma_wait3A_150 = arith.constant 0 : i32
      %dma_wait3A_151 = tpu.memref_slice %arg14[%add3A_83, %dma_wait3A_150] : memref<20480x64xf32, #tpu.memory_space<vmem_shared>> -> memref<128x64xf32, #tpu.memory_space<vmem_shared>>
      tpu.wait_dma2 semaphore(%run_scoped3A : memref<!tpu.dma_semaphore, #tpu.memory_space<semaphore_mem>>) src(%arg13 : memref<128x64xf32, #tpu.memory_space<vmem>>) dst(%dma_wait3A_151 : memref<128x64xf32, #tpu.memory_space<vmem_shared>>)
      tpu.yield
    }) : () -> ()
    %add3A_84 = arith.constant 896 : i32
    %add3A_85 = arith.addi %mul3A_4, %add3A_84 : i32
    "tpu.region"() ({
      %run_scoped3A = tpu.sem_alloc : memref<!tpu.dma_semaphore, #tpu.memory_space<semaphore_mem>>
      %dma_start3A_144 = arith.constant 0 : i32
      %dma_start3A_145 = tpu.memref_slice %arg14[%add3A_85, %dma_start3A_144] : memref<20480x64xf32, #tpu.memory_space<vmem_shared>> -> memref<128x64xf32, #tpu.memory_space<vmem_shared>>
      %dma_start3A_146 = arith.constant 0 : i32
      %dma_start3A_147 = tpu.memref_slice %arg14[%add3A_85, %dma_start3A_146] : memref<20480x64xf32, #tpu.memory_space<vmem_shared>> -> memref<128x64xf32, #tpu.memory_space<vmem_shared>>
      tpu.enqueue_dma source(%arg13 : memref<128x64xf32, #tpu.memory_space<vmem>>) target(%dma_start3A_147 : memref<128x64xf32, #tpu.memory_space<vmem_shared>>) target_semaphore(%run_scoped3A : memref<!tpu.dma_semaphore, #tpu.memory_space<semaphore_mem>>)
      %dma_wait3A_148 = arith.constant 0 : i32
      %dma_wait3A_149 = tpu.memref_slice %arg14[%add3A_85, %dma_wait3A_148] : memref<20480x64xf32, #tpu.memory_space<vmem_shared>> -> memref<128x64xf32, #tpu.memory_space<vmem_shared>>
      %dma_wait3A_150 = arith.constant 0 : i32
      %dma_wait3A_151 = tpu.memref_slice %arg14[%add3A_85, %dma_wait3A_150] : memref<20480x64xf32, #tpu.memory_space<vmem_shared>> -> memref<128x64xf32, #tpu.memory_space<vmem_shared>>
      tpu.wait_dma2 semaphore(%run_scoped3A : memref<!tpu.dma_semaphore, #tpu.memory_space<semaphore_mem>>) src(%arg13 : memref<128x64xf32, #tpu.memory_space<vmem>>) dst(%dma_wait3A_151 : memref<128x64xf32, #tpu.memory_space<vmem_shared>>)
      tpu.yield
    }) : () -> ()
    %add3A_86 = arith.constant 1024 : i32
    %add3A_87 = arith.addi %mul3A_4, %add3A_86 : i32
    "tpu.region"() ({
      %run_scoped3A = tpu.sem_alloc : memref<!tpu.dma_semaphore, #tpu.memory_space<semaphore_mem>>
      %dma_start3A_144 = arith.constant 0 : i32
      %dma_start3A_145 = tpu.memref_slice %arg14[%add3A_87, %dma_start3A_144] : memref<20480x64xf32, #tpu.memory_space<vmem_shared>> -> memref<128x64xf32, #tpu.memory_space<vmem_shared>>
      %dma_start3A_146 = arith.constant 0 : i32
      %dma_start3A_147 = tpu.memref_slice %arg14[%add3A_87, %dma_start3A_146] : memref<20480x64xf32, #tpu.memory_space<vmem_shared>> -> memref<128x64xf32, #tpu.memory_space<vmem_shared>>
      tpu.enqueue_dma source(%arg13 : memref<128x64xf32, #tpu.memory_space<vmem>>) target(%dma_start3A_147 : memref<128x64xf32, #tpu.memory_space<vmem_shared>>) target_semaphore(%run_scoped3A : memref<!tpu.dma_semaphore, #tpu.memory_space<semaphore_mem>>)
      %dma_wait3A_148 = arith.constant 0 : i32
      %dma_wait3A_149 = tpu.memref_slice %arg14[%add3A_87, %dma_wait3A_148] : memref<20480x64xf32, #tpu.memory_space<vmem_shared>> -> memref<128x64xf32, #tpu.memory_space<vmem_shared>>
      %dma_wait3A_150 = arith.constant 0 : i32
      %dma_wait3A_151 = tpu.memref_slice %arg14[%add3A_87, %dma_wait3A_150] : memref<20480x64xf32, #tpu.memory_space<vmem_shared>> -> memref<128x64xf32, #tpu.memory_space<vmem_shared>>
      tpu.wait_dma2 semaphore(%run_scoped3A : memref<!tpu.dma_semaphore, #tpu.memory_space<semaphore_mem>>) src(%arg13 : memref<128x64xf32, #tpu.memory_space<vmem>>) dst(%dma_wait3A_151 : memref<128x64xf32, #tpu.memory_space<vmem_shared>>)
      tpu.yield
    }) : () -> ()
    %add3A_88 = arith.constant 1152 : i32
    %add3A_89 = arith.addi %mul3A_4, %add3A_88 : i32
    "tpu.region"() ({
      %run_scoped3A = tpu.sem_alloc : memref<!tpu.dma_semaphore, #tpu.memory_space<semaphore_mem>>
      %dma_start3A_144 = arith.constant 0 : i32
      %dma_start3A_145 = tpu.memref_slice %arg14[%add3A_89, %dma_start3A_144] : memref<20480x64xf32, #tpu.memory_space<vmem_shared>> -> memref<128x64xf32, #tpu.memory_space<vmem_shared>>
      %dma_start3A_146 = arith.constant 0 : i32
      %dma_start3A_147 = tpu.memref_slice %arg14[%add3A_89, %dma_start3A_146] : memref<20480x64xf32, #tpu.memory_space<vmem_shared>> -> memref<128x64xf32, #tpu.memory_space<vmem_shared>>
      tpu.enqueue_dma source(%arg13 : memref<128x64xf32, #tpu.memory_space<vmem>>) target(%dma_start3A_147 : memref<128x64xf32, #tpu.memory_space<vmem_shared>>) target_semaphore(%run_scoped3A : memref<!tpu.dma_semaphore, #tpu.memory_space<semaphore_mem>>)
      %dma_wait3A_148 = arith.constant 0 : i32
      %dma_wait3A_149 = tpu.memref_slice %arg14[%add3A_89, %dma_wait3A_148] : memref<20480x64xf32, #tpu.memory_space<vmem_shared>> -> memref<128x64xf32, #tpu.memory_space<vmem_shared>>
      %dma_wait3A_150 = arith.constant 0 : i32
      %dma_wait3A_151 = tpu.memref_slice %arg14[%add3A_89, %dma_wait3A_150] : memref<20480x64xf32, #tpu.memory_space<vmem_shared>> -> memref<128x64xf32, #tpu.memory_space<vmem_shared>>
      tpu.wait_dma2 semaphore(%run_scoped3A : memref<!tpu.dma_semaphore, #tpu.memory_space<semaphore_mem>>) src(%arg13 : memref<128x64xf32, #tpu.memory_space<vmem>>) dst(%dma_wait3A_151 : memref<128x64xf32, #tpu.memory_space<vmem_shared>>)
      tpu.yield
    }) : () -> ()
    %barrier3A_90 = arith.constant 0 : index
    tpu.barrier barrier_id(%barrier3A_90)
    %dma_start3A_91 = arith.constant 0 : i32
    %dma_start3A_92 = arith.constant 0 : i32
    %dma_start3A_93 = tpu.memref_slice %arg9[%dma_start3A_91, %dma_start3A_92] : memref<89x128xi32, #tpu.memory_space<vmem>> -> memref<1x128xi32, #tpu.memory_space<vmem>>
    %dma_start3A_94 = tpu.memref_squeeze %dma_start3A_93 : memref<1x128xi32, #tpu.memory_space<vmem>> -> memref<128xi32, #tpu.memory_space<vmem>>
    %dma_start3A_95 = arith.constant 0 : i32
    %dma_start3A_96 = arith.constant 0 : i32
    %dma_start3A_97 = tpu.memref_slice %arg3[%dma_start3A_95, %dma_start3A_96] : memref<10752x64xf32, #tpu.memory_space<hbm>> -> memref<10752x64xf32, #tpu.memory_space<hbm>>
    tpu.enqueue_indirect_dma source(%dma_start3A_97 : memref<10752x64xf32, #tpu.memory_space<hbm>>) target(%arg11 : memref<128x64xf32, #tpu.memory_space<vmem>>) offsets(%dma_start3A_94 : memref<128xi32, #tpu.memory_space<vmem>>) semaphore(%arg15 : memref<!tpu.dma_semaphore, #tpu.memory_space<semaphore_mem>>)
    %sub3A_98 = arith.constant 1 : i32
    %sub3A_99 = arith.subi %select_n3A, %sub3A_98 : i32
    %jit3A_100 = arith.constant 2 : i32
    %div3A_101 = arith.divsi %sub3A_99, %jit3A_100 : i32
    %sign3A_102 = arith.constant 0 : i32
    %sign3A_103 = arith.cmpi sgt, %sub3A_99, %sign3A_102 : i32
    %sign3A_104 = arith.extui %sign3A_103 : i1 to i32
    %sign3A_105 = arith.constant 0 : i32
    %sign3A_106 = arith.cmpi slt, %sub3A_99, %sign3A_105 : i32
    %sign3A_107 = arith.extui %sign3A_106 : i1 to i32
    %sign3A_108 = arith.subi %sign3A_104, %sign3A_107 : i32
    %sign3A_109 = arith.constant 0 : i32
    %sign3A_110 = arith.cmpi sgt, %jit3A_100, %sign3A_109 : i32
    %sign3A_111 = arith.extui %sign3A_110 : i1 to i32
    %sign3A_112 = arith.constant 0 : i32
    %sign3A_113 = arith.cmpi slt, %jit3A_100, %sign3A_112 : i32
    %sign3A_114 = arith.extui %sign3A_113 : i1 to i32
    %sign3A_115 = arith.subi %sign3A_111, %sign3A_114 : i32
    %ne3A_116 = arith.cmpi ne, %sign3A_108, %sign3A_115 : i32
    %rem3A_117 = arith.remsi %sub3A_99, %jit3A_100 : i32
    %ne3A_118 = arith.constant 0 : i32
    %ne3A_119 = arith.cmpi ne, %rem3A_117, %ne3A_118 : i32
    %and3A_120 = arith.andi %ne3A_116, %ne3A_119 : i1
    %sub3A_121 = arith.constant 1 : i32
    %sub3A_122 = arith.subi %div3A_101, %sub3A_121 : i32
    %select_n3A_123 = arith.select %and3A_120, %sub3A_122, %div3A_101 : i32
    %while3A_124 = arith.constant 0 : i32
    %while3A_125 = arith.constant 0 : i32
    %while3A_126 = arith.subi %select_n3A_123, %while3A_125 : i32
    %while3A_127 = arith.addi %while3A_125, %while3A_126 : i32
    %while3A_128 = arith.constant 1 : i32
    %while3A_129 = arith.divsi %while3A_126, %while3A_128 : i32
    %while3A_130 = arith.muli %while3A_129, %while3A_128 : i32
    %while3A_131 = arith.addi %while3A_125, %while3A_130 : i32
    %while3A_132 = arith.constant 1 : i32
    scf.for %while3A_144 = %while3A_125 to %while3A_131 step %while3A_132  : i32 {
      %mul3A_145 = arith.constant 2 : i32
      %mul3A_146 = arith.muli %mul3A_145, %while3A_144 : i32
      %add3A_147 = arith.constant 1 : i32
      %add3A_148 = arith.addi %mul3A_146, %add3A_147 : i32
      %dma_start3A_149 = arith.constant 0 : i32
      %dma_start3A_150 = tpu.memref_slice %arg9[%add3A_148, %dma_start3A_149] : memref<89x128xi32, #tpu.memory_space<vmem>> -> memref<1x128xi32, #tpu.memory_space<vmem>>
      %dma_start3A_151 = tpu.memref_squeeze %dma_start3A_150 : memref<1x128xi32, #tpu.memory_space<vmem>> -> memref<128xi32, #tpu.memory_space<vmem>>
      %dma_start3A_152 = arith.constant 0 : i32
      %dma_start3A_153 = arith.constant 0 : i32
      %dma_start3A_154 = tpu.memref_slice %arg3[%dma_start3A_152, %dma_start3A_153] : memref<10752x64xf32, #tpu.memory_space<hbm>> -> memref<10752x64xf32, #tpu.memory_space<hbm>>
      tpu.enqueue_indirect_dma source(%dma_start3A_154 : memref<10752x64xf32, #tpu.memory_space<hbm>>) target(%arg12 : memref<128x64xf32, #tpu.memory_space<vmem>>) offsets(%dma_start3A_151 : memref<128xi32, #tpu.memory_space<vmem>>) semaphore(%arg16 : memref<!tpu.dma_semaphore, #tpu.memory_space<semaphore_mem>>)
      %dma_wait3A_155 = arith.constant 0 : i32
      %dma_wait3A_156 = arith.constant 0 : i32
      %dma_wait3A_157 = tpu.memref_slice %arg9[%dma_wait3A_155, %dma_wait3A_156] : memref<89x128xi32, #tpu.memory_space<vmem>> -> memref<1x128xi32, #tpu.memory_space<vmem>>
      %dma_wait3A_158 = tpu.memref_squeeze %dma_wait3A_157 : memref<1x128xi32, #tpu.memory_space<vmem>> -> memref<128xi32, #tpu.memory_space<vmem>>
      %dma_wait3A_159 = arith.constant 0 : i32
      %dma_wait3A_160 = arith.constant 0 : i32
      %dma_wait3A_161 = tpu.memref_slice %arg3[%dma_wait3A_159, %dma_wait3A_160] : memref<10752x64xf32, #tpu.memory_space<hbm>> -> memref<10752x64xf32, #tpu.memory_space<hbm>>
      tpu.wait_indirect_dma semaphore(%arg15 : memref<!tpu.dma_semaphore, #tpu.memory_space<semaphore_mem>>) src(%dma_wait3A_161 : memref<10752x64xf32, #tpu.memory_space<hbm>>) dst(%arg11 : memref<128x64xf32, #tpu.memory_space<vmem>>)
      "tpu.region"() ({
        %run_scoped3A = tpu.sem_alloc : memref<!tpu.dma_semaphore, #tpu.memory_space<semaphore_mem>>
        %dma_start3A_179 = arith.constant 0 : i32
        %dma_start3A_180 = tpu.memref_slice %arg10[%mul3A_146, %dma_start3A_179] : memref<89x128xi32, #tpu.memory_space<vmem>> -> memref<1x128xi32, #tpu.memory_space<vmem>>
        %dma_start3A_181 = tpu.memref_squeeze %dma_start3A_180 : memref<1x128xi32, #tpu.memory_space<vmem>> -> memref<128xi32, #tpu.memory_space<vmem>>
        %dma_start3A_182 = arith.constant 0 : i32
        %dma_start3A_183 = arith.constant 0 : i32
        %dma_start3A_184 = tpu.memref_slice %arg14[%dma_start3A_182, %dma_start3A_183] : memref<20480x64xf32, #tpu.memory_space<vmem_shared>> -> memref<20480x64xf32, #tpu.memory_space<vmem_shared>>
        tpu.enqueue_indirect_dma source(%arg11 : memref<128x64xf32, #tpu.memory_space<vmem>>) target(%dma_start3A_184 : memref<20480x64xf32, #tpu.memory_space<vmem_shared>>) offsets(%dma_start3A_181 : memref<128xi32, #tpu.memory_space<vmem>>) semaphore(%run_scoped3A : memref<!tpu.dma_semaphore, #tpu.memory_space<semaphore_mem>>) {add = true}
        %dma_wait3A_185 = arith.constant 0 : i32
        %dma_wait3A_186 = tpu.memref_slice %arg10[%mul3A_146, %dma_wait3A_185] : memref<89x128xi32, #tpu.memory_space<vmem>> -> memref<1x128xi32, #tpu.memory_space<vmem>>
        %dma_wait3A_187 = tpu.memref_squeeze %dma_wait3A_186 : memref<1x128xi32, #tpu.memory_space<vmem>> -> memref<128xi32, #tpu.memory_space<vmem>>
        %dma_wait3A_188 = arith.constant 0 : i32
        %dma_wait3A_189 = arith.constant 0 : i32
        %dma_wait3A_190 = tpu.memref_slice %arg14[%dma_wait3A_188, %dma_wait3A_189] : memref<20480x64xf32, #tpu.memory_space<vmem_shared>> -> memref<20480x64xf32, #tpu.memory_space<vmem_shared>>
        tpu.wait_indirect_dma semaphore(%run_scoped3A : memref<!tpu.dma_semaphore, #tpu.memory_space<semaphore_mem>>) src(%arg11 : memref<128x64xf32, #tpu.memory_space<vmem>>) dst(%dma_wait3A_190 : memref<20480x64xf32, #tpu.memory_space<vmem_shared>>)
        tpu.yield
      }) : () -> ()
      %add3A_162 = arith.constant 2 : i32
      %add3A_163 = arith.addi %mul3A_146, %add3A_162 : i32
      %dma_start3A_164 = arith.constant 0 : i32
      %dma_start3A_165 = tpu.memref_slice %arg9[%add3A_163, %dma_start3A_164] : memref<89x128xi32, #tpu.memory_space<vmem>> -> memref<1x128xi32, #tpu.memory_space<vmem>>
      %dma_start3A_166 = tpu.memref_squeeze %dma_start3A_165 : memref<1x128xi32, #tpu.memory_space<vmem>> -> memref<128xi32, #tpu.memory_space<vmem>>
      %dma_start3A_167 = arith.constant 0 : i32
      %dma_start3A_168 = arith.constant 0 : i32
      %dma_start3A_169 = tpu.memref_slice %arg3[%dma_start3A_167, %dma_start3A_168] : memref<10752x64xf32, #tpu.memory_space<hbm>> -> memref<10752x64xf32, #tpu.memory_space<hbm>>
      tpu.enqueue_indirect_dma source(%dma_start3A_169 : memref<10752x64xf32, #tpu.memory_space<hbm>>) target(%arg11 : memref<128x64xf32, #tpu.memory_space<vmem>>) offsets(%dma_start3A_166 : memref<128xi32, #tpu.memory_space<vmem>>) semaphore(%arg15 : memref<!tpu.dma_semaphore, #tpu.memory_space<semaphore_mem>>)
      %dma_wait3A_170 = arith.constant 0 : i32
      %dma_wait3A_171 = arith.constant 0 : i32
      %dma_wait3A_172 = tpu.memref_slice %arg9[%dma_wait3A_170, %dma_wait3A_171] : memref<89x128xi32, #tpu.memory_space<vmem>> -> memref<1x128xi32, #tpu.memory_space<vmem>>
      %dma_wait3A_173 = tpu.memref_squeeze %dma_wait3A_172 : memref<1x128xi32, #tpu.memory_space<vmem>> -> memref<128xi32, #tpu.memory_space<vmem>>
      %dma_wait3A_174 = arith.constant 0 : i32
      %dma_wait3A_175 = arith.constant 0 : i32
      %dma_wait3A_176 = tpu.memref_slice %arg3[%dma_wait3A_174, %dma_wait3A_175] : memref<10752x64xf32, #tpu.memory_space<hbm>> -> memref<10752x64xf32, #tpu.memory_space<hbm>>
      tpu.wait_indirect_dma semaphore(%arg16 : memref<!tpu.dma_semaphore, #tpu.memory_space<semaphore_mem>>) src(%dma_wait3A_176 : memref<10752x64xf32, #tpu.memory_space<hbm>>) dst(%arg12 : memref<128x64xf32, #tpu.memory_space<vmem>>)
      %add3A_177 = arith.constant 1 : i32
      %add3A_178 = arith.addi %mul3A_146, %add3A_177 : i32
      "tpu.region"() ({
        %run_scoped3A = tpu.sem_alloc : memref<!tpu.dma_semaphore, #tpu.memory_space<semaphore_mem>>
        %dma_start3A_179 = arith.constant 0 : i32
        %dma_start3A_180 = tpu.memref_slice %arg10[%add3A_178, %dma_start3A_179] : memref<89x128xi32, #tpu.memory_space<vmem>> -> memref<1x128xi32, #tpu.memory_space<vmem>>
        %dma_start3A_181 = tpu.memref_squeeze %dma_start3A_180 : memref<1x128xi32, #tpu.memory_space<vmem>> -> memref<128xi32, #tpu.memory_space<vmem>>
        %dma_start3A_182 = arith.constant 0 : i32
        %dma_start3A_183 = arith.constant 0 : i32
        %dma_start3A_184 = tpu.memref_slice %arg14[%dma_start3A_182, %dma_start3A_183] : memref<20480x64xf32, #tpu.memory_space<vmem_shared>> -> memref<20480x64xf32, #tpu.memory_space<vmem_shared>>
        tpu.enqueue_indirect_dma source(%arg12 : memref<128x64xf32, #tpu.memory_space<vmem>>) target(%dma_start3A_184 : memref<20480x64xf32, #tpu.memory_space<vmem_shared>>) offsets(%dma_start3A_181 : memref<128xi32, #tpu.memory_space<vmem>>) semaphore(%run_scoped3A : memref<!tpu.dma_semaphore, #tpu.memory_space<semaphore_mem>>) {add = true}
        %dma_wait3A_185 = arith.constant 0 : i32
        %dma_wait3A_186 = tpu.memref_slice %arg10[%add3A_178, %dma_wait3A_185] : memref<89x128xi32, #tpu.memory_space<vmem>> -> memref<1x128xi32, #tpu.memory_space<vmem>>
        %dma_wait3A_187 = tpu.memref_squeeze %dma_wait3A_186 : memref<1x128xi32, #tpu.memory_space<vmem>> -> memref<128xi32, #tpu.memory_space<vmem>>
        %dma_wait3A_188 = arith.constant 0 : i32
        %dma_wait3A_189 = arith.constant 0 : i32
        %dma_wait3A_190 = tpu.memref_slice %arg14[%dma_wait3A_188, %dma_wait3A_189] : memref<20480x64xf32, #tpu.memory_space<vmem_shared>> -> memref<20480x64xf32, #tpu.memory_space<vmem_shared>>
        tpu.wait_indirect_dma semaphore(%run_scoped3A : memref<!tpu.dma_semaphore, #tpu.memory_space<semaphore_mem>>) src(%arg12 : memref<128x64xf32, #tpu.memory_space<vmem>>) dst(%dma_wait3A_190 : memref<20480x64xf32, #tpu.memory_space<vmem_shared>>)
        tpu.yield
      }) : () -> ()
    }
    %while3A_133 = arith.constant 1 : i32
    scf.for %while3A_144 = %while3A_131 to %while3A_127 step %while3A_133  : i32 {
      %mul3A_145 = arith.constant 2 : i32
      %mul3A_146 = arith.muli %mul3A_145, %while3A_144 : i32
      %add3A_147 = arith.constant 1 : i32
      %add3A_148 = arith.addi %mul3A_146, %add3A_147 : i32
      %dma_start3A_149 = arith.constant 0 : i32
      %dma_start3A_150 = tpu.memref_slice %arg9[%add3A_148, %dma_start3A_149] : memref<89x128xi32, #tpu.memory_space<vmem>> -> memref<1x128xi32, #tpu.memory_space<vmem>>
      %dma_start3A_151 = tpu.memref_squeeze %dma_start3A_150 : memref<1x128xi32, #tpu.memory_space<vmem>> -> memref<128xi32, #tpu.memory_space<vmem>>
      %dma_start3A_152 = arith.constant 0 : i32
      %dma_start3A_153 = arith.constant 0 : i32
      %dma_start3A_154 = tpu.memref_slice %arg3[%dma_start3A_152, %dma_start3A_153] : memref<10752x64xf32, #tpu.memory_space<hbm>> -> memref<10752x64xf32, #tpu.memory_space<hbm>>
      tpu.enqueue_indirect_dma source(%dma_start3A_154 : memref<10752x64xf32, #tpu.memory_space<hbm>>) target(%arg12 : memref<128x64xf32, #tpu.memory_space<vmem>>) offsets(%dma_start3A_151 : memref<128xi32, #tpu.memory_space<vmem>>) semaphore(%arg16 : memref<!tpu.dma_semaphore, #tpu.memory_space<semaphore_mem>>)
      %dma_wait3A_155 = arith.constant 0 : i32
      %dma_wait3A_156 = arith.constant 0 : i32
      %dma_wait3A_157 = tpu.memref_slice %arg9[%dma_wait3A_155, %dma_wait3A_156] : memref<89x128xi32, #tpu.memory_space<vmem>> -> memref<1x128xi32, #tpu.memory_space<vmem>>
      %dma_wait3A_158 = tpu.memref_squeeze %dma_wait3A_157 : memref<1x128xi32, #tpu.memory_space<vmem>> -> memref<128xi32, #tpu.memory_space<vmem>>
      %dma_wait3A_159 = arith.constant 0 : i32
      %dma_wait3A_160 = arith.constant 0 : i32
      %dma_wait3A_161 = tpu.memref_slice %arg3[%dma_wait3A_159, %dma_wait3A_160] : memref<10752x64xf32, #tpu.memory_space<hbm>> -> memref<10752x64xf32, #tpu.memory_space<hbm>>
      tpu.wait_indirect_dma semaphore(%arg15 : memref<!tpu.dma_semaphore, #tpu.memory_space<semaphore_mem>>) src(%dma_wait3A_161 : memref<10752x64xf32, #tpu.memory_space<hbm>>) dst(%arg11 : memref<128x64xf32, #tpu.memory_space<vmem>>)
      "tpu.region"() ({
        %run_scoped3A = tpu.sem_alloc : memref<!tpu.dma_semaphore, #tpu.memory_space<semaphore_mem>>
        %dma_start3A_179 = arith.constant 0 : i32
        %dma_start3A_180 = tpu.memref_slice %arg10[%mul3A_146, %dma_start3A_179] : memref<89x128xi32, #tpu.memory_space<vmem>> -> memref<1x128xi32, #tpu.memory_space<vmem>>
        %dma_start3A_181 = tpu.memref_squeeze %dma_start3A_180 : memref<1x128xi32, #tpu.memory_space<vmem>> -> memref<128xi32, #tpu.memory_space<vmem>>
        %dma_start3A_182 = arith.constant 0 : i32
        %dma_start3A_183 = arith.constant 0 : i32
        %dma_start3A_184 = tpu.memref_slice %arg14[%dma_start3A_182, %dma_start3A_183] : memref<20480x64xf32, #tpu.memory_space<vmem_shared>> -> memref<20480x64xf32, #tpu.memory_space<vmem_shared>>
        tpu.enqueue_indirect_dma source(%arg11 : memref<128x64xf32, #tpu.memory_space<vmem>>) target(%dma_start3A_184 : memref<20480x64xf32, #tpu.memory_space<vmem_shared>>) offsets(%dma_start3A_181 : memref<128xi32, #tpu.memory_space<vmem>>) semaphore(%run_scoped3A : memref<!tpu.dma_semaphore, #tpu.memory_space<semaphore_mem>>) {add = true}
        %dma_wait3A_185 = arith.constant 0 : i32
        %dma_wait3A_186 = tpu.memref_slice %arg10[%mul3A_146, %dma_wait3A_185] : memref<89x128xi32, #tpu.memory_space<vmem>> -> memref<1x128xi32, #tpu.memory_space<vmem>>
        %dma_wait3A_187 = tpu.memref_squeeze %dma_wait3A_186 : memref<1x128xi32, #tpu.memory_space<vmem>> -> memref<128xi32, #tpu.memory_space<vmem>>
        %dma_wait3A_188 = arith.constant 0 : i32
        %dma_wait3A_189 = arith.constant 0 : i32
        %dma_wait3A_190 = tpu.memref_slice %arg14[%dma_wait3A_188, %dma_wait3A_189] : memref<20480x64xf32, #tpu.memory_space<vmem_shared>> -> memref<20480x64xf32, #tpu.memory_space<vmem_shared>>
        tpu.wait_indirect_dma semaphore(%run_scoped3A : memref<!tpu.dma_semaphore, #tpu.memory_space<semaphore_mem>>) src(%arg11 : memref<128x64xf32, #tpu.memory_space<vmem>>) dst(%dma_wait3A_190 : memref<20480x64xf32, #tpu.memory_space<vmem_shared>>)
        tpu.yield
      }) : () -> ()
      %add3A_162 = arith.constant 2 : i32
      %add3A_163 = arith.addi %mul3A_146, %add3A_162 : i32
      %dma_start3A_164 = arith.constant 0 : i32
      %dma_start3A_165 = tpu.memref_slice %arg9[%add3A_163, %dma_start3A_164] : memref<89x128xi32, #tpu.memory_space<vmem>> -> memref<1x128xi32, #tpu.memory_space<vmem>>
      %dma_start3A_166 = tpu.memref_squeeze %dma_start3A_165 : memref<1x128xi32, #tpu.memory_space<vmem>> -> memref<128xi32, #tpu.memory_space<vmem>>
      %dma_start3A_167 = arith.constant 0 : i32
      %dma_start3A_168 = arith.constant 0 : i32
      %dma_start3A_169 = tpu.memref_slice %arg3[%dma_start3A_167, %dma_start3A_168] : memref<10752x64xf32, #tpu.memory_space<hbm>> -> memref<10752x64xf32, #tpu.memory_space<hbm>>
      tpu.enqueue_indirect_dma source(%dma_start3A_169 : memref<10752x64xf32, #tpu.memory_space<hbm>>) target(%arg11 : memref<128x64xf32, #tpu.memory_space<vmem>>) offsets(%dma_start3A_166 : memref<128xi32, #tpu.memory_space<vmem>>) semaphore(%arg15 : memref<!tpu.dma_semaphore, #tpu.memory_space<semaphore_mem>>)
      %dma_wait3A_170 = arith.constant 0 : i32
      %dma_wait3A_171 = arith.constant 0 : i32
      %dma_wait3A_172 = tpu.memref_slice %arg9[%dma_wait3A_170, %dma_wait3A_171] : memref<89x128xi32, #tpu.memory_space<vmem>> -> memref<1x128xi32, #tpu.memory_space<vmem>>
      %dma_wait3A_173 = tpu.memref_squeeze %dma_wait3A_172 : memref<1x128xi32, #tpu.memory_space<vmem>> -> memref<128xi32, #tpu.memory_space<vmem>>
      %dma_wait3A_174 = arith.constant 0 : i32
      %dma_wait3A_175 = arith.constant 0 : i32
      %dma_wait3A_176 = tpu.memref_slice %arg3[%dma_wait3A_174, %dma_wait3A_175] : memref<10752x64xf32, #tpu.memory_space<hbm>> -> memref<10752x64xf32, #tpu.memory_space<hbm>>
      tpu.wait_indirect_dma semaphore(%arg16 : memref<!tpu.dma_semaphore, #tpu.memory_space<semaphore_mem>>) src(%dma_wait3A_176 : memref<10752x64xf32, #tpu.memory_space<hbm>>) dst(%arg12 : memref<128x64xf32, #tpu.memory_space<vmem>>)
      %add3A_177 = arith.constant 1 : i32
      %add3A_178 = arith.addi %mul3A_146, %add3A_177 : i32
      "tpu.region"() ({
        %run_scoped3A = tpu.sem_alloc : memref<!tpu.dma_semaphore, #tpu.memory_space<semaphore_mem>>
        %dma_start3A_179 = arith.constant 0 : i32
        %dma_start3A_180 = tpu.memref_slice %arg10[%add3A_178, %dma_start3A_179] : memref<89x128xi32, #tpu.memory_space<vmem>> -> memref<1x128xi32, #tpu.memory_space<vmem>>
        %dma_start3A_181 = tpu.memref_squeeze %dma_start3A_180 : memref<1x128xi32, #tpu.memory_space<vmem>> -> memref<128xi32, #tpu.memory_space<vmem>>
        %dma_start3A_182 = arith.constant 0 : i32
        %dma_start3A_183 = arith.constant 0 : i32
        %dma_start3A_184 = tpu.memref_slice %arg14[%dma_start3A_182, %dma_start3A_183] : memref<20480x64xf32, #tpu.memory_space<vmem_shared>> -> memref<20480x64xf32, #tpu.memory_space<vmem_shared>>
        tpu.enqueue_indirect_dma source(%arg12 : memref<128x64xf32, #tpu.memory_space<vmem>>) target(%dma_start3A_184 : memref<20480x64xf32, #tpu.memory_space<vmem_shared>>) offsets(%dma_start3A_181 : memref<128xi32, #tpu.memory_space<vmem>>) semaphore(%run_scoped3A : memref<!tpu.dma_semaphore, #tpu.memory_space<semaphore_mem>>) {add = true}
        %dma_wait3A_185 = arith.constant 0 : i32
        %dma_wait3A_186 = tpu.memref_slice %arg10[%add3A_178, %dma_wait3A_185] : memref<89x128xi32, #tpu.memory_space<vmem>> -> memref<1x128xi32, #tpu.memory_space<vmem>>
        %dma_wait3A_187 = tpu.memref_squeeze %dma_wait3A_186 : memref<1x128xi32, #tpu.memory_space<vmem>> -> memref<128xi32, #tpu.memory_space<vmem>>
        %dma_wait3A_188 = arith.constant 0 : i32
        %dma_wait3A_189 = arith.constant 0 : i32
        %dma_wait3A_190 = tpu.memref_slice %arg14[%dma_wait3A_188, %dma_wait3A_189] : memref<20480x64xf32, #tpu.memory_space<vmem_shared>> -> memref<20480x64xf32, #tpu.memory_space<vmem_shared>>
        tpu.wait_indirect_dma semaphore(%run_scoped3A : memref<!tpu.dma_semaphore, #tpu.memory_space<semaphore_mem>>) src(%arg12 : memref<128x64xf32, #tpu.memory_space<vmem>>) dst(%dma_wait3A_190 : memref<20480x64xf32, #tpu.memory_space<vmem_shared>>)
        tpu.yield
      }) : () -> ()
    }
    %dma_wait3A_134 = arith.constant 0 : i32
    %dma_wait3A_135 = arith.constant 0 : i32
    %dma_wait3A_136 = tpu.memref_slice %arg9[%dma_wait3A_134, %dma_wait3A_135] : memref<89x128xi32, #tpu.memory_space<vmem>> -> memref<1x128xi32, #tpu.memory_space<vmem>>
    %dma_wait3A_137 = tpu.memref_squeeze %dma_wait3A_136 : memref<1x128xi32, #tpu.memory_space<vmem>> -> memref<128xi32, #tpu.memory_space<vmem>>
    %dma_wait3A_138 = arith.constant 0 : i32
    %dma_wait3A_139 = arith.constant 0 : i32
    %dma_wait3A_140 = tpu.memref_slice %arg3[%dma_wait3A_138, %dma_wait3A_139] : memref<10752x64xf32, #tpu.memory_space<hbm>> -> memref<10752x64xf32, #tpu.memory_space<hbm>>
    tpu.wait_indirect_dma semaphore(%arg15 : memref<!tpu.dma_semaphore, #tpu.memory_space<semaphore_mem>>) src(%dma_wait3A_140 : memref<10752x64xf32, #tpu.memory_space<hbm>>) dst(%arg11 : memref<128x64xf32, #tpu.memory_space<vmem>>)
    %sub3A_141 = arith.constant 1 : i32
    %sub3A_142 = arith.subi %select_n3A, %sub3A_141 : i32
    "tpu.region"() ({
      %run_scoped3A = tpu.sem_alloc : memref<!tpu.dma_semaphore, #tpu.memory_space<semaphore_mem>>
      %dma_start3A_144 = arith.constant 0 : i32
      %dma_start3A_145 = tpu.memref_slice %arg10[%sub3A_142, %dma_start3A_144] : memref<89x128xi32, #tpu.memory_space<vmem>> -> memref<1x128xi32, #tpu.memory_space<vmem>>
      %dma_start3A_146 = tpu.memref_squeeze %dma_start3A_145 : memref<1x128xi32, #tpu.memory_space<vmem>> -> memref<128xi32, #tpu.memory_space<vmem>>
      %dma_start3A_147 = arith.constant 0 : i32
      %dma_start3A_148 = arith.constant 0 : i32
      %dma_start3A_149 = tpu.memref_slice %arg14[%dma_start3A_147, %dma_start3A_148] : memref<20480x64xf32, #tpu.memory_space<vmem_shared>> -> memref<20480x64xf32, #tpu.memory_space<vmem_shared>>
      tpu.enqueue_indirect_dma source(%arg11 : memref<128x64xf32, #tpu.memory_space<vmem>>) target(%dma_start3A_149 : memref<20480x64xf32, #tpu.memory_space<vmem_shared>>) offsets(%dma_start3A_146 : memref<128xi32, #tpu.memory_space<vmem>>) semaphore(%run_scoped3A : memref<!tpu.dma_semaphore, #tpu.memory_space<semaphore_mem>>) {add = true}
      %dma_wait3A_150 = arith.constant 0 : i32
      %dma_wait3A_151 = tpu.memref_slice %arg10[%sub3A_142, %dma_wait3A_150] : memref<89x128xi32, #tpu.memory_space<vmem>> -> memref<1x128xi32, #tpu.memory_space<vmem>>
      %dma_wait3A_152 = tpu.memref_squeeze %dma_wait3A_151 : memref<1x128xi32, #tpu.memory_space<vmem>> -> memref<128xi32, #tpu.memory_space<vmem>>
      %dma_wait3A_153 = arith.constant 0 : i32
      %dma_wait3A_154 = arith.constant 0 : i32
      %dma_wait3A_155 = tpu.memref_slice %arg14[%dma_wait3A_153, %dma_wait3A_154] : memref<20480x64xf32, #tpu.memory_space<vmem_shared>> -> memref<20480x64xf32, #tpu.memory_space<vmem_shared>>
      tpu.wait_indirect_dma semaphore(%run_scoped3A : memref<!tpu.dma_semaphore, #tpu.memory_space<semaphore_mem>>) src(%arg11 : memref<128x64xf32, #tpu.memory_space<vmem>>) dst(%dma_wait3A_155 : memref<20480x64xf32, #tpu.memory_space<vmem_shared>>)
      tpu.yield
    }) : () -> ()
    %barrier3A_143 = arith.constant 0 : index
    tpu.barrier barrier_id(%barrier3A_143)
    "tpu.region"() ({
      %run_scoped3A = tpu.sem_alloc : memref<!tpu.dma_semaphore, #tpu.memory_space<semaphore_mem>>
      %dma_start3A_144 = arith.constant 0 : i32
      %dma_start3A_145 = tpu.memref_slice %arg8[%arg0, %mul3A_4, %dma_start3A_144] : memref<2x20480x64xf32, #tpu.memory_space<hbm>> -> memref<1x1280x64xf32, #tpu.memory_space<hbm>>
      %dma_start3A_146 = tpu.memref_squeeze %dma_start3A_145 : memref<1x1280x64xf32, #tpu.memory_space<hbm>> -> memref<1280x64xf32, #tpu.memory_space<hbm>>
      %dma_start3A_147 = arith.constant 0 : i32
      %dma_start3A_148 = tpu.memref_slice %arg14[%mul3A_4, %dma_start3A_147] : memref<20480x64xf32, #tpu.memory_space<vmem_shared>> -> memref<1280x64xf32, #tpu.memory_space<vmem_shared>>
      tpu.enqueue_dma source(%dma_start3A_148 : memref<1280x64xf32, #tpu.memory_space<vmem_shared>>) target(%dma_start3A_146 : memref<1280x64xf32, #tpu.memory_space<hbm>>) target_semaphore(%run_scoped3A : memref<!tpu.dma_semaphore, #tpu.memory_space<semaphore_mem>>)
      %dma_wait3A_149 = arith.constant 0 : i32
      %dma_wait3A_150 = tpu.memref_slice %arg8[%arg0, %mul3A_4, %dma_wait3A_149] : memref<2x20480x64xf32, #tpu.memory_space<hbm>> -> memref<1x1280x64xf32, #tpu.memory_space<hbm>>
      %dma_wait3A_151 = tpu.memref_squeeze %dma_wait3A_150 : memref<1x1280x64xf32, #tpu.memory_space<hbm>> -> memref<1280x64xf32, #tpu.memory_space<hbm>>
      %dma_wait3A_152 = arith.constant 0 : i32
      %dma_wait3A_153 = tpu.memref_slice %arg14[%mul3A_4, %dma_wait3A_152] : memref<20480x64xf32, #tpu.memory_space<vmem_shared>> -> memref<1280x64xf32, #tpu.memory_space<vmem_shared>>
      tpu.wait_dma2 semaphore(%run_scoped3A : memref<!tpu.dma_semaphore, #tpu.memory_space<semaphore_mem>>) src(%dma_wait3A_153 : memref<1280x64xf32, #tpu.memory_space<vmem_shared>>) dst(%dma_wait3A_151 : memref<1280x64xf32, #tpu.memory_space<hbm>>)
      tpu.yield
    }) : () -> ()
    return
  }
}

#map = affine_map<(d0, d1) -> (0, 0, 0)>
#map1 = affine_map<(d0, d1) -> (0, 0)>
module attributes {stable_mosaic.version = 14 : i64} {
  func.func @body(%arg0: i32, %arg1: i32, %arg2: memref<32x79x128xi32, #tpu.memory_space<hbm>>, %arg3: memref<128x16xf32, #tpu.memory_space<hbm>>, %arg4: memref<128x16xf32, #tpu.memory_space<hbm>>, %arg5: memref<2x20608x16xf32, #tpu.memory_space<hbm>>, %arg6: memref<79x128xi32, #tpu.memory_space<vmem>>, %arg7: memref<128x16xf32, #tpu.memory_space<vmem>>, %arg8: memref<128x16xf32, #tpu.memory_space<vmem>>, %arg9: memref<20608x16xf32, #tpu.memory_space<vmem_shared>>) attributes {dimension_semantics = [#tpu.dimension_semantics<core_parallel>, #tpu.dimension_semantics<subcore_parallel>], iteration_bounds = array<i64: 2, 16>, scalar_prefetch = 0 : i64, scratch_operands = 4 : i64, tpu.core_type = #tpu.core_type<sc_vector_subcore>, window_params = [{transform_indices = #map}, {transform_indices = #map1}, {transform_indices = #map1}, {transform_indices = #map}]} {
    %mul3A = arith.constant 2 : i32
    %mul3A_0 = arith.muli %arg1, %mul3A : i32
    %add3A = arith.addi %mul3A_0, %arg0 : i32
    %mul3A_1 = arith.constant 1288 : i32
    %mul3A_2 = arith.muli %arg1, %mul3A_1 : i32
    "tpu.region"() ({
      %run_scoped3A = tpu.sem_alloc : memref<!tpu.dma_semaphore, #tpu.memory_space<semaphore_mem>>
      %dma_start3A = arith.constant 0 : i32
      %dma_start3A_31 = arith.constant 0 : i32
      %dma_start3A_32 = tpu.memref_slice %arg2[%add3A, %dma_start3A, %dma_start3A_31] : memref<32x79x128xi32, #tpu.memory_space<hbm>> -> memref<1x79x128xi32, #tpu.memory_space<hbm>>
      %dma_start3A_33 = tpu.memref_squeeze %dma_start3A_32 : memref<1x79x128xi32, #tpu.memory_space<hbm>> -> memref<79x128xi32, #tpu.memory_space<hbm>>
      %dma_start3A_34 = arith.constant 0 : i32
      %dma_start3A_35 = arith.constant 0 : i32
      %dma_start3A_36 = tpu.memref_slice %arg2[%add3A, %dma_start3A_34, %dma_start3A_35] : memref<32x79x128xi32, #tpu.memory_space<hbm>> -> memref<1x79x128xi32, #tpu.memory_space<hbm>>
      %dma_start3A_37 = tpu.memref_squeeze %dma_start3A_36 : memref<1x79x128xi32, #tpu.memory_space<hbm>> -> memref<79x128xi32, #tpu.memory_space<hbm>>
      tpu.enqueue_dma source(%dma_start3A_37 : memref<79x128xi32, #tpu.memory_space<hbm>>) target(%arg6 : memref<79x128xi32, #tpu.memory_space<vmem>>) target_semaphore(%run_scoped3A : memref<!tpu.dma_semaphore, #tpu.memory_space<semaphore_mem>>)
      %dma_wait3A = arith.constant 0 : i32
      %dma_wait3A_38 = arith.constant 0 : i32
      %dma_wait3A_39 = tpu.memref_slice %arg2[%add3A, %dma_wait3A, %dma_wait3A_38] : memref<32x79x128xi32, #tpu.memory_space<hbm>> -> memref<1x79x128xi32, #tpu.memory_space<hbm>>
      %dma_wait3A_40 = tpu.memref_squeeze %dma_wait3A_39 : memref<1x79x128xi32, #tpu.memory_space<hbm>> -> memref<79x128xi32, #tpu.memory_space<hbm>>
      %dma_wait3A_41 = arith.constant 0 : i32
      %dma_wait3A_42 = arith.constant 0 : i32
      %dma_wait3A_43 = tpu.memref_slice %arg2[%add3A, %dma_wait3A_41, %dma_wait3A_42] : memref<32x79x128xi32, #tpu.memory_space<hbm>> -> memref<1x79x128xi32, #tpu.memory_space<hbm>>
      %dma_wait3A_44 = tpu.memref_squeeze %dma_wait3A_43 : memref<1x79x128xi32, #tpu.memory_space<hbm>> -> memref<79x128xi32, #tpu.memory_space<hbm>>
      tpu.wait_dma2 semaphore(%run_scoped3A : memref<!tpu.dma_semaphore, #tpu.memory_space<semaphore_mem>>) src(%dma_wait3A_44 : memref<79x128xi32, #tpu.memory_space<hbm>>) dst(%arg6 : memref<79x128xi32, #tpu.memory_space<vmem>>)
      tpu.yield
    }) : () -> ()
    "tpu.region"() ({
      %run_scoped3A = tpu.sem_alloc : memref<!tpu.dma_semaphore, #tpu.memory_space<semaphore_mem>>
      tpu.enqueue_dma source(%arg3 : memref<128x16xf32, #tpu.memory_space<hbm>>) target(%arg7 : memref<128x16xf32, #tpu.memory_space<vmem>>) target_semaphore(%run_scoped3A : memref<!tpu.dma_semaphore, #tpu.memory_space<semaphore_mem>>)
      tpu.wait_dma2 semaphore(%run_scoped3A : memref<!tpu.dma_semaphore, #tpu.memory_space<semaphore_mem>>) src(%arg3 : memref<128x16xf32, #tpu.memory_space<hbm>>) dst(%arg7 : memref<128x16xf32, #tpu.memory_space<vmem>>)
      tpu.yield
    }) : () -> ()
    "tpu.region"() ({
      %run_scoped3A = tpu.sem_alloc : memref<!tpu.dma_semaphore, #tpu.memory_space<semaphore_mem>>
      tpu.enqueue_dma source(%arg4 : memref<128x16xf32, #tpu.memory_space<hbm>>) target(%arg8 : memref<128x16xf32, #tpu.memory_space<vmem>>) target_semaphore(%run_scoped3A : memref<!tpu.dma_semaphore, #tpu.memory_space<semaphore_mem>>)
      tpu.wait_dma2 semaphore(%run_scoped3A : memref<!tpu.dma_semaphore, #tpu.memory_space<semaphore_mem>>) src(%arg4 : memref<128x16xf32, #tpu.memory_space<hbm>>) dst(%arg8 : memref<128x16xf32, #tpu.memory_space<vmem>>)
      tpu.yield
    }) : () -> ()
    %add3A_3 = arith.constant 0 : i32
    %add3A_4 = arith.addi %mul3A_2, %add3A_3 : i32
    "tpu.region"() ({
      %run_scoped3A = tpu.sem_alloc : memref<!tpu.dma_semaphore, #tpu.memory_space<semaphore_mem>>
      %dma_start3A = arith.constant 0 : i32
      %dma_start3A_31 = tpu.memref_slice %arg9[%add3A_4, %dma_start3A] : memref<20608x16xf32, #tpu.memory_space<vmem_shared>> -> memref<128x16xf32, #tpu.memory_space<vmem_shared>>
      %dma_start3A_32 = arith.constant 0 : i32
      %dma_start3A_33 = tpu.memref_slice %arg9[%add3A_4, %dma_start3A_32] : memref<20608x16xf32, #tpu.memory_space<vmem_shared>> -> memref<128x16xf32, #tpu.memory_space<vmem_shared>>
      tpu.enqueue_dma source(%arg8 : memref<128x16xf32, #tpu.memory_space<vmem>>) target(%dma_start3A_33 : memref<128x16xf32, #tpu.memory_space<vmem_shared>>) target_semaphore(%run_scoped3A : memref<!tpu.dma_semaphore, #tpu.memory_space<semaphore_mem>>)
      %dma_wait3A = arith.constant 0 : i32
      %dma_wait3A_34 = tpu.memref_slice %arg9[%add3A_4, %dma_wait3A] : memref<20608x16xf32, #tpu.memory_space<vmem_shared>> -> memref<128x16xf32, #tpu.memory_space<vmem_shared>>
      %dma_wait3A_35 = arith.constant 0 : i32
      %dma_wait3A_36 = tpu.memref_slice %arg9[%add3A_4, %dma_wait3A_35] : memref<20608x16xf32, #tpu.memory_space<vmem_shared>> -> memref<128x16xf32, #tpu.memory_space<vmem_shared>>
      tpu.wait_dma2 semaphore(%run_scoped3A : memref<!tpu.dma_semaphore, #tpu.memory_space<semaphore_mem>>) src(%arg8 : memref<128x16xf32, #tpu.memory_space<vmem>>) dst(%dma_wait3A_36 : memref<128x16xf32, #tpu.memory_space<vmem_shared>>)
      tpu.yield
    }) : () -> ()
    %add3A_5 = arith.constant 128 : i32
    %add3A_6 = arith.addi %mul3A_2, %add3A_5 : i32
    "tpu.region"() ({
      %run_scoped3A = tpu.sem_alloc : memref<!tpu.dma_semaphore, #tpu.memory_space<semaphore_mem>>
      %dma_start3A = arith.constant 0 : i32
      %dma_start3A_31 = tpu.memref_slice %arg9[%add3A_6, %dma_start3A] : memref<20608x16xf32, #tpu.memory_space<vmem_shared>> -> memref<128x16xf32, #tpu.memory_space<vmem_shared>>
      %dma_start3A_32 = arith.constant 0 : i32
      %dma_start3A_33 = tpu.memref_slice %arg9[%add3A_6, %dma_start3A_32] : memref<20608x16xf32, #tpu.memory_space<vmem_shared>> -> memref<128x16xf32, #tpu.memory_space<vmem_shared>>
      tpu.enqueue_dma source(%arg8 : memref<128x16xf32, #tpu.memory_space<vmem>>) target(%dma_start3A_33 : memref<128x16xf32, #tpu.memory_space<vmem_shared>>) target_semaphore(%run_scoped3A : memref<!tpu.dma_semaphore, #tpu.memory_space<semaphore_mem>>)
      %dma_wait3A = arith.constant 0 : i32
      %dma_wait3A_34 = tpu.memref_slice %arg9[%add3A_6, %dma_wait3A] : memref<20608x16xf32, #tpu.memory_space<vmem_shared>> -> memref<128x16xf32, #tpu.memory_space<vmem_shared>>
      %dma_wait3A_35 = arith.constant 0 : i32
      %dma_wait3A_36 = tpu.memref_slice %arg9[%add3A_6, %dma_wait3A_35] : memref<20608x16xf32, #tpu.memory_space<vmem_shared>> -> memref<128x16xf32, #tpu.memory_space<vmem_shared>>
      tpu.wait_dma2 semaphore(%run_scoped3A : memref<!tpu.dma_semaphore, #tpu.memory_space<semaphore_mem>>) src(%arg8 : memref<128x16xf32, #tpu.memory_space<vmem>>) dst(%dma_wait3A_36 : memref<128x16xf32, #tpu.memory_space<vmem_shared>>)
      tpu.yield
    }) : () -> ()
    %add3A_7 = arith.constant 256 : i32
    %add3A_8 = arith.addi %mul3A_2, %add3A_7 : i32
    "tpu.region"() ({
      %run_scoped3A = tpu.sem_alloc : memref<!tpu.dma_semaphore, #tpu.memory_space<semaphore_mem>>
      %dma_start3A = arith.constant 0 : i32
      %dma_start3A_31 = tpu.memref_slice %arg9[%add3A_8, %dma_start3A] : memref<20608x16xf32, #tpu.memory_space<vmem_shared>> -> memref<128x16xf32, #tpu.memory_space<vmem_shared>>
      %dma_start3A_32 = arith.constant 0 : i32
      %dma_start3A_33 = tpu.memref_slice %arg9[%add3A_8, %dma_start3A_32] : memref<20608x16xf32, #tpu.memory_space<vmem_shared>> -> memref<128x16xf32, #tpu.memory_space<vmem_shared>>
      tpu.enqueue_dma source(%arg8 : memref<128x16xf32, #tpu.memory_space<vmem>>) target(%dma_start3A_33 : memref<128x16xf32, #tpu.memory_space<vmem_shared>>) target_semaphore(%run_scoped3A : memref<!tpu.dma_semaphore, #tpu.memory_space<semaphore_mem>>)
      %dma_wait3A = arith.constant 0 : i32
      %dma_wait3A_34 = tpu.memref_slice %arg9[%add3A_8, %dma_wait3A] : memref<20608x16xf32, #tpu.memory_space<vmem_shared>> -> memref<128x16xf32, #tpu.memory_space<vmem_shared>>
      %dma_wait3A_35 = arith.constant 0 : i32
      %dma_wait3A_36 = tpu.memref_slice %arg9[%add3A_8, %dma_wait3A_35] : memref<20608x16xf32, #tpu.memory_space<vmem_shared>> -> memref<128x16xf32, #tpu.memory_space<vmem_shared>>
      tpu.wait_dma2 semaphore(%run_scoped3A : memref<!tpu.dma_semaphore, #tpu.memory_space<semaphore_mem>>) src(%arg8 : memref<128x16xf32, #tpu.memory_space<vmem>>) dst(%dma_wait3A_36 : memref<128x16xf32, #tpu.memory_space<vmem_shared>>)
      tpu.yield
    }) : () -> ()
    %add3A_9 = arith.constant 384 : i32
    %add3A_10 = arith.addi %mul3A_2, %add3A_9 : i32
    "tpu.region"() ({
      %run_scoped3A = tpu.sem_alloc : memref<!tpu.dma_semaphore, #tpu.memory_space<semaphore_mem>>
      %dma_start3A = arith.constant 0 : i32
      %dma_start3A_31 = tpu.memref_slice %arg9[%add3A_10, %dma_start3A] : memref<20608x16xf32, #tpu.memory_space<vmem_shared>> -> memref<128x16xf32, #tpu.memory_space<vmem_shared>>
      %dma_start3A_32 = arith.constant 0 : i32
      %dma_start3A_33 = tpu.memref_slice %arg9[%add3A_10, %dma_start3A_32] : memref<20608x16xf32, #tpu.memory_space<vmem_shared>> -> memref<128x16xf32, #tpu.memory_space<vmem_shared>>
      tpu.enqueue_dma source(%arg8 : memref<128x16xf32, #tpu.memory_space<vmem>>) target(%dma_start3A_33 : memref<128x16xf32, #tpu.memory_space<vmem_shared>>) target_semaphore(%run_scoped3A : memref<!tpu.dma_semaphore, #tpu.memory_space<semaphore_mem>>)
      %dma_wait3A = arith.constant 0 : i32
      %dma_wait3A_34 = tpu.memref_slice %arg9[%add3A_10, %dma_wait3A] : memref<20608x16xf32, #tpu.memory_space<vmem_shared>> -> memref<128x16xf32, #tpu.memory_space<vmem_shared>>
      %dma_wait3A_35 = arith.constant 0 : i32
      %dma_wait3A_36 = tpu.memref_slice %arg9[%add3A_10, %dma_wait3A_35] : memref<20608x16xf32, #tpu.memory_space<vmem_shared>> -> memref<128x16xf32, #tpu.memory_space<vmem_shared>>
      tpu.wait_dma2 semaphore(%run_scoped3A : memref<!tpu.dma_semaphore, #tpu.memory_space<semaphore_mem>>) src(%arg8 : memref<128x16xf32, #tpu.memory_space<vmem>>) dst(%dma_wait3A_36 : memref<128x16xf32, #tpu.memory_space<vmem_shared>>)
      tpu.yield
    }) : () -> ()
    %add3A_11 = arith.constant 512 : i32
    %add3A_12 = arith.addi %mul3A_2, %add3A_11 : i32
    "tpu.region"() ({
      %run_scoped3A = tpu.sem_alloc : memref<!tpu.dma_semaphore, #tpu.memory_space<semaphore_mem>>
      %dma_start3A = arith.constant 0 : i32
      %dma_start3A_31 = tpu.memref_slice %arg9[%add3A_12, %dma_start3A] : memref<20608x16xf32, #tpu.memory_space<vmem_shared>> -> memref<128x16xf32, #tpu.memory_space<vmem_shared>>
      %dma_start3A_32 = arith.constant 0 : i32
      %dma_start3A_33 = tpu.memref_slice %arg9[%add3A_12, %dma_start3A_32] : memref<20608x16xf32, #tpu.memory_space<vmem_shared>> -> memref<128x16xf32, #tpu.memory_space<vmem_shared>>
      tpu.enqueue_dma source(%arg8 : memref<128x16xf32, #tpu.memory_space<vmem>>) target(%dma_start3A_33 : memref<128x16xf32, #tpu.memory_space<vmem_shared>>) target_semaphore(%run_scoped3A : memref<!tpu.dma_semaphore, #tpu.memory_space<semaphore_mem>>)
      %dma_wait3A = arith.constant 0 : i32
      %dma_wait3A_34 = tpu.memref_slice %arg9[%add3A_12, %dma_wait3A] : memref<20608x16xf32, #tpu.memory_space<vmem_shared>> -> memref<128x16xf32, #tpu.memory_space<vmem_shared>>
      %dma_wait3A_35 = arith.constant 0 : i32
      %dma_wait3A_36 = tpu.memref_slice %arg9[%add3A_12, %dma_wait3A_35] : memref<20608x16xf32, #tpu.memory_space<vmem_shared>> -> memref<128x16xf32, #tpu.memory_space<vmem_shared>>
      tpu.wait_dma2 semaphore(%run_scoped3A : memref<!tpu.dma_semaphore, #tpu.memory_space<semaphore_mem>>) src(%arg8 : memref<128x16xf32, #tpu.memory_space<vmem>>) dst(%dma_wait3A_36 : memref<128x16xf32, #tpu.memory_space<vmem_shared>>)
      tpu.yield
    }) : () -> ()
    %add3A_13 = arith.constant 640 : i32
    %add3A_14 = arith.addi %mul3A_2, %add3A_13 : i32
    "tpu.region"() ({
      %run_scoped3A = tpu.sem_alloc : memref<!tpu.dma_semaphore, #tpu.memory_space<semaphore_mem>>
      %dma_start3A = arith.constant 0 : i32
      %dma_start3A_31 = tpu.memref_slice %arg9[%add3A_14, %dma_start3A] : memref<20608x16xf32, #tpu.memory_space<vmem_shared>> -> memref<128x16xf32, #tpu.memory_space<vmem_shared>>
      %dma_start3A_32 = arith.constant 0 : i32
      %dma_start3A_33 = tpu.memref_slice %arg9[%add3A_14, %dma_start3A_32] : memref<20608x16xf32, #tpu.memory_space<vmem_shared>> -> memref<128x16xf32, #tpu.memory_space<vmem_shared>>
      tpu.enqueue_dma source(%arg8 : memref<128x16xf32, #tpu.memory_space<vmem>>) target(%dma_start3A_33 : memref<128x16xf32, #tpu.memory_space<vmem_shared>>) target_semaphore(%run_scoped3A : memref<!tpu.dma_semaphore, #tpu.memory_space<semaphore_mem>>)
      %dma_wait3A = arith.constant 0 : i32
      %dma_wait3A_34 = tpu.memref_slice %arg9[%add3A_14, %dma_wait3A] : memref<20608x16xf32, #tpu.memory_space<vmem_shared>> -> memref<128x16xf32, #tpu.memory_space<vmem_shared>>
      %dma_wait3A_35 = arith.constant 0 : i32
      %dma_wait3A_36 = tpu.memref_slice %arg9[%add3A_14, %dma_wait3A_35] : memref<20608x16xf32, #tpu.memory_space<vmem_shared>> -> memref<128x16xf32, #tpu.memory_space<vmem_shared>>
      tpu.wait_dma2 semaphore(%run_scoped3A : memref<!tpu.dma_semaphore, #tpu.memory_space<semaphore_mem>>) src(%arg8 : memref<128x16xf32, #tpu.memory_space<vmem>>) dst(%dma_wait3A_36 : memref<128x16xf32, #tpu.memory_space<vmem_shared>>)
      tpu.yield
    }) : () -> ()
    %add3A_15 = arith.constant 768 : i32
    %add3A_16 = arith.addi %mul3A_2, %add3A_15 : i32
    "tpu.region"() ({
      %run_scoped3A = tpu.sem_alloc : memref<!tpu.dma_semaphore, #tpu.memory_space<semaphore_mem>>
      %dma_start3A = arith.constant 0 : i32
      %dma_start3A_31 = tpu.memref_slice %arg9[%add3A_16, %dma_start3A] : memref<20608x16xf32, #tpu.memory_space<vmem_shared>> -> memref<128x16xf32, #tpu.memory_space<vmem_shared>>
      %dma_start3A_32 = arith.constant 0 : i32
      %dma_start3A_33 = tpu.memref_slice %arg9[%add3A_16, %dma_start3A_32] : memref<20608x16xf32, #tpu.memory_space<vmem_shared>> -> memref<128x16xf32, #tpu.memory_space<vmem_shared>>
      tpu.enqueue_dma source(%arg8 : memref<128x16xf32, #tpu.memory_space<vmem>>) target(%dma_start3A_33 : memref<128x16xf32, #tpu.memory_space<vmem_shared>>) target_semaphore(%run_scoped3A : memref<!tpu.dma_semaphore, #tpu.memory_space<semaphore_mem>>)
      %dma_wait3A = arith.constant 0 : i32
      %dma_wait3A_34 = tpu.memref_slice %arg9[%add3A_16, %dma_wait3A] : memref<20608x16xf32, #tpu.memory_space<vmem_shared>> -> memref<128x16xf32, #tpu.memory_space<vmem_shared>>
      %dma_wait3A_35 = arith.constant 0 : i32
      %dma_wait3A_36 = tpu.memref_slice %arg9[%add3A_16, %dma_wait3A_35] : memref<20608x16xf32, #tpu.memory_space<vmem_shared>> -> memref<128x16xf32, #tpu.memory_space<vmem_shared>>
      tpu.wait_dma2 semaphore(%run_scoped3A : memref<!tpu.dma_semaphore, #tpu.memory_space<semaphore_mem>>) src(%arg8 : memref<128x16xf32, #tpu.memory_space<vmem>>) dst(%dma_wait3A_36 : memref<128x16xf32, #tpu.memory_space<vmem_shared>>)
      tpu.yield
    }) : () -> ()
    %add3A_17 = arith.constant 896 : i32
    %add3A_18 = arith.addi %mul3A_2, %add3A_17 : i32
    "tpu.region"() ({
      %run_scoped3A = tpu.sem_alloc : memref<!tpu.dma_semaphore, #tpu.memory_space<semaphore_mem>>
      %dma_start3A = arith.constant 0 : i32
      %dma_start3A_31 = tpu.memref_slice %arg9[%add3A_18, %dma_start3A] : memref<20608x16xf32, #tpu.memory_space<vmem_shared>> -> memref<128x16xf32, #tpu.memory_space<vmem_shared>>
      %dma_start3A_32 = arith.constant 0 : i32
      %dma_start3A_33 = tpu.memref_slice %arg9[%add3A_18, %dma_start3A_32] : memref<20608x16xf32, #tpu.memory_space<vmem_shared>> -> memref<128x16xf32, #tpu.memory_space<vmem_shared>>
      tpu.enqueue_dma source(%arg8 : memref<128x16xf32, #tpu.memory_space<vmem>>) target(%dma_start3A_33 : memref<128x16xf32, #tpu.memory_space<vmem_shared>>) target_semaphore(%run_scoped3A : memref<!tpu.dma_semaphore, #tpu.memory_space<semaphore_mem>>)
      %dma_wait3A = arith.constant 0 : i32
      %dma_wait3A_34 = tpu.memref_slice %arg9[%add3A_18, %dma_wait3A] : memref<20608x16xf32, #tpu.memory_space<vmem_shared>> -> memref<128x16xf32, #tpu.memory_space<vmem_shared>>
      %dma_wait3A_35 = arith.constant 0 : i32
      %dma_wait3A_36 = tpu.memref_slice %arg9[%add3A_18, %dma_wait3A_35] : memref<20608x16xf32, #tpu.memory_space<vmem_shared>> -> memref<128x16xf32, #tpu.memory_space<vmem_shared>>
      tpu.wait_dma2 semaphore(%run_scoped3A : memref<!tpu.dma_semaphore, #tpu.memory_space<semaphore_mem>>) src(%arg8 : memref<128x16xf32, #tpu.memory_space<vmem>>) dst(%dma_wait3A_36 : memref<128x16xf32, #tpu.memory_space<vmem_shared>>)
      tpu.yield
    }) : () -> ()
    %add3A_19 = arith.constant 1024 : i32
    %add3A_20 = arith.addi %mul3A_2, %add3A_19 : i32
    "tpu.region"() ({
      %run_scoped3A = tpu.sem_alloc : memref<!tpu.dma_semaphore, #tpu.memory_space<semaphore_mem>>
      %dma_start3A = arith.constant 0 : i32
      %dma_start3A_31 = tpu.memref_slice %arg9[%add3A_20, %dma_start3A] : memref<20608x16xf32, #tpu.memory_space<vmem_shared>> -> memref<128x16xf32, #tpu.memory_space<vmem_shared>>
      %dma_start3A_32 = arith.constant 0 : i32
      %dma_start3A_33 = tpu.memref_slice %arg9[%add3A_20, %dma_start3A_32] : memref<20608x16xf32, #tpu.memory_space<vmem_shared>> -> memref<128x16xf32, #tpu.memory_space<vmem_shared>>
      tpu.enqueue_dma source(%arg8 : memref<128x16xf32, #tpu.memory_space<vmem>>) target(%dma_start3A_33 : memref<128x16xf32, #tpu.memory_space<vmem_shared>>) target_semaphore(%run_scoped3A : memref<!tpu.dma_semaphore, #tpu.memory_space<semaphore_mem>>)
      %dma_wait3A = arith.constant 0 : i32
      %dma_wait3A_34 = tpu.memref_slice %arg9[%add3A_20, %dma_wait3A] : memref<20608x16xf32, #tpu.memory_space<vmem_shared>> -> memref<128x16xf32, #tpu.memory_space<vmem_shared>>
      %dma_wait3A_35 = arith.constant 0 : i32
      %dma_wait3A_36 = tpu.memref_slice %arg9[%add3A_20, %dma_wait3A_35] : memref<20608x16xf32, #tpu.memory_space<vmem_shared>> -> memref<128x16xf32, #tpu.memory_space<vmem_shared>>
      tpu.wait_dma2 semaphore(%run_scoped3A : memref<!tpu.dma_semaphore, #tpu.memory_space<semaphore_mem>>) src(%arg8 : memref<128x16xf32, #tpu.memory_space<vmem>>) dst(%dma_wait3A_36 : memref<128x16xf32, #tpu.memory_space<vmem_shared>>)
      tpu.yield
    }) : () -> ()
    %add3A_21 = arith.constant 1152 : i32
    %add3A_22 = arith.addi %mul3A_2, %add3A_21 : i32
    "tpu.region"() ({
      %run_scoped3A = tpu.sem_alloc : memref<!tpu.dma_semaphore, #tpu.memory_space<semaphore_mem>>
      %dma_start3A = arith.constant 0 : i32
      %dma_start3A_31 = tpu.memref_slice %arg9[%add3A_22, %dma_start3A] : memref<20608x16xf32, #tpu.memory_space<vmem_shared>> -> memref<128x16xf32, #tpu.memory_space<vmem_shared>>
      %dma_start3A_32 = arith.constant 0 : i32
      %dma_start3A_33 = tpu.memref_slice %arg9[%add3A_22, %dma_start3A_32] : memref<20608x16xf32, #tpu.memory_space<vmem_shared>> -> memref<128x16xf32, #tpu.memory_space<vmem_shared>>
      tpu.enqueue_dma source(%arg8 : memref<128x16xf32, #tpu.memory_space<vmem>>) target(%dma_start3A_33 : memref<128x16xf32, #tpu.memory_space<vmem_shared>>) target_semaphore(%run_scoped3A : memref<!tpu.dma_semaphore, #tpu.memory_space<semaphore_mem>>)
      %dma_wait3A = arith.constant 0 : i32
      %dma_wait3A_34 = tpu.memref_slice %arg9[%add3A_22, %dma_wait3A] : memref<20608x16xf32, #tpu.memory_space<vmem_shared>> -> memref<128x16xf32, #tpu.memory_space<vmem_shared>>
      %dma_wait3A_35 = arith.constant 0 : i32
      %dma_wait3A_36 = tpu.memref_slice %arg9[%add3A_22, %dma_wait3A_35] : memref<20608x16xf32, #tpu.memory_space<vmem_shared>> -> memref<128x16xf32, #tpu.memory_space<vmem_shared>>
      tpu.wait_dma2 semaphore(%run_scoped3A : memref<!tpu.dma_semaphore, #tpu.memory_space<semaphore_mem>>) src(%arg8 : memref<128x16xf32, #tpu.memory_space<vmem>>) dst(%dma_wait3A_36 : memref<128x16xf32, #tpu.memory_space<vmem_shared>>)
      tpu.yield
    }) : () -> ()
    %add3A_23 = arith.constant 1280 : i32
    %add3A_24 = arith.addi %mul3A_2, %add3A_23 : i32
    "tpu.region"() ({
      %run_scoped3A = tpu.sem_alloc : memref<!tpu.dma_semaphore, #tpu.memory_space<semaphore_mem>>
      %dma_start3A = arith.constant 0 : i32
      %dma_start3A_31 = arith.constant 0 : i32
      %dma_start3A_32 = tpu.memref_slice %arg8[%dma_start3A, %dma_start3A_31] : memref<128x16xf32, #tpu.memory_space<vmem>> -> memref<8x16xf32, #tpu.memory_space<vmem>>
      %dma_start3A_33 = arith.constant 0 : i32
      %dma_start3A_34 = tpu.memref_slice %arg9[%add3A_24, %dma_start3A_33] : memref<20608x16xf32, #tpu.memory_space<vmem_shared>> -> memref<8x16xf32, #tpu.memory_space<vmem_shared>>
      %dma_start3A_35 = arith.constant 0 : i32
      %dma_start3A_36 = tpu.memref_slice %arg9[%add3A_24, %dma_start3A_35] : memref<20608x16xf32, #tpu.memory_space<vmem_shared>> -> memref<8x16xf32, #tpu.memory_space<vmem_shared>>
      %dma_start3A_37 = arith.constant 0 : i32
      %dma_start3A_38 = arith.constant 0 : i32
      %dma_start3A_39 = tpu.memref_slice %arg8[%dma_start3A_37, %dma_start3A_38] : memref<128x16xf32, #tpu.memory_space<vmem>> -> memref<8x16xf32, #tpu.memory_space<vmem>>
      tpu.enqueue_dma source(%dma_start3A_39 : memref<8x16xf32, #tpu.memory_space<vmem>>) target(%dma_start3A_36 : memref<8x16xf32, #tpu.memory_space<vmem_shared>>) target_semaphore(%run_scoped3A : memref<!tpu.dma_semaphore, #tpu.memory_space<semaphore_mem>>)
      %dma_wait3A = arith.constant 0 : i32
      %dma_wait3A_40 = arith.constant 0 : i32
      %dma_wait3A_41 = tpu.memref_slice %arg8[%dma_wait3A, %dma_wait3A_40] : memref<128x16xf32, #tpu.memory_space<vmem>> -> memref<8x16xf32, #tpu.memory_space<vmem>>
      %dma_wait3A_42 = arith.constant 0 : i32
      %dma_wait3A_43 = tpu.memref_slice %arg9[%add3A_24, %dma_wait3A_42] : memref<20608x16xf32, #tpu.memory_space<vmem_shared>> -> memref<8x16xf32, #tpu.memory_space<vmem_shared>>
      %dma_wait3A_44 = arith.constant 0 : i32
      %dma_wait3A_45 = tpu.memref_slice %arg9[%add3A_24, %dma_wait3A_44] : memref<20608x16xf32, #tpu.memory_space<vmem_shared>> -> memref<8x16xf32, #tpu.memory_space<vmem_shared>>
      %dma_wait3A_46 = arith.constant 0 : i32
      %dma_wait3A_47 = arith.constant 0 : i32
      %dma_wait3A_48 = tpu.memref_slice %arg8[%dma_wait3A_46, %dma_wait3A_47] : memref<128x16xf32, #tpu.memory_space<vmem>> -> memref<8x16xf32, #tpu.memory_space<vmem>>
      tpu.wait_dma2 semaphore(%run_scoped3A : memref<!tpu.dma_semaphore, #tpu.memory_space<semaphore_mem>>) src(%dma_wait3A_48 : memref<8x16xf32, #tpu.memory_space<vmem>>) dst(%dma_wait3A_45 : memref<8x16xf32, #tpu.memory_space<vmem_shared>>)
      tpu.yield
    }) : () -> ()
    %barrier3A = arith.constant 0 : index
    tpu.barrier barrier_id(%barrier3A)
    %scan3A = arith.constant 0 : i32
    %scan3A_25 = arith.constant 0 : i32
    %scan3A_26 = arith.constant 79 : i32
    %scan3A_27 = arith.addi %scan3A_25, %scan3A_26 : i32
    %scan3A_28 = arith.constant 1 : i32
    scf.for %scan3A_31 = %scan3A_25 to %scan3A_27 step %scan3A_28  : i32 {
      "tpu.region"() ({
        %run_scoped3A = tpu.sem_alloc : memref<!tpu.dma_semaphore, #tpu.memory_space<semaphore_mem>>
        %dma_start3A = arith.constant 0 : i32
        %dma_start3A_32 = tpu.memref_slice %arg6[%scan3A_31, %dma_start3A] : memref<79x128xi32, #tpu.memory_space<vmem>> -> memref<1x128xi32, #tpu.memory_space<vmem>>
        %dma_start3A_33 = tpu.memref_squeeze %dma_start3A_32 : memref<1x128xi32, #tpu.memory_space<vmem>> -> memref<128xi32, #tpu.memory_space<vmem>>
        %dma_start3A_34 = arith.constant 0 : i32
        %dma_start3A_35 = arith.constant 0 : i32
        %dma_start3A_36 = tpu.memref_slice %arg9[%dma_start3A_34, %dma_start3A_35] : memref<20608x16xf32, #tpu.memory_space<vmem_shared>> -> memref<20608x16xf32, #tpu.memory_space<vmem_shared>>
        tpu.enqueue_indirect_dma source(%arg7 : memref<128x16xf32, #tpu.memory_space<vmem>>) target(%dma_start3A_36 : memref<20608x16xf32, #tpu.memory_space<vmem_shared>>) offsets(%dma_start3A_33 : memref<128xi32, #tpu.memory_space<vmem>>) semaphore(%run_scoped3A : memref<!tpu.dma_semaphore, #tpu.memory_space<semaphore_mem>>) {add = true}
        %dma_wait3A = arith.constant 0 : i32
        %dma_wait3A_37 = tpu.memref_slice %arg6[%scan3A_31, %dma_wait3A] : memref<79x128xi32, #tpu.memory_space<vmem>> -> memref<1x128xi32, #tpu.memory_space<vmem>>
        %dma_wait3A_38 = tpu.memref_squeeze %dma_wait3A_37 : memref<1x128xi32, #tpu.memory_space<vmem>> -> memref<128xi32, #tpu.memory_space<vmem>>
        %dma_wait3A_39 = arith.constant 0 : i32
        %dma_wait3A_40 = arith.constant 0 : i32
        %dma_wait3A_41 = tpu.memref_slice %arg9[%dma_wait3A_39, %dma_wait3A_40] : memref<20608x16xf32, #tpu.memory_space<vmem_shared>> -> memref<20608x16xf32, #tpu.memory_space<vmem_shared>>
        tpu.wait_indirect_dma semaphore(%run_scoped3A : memref<!tpu.dma_semaphore, #tpu.memory_space<semaphore_mem>>) src(%arg7 : memref<128x16xf32, #tpu.memory_space<vmem>>) dst(%dma_wait3A_41 : memref<20608x16xf32, #tpu.memory_space<vmem_shared>>)
        tpu.yield
      }) : () -> ()
    }
    %scan3A_29 = arith.constant 79 : i32
    %barrier3A_30 = arith.constant 0 : index
    tpu.barrier barrier_id(%barrier3A_30)
    "tpu.region"() ({
      %run_scoped3A = tpu.sem_alloc : memref<!tpu.dma_semaphore, #tpu.memory_space<semaphore_mem>>
      %dma_start3A = arith.constant 0 : i32
      %dma_start3A_31 = tpu.memref_slice %arg5[%arg0, %mul3A_2, %dma_start3A] : memref<2x20608x16xf32, #tpu.memory_space<hbm>> -> memref<1x1288x16xf32, #tpu.memory_space<hbm>>
      %dma_start3A_32 = tpu.memref_squeeze %dma_start3A_31 : memref<1x1288x16xf32, #tpu.memory_space<hbm>> -> memref<1288x16xf32, #tpu.memory_space<hbm>>
      %dma_start3A_33 = arith.constant 0 : i32
      %dma_start3A_34 = tpu.memref_slice %arg9[%mul3A_2, %dma_start3A_33] : memref<20608x16xf32, #tpu.memory_space<vmem_shared>> -> memref<1288x16xf32, #tpu.memory_space<vmem_shared>>
      tpu.enqueue_dma source(%dma_start3A_34 : memref<1288x16xf32, #tpu.memory_space<vmem_shared>>) target(%dma_start3A_32 : memref<1288x16xf32, #tpu.memory_space<hbm>>) target_semaphore(%run_scoped3A : memref<!tpu.dma_semaphore, #tpu.memory_space<semaphore_mem>>)
      %dma_wait3A = arith.constant 0 : i32
      %dma_wait3A_35 = tpu.memref_slice %arg5[%arg0, %mul3A_2, %dma_wait3A] : memref<2x20608x16xf32, #tpu.memory_space<hbm>> -> memref<1x1288x16xf32, #tpu.memory_space<hbm>>
      %dma_wait3A_36 = tpu.memref_squeeze %dma_wait3A_35 : memref<1x1288x16xf32, #tpu.memory_space<hbm>> -> memref<1288x16xf32, #tpu.memory_space<hbm>>
      %dma_wait3A_37 = arith.constant 0 : i32
      %dma_wait3A_38 = tpu.memref_slice %arg9[%mul3A_2, %dma_wait3A_37] : memref<20608x16xf32, #tpu.memory_space<vmem_shared>> -> memref<1288x16xf32, #tpu.memory_space<vmem_shared>>
      tpu.wait_dma2 semaphore(%run_scoped3A : memref<!tpu.dma_semaphore, #tpu.memory_space<semaphore_mem>>) src(%dma_wait3A_38 : memref<1288x16xf32, #tpu.memory_space<vmem_shared>>) dst(%dma_wait3A_36 : memref<1288x16xf32, #tpu.memory_space<hbm>>)
      tpu.yield
    }) : () -> ()
    return
  }
}

#map = affine_map<(d0, d1) -> (0, 0)>
#map1 = affine_map<(d0, d1) -> (0, 0, 0)>
module attributes {stable_mosaic.version = 14 : i64} {
  func.func @body(%arg0: i32, %arg1: i32, %arg2: memref<10752x64xf32, #tpu.memory_space<hbm>>, %arg3: memref<10752x64xf32, #tpu.memory_space<hbm>>, %arg4: memref<32x89x128xi32, #tpu.memory_space<hbm>>, %arg5: memref<32x89x128xi32, #tpu.memory_space<hbm>>, %arg6: memref<128x64xf32, #tpu.memory_space<hbm>>, %arg7: memref<2x20480x64xf32, #tpu.memory_space<hbm>>, %arg8: memref<2x20480x64xf32, #tpu.memory_space<hbm>>, %arg9: memref<89x128xi32, #tpu.memory_space<vmem>>, %arg10: memref<89x128xi32, #tpu.memory_space<vmem>>, %arg11: memref<128x64xf32, #tpu.memory_space<vmem>>, %arg12: memref<128x64xf32, #tpu.memory_space<vmem>>, %arg13: memref<128x64xf32, #tpu.memory_space<vmem>>, %arg14: memref<20480x64xf32, #tpu.memory_space<vmem_shared>>, %arg15: memref<!tpu.dma_semaphore, #tpu.memory_space<semaphore_mem>>, %arg16: memref<!tpu.dma_semaphore, #tpu.memory_space<semaphore_mem>>) attributes {dimension_semantics = [#tpu.dimension_semantics<core_parallel>, #tpu.dimension_semantics<subcore_parallel>], iteration_bounds = array<i64: 2, 16>, scalar_prefetch = 0 : i64, scratch_operands = 8 : i64, tpu.core_type = #tpu.core_type<sc_vector_subcore>, window_params = [{transform_indices = #map}, {transform_indices = #map}, {transform_indices = #map1}, {transform_indices = #map1}, {transform_indices = #map}, {transform_indices = #map1}, {transform_indices = #map1}]} {
    %mul3A = arith.constant 16 : i32
    %mul3A_0 = arith.muli %arg0, %mul3A : i32
    %add3A = arith.addi %mul3A_0, %arg1 : i32
    %eq3A = arith.constant 0 : i32
    %eq3A_1 = arith.cmpi eq, %arg0, %eq3A : i32
    %jit3A = arith.constant 89 : i32
    %jit3A_2 = arith.constant 69 : i32
    %select_n3A = arith.select %eq3A_1, %jit3A, %jit3A_2 : i32
    %mul3A_3 = arith.constant 1280 : i32
    %mul3A_4 = arith.muli %arg1, %mul3A_3 : i32
    "tpu.region"() ({
      %run_scoped3A = tpu.sem_alloc : memref<!tpu.dma_semaphore, #tpu.memory_space<semaphore_mem>>
      %dma_start3A_144 = arith.constant 0 : i32
      %dma_start3A_145 = arith.constant 0 : i32
      %dma_start3A_146 = tpu.memref_slice %arg4[%add3A, %dma_start3A_144, %dma_start3A_145] : memref<32x89x128xi32, #tpu.memory_space<hbm>> -> memref<1x89x128xi32, #tpu.memory_space<hbm>>
      %dma_start3A_147 = tpu.memref_squeeze %dma_start3A_146 : memref<1x89x128xi32, #tpu.memory_space<hbm>> -> memref<89x128xi32, #tpu.memory_space<hbm>>
      %dma_start3A_148 = arith.constant 0 : i32
      %dma_start3A_149 = arith.constant 0 : i32
      %dma_start3A_150 = tpu.memref_slice %arg4[%add3A, %dma_start3A_148, %dma_start3A_149] : memref<32x89x128xi32, #tpu.memory_space<hbm>> -> memref<1x89x128xi32, #tpu.memory_space<hbm>>
      %dma_start3A_151 = tpu.memref_squeeze %dma_start3A_150 : memref<1x89x128xi32, #tpu.memory_space<hbm>> -> memref<89x128xi32, #tpu.memory_space<hbm>>
      tpu.enqueue_dma source(%dma_start3A_151 : memref<89x128xi32, #tpu.memory_space<hbm>>) target(%arg9 : memref<89x128xi32, #tpu.memory_space<vmem>>) target_semaphore(%run_scoped3A : memref<!tpu.dma_semaphore, #tpu.memory_space<semaphore_mem>>)
      %dma_wait3A_152 = arith.constant 0 : i32
      %dma_wait3A_153 = arith.constant 0 : i32
      %dma_wait3A_154 = tpu.memref_slice %arg4[%add3A, %dma_wait3A_152, %dma_wait3A_153] : memref<32x89x128xi32, #tpu.memory_space<hbm>> -> memref<1x89x128xi32, #tpu.memory_space<hbm>>
      %dma_wait3A_155 = tpu.memref_squeeze %dma_wait3A_154 : memref<1x89x128xi32, #tpu.memory_space<hbm>> -> memref<89x128xi32, #tpu.memory_space<hbm>>
      %dma_wait3A_156 = arith.constant 0 : i32
      %dma_wait3A_157 = arith.constant 0 : i32
      %dma_wait3A_158 = tpu.memref_slice %arg4[%add3A, %dma_wait3A_156, %dma_wait3A_157] : memref<32x89x128xi32, #tpu.memory_space<hbm>> -> memref<1x89x128xi32, #tpu.memory_space<hbm>>
      %dma_wait3A_159 = tpu.memref_squeeze %dma_wait3A_158 : memref<1x89x128xi32, #tpu.memory_space<hbm>> -> memref<89x128xi32, #tpu.memory_space<hbm>>
      tpu.wait_dma2 semaphore(%run_scoped3A : memref<!tpu.dma_semaphore, #tpu.memory_space<semaphore_mem>>) src(%dma_wait3A_159 : memref<89x128xi32, #tpu.memory_space<hbm>>) dst(%arg9 : memref<89x128xi32, #tpu.memory_space<vmem>>)
      tpu.yield
    }) : () -> ()
    "tpu.region"() ({
      %run_scoped3A = tpu.sem_alloc : memref<!tpu.dma_semaphore, #tpu.memory_space<semaphore_mem>>
      %dma_start3A_144 = arith.constant 0 : i32
      %dma_start3A_145 = arith.constant 0 : i32
      %dma_start3A_146 = tpu.memref_slice %arg5[%add3A, %dma_start3A_144, %dma_start3A_145] : memref<32x89x128xi32, #tpu.memory_space<hbm>> -> memref<1x89x128xi32, #tpu.memory_space<hbm>>
      %dma_start3A_147 = tpu.memref_squeeze %dma_start3A_146 : memref<1x89x128xi32, #tpu.memory_space<hbm>> -> memref<89x128xi32, #tpu.memory_space<hbm>>
      %dma_start3A_148 = arith.constant 0 : i32
      %dma_start3A_149 = arith.constant 0 : i32
      %dma_start3A_150 = tpu.memref_slice %arg5[%add3A, %dma_start3A_148, %dma_start3A_149] : memref<32x89x128xi32, #tpu.memory_space<hbm>> -> memref<1x89x128xi32, #tpu.memory_space<hbm>>
      %dma_start3A_151 = tpu.memref_squeeze %dma_start3A_150 : memref<1x89x128xi32, #tpu.memory_space<hbm>> -> memref<89x128xi32, #tpu.memory_space<hbm>>
      tpu.enqueue_dma source(%dma_start3A_151 : memref<89x128xi32, #tpu.memory_space<hbm>>) target(%arg10 : memref<89x128xi32, #tpu.memory_space<vmem>>) target_semaphore(%run_scoped3A : memref<!tpu.dma_semaphore, #tpu.memory_space<semaphore_mem>>)
      %dma_wait3A_152 = arith.constant 0 : i32
      %dma_wait3A_153 = arith.constant 0 : i32
      %dma_wait3A_154 = tpu.memref_slice %arg5[%add3A, %dma_wait3A_152, %dma_wait3A_153] : memref<32x89x128xi32, #tpu.memory_space<hbm>> -> memref<1x89x128xi32, #tpu.memory_space<hbm>>
      %dma_wait3A_155 = tpu.memref_squeeze %dma_wait3A_154 : memref<1x89x128xi32, #tpu.memory_space<hbm>> -> memref<89x128xi32, #tpu.memory_space<hbm>>
      %dma_wait3A_156 = arith.constant 0 : i32
      %dma_wait3A_157 = arith.constant 0 : i32
      %dma_wait3A_158 = tpu.memref_slice %arg5[%add3A, %dma_wait3A_156, %dma_wait3A_157] : memref<32x89x128xi32, #tpu.memory_space<hbm>> -> memref<1x89x128xi32, #tpu.memory_space<hbm>>
      %dma_wait3A_159 = tpu.memref_squeeze %dma_wait3A_158 : memref<1x89x128xi32, #tpu.memory_space<hbm>> -> memref<89x128xi32, #tpu.memory_space<hbm>>
      tpu.wait_dma2 semaphore(%run_scoped3A : memref<!tpu.dma_semaphore, #tpu.memory_space<semaphore_mem>>) src(%dma_wait3A_159 : memref<89x128xi32, #tpu.memory_space<hbm>>) dst(%arg10 : memref<89x128xi32, #tpu.memory_space<vmem>>)
      tpu.yield
    }) : () -> ()
    "tpu.region"() ({
      %run_scoped3A = tpu.sem_alloc : memref<!tpu.dma_semaphore, #tpu.memory_space<semaphore_mem>>
      tpu.enqueue_dma source(%arg6 : memref<128x64xf32, #tpu.memory_space<hbm>>) target(%arg13 : memref<128x64xf32, #tpu.memory_space<vmem>>) target_semaphore(%run_scoped3A : memref<!tpu.dma_semaphore, #tpu.memory_space<semaphore_mem>>)
      tpu.wait_dma2 semaphore(%run_scoped3A : memref<!tpu.dma_semaphore, #tpu.memory_space<semaphore_mem>>) src(%arg6 : memref<128x64xf32, #tpu.memory_space<hbm>>) dst(%arg13 : memref<128x64xf32, #tpu.memory_space<vmem>>)
      tpu.yield
    }) : () -> ()
    %add3A_5 = arith.constant 0 : i32
    %add3A_6 = arith.addi %mul3A_4, %add3A_5 : i32
    "tpu.region"() ({
      %run_scoped3A = tpu.sem_alloc : memref<!tpu.dma_semaphore, #tpu.memory_space<semaphore_mem>>
      %dma_start3A_144 = arith.constant 0 : i32
      %dma_start3A_145 = tpu.memref_slice %arg14[%add3A_6, %dma_start3A_144] : memref<20480x64xf32, #tpu.memory_space<vmem_shared>> -> memref<128x64xf32, #tpu.memory_space<vmem_shared>>
      %dma_start3A_146 = arith.constant 0 : i32
      %dma_start3A_147 = tpu.memref_slice %arg14[%add3A_6, %dma_start3A_146] : memref<20480x64xf32, #tpu.memory_space<vmem_shared>> -> memref<128x64xf32, #tpu.memory_space<vmem_shared>>
      tpu.enqueue_dma source(%arg13 : memref<128x64xf32, #tpu.memory_space<vmem>>) target(%dma_start3A_147 : memref<128x64xf32, #tpu.memory_space<vmem_shared>>) target_semaphore(%run_scoped3A : memref<!tpu.dma_semaphore, #tpu.memory_space<semaphore_mem>>)
      %dma_wait3A_148 = arith.constant 0 : i32
      %dma_wait3A_149 = tpu.memref_slice %arg14[%add3A_6, %dma_wait3A_148] : memref<20480x64xf32, #tpu.memory_space<vmem_shared>> -> memref<128x64xf32, #tpu.memory_space<vmem_shared>>
      %dma_wait3A_150 = arith.constant 0 : i32
      %dma_wait3A_151 = tpu.memref_slice %arg14[%add3A_6, %dma_wait3A_150] : memref<20480x64xf32, #tpu.memory_space<vmem_shared>> -> memref<128x64xf32, #tpu.memory_space<vmem_shared>>
      tpu.wait_dma2 semaphore(%run_scoped3A : memref<!tpu.dma_semaphore, #tpu.memory_space<semaphore_mem>>) src(%arg13 : memref<128x64xf32, #tpu.memory_space<vmem>>) dst(%dma_wait3A_151 : memref<128x64xf32, #tpu.memory_space<vmem_shared>>)
      tpu.yield
    }) : () -> ()
    %add3A_7 = arith.constant 128 : i32
    %add3A_8 = arith.addi %mul3A_4, %add3A_7 : i32
    "tpu.region"() ({
      %run_scoped3A = tpu.sem_alloc : memref<!tpu.dma_semaphore, #tpu.memory_space<semaphore_mem>>
      %dma_start3A_144 = arith.constant 0 : i32
      %dma_start3A_145 = tpu.memref_slice %arg14[%add3A_8, %dma_start3A_144] : memref<20480x64xf32, #tpu.memory_space<vmem_shared>> -> memref<128x64xf32, #tpu.memory_space<vmem_shared>>
      %dma_start3A_146 = arith.constant 0 : i32
      %dma_start3A_147 = tpu.memref_slice %arg14[%add3A_8, %dma_start3A_146] : memref<20480x64xf32, #tpu.memory_space<vmem_shared>> -> memref<128x64xf32, #tpu.memory_space<vmem_shared>>
      tpu.enqueue_dma source(%arg13 : memref<128x64xf32, #tpu.memory_space<vmem>>) target(%dma_start3A_147 : memref<128x64xf32, #tpu.memory_space<vmem_shared>>) target_semaphore(%run_scoped3A : memref<!tpu.dma_semaphore, #tpu.memory_space<semaphore_mem>>)
      %dma_wait3A_148 = arith.constant 0 : i32
      %dma_wait3A_149 = tpu.memref_slice %arg14[%add3A_8, %dma_wait3A_148] : memref<20480x64xf32, #tpu.memory_space<vmem_shared>> -> memref<128x64xf32, #tpu.memory_space<vmem_shared>>
      %dma_wait3A_150 = arith.constant 0 : i32
      %dma_wait3A_151 = tpu.memref_slice %arg14[%add3A_8, %dma_wait3A_150] : memref<20480x64xf32, #tpu.memory_space<vmem_shared>> -> memref<128x64xf32, #tpu.memory_space<vmem_shared>>
      tpu.wait_dma2 semaphore(%run_scoped3A : memref<!tpu.dma_semaphore, #tpu.memory_space<semaphore_mem>>) src(%arg13 : memref<128x64xf32, #tpu.memory_space<vmem>>) dst(%dma_wait3A_151 : memref<128x64xf32, #tpu.memory_space<vmem_shared>>)
      tpu.yield
    }) : () -> ()
    %add3A_9 = arith.constant 256 : i32
    %add3A_10 = arith.addi %mul3A_4, %add3A_9 : i32
    "tpu.region"() ({
      %run_scoped3A = tpu.sem_alloc : memref<!tpu.dma_semaphore, #tpu.memory_space<semaphore_mem>>
      %dma_start3A_144 = arith.constant 0 : i32
      %dma_start3A_145 = tpu.memref_slice %arg14[%add3A_10, %dma_start3A_144] : memref<20480x64xf32, #tpu.memory_space<vmem_shared>> -> memref<128x64xf32, #tpu.memory_space<vmem_shared>>
      %dma_start3A_146 = arith.constant 0 : i32
      %dma_start3A_147 = tpu.memref_slice %arg14[%add3A_10, %dma_start3A_146] : memref<20480x64xf32, #tpu.memory_space<vmem_shared>> -> memref<128x64xf32, #tpu.memory_space<vmem_shared>>
      tpu.enqueue_dma source(%arg13 : memref<128x64xf32, #tpu.memory_space<vmem>>) target(%dma_start3A_147 : memref<128x64xf32, #tpu.memory_space<vmem_shared>>) target_semaphore(%run_scoped3A : memref<!tpu.dma_semaphore, #tpu.memory_space<semaphore_mem>>)
      %dma_wait3A_148 = arith.constant 0 : i32
      %dma_wait3A_149 = tpu.memref_slice %arg14[%add3A_10, %dma_wait3A_148] : memref<20480x64xf32, #tpu.memory_space<vmem_shared>> -> memref<128x64xf32, #tpu.memory_space<vmem_shared>>
      %dma_wait3A_150 = arith.constant 0 : i32
      %dma_wait3A_151 = tpu.memref_slice %arg14[%add3A_10, %dma_wait3A_150] : memref<20480x64xf32, #tpu.memory_space<vmem_shared>> -> memref<128x64xf32, #tpu.memory_space<vmem_shared>>
      tpu.wait_dma2 semaphore(%run_scoped3A : memref<!tpu.dma_semaphore, #tpu.memory_space<semaphore_mem>>) src(%arg13 : memref<128x64xf32, #tpu.memory_space<vmem>>) dst(%dma_wait3A_151 : memref<128x64xf32, #tpu.memory_space<vmem_shared>>)
      tpu.yield
    }) : () -> ()
    %add3A_11 = arith.constant 384 : i32
    %add3A_12 = arith.addi %mul3A_4, %add3A_11 : i32
    "tpu.region"() ({
      %run_scoped3A = tpu.sem_alloc : memref<!tpu.dma_semaphore, #tpu.memory_space<semaphore_mem>>
      %dma_start3A_144 = arith.constant 0 : i32
      %dma_start3A_145 = tpu.memref_slice %arg14[%add3A_12, %dma_start3A_144] : memref<20480x64xf32, #tpu.memory_space<vmem_shared>> -> memref<128x64xf32, #tpu.memory_space<vmem_shared>>
      %dma_start3A_146 = arith.constant 0 : i32
      %dma_start3A_147 = tpu.memref_slice %arg14[%add3A_12, %dma_start3A_146] : memref<20480x64xf32, #tpu.memory_space<vmem_shared>> -> memref<128x64xf32, #tpu.memory_space<vmem_shared>>
      tpu.enqueue_dma source(%arg13 : memref<128x64xf32, #tpu.memory_space<vmem>>) target(%dma_start3A_147 : memref<128x64xf32, #tpu.memory_space<vmem_shared>>) target_semaphore(%run_scoped3A : memref<!tpu.dma_semaphore, #tpu.memory_space<semaphore_mem>>)
      %dma_wait3A_148 = arith.constant 0 : i32
      %dma_wait3A_149 = tpu.memref_slice %arg14[%add3A_12, %dma_wait3A_148] : memref<20480x64xf32, #tpu.memory_space<vmem_shared>> -> memref<128x64xf32, #tpu.memory_space<vmem_shared>>
      %dma_wait3A_150 = arith.constant 0 : i32
      %dma_wait3A_151 = tpu.memref_slice %arg14[%add3A_12, %dma_wait3A_150] : memref<20480x64xf32, #tpu.memory_space<vmem_shared>> -> memref<128x64xf32, #tpu.memory_space<vmem_shared>>
      tpu.wait_dma2 semaphore(%run_scoped3A : memref<!tpu.dma_semaphore, #tpu.memory_space<semaphore_mem>>) src(%arg13 : memref<128x64xf32, #tpu.memory_space<vmem>>) dst(%dma_wait3A_151 : memref<128x64xf32, #tpu.memory_space<vmem_shared>>)
      tpu.yield
    }) : () -> ()
    %add3A_13 = arith.constant 512 : i32
    %add3A_14 = arith.addi %mul3A_4, %add3A_13 : i32
    "tpu.region"() ({
      %run_scoped3A = tpu.sem_alloc : memref<!tpu.dma_semaphore, #tpu.memory_space<semaphore_mem>>
      %dma_start3A_144 = arith.constant 0 : i32
      %dma_start3A_145 = tpu.memref_slice %arg14[%add3A_14, %dma_start3A_144] : memref<20480x64xf32, #tpu.memory_space<vmem_shared>> -> memref<128x64xf32, #tpu.memory_space<vmem_shared>>
      %dma_start3A_146 = arith.constant 0 : i32
      %dma_start3A_147 = tpu.memref_slice %arg14[%add3A_14, %dma_start3A_146] : memref<20480x64xf32, #tpu.memory_space<vmem_shared>> -> memref<128x64xf32, #tpu.memory_space<vmem_shared>>
      tpu.enqueue_dma source(%arg13 : memref<128x64xf32, #tpu.memory_space<vmem>>) target(%dma_start3A_147 : memref<128x64xf32, #tpu.memory_space<vmem_shared>>) target_semaphore(%run_scoped3A : memref<!tpu.dma_semaphore, #tpu.memory_space<semaphore_mem>>)
      %dma_wait3A_148 = arith.constant 0 : i32
      %dma_wait3A_149 = tpu.memref_slice %arg14[%add3A_14, %dma_wait3A_148] : memref<20480x64xf32, #tpu.memory_space<vmem_shared>> -> memref<128x64xf32, #tpu.memory_space<vmem_shared>>
      %dma_wait3A_150 = arith.constant 0 : i32
      %dma_wait3A_151 = tpu.memref_slice %arg14[%add3A_14, %dma_wait3A_150] : memref<20480x64xf32, #tpu.memory_space<vmem_shared>> -> memref<128x64xf32, #tpu.memory_space<vmem_shared>>
      tpu.wait_dma2 semaphore(%run_scoped3A : memref<!tpu.dma_semaphore, #tpu.memory_space<semaphore_mem>>) src(%arg13 : memref<128x64xf32, #tpu.memory_space<vmem>>) dst(%dma_wait3A_151 : memref<128x64xf32, #tpu.memory_space<vmem_shared>>)
      tpu.yield
    }) : () -> ()
    %add3A_15 = arith.constant 640 : i32
    %add3A_16 = arith.addi %mul3A_4, %add3A_15 : i32
    "tpu.region"() ({
      %run_scoped3A = tpu.sem_alloc : memref<!tpu.dma_semaphore, #tpu.memory_space<semaphore_mem>>
      %dma_start3A_144 = arith.constant 0 : i32
      %dma_start3A_145 = tpu.memref_slice %arg14[%add3A_16, %dma_start3A_144] : memref<20480x64xf32, #tpu.memory_space<vmem_shared>> -> memref<128x64xf32, #tpu.memory_space<vmem_shared>>
      %dma_start3A_146 = arith.constant 0 : i32
      %dma_start3A_147 = tpu.memref_slice %arg14[%add3A_16, %dma_start3A_146] : memref<20480x64xf32, #tpu.memory_space<vmem_shared>> -> memref<128x64xf32, #tpu.memory_space<vmem_shared>>
      tpu.enqueue_dma source(%arg13 : memref<128x64xf32, #tpu.memory_space<vmem>>) target(%dma_start3A_147 : memref<128x64xf32, #tpu.memory_space<vmem_shared>>) target_semaphore(%run_scoped3A : memref<!tpu.dma_semaphore, #tpu.memory_space<semaphore_mem>>)
      %dma_wait3A_148 = arith.constant 0 : i32
      %dma_wait3A_149 = tpu.memref_slice %arg14[%add3A_16, %dma_wait3A_148] : memref<20480x64xf32, #tpu.memory_space<vmem_shared>> -> memref<128x64xf32, #tpu.memory_space<vmem_shared>>
      %dma_wait3A_150 = arith.constant 0 : i32
      %dma_wait3A_151 = tpu.memref_slice %arg14[%add3A_16, %dma_wait3A_150] : memref<20480x64xf32, #tpu.memory_space<vmem_shared>> -> memref<128x64xf32, #tpu.memory_space<vmem_shared>>
      tpu.wait_dma2 semaphore(%run_scoped3A : memref<!tpu.dma_semaphore, #tpu.memory_space<semaphore_mem>>) src(%arg13 : memref<128x64xf32, #tpu.memory_space<vmem>>) dst(%dma_wait3A_151 : memref<128x64xf32, #tpu.memory_space<vmem_shared>>)
      tpu.yield
    }) : () -> ()
    %add3A_17 = arith.constant 768 : i32
    %add3A_18 = arith.addi %mul3A_4, %add3A_17 : i32
    "tpu.region"() ({
      %run_scoped3A = tpu.sem_alloc : memref<!tpu.dma_semaphore, #tpu.memory_space<semaphore_mem>>
      %dma_start3A_144 = arith.constant 0 : i32
      %dma_start3A_145 = tpu.memref_slice %arg14[%add3A_18, %dma_start3A_144] : memref<20480x64xf32, #tpu.memory_space<vmem_shared>> -> memref<128x64xf32, #tpu.memory_space<vmem_shared>>
      %dma_start3A_146 = arith.constant 0 : i32
      %dma_start3A_147 = tpu.memref_slice %arg14[%add3A_18, %dma_start3A_146] : memref<20480x64xf32, #tpu.memory_space<vmem_shared>> -> memref<128x64xf32, #tpu.memory_space<vmem_shared>>
      tpu.enqueue_dma source(%arg13 : memref<128x64xf32, #tpu.memory_space<vmem>>) target(%dma_start3A_147 : memref<128x64xf32, #tpu.memory_space<vmem_shared>>) target_semaphore(%run_scoped3A : memref<!tpu.dma_semaphore, #tpu.memory_space<semaphore_mem>>)
      %dma_wait3A_148 = arith.constant 0 : i32
      %dma_wait3A_149 = tpu.memref_slice %arg14[%add3A_18, %dma_wait3A_148] : memref<20480x64xf32, #tpu.memory_space<vmem_shared>> -> memref<128x64xf32, #tpu.memory_space<vmem_shared>>
      %dma_wait3A_150 = arith.constant 0 : i32
      %dma_wait3A_151 = tpu.memref_slice %arg14[%add3A_18, %dma_wait3A_150] : memref<20480x64xf32, #tpu.memory_space<vmem_shared>> -> memref<128x64xf32, #tpu.memory_space<vmem_shared>>
      tpu.wait_dma2 semaphore(%run_scoped3A : memref<!tpu.dma_semaphore, #tpu.memory_space<semaphore_mem>>) src(%arg13 : memref<128x64xf32, #tpu.memory_space<vmem>>) dst(%dma_wait3A_151 : memref<128x64xf32, #tpu.memory_space<vmem_shared>>)
      tpu.yield
    }) : () -> ()
    %add3A_19 = arith.constant 896 : i32
    %add3A_20 = arith.addi %mul3A_4, %add3A_19 : i32
    "tpu.region"() ({
      %run_scoped3A = tpu.sem_alloc : memref<!tpu.dma_semaphore, #tpu.memory_space<semaphore_mem>>
      %dma_start3A_144 = arith.constant 0 : i32
      %dma_start3A_145 = tpu.memref_slice %arg14[%add3A_20, %dma_start3A_144] : memref<20480x64xf32, #tpu.memory_space<vmem_shared>> -> memref<128x64xf32, #tpu.memory_space<vmem_shared>>
      %dma_start3A_146 = arith.constant 0 : i32
      %dma_start3A_147 = tpu.memref_slice %arg14[%add3A_20, %dma_start3A_146] : memref<20480x64xf32, #tpu.memory_space<vmem_shared>> -> memref<128x64xf32, #tpu.memory_space<vmem_shared>>
      tpu.enqueue_dma source(%arg13 : memref<128x64xf32, #tpu.memory_space<vmem>>) target(%dma_start3A_147 : memref<128x64xf32, #tpu.memory_space<vmem_shared>>) target_semaphore(%run_scoped3A : memref<!tpu.dma_semaphore, #tpu.memory_space<semaphore_mem>>)
      %dma_wait3A_148 = arith.constant 0 : i32
      %dma_wait3A_149 = tpu.memref_slice %arg14[%add3A_20, %dma_wait3A_148] : memref<20480x64xf32, #tpu.memory_space<vmem_shared>> -> memref<128x64xf32, #tpu.memory_space<vmem_shared>>
      %dma_wait3A_150 = arith.constant 0 : i32
      %dma_wait3A_151 = tpu.memref_slice %arg14[%add3A_20, %dma_wait3A_150] : memref<20480x64xf32, #tpu.memory_space<vmem_shared>> -> memref<128x64xf32, #tpu.memory_space<vmem_shared>>
      tpu.wait_dma2 semaphore(%run_scoped3A : memref<!tpu.dma_semaphore, #tpu.memory_space<semaphore_mem>>) src(%arg13 : memref<128x64xf32, #tpu.memory_space<vmem>>) dst(%dma_wait3A_151 : memref<128x64xf32, #tpu.memory_space<vmem_shared>>)
      tpu.yield
    }) : () -> ()
    %add3A_21 = arith.constant 1024 : i32
    %add3A_22 = arith.addi %mul3A_4, %add3A_21 : i32
    "tpu.region"() ({
      %run_scoped3A = tpu.sem_alloc : memref<!tpu.dma_semaphore, #tpu.memory_space<semaphore_mem>>
      %dma_start3A_144 = arith.constant 0 : i32
      %dma_start3A_145 = tpu.memref_slice %arg14[%add3A_22, %dma_start3A_144] : memref<20480x64xf32, #tpu.memory_space<vmem_shared>> -> memref<128x64xf32, #tpu.memory_space<vmem_shared>>
      %dma_start3A_146 = arith.constant 0 : i32
      %dma_start3A_147 = tpu.memref_slice %arg14[%add3A_22, %dma_start3A_146] : memref<20480x64xf32, #tpu.memory_space<vmem_shared>> -> memref<128x64xf32, #tpu.memory_space<vmem_shared>>
      tpu.enqueue_dma source(%arg13 : memref<128x64xf32, #tpu.memory_space<vmem>>) target(%dma_start3A_147 : memref<128x64xf32, #tpu.memory_space<vmem_shared>>) target_semaphore(%run_scoped3A : memref<!tpu.dma_semaphore, #tpu.memory_space<semaphore_mem>>)
      %dma_wait3A_148 = arith.constant 0 : i32
      %dma_wait3A_149 = tpu.memref_slice %arg14[%add3A_22, %dma_wait3A_148] : memref<20480x64xf32, #tpu.memory_space<vmem_shared>> -> memref<128x64xf32, #tpu.memory_space<vmem_shared>>
      %dma_wait3A_150 = arith.constant 0 : i32
      %dma_wait3A_151 = tpu.memref_slice %arg14[%add3A_22, %dma_wait3A_150] : memref<20480x64xf32, #tpu.memory_space<vmem_shared>> -> memref<128x64xf32, #tpu.memory_space<vmem_shared>>
      tpu.wait_dma2 semaphore(%run_scoped3A : memref<!tpu.dma_semaphore, #tpu.memory_space<semaphore_mem>>) src(%arg13 : memref<128x64xf32, #tpu.memory_space<vmem>>) dst(%dma_wait3A_151 : memref<128x64xf32, #tpu.memory_space<vmem_shared>>)
      tpu.yield
    }) : () -> ()
    %add3A_23 = arith.constant 1152 : i32
    %add3A_24 = arith.addi %mul3A_4, %add3A_23 : i32
    "tpu.region"() ({
      %run_scoped3A = tpu.sem_alloc : memref<!tpu.dma_semaphore, #tpu.memory_space<semaphore_mem>>
      %dma_start3A_144 = arith.constant 0 : i32
      %dma_start3A_145 = tpu.memref_slice %arg14[%add3A_24, %dma_start3A_144] : memref<20480x64xf32, #tpu.memory_space<vmem_shared>> -> memref<128x64xf32, #tpu.memory_space<vmem_shared>>
      %dma_start3A_146 = arith.constant 0 : i32
      %dma_start3A_147 = tpu.memref_slice %arg14[%add3A_24, %dma_start3A_146] : memref<20480x64xf32, #tpu.memory_space<vmem_shared>> -> memref<128x64xf32, #tpu.memory_space<vmem_shared>>
      tpu.enqueue_dma source(%arg13 : memref<128x64xf32, #tpu.memory_space<vmem>>) target(%dma_start3A_147 : memref<128x64xf32, #tpu.memory_space<vmem_shared>>) target_semaphore(%run_scoped3A : memref<!tpu.dma_semaphore, #tpu.memory_space<semaphore_mem>>)
      %dma_wait3A_148 = arith.constant 0 : i32
      %dma_wait3A_149 = tpu.memref_slice %arg14[%add3A_24, %dma_wait3A_148] : memref<20480x64xf32, #tpu.memory_space<vmem_shared>> -> memref<128x64xf32, #tpu.memory_space<vmem_shared>>
      %dma_wait3A_150 = arith.constant 0 : i32
      %dma_wait3A_151 = tpu.memref_slice %arg14[%add3A_24, %dma_wait3A_150] : memref<20480x64xf32, #tpu.memory_space<vmem_shared>> -> memref<128x64xf32, #tpu.memory_space<vmem_shared>>
      tpu.wait_dma2 semaphore(%run_scoped3A : memref<!tpu.dma_semaphore, #tpu.memory_space<semaphore_mem>>) src(%arg13 : memref<128x64xf32, #tpu.memory_space<vmem>>) dst(%dma_wait3A_151 : memref<128x64xf32, #tpu.memory_space<vmem_shared>>)
      tpu.yield
    }) : () -> ()
    %barrier3A = arith.constant 0 : index
    tpu.barrier barrier_id(%barrier3A)
    %dma_start3A = arith.constant 0 : i32
    %dma_start3A_25 = arith.constant 0 : i32
    %dma_start3A_26 = tpu.memref_slice %arg9[%dma_start3A, %dma_start3A_25] : memref<89x128xi32, #tpu.memory_space<vmem>> -> memref<1x128xi32, #tpu.memory_space<vmem>>
    %dma_start3A_27 = tpu.memref_squeeze %dma_start3A_26 : memref<1x128xi32, #tpu.memory_space<vmem>> -> memref<128xi32, #tpu.memory_space<vmem>>
    %dma_start3A_28 = arith.constant 0 : i32
    %dma_start3A_29 = arith.constant 0 : i32
    %dma_start3A_30 = tpu.memref_slice %arg2[%dma_start3A_28, %dma_start3A_29] : memref<10752x64xf32, #tpu.memory_space<hbm>> -> memref<10752x64xf32, #tpu.memory_space<hbm>>
    tpu.enqueue_indirect_dma source(%dma_start3A_30 : memref<10752x64xf32, #tpu.memory_space<hbm>>) target(%arg11 : memref<128x64xf32, #tpu.memory_space<vmem>>) offsets(%dma_start3A_27 : memref<128xi32, #tpu.memory_space<vmem>>) semaphore(%arg15 : memref<!tpu.dma_semaphore, #tpu.memory_space<semaphore_mem>>)
    %sub3A = arith.constant 1 : i32
    %sub3A_31 = arith.subi %select_n3A, %sub3A : i32
    %jit3A_32 = arith.constant 2 : i32
    %div3A = arith.divsi %sub3A_31, %jit3A_32 : i32
    %sign3A = arith.constant 0 : i32
    %sign3A_33 = arith.cmpi sgt, %sub3A_31, %sign3A : i32
    %sign3A_34 = arith.extui %sign3A_33 : i1 to i32
    %sign3A_35 = arith.constant 0 : i32
    %sign3A_36 = arith.cmpi slt, %sub3A_31, %sign3A_35 : i32
    %sign3A_37 = arith.extui %sign3A_36 : i1 to i32
    %sign3A_38 = arith.subi %sign3A_34, %sign3A_37 : i32
    %sign3A_39 = arith.constant 0 : i32
    %sign3A_40 = arith.cmpi sgt, %jit3A_32, %sign3A_39 : i32
    %sign3A_41 = arith.extui %sign3A_40 : i1 to i32
    %sign3A_42 = arith.constant 0 : i32
    %sign3A_43 = arith.cmpi slt, %jit3A_32, %sign3A_42 : i32
    %sign3A_44 = arith.extui %sign3A_43 : i1 to i32
    %sign3A_45 = arith.subi %sign3A_41, %sign3A_44 : i32
    %ne3A = arith.cmpi ne, %sign3A_38, %sign3A_45 : i32
    %rem3A = arith.remsi %sub3A_31, %jit3A_32 : i32
    %ne3A_46 = arith.constant 0 : i32
    %ne3A_47 = arith.cmpi ne, %rem3A, %ne3A_46 : i32
    %and3A = arith.andi %ne3A, %ne3A_47 : i1
    %sub3A_48 = arith.constant 1 : i32
    %sub3A_49 = arith.subi %div3A, %sub3A_48 : i32
    %select_n3A_50 = arith.select %and3A, %sub3A_49, %div3A : i32
    %while3A = arith.constant 0 : i32
    %while3A_51 = arith.constant 0 : i32
    %while3A_52 = arith.subi %select_n3A_50, %while3A_51 : i32
    %while3A_53 = arith.addi %while3A_51, %while3A_52 : i32
    %while3A_54 = arith.constant 1 : i32
    %while3A_55 = arith.divsi %while3A_52, %while3A_54 : i32
    %while3A_56 = arith.muli %while3A_55, %while3A_54 : i32
    %while3A_57 = arith.addi %while3A_51, %while3A_56 : i32
    %while3A_58 = arith.constant 1 : i32
    scf.for %while3A_144 = %while3A_51 to %while3A_57 step %while3A_58  : i32 {
      %mul3A_145 = arith.constant 2 : i32
      %mul3A_146 = arith.muli %mul3A_145, %while3A_144 : i32
      %add3A_147 = arith.constant 1 : i32
      %add3A_148 = arith.addi %mul3A_146, %add3A_147 : i32
      %dma_start3A_149 = arith.constant 0 : i32
      %dma_start3A_150 = tpu.memref_slice %arg9[%add3A_148, %dma_start3A_149] : memref<89x128xi32, #tpu.memory_space<vmem>> -> memref<1x128xi32, #tpu.memory_space<vmem>>
      %dma_start3A_151 = tpu.memref_squeeze %dma_start3A_150 : memref<1x128xi32, #tpu.memory_space<vmem>> -> memref<128xi32, #tpu.memory_space<vmem>>
      %dma_start3A_152 = arith.constant 0 : i32
      %dma_start3A_153 = arith.constant 0 : i32
      %dma_start3A_154 = tpu.memref_slice %arg2[%dma_start3A_152, %dma_start3A_153] : memref<10752x64xf32, #tpu.memory_space<hbm>> -> memref<10752x64xf32, #tpu.memory_space<hbm>>
      tpu.enqueue_indirect_dma source(%dma_start3A_154 : memref<10752x64xf32, #tpu.memory_space<hbm>>) target(%arg12 : memref<128x64xf32, #tpu.memory_space<vmem>>) offsets(%dma_start3A_151 : memref<128xi32, #tpu.memory_space<vmem>>) semaphore(%arg16 : memref<!tpu.dma_semaphore, #tpu.memory_space<semaphore_mem>>)
      %dma_wait3A_155 = arith.constant 0 : i32
      %dma_wait3A_156 = arith.constant 0 : i32
      %dma_wait3A_157 = tpu.memref_slice %arg9[%dma_wait3A_155, %dma_wait3A_156] : memref<89x128xi32, #tpu.memory_space<vmem>> -> memref<1x128xi32, #tpu.memory_space<vmem>>
      %dma_wait3A_158 = tpu.memref_squeeze %dma_wait3A_157 : memref<1x128xi32, #tpu.memory_space<vmem>> -> memref<128xi32, #tpu.memory_space<vmem>>
      %dma_wait3A_159 = arith.constant 0 : i32
      %dma_wait3A_160 = arith.constant 0 : i32
      %dma_wait3A_161 = tpu.memref_slice %arg2[%dma_wait3A_159, %dma_wait3A_160] : memref<10752x64xf32, #tpu.memory_space<hbm>> -> memref<10752x64xf32, #tpu.memory_space<hbm>>
      tpu.wait_indirect_dma semaphore(%arg15 : memref<!tpu.dma_semaphore, #tpu.memory_space<semaphore_mem>>) src(%dma_wait3A_161 : memref<10752x64xf32, #tpu.memory_space<hbm>>) dst(%arg11 : memref<128x64xf32, #tpu.memory_space<vmem>>)
      "tpu.region"() ({
        %run_scoped3A = tpu.sem_alloc : memref<!tpu.dma_semaphore, #tpu.memory_space<semaphore_mem>>
        %dma_start3A_179 = arith.constant 0 : i32
        %dma_start3A_180 = tpu.memref_slice %arg10[%mul3A_146, %dma_start3A_179] : memref<89x128xi32, #tpu.memory_space<vmem>> -> memref<1x128xi32, #tpu.memory_space<vmem>>
        %dma_start3A_181 = tpu.memref_squeeze %dma_start3A_180 : memref<1x128xi32, #tpu.memory_space<vmem>> -> memref<128xi32, #tpu.memory_space<vmem>>
        %dma_start3A_182 = arith.constant 0 : i32
        %dma_start3A_183 = arith.constant 0 : i32
        %dma_start3A_184 = tpu.memref_slice %arg14[%dma_start3A_182, %dma_start3A_183] : memref<20480x64xf32, #tpu.memory_space<vmem_shared>> -> memref<20480x64xf32, #tpu.memory_space<vmem_shared>>
        tpu.enqueue_indirect_dma source(%arg11 : memref<128x64xf32, #tpu.memory_space<vmem>>) target(%dma_start3A_184 : memref<20480x64xf32, #tpu.memory_space<vmem_shared>>) offsets(%dma_start3A_181 : memref<128xi32, #tpu.memory_space<vmem>>) semaphore(%run_scoped3A : memref<!tpu.dma_semaphore, #tpu.memory_space<semaphore_mem>>) {add = true}
        %dma_wait3A_185 = arith.constant 0 : i32
        %dma_wait3A_186 = tpu.memref_slice %arg10[%mul3A_146, %dma_wait3A_185] : memref<89x128xi32, #tpu.memory_space<vmem>> -> memref<1x128xi32, #tpu.memory_space<vmem>>
        %dma_wait3A_187 = tpu.memref_squeeze %dma_wait3A_186 : memref<1x128xi32, #tpu.memory_space<vmem>> -> memref<128xi32, #tpu.memory_space<vmem>>
        %dma_wait3A_188 = arith.constant 0 : i32
        %dma_wait3A_189 = arith.constant 0 : i32
        %dma_wait3A_190 = tpu.memref_slice %arg14[%dma_wait3A_188, %dma_wait3A_189] : memref<20480x64xf32, #tpu.memory_space<vmem_shared>> -> memref<20480x64xf32, #tpu.memory_space<vmem_shared>>
        tpu.wait_indirect_dma semaphore(%run_scoped3A : memref<!tpu.dma_semaphore, #tpu.memory_space<semaphore_mem>>) src(%arg11 : memref<128x64xf32, #tpu.memory_space<vmem>>) dst(%dma_wait3A_190 : memref<20480x64xf32, #tpu.memory_space<vmem_shared>>)
        tpu.yield
      }) : () -> ()
      %add3A_162 = arith.constant 2 : i32
      %add3A_163 = arith.addi %mul3A_146, %add3A_162 : i32
      %dma_start3A_164 = arith.constant 0 : i32
      %dma_start3A_165 = tpu.memref_slice %arg9[%add3A_163, %dma_start3A_164] : memref<89x128xi32, #tpu.memory_space<vmem>> -> memref<1x128xi32, #tpu.memory_space<vmem>>
      %dma_start3A_166 = tpu.memref_squeeze %dma_start3A_165 : memref<1x128xi32, #tpu.memory_space<vmem>> -> memref<128xi32, #tpu.memory_space<vmem>>
      %dma_start3A_167 = arith.constant 0 : i32
      %dma_start3A_168 = arith.constant 0 : i32
      %dma_start3A_169 = tpu.memref_slice %arg2[%dma_start3A_167, %dma_start3A_168] : memref<10752x64xf32, #tpu.memory_space<hbm>> -> memref<10752x64xf32, #tpu.memory_space<hbm>>
      tpu.enqueue_indirect_dma source(%dma_start3A_169 : memref<10752x64xf32, #tpu.memory_space<hbm>>) target(%arg11 : memref<128x64xf32, #tpu.memory_space<vmem>>) offsets(%dma_start3A_166 : memref<128xi32, #tpu.memory_space<vmem>>) semaphore(%arg15 : memref<!tpu.dma_semaphore, #tpu.memory_space<semaphore_mem>>)
      %dma_wait3A_170 = arith.constant 0 : i32
      %dma_wait3A_171 = arith.constant 0 : i32
      %dma_wait3A_172 = tpu.memref_slice %arg9[%dma_wait3A_170, %dma_wait3A_171] : memref<89x128xi32, #tpu.memory_space<vmem>> -> memref<1x128xi32, #tpu.memory_space<vmem>>
      %dma_wait3A_173 = tpu.memref_squeeze %dma_wait3A_172 : memref<1x128xi32, #tpu.memory_space<vmem>> -> memref<128xi32, #tpu.memory_space<vmem>>
      %dma_wait3A_174 = arith.constant 0 : i32
      %dma_wait3A_175 = arith.constant 0 : i32
      %dma_wait3A_176 = tpu.memref_slice %arg2[%dma_wait3A_174, %dma_wait3A_175] : memref<10752x64xf32, #tpu.memory_space<hbm>> -> memref<10752x64xf32, #tpu.memory_space<hbm>>
      tpu.wait_indirect_dma semaphore(%arg16 : memref<!tpu.dma_semaphore, #tpu.memory_space<semaphore_mem>>) src(%dma_wait3A_176 : memref<10752x64xf32, #tpu.memory_space<hbm>>) dst(%arg12 : memref<128x64xf32, #tpu.memory_space<vmem>>)
      %add3A_177 = arith.constant 1 : i32
      %add3A_178 = arith.addi %mul3A_146, %add3A_177 : i32
      "tpu.region"() ({
        %run_scoped3A = tpu.sem_alloc : memref<!tpu.dma_semaphore, #tpu.memory_space<semaphore_mem>>
        %dma_start3A_179 = arith.constant 0 : i32
        %dma_start3A_180 = tpu.memref_slice %arg10[%add3A_178, %dma_start3A_179] : memref<89x128xi32, #tpu.memory_space<vmem>> -> memref<1x128xi32, #tpu.memory_space<vmem>>
        %dma_start3A_181 = tpu.memref_squeeze %dma_start3A_180 : memref<1x128xi32, #tpu.memory_space<vmem>> -> memref<128xi32, #tpu.memory_space<vmem>>
        %dma_start3A_182 = arith.constant 0 : i32
        %dma_start3A_183 = arith.constant 0 : i32
        %dma_start3A_184 = tpu.memref_slice %arg14[%dma_start3A_182, %dma_start3A_183] : memref<20480x64xf32, #tpu.memory_space<vmem_shared>> -> memref<20480x64xf32, #tpu.memory_space<vmem_shared>>
        tpu.enqueue_indirect_dma source(%arg12 : memref<128x64xf32, #tpu.memory_space<vmem>>) target(%dma_start3A_184 : memref<20480x64xf32, #tpu.memory_space<vmem_shared>>) offsets(%dma_start3A_181 : memref<128xi32, #tpu.memory_space<vmem>>) semaphore(%run_scoped3A : memref<!tpu.dma_semaphore, #tpu.memory_space<semaphore_mem>>) {add = true}
        %dma_wait3A_185 = arith.constant 0 : i32
        %dma_wait3A_186 = tpu.memref_slice %arg10[%add3A_178, %dma_wait3A_185] : memref<89x128xi32, #tpu.memory_space<vmem>> -> memref<1x128xi32, #tpu.memory_space<vmem>>
        %dma_wait3A_187 = tpu.memref_squeeze %dma_wait3A_186 : memref<1x128xi32, #tpu.memory_space<vmem>> -> memref<128xi32, #tpu.memory_space<vmem>>
        %dma_wait3A_188 = arith.constant 0 : i32
        %dma_wait3A_189 = arith.constant 0 : i32
        %dma_wait3A_190 = tpu.memref_slice %arg14[%dma_wait3A_188, %dma_wait3A_189] : memref<20480x64xf32, #tpu.memory_space<vmem_shared>> -> memref<20480x64xf32, #tpu.memory_space<vmem_shared>>
        tpu.wait_indirect_dma semaphore(%run_scoped3A : memref<!tpu.dma_semaphore, #tpu.memory_space<semaphore_mem>>) src(%arg12 : memref<128x64xf32, #tpu.memory_space<vmem>>) dst(%dma_wait3A_190 : memref<20480x64xf32, #tpu.memory_space<vmem_shared>>)
        tpu.yield
      }) : () -> ()
    }
    %while3A_59 = arith.constant 1 : i32
    scf.for %while3A_144 = %while3A_57 to %while3A_53 step %while3A_59  : i32 {
      %mul3A_145 = arith.constant 2 : i32
      %mul3A_146 = arith.muli %mul3A_145, %while3A_144 : i32
      %add3A_147 = arith.constant 1 : i32
      %add3A_148 = arith.addi %mul3A_146, %add3A_147 : i32
      %dma_start3A_149 = arith.constant 0 : i32
      %dma_start3A_150 = tpu.memref_slice %arg9[%add3A_148, %dma_start3A_149] : memref<89x128xi32, #tpu.memory_space<vmem>> -> memref<1x128xi32, #tpu.memory_space<vmem>>
      %dma_start3A_151 = tpu.memref_squeeze %dma_start3A_150 : memref<1x128xi32, #tpu.memory_space<vmem>> -> memref<128xi32, #tpu.memory_space<vmem>>
      %dma_start3A_152 = arith.constant 0 : i32
      %dma_start3A_153 = arith.constant 0 : i32
      %dma_start3A_154 = tpu.memref_slice %arg2[%dma_start3A_152, %dma_start3A_153] : memref<10752x64xf32, #tpu.memory_space<hbm>> -> memref<10752x64xf32, #tpu.memory_space<hbm>>
      tpu.enqueue_indirect_dma source(%dma_start3A_154 : memref<10752x64xf32, #tpu.memory_space<hbm>>) target(%arg12 : memref<128x64xf32, #tpu.memory_space<vmem>>) offsets(%dma_start3A_151 : memref<128xi32, #tpu.memory_space<vmem>>) semaphore(%arg16 : memref<!tpu.dma_semaphore, #tpu.memory_space<semaphore_mem>>)
      %dma_wait3A_155 = arith.constant 0 : i32
      %dma_wait3A_156 = arith.constant 0 : i32
      %dma_wait3A_157 = tpu.memref_slice %arg9[%dma_wait3A_155, %dma_wait3A_156] : memref<89x128xi32, #tpu.memory_space<vmem>> -> memref<1x128xi32, #tpu.memory_space<vmem>>
      %dma_wait3A_158 = tpu.memref_squeeze %dma_wait3A_157 : memref<1x128xi32, #tpu.memory_space<vmem>> -> memref<128xi32, #tpu.memory_space<vmem>>
      %dma_wait3A_159 = arith.constant 0 : i32
      %dma_wait3A_160 = arith.constant 0 : i32
      %dma_wait3A_161 = tpu.memref_slice %arg2[%dma_wait3A_159, %dma_wait3A_160] : memref<10752x64xf32, #tpu.memory_space<hbm>> -> memref<10752x64xf32, #tpu.memory_space<hbm>>
      tpu.wait_indirect_dma semaphore(%arg15 : memref<!tpu.dma_semaphore, #tpu.memory_space<semaphore_mem>>) src(%dma_wait3A_161 : memref<10752x64xf32, #tpu.memory_space<hbm>>) dst(%arg11 : memref<128x64xf32, #tpu.memory_space<vmem>>)
      "tpu.region"() ({
        %run_scoped3A = tpu.sem_alloc : memref<!tpu.dma_semaphore, #tpu.memory_space<semaphore_mem>>
        %dma_start3A_179 = arith.constant 0 : i32
        %dma_start3A_180 = tpu.memref_slice %arg10[%mul3A_146, %dma_start3A_179] : memref<89x128xi32, #tpu.memory_space<vmem>> -> memref<1x128xi32, #tpu.memory_space<vmem>>
        %dma_start3A_181 = tpu.memref_squeeze %dma_start3A_180 : memref<1x128xi32, #tpu.memory_space<vmem>> -> memref<128xi32, #tpu.memory_space<vmem>>
        %dma_start3A_182 = arith.constant 0 : i32
        %dma_start3A_183 = arith.constant 0 : i32
        %dma_start3A_184 = tpu.memref_slice %arg14[%dma_start3A_182, %dma_start3A_183] : memref<20480x64xf32, #tpu.memory_space<vmem_shared>> -> memref<20480x64xf32, #tpu.memory_space<vmem_shared>>
        tpu.enqueue_indirect_dma source(%arg11 : memref<128x64xf32, #tpu.memory_space<vmem>>) target(%dma_start3A_184 : memref<20480x64xf32, #tpu.memory_space<vmem_shared>>) offsets(%dma_start3A_181 : memref<128xi32, #tpu.memory_space<vmem>>) semaphore(%run_scoped3A : memref<!tpu.dma_semaphore, #tpu.memory_space<semaphore_mem>>) {add = true}
        %dma_wait3A_185 = arith.constant 0 : i32
        %dma_wait3A_186 = tpu.memref_slice %arg10[%mul3A_146, %dma_wait3A_185] : memref<89x128xi32, #tpu.memory_space<vmem>> -> memref<1x128xi32, #tpu.memory_space<vmem>>
        %dma_wait3A_187 = tpu.memref_squeeze %dma_wait3A_186 : memref<1x128xi32, #tpu.memory_space<vmem>> -> memref<128xi32, #tpu.memory_space<vmem>>
        %dma_wait3A_188 = arith.constant 0 : i32
        %dma_wait3A_189 = arith.constant 0 : i32
        %dma_wait3A_190 = tpu.memref_slice %arg14[%dma_wait3A_188, %dma_wait3A_189] : memref<20480x64xf32, #tpu.memory_space<vmem_shared>> -> memref<20480x64xf32, #tpu.memory_space<vmem_shared>>
        tpu.wait_indirect_dma semaphore(%run_scoped3A : memref<!tpu.dma_semaphore, #tpu.memory_space<semaphore_mem>>) src(%arg11 : memref<128x64xf32, #tpu.memory_space<vmem>>) dst(%dma_wait3A_190 : memref<20480x64xf32, #tpu.memory_space<vmem_shared>>)
        tpu.yield
      }) : () -> ()
      %add3A_162 = arith.constant 2 : i32
      %add3A_163 = arith.addi %mul3A_146, %add3A_162 : i32
      %dma_start3A_164 = arith.constant 0 : i32
      %dma_start3A_165 = tpu.memref_slice %arg9[%add3A_163, %dma_start3A_164] : memref<89x128xi32, #tpu.memory_space<vmem>> -> memref<1x128xi32, #tpu.memory_space<vmem>>
      %dma_start3A_166 = tpu.memref_squeeze %dma_start3A_165 : memref<1x128xi32, #tpu.memory_space<vmem>> -> memref<128xi32, #tpu.memory_space<vmem>>
      %dma_start3A_167 = arith.constant 0 : i32
      %dma_start3A_168 = arith.constant 0 : i32
      %dma_start3A_169 = tpu.memref_slice %arg2[%dma_start3A_167, %dma_start3A_168] : memref<10752x64xf32, #tpu.memory_space<hbm>> -> memref<10752x64xf32, #tpu.memory_space<hbm>>
      tpu.enqueue_indirect_dma source(%dma_start3A_169 : memref<10752x64xf32, #tpu.memory_space<hbm>>) target(%arg11 : memref<128x64xf32, #tpu.memory_space<vmem>>) offsets(%dma_start3A_166 : memref<128xi32, #tpu.memory_space<vmem>>) semaphore(%arg15 : memref<!tpu.dma_semaphore, #tpu.memory_space<semaphore_mem>>)
      %dma_wait3A_170 = arith.constant 0 : i32
      %dma_wait3A_171 = arith.constant 0 : i32
      %dma_wait3A_172 = tpu.memref_slice %arg9[%dma_wait3A_170, %dma_wait3A_171] : memref<89x128xi32, #tpu.memory_space<vmem>> -> memref<1x128xi32, #tpu.memory_space<vmem>>
      %dma_wait3A_173 = tpu.memref_squeeze %dma_wait3A_172 : memref<1x128xi32, #tpu.memory_space<vmem>> -> memref<128xi32, #tpu.memory_space<vmem>>
      %dma_wait3A_174 = arith.constant 0 : i32
      %dma_wait3A_175 = arith.constant 0 : i32
      %dma_wait3A_176 = tpu.memref_slice %arg2[%dma_wait3A_174, %dma_wait3A_175] : memref<10752x64xf32, #tpu.memory_space<hbm>> -> memref<10752x64xf32, #tpu.memory_space<hbm>>
      tpu.wait_indirect_dma semaphore(%arg16 : memref<!tpu.dma_semaphore, #tpu.memory_space<semaphore_mem>>) src(%dma_wait3A_176 : memref<10752x64xf32, #tpu.memory_space<hbm>>) dst(%arg12 : memref<128x64xf32, #tpu.memory_space<vmem>>)
      %add3A_177 = arith.constant 1 : i32
      %add3A_178 = arith.addi %mul3A_146, %add3A_177 : i32
      "tpu.region"() ({
        %run_scoped3A = tpu.sem_alloc : memref<!tpu.dma_semaphore, #tpu.memory_space<semaphore_mem>>
        %dma_start3A_179 = arith.constant 0 : i32
        %dma_start3A_180 = tpu.memref_slice %arg10[%add3A_178, %dma_start3A_179] : memref<89x128xi32, #tpu.memory_space<vmem>> -> memref<1x128xi32, #tpu.memory_space<vmem>>
        %dma_start3A_181 = tpu.memref_squeeze %dma_start3A_180 : memref<1x128xi32, #tpu.memory_space<vmem>> -> memref<128xi32, #tpu.memory_space<vmem>>
        %dma_start3A_182 = arith.constant 0 : i32
        %dma_start3A_183 = arith.constant 0 : i32
        %dma_start3A_184 = tpu.memref_slice %arg14[%dma_start3A_182, %dma_start3A_183] : memref<20480x64xf32, #tpu.memory_space<vmem_shared>> -> memref<20480x64xf32, #tpu.memory_space<vmem_shared>>
        tpu.enqueue_indirect_dma source(%arg12 : memref<128x64xf32, #tpu.memory_space<vmem>>) target(%dma_start3A_184 : memref<20480x64xf32, #tpu.memory_space<vmem_shared>>) offsets(%dma_start3A_181 : memref<128xi32, #tpu.memory_space<vmem>>) semaphore(%run_scoped3A : memref<!tpu.dma_semaphore, #tpu.memory_space<semaphore_mem>>) {add = true}
        %dma_wait3A_185 = arith.constant 0 : i32
        %dma_wait3A_186 = tpu.memref_slice %arg10[%add3A_178, %dma_wait3A_185] : memref<89x128xi32, #tpu.memory_space<vmem>> -> memref<1x128xi32, #tpu.memory_space<vmem>>
        %dma_wait3A_187 = tpu.memref_squeeze %dma_wait3A_186 : memref<1x128xi32, #tpu.memory_space<vmem>> -> memref<128xi32, #tpu.memory_space<vmem>>
        %dma_wait3A_188 = arith.constant 0 : i32
        %dma_wait3A_189 = arith.constant 0 : i32
        %dma_wait3A_190 = tpu.memref_slice %arg14[%dma_wait3A_188, %dma_wait3A_189] : memref<20480x64xf32, #tpu.memory_space<vmem_shared>> -> memref<20480x64xf32, #tpu.memory_space<vmem_shared>>
        tpu.wait_indirect_dma semaphore(%run_scoped3A : memref<!tpu.dma_semaphore, #tpu.memory_space<semaphore_mem>>) src(%arg12 : memref<128x64xf32, #tpu.memory_space<vmem>>) dst(%dma_wait3A_190 : memref<20480x64xf32, #tpu.memory_space<vmem_shared>>)
        tpu.yield
      }) : () -> ()
    }
    %dma_wait3A = arith.constant 0 : i32
    %dma_wait3A_60 = arith.constant 0 : i32
    %dma_wait3A_61 = tpu.memref_slice %arg9[%dma_wait3A, %dma_wait3A_60] : memref<89x128xi32, #tpu.memory_space<vmem>> -> memref<1x128xi32, #tpu.memory_space<vmem>>
    %dma_wait3A_62 = tpu.memref_squeeze %dma_wait3A_61 : memref<1x128xi32, #tpu.memory_space<vmem>> -> memref<128xi32, #tpu.memory_space<vmem>>
    %dma_wait3A_63 = arith.constant 0 : i32
    %dma_wait3A_64 = arith.constant 0 : i32
    %dma_wait3A_65 = tpu.memref_slice %arg2[%dma_wait3A_63, %dma_wait3A_64] : memref<10752x64xf32, #tpu.memory_space<hbm>> -> memref<10752x64xf32, #tpu.memory_space<hbm>>
    tpu.wait_indirect_dma semaphore(%arg15 : memref<!tpu.dma_semaphore, #tpu.memory_space<semaphore_mem>>) src(%dma_wait3A_65 : memref<10752x64xf32, #tpu.memory_space<hbm>>) dst(%arg11 : memref<128x64xf32, #tpu.memory_space<vmem>>)
    %sub3A_66 = arith.constant 1 : i32
    %sub3A_67 = arith.subi %select_n3A, %sub3A_66 : i32
    "tpu.region"() ({
      %run_scoped3A = tpu.sem_alloc : memref<!tpu.dma_semaphore, #tpu.memory_space<semaphore_mem>>
      %dma_start3A_144 = arith.constant 0 : i32
      %dma_start3A_145 = tpu.memref_slice %arg10[%sub3A_67, %dma_start3A_144] : memref<89x128xi32, #tpu.memory_space<vmem>> -> memref<1x128xi32, #tpu.memory_space<vmem>>
      %dma_start3A_146 = tpu.memref_squeeze %dma_start3A_145 : memref<1x128xi32, #tpu.memory_space<vmem>> -> memref<128xi32, #tpu.memory_space<vmem>>
      %dma_start3A_147 = arith.constant 0 : i32
      %dma_start3A_148 = arith.constant 0 : i32
      %dma_start3A_149 = tpu.memref_slice %arg14[%dma_start3A_147, %dma_start3A_148] : memref<20480x64xf32, #tpu.memory_space<vmem_shared>> -> memref<20480x64xf32, #tpu.memory_space<vmem_shared>>
      tpu.enqueue_indirect_dma source(%arg11 : memref<128x64xf32, #tpu.memory_space<vmem>>) target(%dma_start3A_149 : memref<20480x64xf32, #tpu.memory_space<vmem_shared>>) offsets(%dma_start3A_146 : memref<128xi32, #tpu.memory_space<vmem>>) semaphore(%run_scoped3A : memref<!tpu.dma_semaphore, #tpu.memory_space<semaphore_mem>>) {add = true}
      %dma_wait3A_150 = arith.constant 0 : i32
      %dma_wait3A_151 = tpu.memref_slice %arg10[%sub3A_67, %dma_wait3A_150] : memref<89x128xi32, #tpu.memory_space<vmem>> -> memref<1x128xi32, #tpu.memory_space<vmem>>
      %dma_wait3A_152 = tpu.memref_squeeze %dma_wait3A_151 : memref<1x128xi32, #tpu.memory_space<vmem>> -> memref<128xi32, #tpu.memory_space<vmem>>
      %dma_wait3A_153 = arith.constant 0 : i32
      %dma_wait3A_154 = arith.constant 0 : i32
      %dma_wait3A_155 = tpu.memref_slice %arg14[%dma_wait3A_153, %dma_wait3A_154] : memref<20480x64xf32, #tpu.memory_space<vmem_shared>> -> memref<20480x64xf32, #tpu.memory_space<vmem_shared>>
      tpu.wait_indirect_dma semaphore(%run_scoped3A : memref<!tpu.dma_semaphore, #tpu.memory_space<semaphore_mem>>) src(%arg11 : memref<128x64xf32, #tpu.memory_space<vmem>>) dst(%dma_wait3A_155 : memref<20480x64xf32, #tpu.memory_space<vmem_shared>>)
      tpu.yield
    }) : () -> ()
    %barrier3A_68 = arith.constant 0 : index
    tpu.barrier barrier_id(%barrier3A_68)
    "tpu.region"() ({
      %run_scoped3A = tpu.sem_alloc : memref<!tpu.dma_semaphore, #tpu.memory_space<semaphore_mem>>
      %dma_start3A_144 = arith.constant 0 : i32
      %dma_start3A_145 = tpu.memref_slice %arg7[%arg0, %mul3A_4, %dma_start3A_144] : memref<2x20480x64xf32, #tpu.memory_space<hbm>> -> memref<1x1280x64xf32, #tpu.memory_space<hbm>>
      %dma_start3A_146 = tpu.memref_squeeze %dma_start3A_145 : memref<1x1280x64xf32, #tpu.memory_space<hbm>> -> memref<1280x64xf32, #tpu.memory_space<hbm>>
      %dma_start3A_147 = arith.constant 0 : i32
      %dma_start3A_148 = tpu.memref_slice %arg14[%mul3A_4, %dma_start3A_147] : memref<20480x64xf32, #tpu.memory_space<vmem_shared>> -> memref<1280x64xf32, #tpu.memory_space<vmem_shared>>
      tpu.enqueue_dma source(%dma_start3A_148 : memref<1280x64xf32, #tpu.memory_space<vmem_shared>>) target(%dma_start3A_146 : memref<1280x64xf32, #tpu.memory_space<hbm>>) target_semaphore(%run_scoped3A : memref<!tpu.dma_semaphore, #tpu.memory_space<semaphore_mem>>)
      %dma_wait3A_149 = arith.constant 0 : i32
      %dma_wait3A_150 = tpu.memref_slice %arg7[%arg0, %mul3A_4, %dma_wait3A_149] : memref<2x20480x64xf32, #tpu.memory_space<hbm>> -> memref<1x1280x64xf32, #tpu.memory_space<hbm>>
      %dma_wait3A_151 = tpu.memref_squeeze %dma_wait3A_150 : memref<1x1280x64xf32, #tpu.memory_space<hbm>> -> memref<1280x64xf32, #tpu.memory_space<hbm>>
      %dma_wait3A_152 = arith.constant 0 : i32
      %dma_wait3A_153 = tpu.memref_slice %arg14[%mul3A_4, %dma_wait3A_152] : memref<20480x64xf32, #tpu.memory_space<vmem_shared>> -> memref<1280x64xf32, #tpu.memory_space<vmem_shared>>
      tpu.wait_dma2 semaphore(%run_scoped3A : memref<!tpu.dma_semaphore, #tpu.memory_space<semaphore_mem>>) src(%dma_wait3A_153 : memref<1280x64xf32, #tpu.memory_space<vmem_shared>>) dst(%dma_wait3A_151 : memref<1280x64xf32, #tpu.memory_space<hbm>>)
      tpu.yield
    }) : () -> ()
    %barrier3A_69 = arith.constant 0 : index
    tpu.barrier barrier_id(%barrier3A_69)
    %add3A_70 = arith.constant 0 : i32
    %add3A_71 = arith.addi %mul3A_4, %add3A_70 : i32
    "tpu.region"() ({
      %run_scoped3A = tpu.sem_alloc : memref<!tpu.dma_semaphore, #tpu.memory_space<semaphore_mem>>
      %dma_start3A_144 = arith.constant 0 : i32
      %dma_start3A_145 = tpu.memref_slice %arg14[%add3A_71, %dma_start3A_144] : memref<20480x64xf32, #tpu.memory_space<vmem_shared>> -> memref<128x64xf32, #tpu.memory_space<vmem_shared>>
      %dma_start3A_146 = arith.constant 0 : i32
      %dma_start3A_147 = tpu.memref_slice %arg14[%add3A_71, %dma_start3A_146] : memref<20480x64xf32, #tpu.memory_space<vmem_shared>> -> memref<128x64xf32, #tpu.memory_space<vmem_shared>>
      tpu.enqueue_dma source(%arg13 : memref<128x64xf32, #tpu.memory_space<vmem>>) target(%dma_start3A_147 : memref<128x64xf32, #tpu.memory_space<vmem_shared>>) target_semaphore(%run_scoped3A : memref<!tpu.dma_semaphore, #tpu.memory_space<semaphore_mem>>)
      %dma_wait3A_148 = arith.constant 0 : i32
      %dma_wait3A_149 = tpu.memref_slice %arg14[%add3A_71, %dma_wait3A_148] : memref<20480x64xf32, #tpu.memory_space<vmem_shared>> -> memref<128x64xf32, #tpu.memory_space<vmem_shared>>
      %dma_wait3A_150 = arith.constant 0 : i32
      %dma_wait3A_151 = tpu.memref_slice %arg14[%add3A_71, %dma_wait3A_150] : memref<20480x64xf32, #tpu.memory_space<vmem_shared>> -> memref<128x64xf32, #tpu.memory_space<vmem_shared>>
      tpu.wait_dma2 semaphore(%run_scoped3A : memref<!tpu.dma_semaphore, #tpu.memory_space<semaphore_mem>>) src(%arg13 : memref<128x64xf32, #tpu.memory_space<vmem>>) dst(%dma_wait3A_151 : memref<128x64xf32, #tpu.memory_space<vmem_shared>>)
      tpu.yield
    }) : () -> ()
    %add3A_72 = arith.constant 128 : i32
    %add3A_73 = arith.addi %mul3A_4, %add3A_72 : i32
    "tpu.region"() ({
      %run_scoped3A = tpu.sem_alloc : memref<!tpu.dma_semaphore, #tpu.memory_space<semaphore_mem>>
      %dma_start3A_144 = arith.constant 0 : i32
      %dma_start3A_145 = tpu.memref_slice %arg14[%add3A_73, %dma_start3A_144] : memref<20480x64xf32, #tpu.memory_space<vmem_shared>> -> memref<128x64xf32, #tpu.memory_space<vmem_shared>>
      %dma_start3A_146 = arith.constant 0 : i32
      %dma_start3A_147 = tpu.memref_slice %arg14[%add3A_73, %dma_start3A_146] : memref<20480x64xf32, #tpu.memory_space<vmem_shared>> -> memref<128x64xf32, #tpu.memory_space<vmem_shared>>
      tpu.enqueue_dma source(%arg13 : memref<128x64xf32, #tpu.memory_space<vmem>>) target(%dma_start3A_147 : memref<128x64xf32, #tpu.memory_space<vmem_shared>>) target_semaphore(%run_scoped3A : memref<!tpu.dma_semaphore, #tpu.memory_space<semaphore_mem>>)
      %dma_wait3A_148 = arith.constant 0 : i32
      %dma_wait3A_149 = tpu.memref_slice %arg14[%add3A_73, %dma_wait3A_148] : memref<20480x64xf32, #tpu.memory_space<vmem_shared>> -> memref<128x64xf32, #tpu.memory_space<vmem_shared>>
      %dma_wait3A_150 = arith.constant 0 : i32
      %dma_wait3A_151 = tpu.memref_slice %arg14[%add3A_73, %dma_wait3A_150] : memref<20480x64xf32, #tpu.memory_space<vmem_shared>> -> memref<128x64xf32, #tpu.memory_space<vmem_shared>>
      tpu.wait_dma2 semaphore(%run_scoped3A : memref<!tpu.dma_semaphore, #tpu.memory_space<semaphore_mem>>) src(%arg13 : memref<128x64xf32, #tpu.memory_space<vmem>>) dst(%dma_wait3A_151 : memref<128x64xf32, #tpu.memory_space<vmem_shared>>)
      tpu.yield
    }) : () -> ()
    %add3A_74 = arith.constant 256 : i32
    %add3A_75 = arith.addi %mul3A_4, %add3A_74 : i32
    "tpu.region"() ({
      %run_scoped3A = tpu.sem_alloc : memref<!tpu.dma_semaphore, #tpu.memory_space<semaphore_mem>>
      %dma_start3A_144 = arith.constant 0 : i32
      %dma_start3A_145 = tpu.memref_slice %arg14[%add3A_75, %dma_start3A_144] : memref<20480x64xf32, #tpu.memory_space<vmem_shared>> -> memref<128x64xf32, #tpu.memory_space<vmem_shared>>
      %dma_start3A_146 = arith.constant 0 : i32
      %dma_start3A_147 = tpu.memref_slice %arg14[%add3A_75, %dma_start3A_146] : memref<20480x64xf32, #tpu.memory_space<vmem_shared>> -> memref<128x64xf32, #tpu.memory_space<vmem_shared>>
      tpu.enqueue_dma source(%arg13 : memref<128x64xf32, #tpu.memory_space<vmem>>) target(%dma_start3A_147 : memref<128x64xf32, #tpu.memory_space<vmem_shared>>) target_semaphore(%run_scoped3A : memref<!tpu.dma_semaphore, #tpu.memory_space<semaphore_mem>>)
      %dma_wait3A_148 = arith.constant 0 : i32
      %dma_wait3A_149 = tpu.memref_slice %arg14[%add3A_75, %dma_wait3A_148] : memref<20480x64xf32, #tpu.memory_space<vmem_shared>> -> memref<128x64xf32, #tpu.memory_space<vmem_shared>>
      %dma_wait3A_150 = arith.constant 0 : i32
      %dma_wait3A_151 = tpu.memref_slice %arg14[%add3A_75, %dma_wait3A_150] : memref<20480x64xf32, #tpu.memory_space<vmem_shared>> -> memref<128x64xf32, #tpu.memory_space<vmem_shared>>
      tpu.wait_dma2 semaphore(%run_scoped3A : memref<!tpu.dma_semaphore, #tpu.memory_space<semaphore_mem>>) src(%arg13 : memref<128x64xf32, #tpu.memory_space<vmem>>) dst(%dma_wait3A_151 : memref<128x64xf32, #tpu.memory_space<vmem_shared>>)
      tpu.yield
    }) : () -> ()
    %add3A_76 = arith.constant 384 : i32
    %add3A_77 = arith.addi %mul3A_4, %add3A_76 : i32
    "tpu.region"() ({
      %run_scoped3A = tpu.sem_alloc : memref<!tpu.dma_semaphore, #tpu.memory_space<semaphore_mem>>
      %dma_start3A_144 = arith.constant 0 : i32
      %dma_start3A_145 = tpu.memref_slice %arg14[%add3A_77, %dma_start3A_144] : memref<20480x64xf32, #tpu.memory_space<vmem_shared>> -> memref<128x64xf32, #tpu.memory_space<vmem_shared>>
      %dma_start3A_146 = arith.constant 0 : i32
      %dma_start3A_147 = tpu.memref_slice %arg14[%add3A_77, %dma_start3A_146] : memref<20480x64xf32, #tpu.memory_space<vmem_shared>> -> memref<128x64xf32, #tpu.memory_space<vmem_shared>>
      tpu.enqueue_dma source(%arg13 : memref<128x64xf32, #tpu.memory_space<vmem>>) target(%dma_start3A_147 : memref<128x64xf32, #tpu.memory_space<vmem_shared>>) target_semaphore(%run_scoped3A : memref<!tpu.dma_semaphore, #tpu.memory_space<semaphore_mem>>)
      %dma_wait3A_148 = arith.constant 0 : i32
      %dma_wait3A_149 = tpu.memref_slice %arg14[%add3A_77, %dma_wait3A_148] : memref<20480x64xf32, #tpu.memory_space<vmem_shared>> -> memref<128x64xf32, #tpu.memory_space<vmem_shared>>
      %dma_wait3A_150 = arith.constant 0 : i32
      %dma_wait3A_151 = tpu.memref_slice %arg14[%add3A_77, %dma_wait3A_150] : memref<20480x64xf32, #tpu.memory_space<vmem_shared>> -> memref<128x64xf32, #tpu.memory_space<vmem_shared>>
      tpu.wait_dma2 semaphore(%run_scoped3A : memref<!tpu.dma_semaphore, #tpu.memory_space<semaphore_mem>>) src(%arg13 : memref<128x64xf32, #tpu.memory_space<vmem>>) dst(%dma_wait3A_151 : memref<128x64xf32, #tpu.memory_space<vmem_shared>>)
      tpu.yield
    }) : () -> ()
    %add3A_78 = arith.constant 512 : i32
    %add3A_79 = arith.addi %mul3A_4, %add3A_78 : i32
    "tpu.region"() ({
      %run_scoped3A = tpu.sem_alloc : memref<!tpu.dma_semaphore, #tpu.memory_space<semaphore_mem>>
      %dma_start3A_144 = arith.constant 0 : i32
      %dma_start3A_145 = tpu.memref_slice %arg14[%add3A_79, %dma_start3A_144] : memref<20480x64xf32, #tpu.memory_space<vmem_shared>> -> memref<128x64xf32, #tpu.memory_space<vmem_shared>>
      %dma_start3A_146 = arith.constant 0 : i32
      %dma_start3A_147 = tpu.memref_slice %arg14[%add3A_79, %dma_start3A_146] : memref<20480x64xf32, #tpu.memory_space<vmem_shared>> -> memref<128x64xf32, #tpu.memory_space<vmem_shared>>
      tpu.enqueue_dma source(%arg13 : memref<128x64xf32, #tpu.memory_space<vmem>>) target(%dma_start3A_147 : memref<128x64xf32, #tpu.memory_space<vmem_shared>>) target_semaphore(%run_scoped3A : memref<!tpu.dma_semaphore, #tpu.memory_space<semaphore_mem>>)
      %dma_wait3A_148 = arith.constant 0 : i32
      %dma_wait3A_149 = tpu.memref_slice %arg14[%add3A_79, %dma_wait3A_148] : memref<20480x64xf32, #tpu.memory_space<vmem_shared>> -> memref<128x64xf32, #tpu.memory_space<vmem_shared>>
      %dma_wait3A_150 = arith.constant 0 : i32
      %dma_wait3A_151 = tpu.memref_slice %arg14[%add3A_79, %dma_wait3A_150] : memref<20480x64xf32, #tpu.memory_space<vmem_shared>> -> memref<128x64xf32, #tpu.memory_space<vmem_shared>>
      tpu.wait_dma2 semaphore(%run_scoped3A : memref<!tpu.dma_semaphore, #tpu.memory_space<semaphore_mem>>) src(%arg13 : memref<128x64xf32, #tpu.memory_space<vmem>>) dst(%dma_wait3A_151 : memref<128x64xf32, #tpu.memory_space<vmem_shared>>)
      tpu.yield
    }) : () -> ()
    %add3A_80 = arith.constant 640 : i32
    %add3A_81 = arith.addi %mul3A_4, %add3A_80 : i32
    "tpu.region"() ({
      %run_scoped3A = tpu.sem_alloc : memref<!tpu.dma_semaphore, #tpu.memory_space<semaphore_mem>>
      %dma_start3A_144 = arith.constant 0 : i32
      %dma_start3A_145 = tpu.memref_slice %arg14[%add3A_81, %dma_start3A_144] : memref<20480x64xf32, #tpu.memory_space<vmem_shared>> -> memref<128x64xf32, #tpu.memory_space<vmem_shared>>
      %dma_start3A_146 = arith.constant 0 : i32
      %dma_start3A_147 = tpu.memref_slice %arg14[%add3A_81, %dma_start3A_146] : memref<20480x64xf32, #tpu.memory_space<vmem_shared>> -> memref<128x64xf32, #tpu.memory_space<vmem_shared>>
      tpu.enqueue_dma source(%arg13 : memref<128x64xf32, #tpu.memory_space<vmem>>) target(%dma_start3A_147 : memref<128x64xf32, #tpu.memory_space<vmem_shared>>) target_semaphore(%run_scoped3A : memref<!tpu.dma_semaphore, #tpu.memory_space<semaphore_mem>>)
      %dma_wait3A_148 = arith.constant 0 : i32
      %dma_wait3A_149 = tpu.memref_slice %arg14[%add3A_81, %dma_wait3A_148] : memref<20480x64xf32, #tpu.memory_space<vmem_shared>> -> memref<128x64xf32, #tpu.memory_space<vmem_shared>>
      %dma_wait3A_150 = arith.constant 0 : i32
      %dma_wait3A_151 = tpu.memref_slice %arg14[%add3A_81, %dma_wait3A_150] : memref<20480x64xf32, #tpu.memory_space<vmem_shared>> -> memref<128x64xf32, #tpu.memory_space<vmem_shared>>
      tpu.wait_dma2 semaphore(%run_scoped3A : memref<!tpu.dma_semaphore, #tpu.memory_space<semaphore_mem>>) src(%arg13 : memref<128x64xf32, #tpu.memory_space<vmem>>) dst(%dma_wait3A_151 : memref<128x64xf32, #tpu.memory_space<vmem_shared>>)
      tpu.yield
    }) : () -> ()
    %add3A_82 = arith.constant 768 : i32
    %add3A_83 = arith.addi %mul3A_4, %add3A_82 : i32
    "tpu.region"() ({
      %run_scoped3A = tpu.sem_alloc : memref<!tpu.dma_semaphore, #tpu.memory_space<semaphore_mem>>
      %dma_start3A_144 = arith.constant 0 : i32
      %dma_start3A_145 = tpu.memref_slice %arg14[%add3A_83, %dma_start3A_144] : memref<20480x64xf32, #tpu.memory_space<vmem_shared>> -> memref<128x64xf32, #tpu.memory_space<vmem_shared>>
      %dma_start3A_146 = arith.constant 0 : i32
      %dma_start3A_147 = tpu.memref_slice %arg14[%add3A_83, %dma_start3A_146] : memref<20480x64xf32, #tpu.memory_space<vmem_shared>> -> memref<128x64xf32, #tpu.memory_space<vmem_shared>>
      tpu.enqueue_dma source(%arg13 : memref<128x64xf32, #tpu.memory_space<vmem>>) target(%dma_start3A_147 : memref<128x64xf32, #tpu.memory_space<vmem_shared>>) target_semaphore(%run_scoped3A : memref<!tpu.dma_semaphore, #tpu.memory_space<semaphore_mem>>)
      %dma_wait3A_148 = arith.constant 0 : i32
      %dma_wait3A_149 = tpu.memref_slice %arg14[%add3A_83, %dma_wait3A_148] : memref<20480x64xf32, #tpu.memory_space<vmem_shared>> -> memref<128x64xf32, #tpu.memory_space<vmem_shared>>
      %dma_wait3A_150 = arith.constant 0 : i32
      %dma_wait3A_151 = tpu.memref_slice %arg14[%add3A_83, %dma_wait3A_150] : memref<20480x64xf32, #tpu.memory_space<vmem_shared>> -> memref<128x64xf32, #tpu.memory_space<vmem_shared>>
      tpu.wait_dma2 semaphore(%run_scoped3A : memref<!tpu.dma_semaphore, #tpu.memory_space<semaphore_mem>>) src(%arg13 : memref<128x64xf32, #tpu.memory_space<vmem>>) dst(%dma_wait3A_151 : memref<128x64xf32, #tpu.memory_space<vmem_shared>>)
      tpu.yield
    }) : () -> ()
    %add3A_84 = arith.constant 896 : i32
    %add3A_85 = arith.addi %mul3A_4, %add3A_84 : i32
    "tpu.region"() ({
      %run_scoped3A = tpu.sem_alloc : memref<!tpu.dma_semaphore, #tpu.memory_space<semaphore_mem>>
      %dma_start3A_144 = arith.constant 0 : i32
      %dma_start3A_145 = tpu.memref_slice %arg14[%add3A_85, %dma_start3A_144] : memref<20480x64xf32, #tpu.memory_space<vmem_shared>> -> memref<128x64xf32, #tpu.memory_space<vmem_shared>>
      %dma_start3A_146 = arith.constant 0 : i32
      %dma_start3A_147 = tpu.memref_slice %arg14[%add3A_85, %dma_start3A_146] : memref<20480x64xf32, #tpu.memory_space<vmem_shared>> -> memref<128x64xf32, #tpu.memory_space<vmem_shared>>
      tpu.enqueue_dma source(%arg13 : memref<128x64xf32, #tpu.memory_space<vmem>>) target(%dma_start3A_147 : memref<128x64xf32, #tpu.memory_space<vmem_shared>>) target_semaphore(%run_scoped3A : memref<!tpu.dma_semaphore, #tpu.memory_space<semaphore_mem>>)
      %dma_wait3A_148 = arith.constant 0 : i32
      %dma_wait3A_149 = tpu.memref_slice %arg14[%add3A_85, %dma_wait3A_148] : memref<20480x64xf32, #tpu.memory_space<vmem_shared>> -> memref<128x64xf32, #tpu.memory_space<vmem_shared>>
      %dma_wait3A_150 = arith.constant 0 : i32
      %dma_wait3A_151 = tpu.memref_slice %arg14[%add3A_85, %dma_wait3A_150] : memref<20480x64xf32, #tpu.memory_space<vmem_shared>> -> memref<128x64xf32, #tpu.memory_space<vmem_shared>>
      tpu.wait_dma2 semaphore(%run_scoped3A : memref<!tpu.dma_semaphore, #tpu.memory_space<semaphore_mem>>) src(%arg13 : memref<128x64xf32, #tpu.memory_space<vmem>>) dst(%dma_wait3A_151 : memref<128x64xf32, #tpu.memory_space<vmem_shared>>)
      tpu.yield
    }) : () -> ()
    %add3A_86 = arith.constant 1024 : i32
    %add3A_87 = arith.addi %mul3A_4, %add3A_86 : i32
    "tpu.region"() ({
      %run_scoped3A = tpu.sem_alloc : memref<!tpu.dma_semaphore, #tpu.memory_space<semaphore_mem>>
      %dma_start3A_144 = arith.constant 0 : i32
      %dma_start3A_145 = tpu.memref_slice %arg14[%add3A_87, %dma_start3A_144] : memref<20480x64xf32, #tpu.memory_space<vmem_shared>> -> memref<128x64xf32, #tpu.memory_space<vmem_shared>>
      %dma_start3A_146 = arith.constant 0 : i32
      %dma_start3A_147 = tpu.memref_slice %arg14[%add3A_87, %dma_start3A_146] : memref<20480x64xf32, #tpu.memory_space<vmem_shared>> -> memref<128x64xf32, #tpu.memory_space<vmem_shared>>
      tpu.enqueue_dma source(%arg13 : memref<128x64xf32, #tpu.memory_space<vmem>>) target(%dma_start3A_147 : memref<128x64xf32, #tpu.memory_space<vmem_shared>>) target_semaphore(%run_scoped3A : memref<!tpu.dma_semaphore, #tpu.memory_space<semaphore_mem>>)
      %dma_wait3A_148 = arith.constant 0 : i32
      %dma_wait3A_149 = tpu.memref_slice %arg14[%add3A_87, %dma_wait3A_148] : memref<20480x64xf32, #tpu.memory_space<vmem_shared>> -> memref<128x64xf32, #tpu.memory_space<vmem_shared>>
      %dma_wait3A_150 = arith.constant 0 : i32
      %dma_wait3A_151 = tpu.memref_slice %arg14[%add3A_87, %dma_wait3A_150] : memref<20480x64xf32, #tpu.memory_space<vmem_shared>> -> memref<128x64xf32, #tpu.memory_space<vmem_shared>>
      tpu.wait_dma2 semaphore(%run_scoped3A : memref<!tpu.dma_semaphore, #tpu.memory_space<semaphore_mem>>) src(%arg13 : memref<128x64xf32, #tpu.memory_space<vmem>>) dst(%dma_wait3A_151 : memref<128x64xf32, #tpu.memory_space<vmem_shared>>)
      tpu.yield
    }) : () -> ()
    %add3A_88 = arith.constant 1152 : i32
    %add3A_89 = arith.addi %mul3A_4, %add3A_88 : i32
    "tpu.region"() ({
      %run_scoped3A = tpu.sem_alloc : memref<!tpu.dma_semaphore, #tpu.memory_space<semaphore_mem>>
      %dma_start3A_144 = arith.constant 0 : i32
      %dma_start3A_145 = tpu.memref_slice %arg14[%add3A_89, %dma_start3A_144] : memref<20480x64xf32, #tpu.memory_space<vmem_shared>> -> memref<128x64xf32, #tpu.memory_space<vmem_shared>>
      %dma_start3A_146 = arith.constant 0 : i32
      %dma_start3A_147 = tpu.memref_slice %arg14[%add3A_89, %dma_start3A_146] : memref<20480x64xf32, #tpu.memory_space<vmem_shared>> -> memref<128x64xf32, #tpu.memory_space<vmem_shared>>
      tpu.enqueue_dma source(%arg13 : memref<128x64xf32, #tpu.memory_space<vmem>>) target(%dma_start3A_147 : memref<128x64xf32, #tpu.memory_space<vmem_shared>>) target_semaphore(%run_scoped3A : memref<!tpu.dma_semaphore, #tpu.memory_space<semaphore_mem>>)
      %dma_wait3A_148 = arith.constant 0 : i32
      %dma_wait3A_149 = tpu.memref_slice %arg14[%add3A_89, %dma_wait3A_148] : memref<20480x64xf32, #tpu.memory_space<vmem_shared>> -> memref<128x64xf32, #tpu.memory_space<vmem_shared>>
      %dma_wait3A_150 = arith.constant 0 : i32
      %dma_wait3A_151 = tpu.memref_slice %arg14[%add3A_89, %dma_wait3A_150] : memref<20480x64xf32, #tpu.memory_space<vmem_shared>> -> memref<128x64xf32, #tpu.memory_space<vmem_shared>>
      tpu.wait_dma2 semaphore(%run_scoped3A : memref<!tpu.dma_semaphore, #tpu.memory_space<semaphore_mem>>) src(%arg13 : memref<128x64xf32, #tpu.memory_space<vmem>>) dst(%dma_wait3A_151 : memref<128x64xf32, #tpu.memory_space<vmem_shared>>)
      tpu.yield
    }) : () -> ()
    %barrier3A_90 = arith.constant 0 : index
    tpu.barrier barrier_id(%barrier3A_90)
    %dma_start3A_91 = arith.constant 0 : i32
    %dma_start3A_92 = arith.constant 0 : i32
    %dma_start3A_93 = tpu.memref_slice %arg9[%dma_start3A_91, %dma_start3A_92] : memref<89x128xi32, #tpu.memory_space<vmem>> -> memref<1x128xi32, #tpu.memory_space<vmem>>
    %dma_start3A_94 = tpu.memref_squeeze %dma_start3A_93 : memref<1x128xi32, #tpu.memory_space<vmem>> -> memref<128xi32, #tpu.memory_space<vmem>>
    %dma_start3A_95 = arith.constant 0 : i32
    %dma_start3A_96 = arith.constant 0 : i32
    %dma_start3A_97 = tpu.memref_slice %arg3[%dma_start3A_95, %dma_start3A_96] : memref<10752x64xf32, #tpu.memory_space<hbm>> -> memref<10752x64xf32, #tpu.memory_space<hbm>>
    tpu.enqueue_indirect_dma source(%dma_start3A_97 : memref<10752x64xf32, #tpu.memory_space<hbm>>) target(%arg11 : memref<128x64xf32, #tpu.memory_space<vmem>>) offsets(%dma_start3A_94 : memref<128xi32, #tpu.memory_space<vmem>>) semaphore(%arg15 : memref<!tpu.dma_semaphore, #tpu.memory_space<semaphore_mem>>)
    %sub3A_98 = arith.constant 1 : i32
    %sub3A_99 = arith.subi %select_n3A, %sub3A_98 : i32
    %jit3A_100 = arith.constant 2 : i32
    %div3A_101 = arith.divsi %sub3A_99, %jit3A_100 : i32
    %sign3A_102 = arith.constant 0 : i32
    %sign3A_103 = arith.cmpi sgt, %sub3A_99, %sign3A_102 : i32
    %sign3A_104 = arith.extui %sign3A_103 : i1 to i32
    %sign3A_105 = arith.constant 0 : i32
    %sign3A_106 = arith.cmpi slt, %sub3A_99, %sign3A_105 : i32
    %sign3A_107 = arith.extui %sign3A_106 : i1 to i32
    %sign3A_108 = arith.subi %sign3A_104, %sign3A_107 : i32
    %sign3A_109 = arith.constant 0 : i32
    %sign3A_110 = arith.cmpi sgt, %jit3A_100, %sign3A_109 : i32
    %sign3A_111 = arith.extui %sign3A_110 : i1 to i32
    %sign3A_112 = arith.constant 0 : i32
    %sign3A_113 = arith.cmpi slt, %jit3A_100, %sign3A_112 : i32
    %sign3A_114 = arith.extui %sign3A_113 : i1 to i32
    %sign3A_115 = arith.subi %sign3A_111, %sign3A_114 : i32
    %ne3A_116 = arith.cmpi ne, %sign3A_108, %sign3A_115 : i32
    %rem3A_117 = arith.remsi %sub3A_99, %jit3A_100 : i32
    %ne3A_118 = arith.constant 0 : i32
    %ne3A_119 = arith.cmpi ne, %rem3A_117, %ne3A_118 : i32
    %and3A_120 = arith.andi %ne3A_116, %ne3A_119 : i1
    %sub3A_121 = arith.constant 1 : i32
    %sub3A_122 = arith.subi %div3A_101, %sub3A_121 : i32
    %select_n3A_123 = arith.select %and3A_120, %sub3A_122, %div3A_101 : i32
    %while3A_124 = arith.constant 0 : i32
    %while3A_125 = arith.constant 0 : i32
    %while3A_126 = arith.subi %select_n3A_123, %while3A_125 : i32
    %while3A_127 = arith.addi %while3A_125, %while3A_126 : i32
    %while3A_128 = arith.constant 1 : i32
    %while3A_129 = arith.divsi %while3A_126, %while3A_128 : i32
    %while3A_130 = arith.muli %while3A_129, %while3A_128 : i32
    %while3A_131 = arith.addi %while3A_125, %while3A_130 : i32
    %while3A_132 = arith.constant 1 : i32
    scf.for %while3A_144 = %while3A_125 to %while3A_131 step %while3A_132  : i32 {
      %mul3A_145 = arith.constant 2 : i32
      %mul3A_146 = arith.muli %mul3A_145, %while3A_144 : i32
      %add3A_147 = arith.constant 1 : i32
      %add3A_148 = arith.addi %mul3A_146, %add3A_147 : i32
      %dma_start3A_149 = arith.constant 0 : i32
      %dma_start3A_150 = tpu.memref_slice %arg9[%add3A_148, %dma_start3A_149] : memref<89x128xi32, #tpu.memory_space<vmem>> -> memref<1x128xi32, #tpu.memory_space<vmem>>
      %dma_start3A_151 = tpu.memref_squeeze %dma_start3A_150 : memref<1x128xi32, #tpu.memory_space<vmem>> -> memref<128xi32, #tpu.memory_space<vmem>>
      %dma_start3A_152 = arith.constant 0 : i32
      %dma_start3A_153 = arith.constant 0 : i32
      %dma_start3A_154 = tpu.memref_slice %arg3[%dma_start3A_152, %dma_start3A_153] : memref<10752x64xf32, #tpu.memory_space<hbm>> -> memref<10752x64xf32, #tpu.memory_space<hbm>>
      tpu.enqueue_indirect_dma source(%dma_start3A_154 : memref<10752x64xf32, #tpu.memory_space<hbm>>) target(%arg12 : memref<128x64xf32, #tpu.memory_space<vmem>>) offsets(%dma_start3A_151 : memref<128xi32, #tpu.memory_space<vmem>>) semaphore(%arg16 : memref<!tpu.dma_semaphore, #tpu.memory_space<semaphore_mem>>)
      %dma_wait3A_155 = arith.constant 0 : i32
      %dma_wait3A_156 = arith.constant 0 : i32
      %dma_wait3A_157 = tpu.memref_slice %arg9[%dma_wait3A_155, %dma_wait3A_156] : memref<89x128xi32, #tpu.memory_space<vmem>> -> memref<1x128xi32, #tpu.memory_space<vmem>>
      %dma_wait3A_158 = tpu.memref_squeeze %dma_wait3A_157 : memref<1x128xi32, #tpu.memory_space<vmem>> -> memref<128xi32, #tpu.memory_space<vmem>>
      %dma_wait3A_159 = arith.constant 0 : i32
      %dma_wait3A_160 = arith.constant 0 : i32
      %dma_wait3A_161 = tpu.memref_slice %arg3[%dma_wait3A_159, %dma_wait3A_160] : memref<10752x64xf32, #tpu.memory_space<hbm>> -> memref<10752x64xf32, #tpu.memory_space<hbm>>
      tpu.wait_indirect_dma semaphore(%arg15 : memref<!tpu.dma_semaphore, #tpu.memory_space<semaphore_mem>>) src(%dma_wait3A_161 : memref<10752x64xf32, #tpu.memory_space<hbm>>) dst(%arg11 : memref<128x64xf32, #tpu.memory_space<vmem>>)
      "tpu.region"() ({
        %run_scoped3A = tpu.sem_alloc : memref<!tpu.dma_semaphore, #tpu.memory_space<semaphore_mem>>
        %dma_start3A_179 = arith.constant 0 : i32
        %dma_start3A_180 = tpu.memref_slice %arg10[%mul3A_146, %dma_start3A_179] : memref<89x128xi32, #tpu.memory_space<vmem>> -> memref<1x128xi32, #tpu.memory_space<vmem>>
        %dma_start3A_181 = tpu.memref_squeeze %dma_start3A_180 : memref<1x128xi32, #tpu.memory_space<vmem>> -> memref<128xi32, #tpu.memory_space<vmem>>
        %dma_start3A_182 = arith.constant 0 : i32
        %dma_start3A_183 = arith.constant 0 : i32
        %dma_start3A_184 = tpu.memref_slice %arg14[%dma_start3A_182, %dma_start3A_183] : memref<20480x64xf32, #tpu.memory_space<vmem_shared>> -> memref<20480x64xf32, #tpu.memory_space<vmem_shared>>
        tpu.enqueue_indirect_dma source(%arg11 : memref<128x64xf32, #tpu.memory_space<vmem>>) target(%dma_start3A_184 : memref<20480x64xf32, #tpu.memory_space<vmem_shared>>) offsets(%dma_start3A_181 : memref<128xi32, #tpu.memory_space<vmem>>) semaphore(%run_scoped3A : memref<!tpu.dma_semaphore, #tpu.memory_space<semaphore_mem>>) {add = true}
        %dma_wait3A_185 = arith.constant 0 : i32
        %dma_wait3A_186 = tpu.memref_slice %arg10[%mul3A_146, %dma_wait3A_185] : memref<89x128xi32, #tpu.memory_space<vmem>> -> memref<1x128xi32, #tpu.memory_space<vmem>>
        %dma_wait3A_187 = tpu.memref_squeeze %dma_wait3A_186 : memref<1x128xi32, #tpu.memory_space<vmem>> -> memref<128xi32, #tpu.memory_space<vmem>>
        %dma_wait3A_188 = arith.constant 0 : i32
        %dma_wait3A_189 = arith.constant 0 : i32
        %dma_wait3A_190 = tpu.memref_slice %arg14[%dma_wait3A_188, %dma_wait3A_189] : memref<20480x64xf32, #tpu.memory_space<vmem_shared>> -> memref<20480x64xf32, #tpu.memory_space<vmem_shared>>
        tpu.wait_indirect_dma semaphore(%run_scoped3A : memref<!tpu.dma_semaphore, #tpu.memory_space<semaphore_mem>>) src(%arg11 : memref<128x64xf32, #tpu.memory_space<vmem>>) dst(%dma_wait3A_190 : memref<20480x64xf32, #tpu.memory_space<vmem_shared>>)
        tpu.yield
      }) : () -> ()
      %add3A_162 = arith.constant 2 : i32
      %add3A_163 = arith.addi %mul3A_146, %add3A_162 : i32
      %dma_start3A_164 = arith.constant 0 : i32
      %dma_start3A_165 = tpu.memref_slice %arg9[%add3A_163, %dma_start3A_164] : memref<89x128xi32, #tpu.memory_space<vmem>> -> memref<1x128xi32, #tpu.memory_space<vmem>>
      %dma_start3A_166 = tpu.memref_squeeze %dma_start3A_165 : memref<1x128xi32, #tpu.memory_space<vmem>> -> memref<128xi32, #tpu.memory_space<vmem>>
      %dma_start3A_167 = arith.constant 0 : i32
      %dma_start3A_168 = arith.constant 0 : i32
      %dma_start3A_169 = tpu.memref_slice %arg3[%dma_start3A_167, %dma_start3A_168] : memref<10752x64xf32, #tpu.memory_space<hbm>> -> memref<10752x64xf32, #tpu.memory_space<hbm>>
      tpu.enqueue_indirect_dma source(%dma_start3A_169 : memref<10752x64xf32, #tpu.memory_space<hbm>>) target(%arg11 : memref<128x64xf32, #tpu.memory_space<vmem>>) offsets(%dma_start3A_166 : memref<128xi32, #tpu.memory_space<vmem>>) semaphore(%arg15 : memref<!tpu.dma_semaphore, #tpu.memory_space<semaphore_mem>>)
      %dma_wait3A_170 = arith.constant 0 : i32
      %dma_wait3A_171 = arith.constant 0 : i32
      %dma_wait3A_172 = tpu.memref_slice %arg9[%dma_wait3A_170, %dma_wait3A_171] : memref<89x128xi32, #tpu.memory_space<vmem>> -> memref<1x128xi32, #tpu.memory_space<vmem>>
      %dma_wait3A_173 = tpu.memref_squeeze %dma_wait3A_172 : memref<1x128xi32, #tpu.memory_space<vmem>> -> memref<128xi32, #tpu.memory_space<vmem>>
      %dma_wait3A_174 = arith.constant 0 : i32
      %dma_wait3A_175 = arith.constant 0 : i32
      %dma_wait3A_176 = tpu.memref_slice %arg3[%dma_wait3A_174, %dma_wait3A_175] : memref<10752x64xf32, #tpu.memory_space<hbm>> -> memref<10752x64xf32, #tpu.memory_space<hbm>>
      tpu.wait_indirect_dma semaphore(%arg16 : memref<!tpu.dma_semaphore, #tpu.memory_space<semaphore_mem>>) src(%dma_wait3A_176 : memref<10752x64xf32, #tpu.memory_space<hbm>>) dst(%arg12 : memref<128x64xf32, #tpu.memory_space<vmem>>)
      %add3A_177 = arith.constant 1 : i32
      %add3A_178 = arith.addi %mul3A_146, %add3A_177 : i32
      "tpu.region"() ({
        %run_scoped3A = tpu.sem_alloc : memref<!tpu.dma_semaphore, #tpu.memory_space<semaphore_mem>>
        %dma_start3A_179 = arith.constant 0 : i32
        %dma_start3A_180 = tpu.memref_slice %arg10[%add3A_178, %dma_start3A_179] : memref<89x128xi32, #tpu.memory_space<vmem>> -> memref<1x128xi32, #tpu.memory_space<vmem>>
        %dma_start3A_181 = tpu.memref_squeeze %dma_start3A_180 : memref<1x128xi32, #tpu.memory_space<vmem>> -> memref<128xi32, #tpu.memory_space<vmem>>
        %dma_start3A_182 = arith.constant 0 : i32
        %dma_start3A_183 = arith.constant 0 : i32
        %dma_start3A_184 = tpu.memref_slice %arg14[%dma_start3A_182, %dma_start3A_183] : memref<20480x64xf32, #tpu.memory_space<vmem_shared>> -> memref<20480x64xf32, #tpu.memory_space<vmem_shared>>
        tpu.enqueue_indirect_dma source(%arg12 : memref<128x64xf32, #tpu.memory_space<vmem>>) target(%dma_start3A_184 : memref<20480x64xf32, #tpu.memory_space<vmem_shared>>) offsets(%dma_start3A_181 : memref<128xi32, #tpu.memory_space<vmem>>) semaphore(%run_scoped3A : memref<!tpu.dma_semaphore, #tpu.memory_space<semaphore_mem>>) {add = true}
        %dma_wait3A_185 = arith.constant 0 : i32
        %dma_wait3A_186 = tpu.memref_slice %arg10[%add3A_178, %dma_wait3A_185] : memref<89x128xi32, #tpu.memory_space<vmem>> -> memref<1x128xi32, #tpu.memory_space<vmem>>
        %dma_wait3A_187 = tpu.memref_squeeze %dma_wait3A_186 : memref<1x128xi32, #tpu.memory_space<vmem>> -> memref<128xi32, #tpu.memory_space<vmem>>
        %dma_wait3A_188 = arith.constant 0 : i32
        %dma_wait3A_189 = arith.constant 0 : i32
        %dma_wait3A_190 = tpu.memref_slice %arg14[%dma_wait3A_188, %dma_wait3A_189] : memref<20480x64xf32, #tpu.memory_space<vmem_shared>> -> memref<20480x64xf32, #tpu.memory_space<vmem_shared>>
        tpu.wait_indirect_dma semaphore(%run_scoped3A : memref<!tpu.dma_semaphore, #tpu.memory_space<semaphore_mem>>) src(%arg12 : memref<128x64xf32, #tpu.memory_space<vmem>>) dst(%dma_wait3A_190 : memref<20480x64xf32, #tpu.memory_space<vmem_shared>>)
        tpu.yield
      }) : () -> ()
    }
    %while3A_133 = arith.constant 1 : i32
    scf.for %while3A_144 = %while3A_131 to %while3A_127 step %while3A_133  : i32 {
      %mul3A_145 = arith.constant 2 : i32
      %mul3A_146 = arith.muli %mul3A_145, %while3A_144 : i32
      %add3A_147 = arith.constant 1 : i32
      %add3A_148 = arith.addi %mul3A_146, %add3A_147 : i32
      %dma_start3A_149 = arith.constant 0 : i32
      %dma_start3A_150 = tpu.memref_slice %arg9[%add3A_148, %dma_start3A_149] : memref<89x128xi32, #tpu.memory_space<vmem>> -> memref<1x128xi32, #tpu.memory_space<vmem>>
      %dma_start3A_151 = tpu.memref_squeeze %dma_start3A_150 : memref<1x128xi32, #tpu.memory_space<vmem>> -> memref<128xi32, #tpu.memory_space<vmem>>
      %dma_start3A_152 = arith.constant 0 : i32
      %dma_start3A_153 = arith.constant 0 : i32
      %dma_start3A_154 = tpu.memref_slice %arg3[%dma_start3A_152, %dma_start3A_153] : memref<10752x64xf32, #tpu.memory_space<hbm>> -> memref<10752x64xf32, #tpu.memory_space<hbm>>
      tpu.enqueue_indirect_dma source(%dma_start3A_154 : memref<10752x64xf32, #tpu.memory_space<hbm>>) target(%arg12 : memref<128x64xf32, #tpu.memory_space<vmem>>) offsets(%dma_start3A_151 : memref<128xi32, #tpu.memory_space<vmem>>) semaphore(%arg16 : memref<!tpu.dma_semaphore, #tpu.memory_space<semaphore_mem>>)
      %dma_wait3A_155 = arith.constant 0 : i32
      %dma_wait3A_156 = arith.constant 0 : i32
      %dma_wait3A_157 = tpu.memref_slice %arg9[%dma_wait3A_155, %dma_wait3A_156] : memref<89x128xi32, #tpu.memory_space<vmem>> -> memref<1x128xi32, #tpu.memory_space<vmem>>
      %dma_wait3A_158 = tpu.memref_squeeze %dma_wait3A_157 : memref<1x128xi32, #tpu.memory_space<vmem>> -> memref<128xi32, #tpu.memory_space<vmem>>
      %dma_wait3A_159 = arith.constant 0 : i32
      %dma_wait3A_160 = arith.constant 0 : i32
      %dma_wait3A_161 = tpu.memref_slice %arg3[%dma_wait3A_159, %dma_wait3A_160] : memref<10752x64xf32, #tpu.memory_space<hbm>> -> memref<10752x64xf32, #tpu.memory_space<hbm>>
      tpu.wait_indirect_dma semaphore(%arg15 : memref<!tpu.dma_semaphore, #tpu.memory_space<semaphore_mem>>) src(%dma_wait3A_161 : memref<10752x64xf32, #tpu.memory_space<hbm>>) dst(%arg11 : memref<128x64xf32, #tpu.memory_space<vmem>>)
      "tpu.region"() ({
        %run_scoped3A = tpu.sem_alloc : memref<!tpu.dma_semaphore, #tpu.memory_space<semaphore_mem>>
        %dma_start3A_179 = arith.constant 0 : i32
        %dma_start3A_180 = tpu.memref_slice %arg10[%mul3A_146, %dma_start3A_179] : memref<89x128xi32, #tpu.memory_space<vmem>> -> memref<1x128xi32, #tpu.memory_space<vmem>>
        %dma_start3A_181 = tpu.memref_squeeze %dma_start3A_180 : memref<1x128xi32, #tpu.memory_space<vmem>> -> memref<128xi32, #tpu.memory_space<vmem>>
        %dma_start3A_182 = arith.constant 0 : i32
        %dma_start3A_183 = arith.constant 0 : i32
        %dma_start3A_184 = tpu.memref_slice %arg14[%dma_start3A_182, %dma_start3A_183] : memref<20480x64xf32, #tpu.memory_space<vmem_shared>> -> memref<20480x64xf32, #tpu.memory_space<vmem_shared>>
        tpu.enqueue_indirect_dma source(%arg11 : memref<128x64xf32, #tpu.memory_space<vmem>>) target(%dma_start3A_184 : memref<20480x64xf32, #tpu.memory_space<vmem_shared>>) offsets(%dma_start3A_181 : memref<128xi32, #tpu.memory_space<vmem>>) semaphore(%run_scoped3A : memref<!tpu.dma_semaphore, #tpu.memory_space<semaphore_mem>>) {add = true}
        %dma_wait3A_185 = arith.constant 0 : i32
        %dma_wait3A_186 = tpu.memref_slice %arg10[%mul3A_146, %dma_wait3A_185] : memref<89x128xi32, #tpu.memory_space<vmem>> -> memref<1x128xi32, #tpu.memory_space<vmem>>
        %dma_wait3A_187 = tpu.memref_squeeze %dma_wait3A_186 : memref<1x128xi32, #tpu.memory_space<vmem>> -> memref<128xi32, #tpu.memory_space<vmem>>
        %dma_wait3A_188 = arith.constant 0 : i32
        %dma_wait3A_189 = arith.constant 0 : i32
        %dma_wait3A_190 = tpu.memref_slice %arg14[%dma_wait3A_188, %dma_wait3A_189] : memref<20480x64xf32, #tpu.memory_space<vmem_shared>> -> memref<20480x64xf32, #tpu.memory_space<vmem_shared>>
        tpu.wait_indirect_dma semaphore(%run_scoped3A : memref<!tpu.dma_semaphore, #tpu.memory_space<semaphore_mem>>) src(%arg11 : memref<128x64xf32, #tpu.memory_space<vmem>>) dst(%dma_wait3A_190 : memref<20480x64xf32, #tpu.memory_space<vmem_shared>>)
        tpu.yield
      }) : () -> ()
      %add3A_162 = arith.constant 2 : i32
      %add3A_163 = arith.addi %mul3A_146, %add3A_162 : i32
      %dma_start3A_164 = arith.constant 0 : i32
      %dma_start3A_165 = tpu.memref_slice %arg9[%add3A_163, %dma_start3A_164] : memref<89x128xi32, #tpu.memory_space<vmem>> -> memref<1x128xi32, #tpu.memory_space<vmem>>
      %dma_start3A_166 = tpu.memref_squeeze %dma_start3A_165 : memref<1x128xi32, #tpu.memory_space<vmem>> -> memref<128xi32, #tpu.memory_space<vmem>>
      %dma_start3A_167 = arith.constant 0 : i32
      %dma_start3A_168 = arith.constant 0 : i32
      %dma_start3A_169 = tpu.memref_slice %arg3[%dma_start3A_167, %dma_start3A_168] : memref<10752x64xf32, #tpu.memory_space<hbm>> -> memref<10752x64xf32, #tpu.memory_space<hbm>>
      tpu.enqueue_indirect_dma source(%dma_start3A_169 : memref<10752x64xf32, #tpu.memory_space<hbm>>) target(%arg11 : memref<128x64xf32, #tpu.memory_space<vmem>>) offsets(%dma_start3A_166 : memref<128xi32, #tpu.memory_space<vmem>>) semaphore(%arg15 : memref<!tpu.dma_semaphore, #tpu.memory_space<semaphore_mem>>)
      %dma_wait3A_170 = arith.constant 0 : i32
      %dma_wait3A_171 = arith.constant 0 : i32
      %dma_wait3A_172 = tpu.memref_slice %arg9[%dma_wait3A_170, %dma_wait3A_171] : memref<89x128xi32, #tpu.memory_space<vmem>> -> memref<1x128xi32, #tpu.memory_space<vmem>>
      %dma_wait3A_173 = tpu.memref_squeeze %dma_wait3A_172 : memref<1x128xi32, #tpu.memory_space<vmem>> -> memref<128xi32, #tpu.memory_space<vmem>>
      %dma_wait3A_174 = arith.constant 0 : i32
      %dma_wait3A_175 = arith.constant 0 : i32
      %dma_wait3A_176 = tpu.memref_slice %arg3[%dma_wait3A_174, %dma_wait3A_175] : memref<10752x64xf32, #tpu.memory_space<hbm>> -> memref<10752x64xf32, #tpu.memory_space<hbm>>
      tpu.wait_indirect_dma semaphore(%arg16 : memref<!tpu.dma_semaphore, #tpu.memory_space<semaphore_mem>>) src(%dma_wait3A_176 : memref<10752x64xf32, #tpu.memory_space<hbm>>) dst(%arg12 : memref<128x64xf32, #tpu.memory_space<vmem>>)
      %add3A_177 = arith.constant 1 : i32
      %add3A_178 = arith.addi %mul3A_146, %add3A_177 : i32
      "tpu.region"() ({
        %run_scoped3A = tpu.sem_alloc : memref<!tpu.dma_semaphore, #tpu.memory_space<semaphore_mem>>
        %dma_start3A_179 = arith.constant 0 : i32
        %dma_start3A_180 = tpu.memref_slice %arg10[%add3A_178, %dma_start3A_179] : memref<89x128xi32, #tpu.memory_space<vmem>> -> memref<1x128xi32, #tpu.memory_space<vmem>>
        %dma_start3A_181 = tpu.memref_squeeze %dma_start3A_180 : memref<1x128xi32, #tpu.memory_space<vmem>> -> memref<128xi32, #tpu.memory_space<vmem>>
        %dma_start3A_182 = arith.constant 0 : i32
        %dma_start3A_183 = arith.constant 0 : i32
        %dma_start3A_184 = tpu.memref_slice %arg14[%dma_start3A_182, %dma_start3A_183] : memref<20480x64xf32, #tpu.memory_space<vmem_shared>> -> memref<20480x64xf32, #tpu.memory_space<vmem_shared>>
        tpu.enqueue_indirect_dma source(%arg12 : memref<128x64xf32, #tpu.memory_space<vmem>>) target(%dma_start3A_184 : memref<20480x64xf32, #tpu.memory_space<vmem_shared>>) offsets(%dma_start3A_181 : memref<128xi32, #tpu.memory_space<vmem>>) semaphore(%run_scoped3A : memref<!tpu.dma_semaphore, #tpu.memory_space<semaphore_mem>>) {add = true}
        %dma_wait3A_185 = arith.constant 0 : i32
        %dma_wait3A_186 = tpu.memref_slice %arg10[%add3A_178, %dma_wait3A_185] : memref<89x128xi32, #tpu.memory_space<vmem>> -> memref<1x128xi32, #tpu.memory_space<vmem>>
        %dma_wait3A_187 = tpu.memref_squeeze %dma_wait3A_186 : memref<1x128xi32, #tpu.memory_space<vmem>> -> memref<128xi32, #tpu.memory_space<vmem>>
        %dma_wait3A_188 = arith.constant 0 : i32
        %dma_wait3A_189 = arith.constant 0 : i32
        %dma_wait3A_190 = tpu.memref_slice %arg14[%dma_wait3A_188, %dma_wait3A_189] : memref<20480x64xf32, #tpu.memory_space<vmem_shared>> -> memref<20480x64xf32, #tpu.memory_space<vmem_shared>>
        tpu.wait_indirect_dma semaphore(%run_scoped3A : memref<!tpu.dma_semaphore, #tpu.memory_space<semaphore_mem>>) src(%arg12 : memref<128x64xf32, #tpu.memory_space<vmem>>) dst(%dma_wait3A_190 : memref<20480x64xf32, #tpu.memory_space<vmem_shared>>)
        tpu.yield
      }) : () -> ()
    }
    %dma_wait3A_134 = arith.constant 0 : i32
    %dma_wait3A_135 = arith.constant 0 : i32
    %dma_wait3A_136 = tpu.memref_slice %arg9[%dma_wait3A_134, %dma_wait3A_135] : memref<89x128xi32, #tpu.memory_space<vmem>> -> memref<1x128xi32, #tpu.memory_space<vmem>>
    %dma_wait3A_137 = tpu.memref_squeeze %dma_wait3A_136 : memref<1x128xi32, #tpu.memory_space<vmem>> -> memref<128xi32, #tpu.memory_space<vmem>>
    %dma_wait3A_138 = arith.constant 0 : i32
    %dma_wait3A_139 = arith.constant 0 : i32
    %dma_wait3A_140 = tpu.memref_slice %arg3[%dma_wait3A_138, %dma_wait3A_139] : memref<10752x64xf32, #tpu.memory_space<hbm>> -> memref<10752x64xf32, #tpu.memory_space<hbm>>
    tpu.wait_indirect_dma semaphore(%arg15 : memref<!tpu.dma_semaphore, #tpu.memory_space<semaphore_mem>>) src(%dma_wait3A_140 : memref<10752x64xf32, #tpu.memory_space<hbm>>) dst(%arg11 : memref<128x64xf32, #tpu.memory_space<vmem>>)
    %sub3A_141 = arith.constant 1 : i32
    %sub3A_142 = arith.subi %select_n3A, %sub3A_141 : i32
    "tpu.region"() ({
      %run_scoped3A = tpu.sem_alloc : memref<!tpu.dma_semaphore, #tpu.memory_space<semaphore_mem>>
      %dma_start3A_144 = arith.constant 0 : i32
      %dma_start3A_145 = tpu.memref_slice %arg10[%sub3A_142, %dma_start3A_144] : memref<89x128xi32, #tpu.memory_space<vmem>> -> memref<1x128xi32, #tpu.memory_space<vmem>>
      %dma_start3A_146 = tpu.memref_squeeze %dma_start3A_145 : memref<1x128xi32, #tpu.memory_space<vmem>> -> memref<128xi32, #tpu.memory_space<vmem>>
      %dma_start3A_147 = arith.constant 0 : i32
      %dma_start3A_148 = arith.constant 0 : i32
      %dma_start3A_149 = tpu.memref_slice %arg14[%dma_start3A_147, %dma_start3A_148] : memref<20480x64xf32, #tpu.memory_space<vmem_shared>> -> memref<20480x64xf32, #tpu.memory_space<vmem_shared>>
      tpu.enqueue_indirect_dma source(%arg11 : memref<128x64xf32, #tpu.memory_space<vmem>>) target(%dma_start3A_149 : memref<20480x64xf32, #tpu.memory_space<vmem_shared>>) offsets(%dma_start3A_146 : memref<128xi32, #tpu.memory_space<vmem>>) semaphore(%run_scoped3A : memref<!tpu.dma_semaphore, #tpu.memory_space<semaphore_mem>>) {add = true}
      %dma_wait3A_150 = arith.constant 0 : i32
      %dma_wait3A_151 = tpu.memref_slice %arg10[%sub3A_142, %dma_wait3A_150] : memref<89x128xi32, #tpu.memory_space<vmem>> -> memref<1x128xi32, #tpu.memory_space<vmem>>
      %dma_wait3A_152 = tpu.memref_squeeze %dma_wait3A_151 : memref<1x128xi32, #tpu.memory_space<vmem>> -> memref<128xi32, #tpu.memory_space<vmem>>
      %dma_wait3A_153 = arith.constant 0 : i32
      %dma_wait3A_154 = arith.constant 0 : i32
      %dma_wait3A_155 = tpu.memref_slice %arg14[%dma_wait3A_153, %dma_wait3A_154] : memref<20480x64xf32, #tpu.memory_space<vmem_shared>> -> memref<20480x64xf32, #tpu.memory_space<vmem_shared>>
      tpu.wait_indirect_dma semaphore(%run_scoped3A : memref<!tpu.dma_semaphore, #tpu.memory_space<semaphore_mem>>) src(%arg11 : memref<128x64xf32, #tpu.memory_space<vmem>>) dst(%dma_wait3A_155 : memref<20480x64xf32, #tpu.memory_space<vmem_shared>>)
      tpu.yield
    }) : () -> ()
    %barrier3A_143 = arith.constant 0 : index
    tpu.barrier barrier_id(%barrier3A_143)
    "tpu.region"() ({
      %run_scoped3A = tpu.sem_alloc : memref<!tpu.dma_semaphore, #tpu.memory_space<semaphore_mem>>
      %dma_start3A_144 = arith.constant 0 : i32
      %dma_start3A_145 = tpu.memref_slice %arg8[%arg0, %mul3A_4, %dma_start3A_144] : memref<2x20480x64xf32, #tpu.memory_space<hbm>> -> memref<1x1280x64xf32, #tpu.memory_space<hbm>>
      %dma_start3A_146 = tpu.memref_squeeze %dma_start3A_145 : memref<1x1280x64xf32, #tpu.memory_space<hbm>> -> memref<1280x64xf32, #tpu.memory_space<hbm>>
      %dma_start3A_147 = arith.constant 0 : i32
      %dma_start3A_148 = tpu.memref_slice %arg14[%mul3A_4, %dma_start3A_147] : memref<20480x64xf32, #tpu.memory_space<vmem_shared>> -> memref<1280x64xf32, #tpu.memory_space<vmem_shared>>
      tpu.enqueue_dma source(%dma_start3A_148 : memref<1280x64xf32, #tpu.memory_space<vmem_shared>>) target(%dma_start3A_146 : memref<1280x64xf32, #tpu.memory_space<hbm>>) target_semaphore(%run_scoped3A : memref<!tpu.dma_semaphore, #tpu.memory_space<semaphore_mem>>)
      %dma_wait3A_149 = arith.constant 0 : i32
      %dma_wait3A_150 = tpu.memref_slice %arg8[%arg0, %mul3A_4, %dma_wait3A_149] : memref<2x20480x64xf32, #tpu.memory_space<hbm>> -> memref<1x1280x64xf32, #tpu.memory_space<hbm>>
      %dma_wait3A_151 = tpu.memref_squeeze %dma_wait3A_150 : memref<1x1280x64xf32, #tpu.memory_space<hbm>> -> memref<1280x64xf32, #tpu.memory_space<hbm>>
      %dma_wait3A_152 = arith.constant 0 : i32
      %dma_wait3A_153 = tpu.memref_slice %arg14[%mul3A_4, %dma_wait3A_152] : memref<20480x64xf32, #tpu.memory_space<vmem_shared>> -> memref<1280x64xf32, #tpu.memory_space<vmem_shared>>
      tpu.wait_dma2 semaphore(%run_scoped3A : memref<!tpu.dma_semaphore, #tpu.memory_space<semaphore_mem>>) src(%dma_wait3A_153 : memref<1280x64xf32, #tpu.memory_space<vmem_shared>>) dst(%dma_wait3A_151 : memref<1280x64xf32, #tpu.memory_space<hbm>>)
      tpu.yield
    }) : () -> ()
    return
  }
}

module attributes {stable_mosaic.version = 14 : i64} {
  func.func @_t1_body(%arg0: i32, %arg1: memref<512x64xf32, #tpu.memory_space<vmem>>, %arg2: memref<64x128xf32, #tpu.memory_space<vmem>>, %arg3: memref<1x128xf32, #tpu.memory_space<vmem>>, %arg4: memref<512x64xf32, #tpu.memory_space<vmem>>, %arg5: memref<512x64xf32, #tpu.memory_space<vmem>>) attributes {dimension_semantics = [#tpu.dimension_semantics<arbitrary>], iteration_bounds = array<i64: 21>, scalar_prefetch = 0 : i64, scratch_operands = 0 : i64, tpu.core_type = #tpu.core_type<tc>, window_params = [{transform_indices = @transform_0, window_bounds = array<i64: 512, 64>}, {pipeline_mode = #tpu.pipeline_mode<synchronous>, transform_indices = @transform_1, window_bounds = array<i64: 64, 128>}, {pipeline_mode = #tpu.pipeline_mode<synchronous>, transform_indices = @transform_2, window_bounds = array<i64: 1, 128>}, {transform_indices = @transform_3, window_bounds = array<i64: 512, 64>}, {transform_indices = @transform_4, window_bounds = array<i64: 512, 64>}]} {
    %lt3A = arith.constant 20 : i32
    %lt3A_0 = arith.cmpi slt, %arg0, %lt3A : i32
    %get3A = arith.constant 0 : index
    %get3A_1 = arith.constant 0 : index
    %get3A_2 = vector.load %arg1[%get3A, %get3A_1] : memref<512x64xf32, #tpu.memory_space<vmem>>, vector<512x64xf32>
    %get3A_3 = arith.constant 0 : index
    %get3A_4 = arith.constant 0 : index
    %get3A_5 = vector.load %arg2[%get3A_3, %get3A_4] : memref<64x128xf32, #tpu.memory_space<vmem>>, vector<64x128xf32>
    %dot_general3A = arith.constant dense<0.000000e+00> : vector<512x128xf32>
    %dot_general3A_6 = tpu.matmul %get3A_2, %get3A_5, %dot_general3A {dimension_numbers = #tpu.dot_dimension_numbers<[1], [0], [0], [1], [0, 0, 1, 1], [], []>, transpose_lhs_hint = false} : vector<512x64xf32>, vector<64x128xf32>, vector<512x128xf32> -> vector<512x128xf32>
    %get3A_7 = arith.constant 0 : index
    %get3A_8 = arith.constant 0 : index
    %get3A_9 = vector.load %arg3[%get3A_7, %get3A_8] : memref<1x128xf32, #tpu.memory_space<vmem>>, vector<1x128xf32>
    %add3A = vector.broadcast %get3A_9 : vector<1x128xf32> to vector<512x128xf32>
    %add3A_10 = arith.addf %dot_general3A_6, %add3A : vector<512x128xf32>
    %slice3A = vector.extract_strided_slice %add3A_10 {offsets = [0, 0], sizes = [512, 64], strides = [1, 1]} : vector<512x128xf32> to vector<512x64xf32>
    %jit3A = arith.constant 0.000000e+00 : f32
    %broadcast_in_dim3A = vector.broadcast %jit3A : f32 to vector<512x64xf32>
    %select_n3A = arith.select %lt3A_0, %slice3A, %broadcast_in_dim3A : vector<512x64xf32>
    %swap3A = arith.constant 0 : index
    %swap3A_11 = arith.constant 0 : index
    %swap3A_12 = vector.load %arg4[%swap3A, %swap3A_11] : memref<512x64xf32, #tpu.memory_space<vmem>>, vector<512x64xf32>
    tpu.vector_store %arg4[%swap3A, %swap3A_11], %select_n3A {strides = array<i32>} : memref<512x64xf32, #tpu.memory_space<vmem>>, vector<512x64xf32>,
    %slice3A_13 = vector.extract_strided_slice %add3A_10 {offsets = [0, 64], sizes = [512, 64], strides = [1, 1]} : vector<512x128xf32> to vector<512x64xf32>
    %jit3A_14 = arith.constant 0.000000e+00 : f32
    %broadcast_in_dim3A_15 = vector.broadcast %jit3A_14 : f32 to vector<512x64xf32>
    %select_n3A_16 = arith.select %lt3A_0, %slice3A_13, %broadcast_in_dim3A_15 : vector<512x64xf32>
    %swap3A_17 = arith.constant 0 : index
    %swap3A_18 = arith.constant 0 : index
    %swap3A_19 = vector.load %arg5[%swap3A_17, %swap3A_18] : memref<512x64xf32, #tpu.memory_space<vmem>>, vector<512x64xf32>
    tpu.vector_store %arg5[%swap3A_17, %swap3A_18], %select_n3A_16 {strides = array<i32>} : memref<512x64xf32, #tpu.memory_space<vmem>>, vector<512x64xf32>,
    return
  }
  func.func @transform_0(%arg0: i32) -> (i32, i32) {
    %min3A = arith.constant 19 : i32
    %min3A_0 = arith.minsi %arg0, %min3A : i32
    %c0_i32 = arith.constant 0 : i32
    %c0_i32_1 = arith.constant 0 : i32
    return %min3A_0, %c0_i32 : i32, i32
  }
  func.func @transform_1(%arg0: i32) -> (i32, i32) {
    %c0_i32 = arith.constant 0 : i32
    %c0_i32_0 = arith.constant 0 : i32
    %c0_i32_1 = arith.constant 0 : i32
    return %c0_i32, %c0_i32_0 : i32, i32
  }
  func.func @transform_2(%arg0: i32) -> (i32, i32) {
    %c0_i32 = arith.constant 0 : i32
    %c0_i32_0 = arith.constant 0 : i32
    %c0_i32_1 = arith.constant 0 : i32
    return %c0_i32, %c0_i32_0 : i32, i32
  }
  func.func @transform_3(%arg0: i32) -> (i32, i32) {
    %c0_i32 = arith.constant 0 : i32
    %c0_i32_0 = arith.constant 0 : i32
    return %arg0, %c0_i32 : i32, i32
  }
  func.func @transform_4(%arg0: i32) -> (i32, i32) {
    %c0_i32 = arith.constant 0 : i32
    %c0_i32_0 = arith.constant 0 : i32
    return %arg0, %c0_i32 : i32, i32
  }
}

module attributes {stable_mosaic.version = 14 : i64} {
  func.func @_t2_body(%arg0: i32, %arg1: memref<2x512x64xf32, #tpu.memory_space<vmem>>, %arg2: memref<2x512x64xf32, #tpu.memory_space<vmem>>, %arg3: memref<2x512x64xf32, #tpu.memory_space<vmem>>, %arg4: memref<2x512x64xf32, #tpu.memory_space<vmem>>, %arg5: memref<2x512x16xf32, #tpu.memory_space<vmem>>, %arg6: memref<2x512x16xf32, #tpu.memory_space<vmem>>, %arg7: memref<512x64xf32, #tpu.memory_space<vmem>>, %arg8: memref<512x64xf32, #tpu.memory_space<vmem>>, %arg9: memref<256x64xf32, #tpu.memory_space<vmem>>, %arg10: memref<256x64xf32, #tpu.memory_space<vmem>>, %arg11: memref<1x64xf32, #tpu.memory_space<vmem>>, %arg12: memref<1x64xf32, #tpu.memory_space<vmem>>, %arg13: memref<512x64xf32, #tpu.memory_space<vmem>>, %arg14: memref<512x64xf32, #tpu.memory_space<vmem>>) attributes {dimension_semantics = [#tpu.dimension_semantics<arbitrary>], iteration_bounds = array<i64: 21>, scalar_prefetch = 0 : i64, scratch_operands = 0 : i64, tpu.core_type = #tpu.core_type<tc>, window_params = [{transform_indices = @transform_0, window_bounds = array<i64: 2, 512, 64>}, {transform_indices = @transform_1, window_bounds = array<i64: 2, 512, 64>}, {transform_indices = @transform_2, window_bounds = array<i64: 2, 512, 64>}, {transform_indices = @transform_3, window_bounds = array<i64: 2, 512, 64>}, {transform_indices = @transform_4, window_bounds = array<i64: 2, 512, 16>}, {transform_indices = @transform_5, window_bounds = array<i64: 2, 512, 16>}, {transform_indices = @transform_6, window_bounds = array<i64: 512, 64>}, {transform_indices = @transform_7, window_bounds = array<i64: 512, 64>}, {pipeline_mode = #tpu.pipeline_mode<synchronous>, transform_indices = @transform_8, window_bounds = array<i64: 256, 64>}, {pipeline_mode = #tpu.pipeline_mode<synchronous>, transform_indices = @transform_9, window_bounds = array<i64: 256, 64>}, {pipeline_mode = #tpu.pipeline_mode<synchronous>, transform_indices = @transform_10, window_bounds = array<i64: 1, 64>}, {pipeline_mode = #tpu.pipeline_mode<synchronous>, transform_indices = @transform_11, window_bounds = array<i64: 1, 64>}, {transform_indices = @transform_12, window_bounds = array<i64: 512, 64>}, {transform_indices = @transform_13, window_bounds = array<i64: 512, 64>}]} {
    %lt3A = arith.constant 20 : i32
    %lt3A_0 = arith.cmpi slt, %arg0, %lt3A : i32
    %get3A = arith.constant 0 : index
    %get3A_1 = arith.constant 0 : index
    %get3A_2 = arith.constant 0 : index
    %get3A_3 = vector.load %arg5[%get3A, %get3A_1, %get3A_2] : memref<2x512x16xf32, #tpu.memory_space<vmem>>, vector<1x512x1xf32>
    %get3A_4 = vector.shape_cast %get3A_3 : vector<1x512x1xf32> to vector<512x1xf32>
    %get3A_5 = arith.constant 1 : index
    %get3A_6 = arith.constant 0 : index
    %get3A_7 = arith.constant 0 : index
    %get3A_8 = vector.load %arg5[%get3A_5, %get3A_6, %get3A_7] : memref<2x512x16xf32, #tpu.memory_space<vmem>>, vector<1x512x1xf32>
    %get3A_9 = vector.shape_cast %get3A_8 : vector<1x512x1xf32> to vector<512x1xf32>
    %add3A = arith.addf %get3A_4, %get3A_9 : vector<512x1xf32>
    %max3A = arith.constant 1.000000e+00 : f32
    %max3A_10 = vector.broadcast %max3A : f32 to vector<512x1xf32>
    %max3A_11 = arith.maximumf %add3A, %max3A_10 : vector<512x1xf32>
    %get3A_12 = arith.constant 0 : index
    %get3A_13 = arith.constant 0 : index
    %get3A_14 = arith.constant 0 : index
    %get3A_15 = vector.load %arg6[%get3A_12, %get3A_13, %get3A_14] : memref<2x512x16xf32, #tpu.memory_space<vmem>>, vector<1x512x1xf32>
    %get3A_16 = vector.shape_cast %get3A_15 : vector<1x512x1xf32> to vector<512x1xf32>
    %get3A_17 = arith.constant 1 : index
    %get3A_18 = arith.constant 0 : index
    %get3A_19 = arith.constant 0 : index
    %get3A_20 = vector.load %arg6[%get3A_17, %get3A_18, %get3A_19] : memref<2x512x16xf32, #tpu.memory_space<vmem>>, vector<1x512x1xf32>
    %get3A_21 = vector.shape_cast %get3A_20 : vector<1x512x1xf32> to vector<512x1xf32>
    %add3A_22 = arith.addf %get3A_16, %get3A_21 : vector<512x1xf32>
    %max3A_23 = arith.constant 1.000000e+00 : f32
    %max3A_24 = vector.broadcast %max3A_23 : f32 to vector<512x1xf32>
    %max3A_25 = arith.maximumf %add3A_22, %max3A_24 : vector<512x1xf32>
    %get3A_26 = arith.constant 0 : index
    %get3A_27 = arith.constant 0 : index
    %get3A_28 = vector.load %arg7[%get3A_26, %get3A_27] : memref<512x64xf32, #tpu.memory_space<vmem>>, vector<512x64xf32>
    %get3A_29 = arith.constant 0 : index
    %get3A_30 = arith.constant 0 : index
    %get3A_31 = vector.load %arg8[%get3A_29, %get3A_30] : memref<512x64xf32, #tpu.memory_space<vmem>>, vector<512x64xf32>
    %get3A_32 = arith.constant 0 : index
    %get3A_33 = arith.constant 0 : index
    %get3A_34 = arith.constant 0 : index
    %get3A_35 = vector.load %arg1[%get3A_32, %get3A_33, %get3A_34] : memref<2x512x64xf32, #tpu.memory_space<vmem>>, vector<1x512x64xf32>
    %get3A_36 = vector.shape_cast %get3A_35 : vector<1x512x64xf32> to vector<512x64xf32>
    %get3A_37 = arith.constant 1 : index
    %get3A_38 = arith.constant 0 : index
    %get3A_39 = arith.constant 0 : index
    %get3A_40 = vector.load %arg1[%get3A_37, %get3A_38, %get3A_39] : memref<2x512x64xf32, #tpu.memory_space<vmem>>, vector<1x512x64xf32>
    %get3A_41 = vector.shape_cast %get3A_40 : vector<1x512x64xf32> to vector<512x64xf32>
    %add3A_42 = arith.addf %get3A_36, %get3A_41 : vector<512x64xf32>
    %div3A = vector.broadcast %max3A_11 : vector<512x1xf32> to vector<512x64xf32>
    %div3A_43 = arith.divf %add3A_42, %div3A : vector<512x64xf32>
    %get3A_44 = arith.constant 0 : index
    %get3A_45 = arith.constant 0 : index
    %get3A_46 = arith.constant 0 : index
    %get3A_47 = vector.load %arg3[%get3A_44, %get3A_45, %get3A_46] : memref<2x512x64xf32, #tpu.memory_space<vmem>>, vector<1x512x64xf32>
    %get3A_48 = vector.shape_cast %get3A_47 : vector<1x512x64xf32> to vector<512x64xf32>
    %get3A_49 = arith.constant 1 : index
    %get3A_50 = arith.constant 0 : index
    %get3A_51 = arith.constant 0 : index
    %get3A_52 = vector.load %arg3[%get3A_49, %get3A_50, %get3A_51] : memref<2x512x64xf32, #tpu.memory_space<vmem>>, vector<1x512x64xf32>
    %get3A_53 = vector.shape_cast %get3A_52 : vector<1x512x64xf32> to vector<512x64xf32>
    %add3A_54 = arith.addf %get3A_48, %get3A_53 : vector<512x64xf32>
    %div3A_55 = vector.broadcast %max3A_11 : vector<512x1xf32> to vector<512x64xf32>
    %div3A_56 = arith.divf %add3A_54, %div3A_55 : vector<512x64xf32>
    %concatenate3A = tpu.concatenate %div3A_43, %div3A_56, %get3A_28, %get3A_31 in 1 : vector<512x64xf32>, vector<512x64xf32>, vector<512x64xf32>, vector<512x64xf32> -> vector<512x256xf32>
    %get3A_57 = arith.constant 0 : index
    %get3A_58 = arith.constant 0 : index
    %get3A_59 = arith.constant 0 : index
    %get3A_60 = vector.load %arg2[%get3A_57, %get3A_58, %get3A_59] : memref<2x512x64xf32, #tpu.memory_space<vmem>>, vector<1x512x64xf32>
    %get3A_61 = vector.shape_cast %get3A_60 : vector<1x512x64xf32> to vector<512x64xf32>
    %get3A_62 = arith.constant 1 : index
    %get3A_63 = arith.constant 0 : index
    %get3A_64 = arith.constant 0 : index
    %get3A_65 = vector.load %arg2[%get3A_62, %get3A_63, %get3A_64] : memref<2x512x64xf32, #tpu.memory_space<vmem>>, vector<1x512x64xf32>
    %get3A_66 = vector.shape_cast %get3A_65 : vector<1x512x64xf32> to vector<512x64xf32>
    %add3A_67 = arith.addf %get3A_61, %get3A_66 : vector<512x64xf32>
    %div3A_68 = vector.broadcast %max3A_25 : vector<512x1xf32> to vector<512x64xf32>
    %div3A_69 = arith.divf %add3A_67, %div3A_68 : vector<512x64xf32>
    %get3A_70 = arith.constant 0 : index
    %get3A_71 = arith.constant 0 : index
    %get3A_72 = arith.constant 0 : index
    %get3A_73 = vector.load %arg4[%get3A_70, %get3A_71, %get3A_72] : memref<2x512x64xf32, #tpu.memory_space<vmem>>, vector<1x512x64xf32>
    %get3A_74 = vector.shape_cast %get3A_73 : vector<1x512x64xf32> to vector<512x64xf32>
    %get3A_75 = arith.constant 1 : index
    %get3A_76 = arith.constant 0 : index
    %get3A_77 = arith.constant 0 : index
    %get3A_78 = vector.load %arg4[%get3A_75, %get3A_76, %get3A_77] : memref<2x512x64xf32, #tpu.memory_space<vmem>>, vector<1x512x64xf32>
    %get3A_79 = vector.shape_cast %get3A_78 : vector<1x512x64xf32> to vector<512x64xf32>
    %add3A_80 = arith.addf %get3A_74, %get3A_79 : vector<512x64xf32>
    %div3A_81 = vector.broadcast %max3A_25 : vector<512x1xf32> to vector<512x64xf32>
    %div3A_82 = arith.divf %add3A_80, %div3A_81 : vector<512x64xf32>
    %concatenate3A_83 = tpu.concatenate %div3A_69, %div3A_82, %get3A_28, %get3A_31 in 1 : vector<512x64xf32>, vector<512x64xf32>, vector<512x64xf32>, vector<512x64xf32> -> vector<512x256xf32>
    %get3A_84 = arith.constant 0 : index
    %get3A_85 = arith.constant 0 : index
    %get3A_86 = vector.load %arg9[%get3A_84, %get3A_85] : memref<256x64xf32, #tpu.memory_space<vmem>>, vector<256x64xf32>
    %dot_general3A = arith.constant dense<0.000000e+00> : vector<512x64xf32>
    %dot_general3A_87 = tpu.matmul %concatenate3A, %get3A_86, %dot_general3A {dimension_numbers = #tpu.dot_dimension_numbers<[1], [0], [0], [1], [0, 0, 1, 1], [], []>, transpose_lhs_hint = false} : vector<512x256xf32>, vector<256x64xf32>, vector<512x64xf32> -> vector<512x64xf32>
    %get3A_88 = arith.constant 0 : index
    %get3A_89 = arith.constant 0 : index
    %get3A_90 = vector.load %arg11[%get3A_88, %get3A_89] : memref<1x64xf32, #tpu.memory_space<vmem>>, vector<1x64xf32>
    %add3A_91 = vector.broadcast %get3A_90 : vector<1x64xf32> to vector<512x64xf32>
    %add3A_92 = arith.addf %dot_general3A_87, %add3A_91 : vector<512x64xf32>
    %get3A_93 = arith.constant 0 : index
    %get3A_94 = arith.constant 0 : index
    %get3A_95 = vector.load %arg10[%get3A_93, %get3A_94] : memref<256x64xf32, #tpu.memory_space<vmem>>, vector<256x64xf32>
    %dot_general3A_96 = arith.constant dense<0.000000e+00> : vector<512x64xf32>
    %dot_general3A_97 = tpu.matmul %concatenate3A_83, %get3A_95, %dot_general3A_96 {dimension_numbers = #tpu.dot_dimension_numbers<[1], [0], [0], [1], [0, 0, 1, 1], [], []>, transpose_lhs_hint = false} : vector<512x256xf32>, vector<256x64xf32>, vector<512x64xf32> -> vector<512x64xf32>
    %get3A_98 = arith.constant 0 : index
    %get3A_99 = arith.constant 0 : index
    %get3A_100 = vector.load %arg12[%get3A_98, %get3A_99] : memref<1x64xf32, #tpu.memory_space<vmem>>, vector<1x64xf32>
    %add3A_101 = vector.broadcast %get3A_100 : vector<1x64xf32> to vector<512x64xf32>
    %add3A_102 = arith.addf %dot_general3A_97, %add3A_101 : vector<512x64xf32>
    %tanh3A = math.tanh %add3A_92 : vector<512x64xf32>
    %jit3A = arith.constant 0.000000e+00 : f32
    %broadcast_in_dim3A = vector.broadcast %jit3A : f32 to vector<512x64xf32>
    %select_n3A = arith.select %lt3A_0, %tanh3A, %broadcast_in_dim3A : vector<512x64xf32>
    %swap3A = arith.constant 0 : index
    %swap3A_103 = arith.constant 0 : index
    %swap3A_104 = vector.load %arg13[%swap3A, %swap3A_103] : memref<512x64xf32, #tpu.memory_space<vmem>>, vector<512x64xf32>
    tpu.vector_store %arg13[%swap3A, %swap3A_103], %select_n3A {strides = array<i32>} : memref<512x64xf32, #tpu.memory_space<vmem>>, vector<512x64xf32>,
    %tanh3A_105 = math.tanh %add3A_102 : vector<512x64xf32>
    %jit3A_106 = arith.constant 0.000000e+00 : f32
    %broadcast_in_dim3A_107 = vector.broadcast %jit3A_106 : f32 to vector<512x64xf32>
    %select_n3A_108 = arith.select %lt3A_0, %tanh3A_105, %broadcast_in_dim3A_107 : vector<512x64xf32>
    %swap3A_109 = arith.constant 0 : index
    %swap3A_110 = arith.constant 0 : index
    %swap3A_111 = vector.load %arg14[%swap3A_109, %swap3A_110] : memref<512x64xf32, #tpu.memory_space<vmem>>, vector<512x64xf32>
    tpu.vector_store %arg14[%swap3A_109, %swap3A_110], %select_n3A_108 {strides = array<i32>} : memref<512x64xf32, #tpu.memory_space<vmem>>, vector<512x64xf32>,
    return
  }
  func.func @transform_0(%arg0: i32) -> (i32, i32, i32) {
    %add3A = arith.constant 0 : i32
    %add3A_0 = arith.addi %add3A, %arg0 : i32
    %min3A = arith.constant 39 : i32
    %min3A_1 = arith.minsi %add3A_0, %min3A : i32
    %c0_i32 = arith.constant 0 : i32
    %c0_i32_2 = arith.constant 0 : i32
    %c0_i32_3 = arith.constant 0 : i32
    return %c0_i32, %min3A_1, %c0_i32_2 : i32, i32, i32
  }
  func.func @transform_1(%arg0: i32) -> (i32, i32, i32) {
    %add3A = arith.constant 20 : i32
    %add3A_0 = arith.addi %add3A, %arg0 : i32
    %min3A = arith.constant 39 : i32
    %min3A_1 = arith.minsi %add3A_0, %min3A : i32
    %c0_i32 = arith.constant 0 : i32
    %c0_i32_2 = arith.constant 0 : i32
    %c0_i32_3 = arith.constant 0 : i32
    return %c0_i32, %min3A_1, %c0_i32_2 : i32, i32, i32
  }
  func.func @transform_2(%arg0: i32) -> (i32, i32, i32) {
    %add3A = arith.constant 0 : i32
    %add3A_0 = arith.addi %add3A, %arg0 : i32
    %min3A = arith.constant 39 : i32
    %min3A_1 = arith.minsi %add3A_0, %min3A : i32
    %c0_i32 = arith.constant 0 : i32
    %c0_i32_2 = arith.constant 0 : i32
    %c0_i32_3 = arith.constant 0 : i32
    return %c0_i32, %min3A_1, %c0_i32_2 : i32, i32, i32
  }
  func.func @transform_3(%arg0: i32) -> (i32, i32, i32) {
    %add3A = arith.constant 20 : i32
    %add3A_0 = arith.addi %add3A, %arg0 : i32
    %min3A = arith.constant 39 : i32
    %min3A_1 = arith.minsi %add3A_0, %min3A : i32
    %c0_i32 = arith.constant 0 : i32
    %c0_i32_2 = arith.constant 0 : i32
    %c0_i32_3 = arith.constant 0 : i32
    return %c0_i32, %min3A_1, %c0_i32_2 : i32, i32, i32
  }
  func.func @transform_4(%arg0: i32) -> (i32, i32, i32) {
    %add3A = arith.constant 0 : i32
    %add3A_0 = arith.addi %add3A, %arg0 : i32
    %min3A = arith.constant 39 : i32
    %min3A_1 = arith.minsi %add3A_0, %min3A : i32
    %c0_i32 = arith.constant 0 : i32
    %c0_i32_2 = arith.constant 0 : i32
    %c0_i32_3 = arith.constant 0 : i32
    return %c0_i32, %min3A_1, %c0_i32_2 : i32, i32, i32
  }
  func.func @transform_5(%arg0: i32) -> (i32, i32, i32) {
    %add3A = arith.constant 20 : i32
    %add3A_0 = arith.addi %add3A, %arg0 : i32
    %min3A = arith.constant 39 : i32
    %min3A_1 = arith.minsi %add3A_0, %min3A : i32
    %c0_i32 = arith.constant 0 : i32
    %c0_i32_2 = arith.constant 0 : i32
    %c0_i32_3 = arith.constant 0 : i32
    return %c0_i32, %min3A_1, %c0_i32_2 : i32, i32, i32
  }
  func.func @transform_6(%arg0: i32) -> (i32, i32) {
    %c0_i32 = arith.constant 0 : i32
    %c0_i32_0 = arith.constant 0 : i32
    return %arg0, %c0_i32 : i32, i32
  }
  func.func @transform_7(%arg0: i32) -> (i32, i32) {
    %c0_i32 = arith.constant 0 : i32
    %c0_i32_0 = arith.constant 0 : i32
    return %arg0, %c0_i32 : i32, i32
  }
  func.func @transform_8(%arg0: i32) -> (i32, i32) {
    %c0_i32 = arith.constant 0 : i32
    %c0_i32_0 = arith.constant 0 : i32
    %c0_i32_1 = arith.constant 0 : i32
    return %c0_i32, %c0_i32_0 : i32, i32
  }
  func.func @transform_9(%arg0: i32) -> (i32, i32) {
    %c0_i32 = arith.constant 0 : i32
    %c0_i32_0 = arith.constant 0 : i32
    %c0_i32_1 = arith.constant 0 : i32
    return %c0_i32, %c0_i32_0 : i32, i32
  }
  func.func @transform_10(%arg0: i32) -> (i32, i32) {
    %c0_i32 = arith.constant 0 : i32
    %c0_i32_0 = arith.constant 0 : i32
    %c0_i32_1 = arith.constant 0 : i32
    return %c0_i32, %c0_i32_0 : i32, i32
  }
  func.func @transform_11(%arg0: i32) -> (i32, i32) {
    %c0_i32 = arith.constant 0 : i32
    %c0_i32_0 = arith.constant 0 : i32
    %c0_i32_1 = arith.constant 0 : i32
    return %c0_i32, %c0_i32_0 : i32, i32
  }
  func.func @transform_12(%arg0: i32) -> (i32, i32) {
    %c0_i32 = arith.constant 0 : i32
    %c0_i32_0 = arith.constant 0 : i32
    return %arg0, %c0_i32 : i32, i32
  }
  func.func @transform_13(%arg0: i32) -> (i32, i32) {
    %c0_i32 = arith.constant 0 : i32
    %c0_i32_0 = arith.constant 0 : i32
    return %arg0, %c0_i32 : i32, i32
  }
}

module attributes {stable_mosaic.version = 14 : i64} {
  func.func @_t3_body(%arg0: i32, %arg1: memref<2x512x64xf32, #tpu.memory_space<vmem>>, %arg2: memref<2x512x64xf32, #tpu.memory_space<vmem>>, %arg3: memref<2x512x64xf32, #tpu.memory_space<vmem>>, %arg4: memref<2x512x64xf32, #tpu.memory_space<vmem>>, %arg5: memref<2x512x16xf32, #tpu.memory_space<vmem>>, %arg6: memref<2x512x16xf32, #tpu.memory_space<vmem>>, %arg7: memref<512x64xf32, #tpu.memory_space<vmem>>, %arg8: memref<512x64xf32, #tpu.memory_space<vmem>>, %arg9: memref<192x64xf32, #tpu.memory_space<vmem>>, %arg10: memref<192x64xf32, #tpu.memory_space<vmem>>, %arg11: memref<1x64xf32, #tpu.memory_space<vmem>>, %arg12: memref<1x64xf32, #tpu.memory_space<vmem>>, %arg13: memref<128x128xf32, #tpu.memory_space<vmem>>, %arg14: memref<1x128xf32, #tpu.memory_space<vmem>>, %arg15: memref<128x128xf32, #tpu.memory_space<vmem>>, %arg16: memref<1x128xf32, #tpu.memory_space<vmem>>, %arg17: memref<1x128xf32, #tpu.memory_space<vmem>>, %arg18: memref<1x128xf32, #tpu.memory_space<vmem>>, %arg19: memref<128x128xf32, #tpu.memory_space<vmem>>, %arg20: memref<1x128xf32, #tpu.memory_space<vmem>>, %arg21: memref<1x128xf32, #tpu.memory_space<vmem>>, %arg22: memref<1x128xf32, #tpu.memory_space<vmem>>, %arg23: memref<1x128xf32, #tpu.memory_space<vmem>>, %arg24: memref<1x1xf32, #tpu.memory_space<vmem>>, %arg25: memref<512x128xf32, #tpu.memory_space<vmem>>, %arg26: memref<512x1xf32, #tpu.memory_space<vmem>>) attributes {dimension_semantics = [#tpu.dimension_semantics<arbitrary>], iteration_bounds = array<i64: 20>, scalar_prefetch = 0 : i64, scratch_operands = 0 : i64, tpu.core_type = #tpu.core_type<tc>, window_params = [{transform_indices = @transform_0, window_bounds = array<i64: 2, 512, 64>}, {transform_indices = @transform_1, window_bounds = array<i64: 2, 512, 64>}, {transform_indices = @transform_2, window_bounds = array<i64: 2, 512, 64>}, {transform_indices = @transform_3, window_bounds = array<i64: 2, 512, 64>}, {transform_indices = @transform_4, window_bounds = array<i64: 2, 512, 16>}, {transform_indices = @transform_5, window_bounds = array<i64: 2, 512, 16>}, {transform_indices = @transform_6, window_bounds = array<i64: 512, 64>}, {transform_indices = @transform_7, window_bounds = array<i64: 512, 64>}, {pipeline_mode = #tpu.pipeline_mode<synchronous>, transform_indices = @transform_8, window_bounds = array<i64: 192, 64>}, {pipeline_mode = #tpu.pipeline_mode<synchronous>, transform_indices = @transform_9, window_bounds = array<i64: 192, 64>}, {pipeline_mode = #tpu.pipeline_mode<synchronous>, transform_indices = @transform_10, window_bounds = array<i64: 1, 64>}, {pipeline_mode = #tpu.pipeline_mode<synchronous>, transform_indices = @transform_11, window_bounds = array<i64: 1, 64>}, {pipeline_mode = #tpu.pipeline_mode<synchronous>, transform_indices = @transform_12, window_bounds = array<i64: 128, 128>}, {pipeline_mode = #tpu.pipeline_mode<synchronous>, transform_indices = @transform_13, window_bounds = array<i64: 1, 128>}, {pipeline_mode = #tpu.pipeline_mode<synchronous>, transform_indices = @transform_14, window_bounds = array<i64: 128, 128>}, {pipeline_mode = #tpu.pipeline_mode<synchronous>, transform_indices = @transform_15, window_bounds = array<i64: 1, 128>}, {pipeline_mode = #tpu.pipeline_mode<synchronous>, transform_indices = @transform_16, window_bounds = array<i64: 1, 128>}, {pipeline_mode = #tpu.pipeline_mode<synchronous>, transform_indices = @transform_17, window_bounds = array<i64: 1, 128>}, {pipeline_mode = #tpu.pipeline_mode<synchronous>, transform_indices = @transform_18, window_bounds = array<i64: 128, 128>}, {pipeline_mode = #tpu.pipeline_mode<synchronous>, transform_indices = @transform_19, window_bounds = array<i64: 1, 128>}, {pipeline_mode = #tpu.pipeline_mode<synchronous>, transform_indices = @transform_20, window_bounds = array<i64: 1, 128>}, {pipeline_mode = #tpu.pipeline_mode<synchronous>, transform_indices = @transform_21, window_bounds = array<i64: 1, 128>}, {pipeline_mode = #tpu.pipeline_mode<synchronous>, transform_indices = @transform_22, window_bounds = array<i64: 1, 128>}, {pipeline_mode = #tpu.pipeline_mode<synchronous>, transform_indices = @transform_23, window_bounds = array<i64: 1, 1>}, {transform_indices = @transform_24, window_bounds = array<i64: 512, 128>}, {transform_indices = @transform_25, window_bounds = array<i64: 512, 1>}]} {
    %get3A = arith.constant 0 : index
    %get3A_0 = arith.constant 0 : index
    %get3A_1 = arith.constant 0 : index
    %get3A_2 = vector.load %arg5[%get3A, %get3A_0, %get3A_1] : memref<2x512x16xf32, #tpu.memory_space<vmem>>, vector<1x512x1xf32>
    %get3A_3 = vector.shape_cast %get3A_2 : vector<1x512x1xf32> to vector<512x1xf32>
    %get3A_4 = arith.constant 1 : index
    %get3A_5 = arith.constant 0 : index
    %get3A_6 = arith.constant 0 : index
    %get3A_7 = vector.load %arg5[%get3A_4, %get3A_5, %get3A_6] : memref<2x512x16xf32, #tpu.memory_space<vmem>>, vector<1x512x1xf32>
    %get3A_8 = vector.shape_cast %get3A_7 : vector<1x512x1xf32> to vector<512x1xf32>
    %add3A = arith.addf %get3A_3, %get3A_8 : vector<512x1xf32>
    %max3A = arith.constant 1.000000e+00 : f32
    %max3A_9 = vector.broadcast %max3A : f32 to vector<512x1xf32>
    %max3A_10 = arith.maximumf %add3A, %max3A_9 : vector<512x1xf32>
    %get3A_11 = arith.constant 0 : index
    %get3A_12 = arith.constant 0 : index
    %get3A_13 = arith.constant 0 : index
    %get3A_14 = vector.load %arg6[%get3A_11, %get3A_12, %get3A_13] : memref<2x512x16xf32, #tpu.memory_space<vmem>>, vector<1x512x1xf32>
    %get3A_15 = vector.shape_cast %get3A_14 : vector<1x512x1xf32> to vector<512x1xf32>
    %get3A_16 = arith.constant 1 : index
    %get3A_17 = arith.constant 0 : index
    %get3A_18 = arith.constant 0 : index
    %get3A_19 = vector.load %arg6[%get3A_16, %get3A_17, %get3A_18] : memref<2x512x16xf32, #tpu.memory_space<vmem>>, vector<1x512x1xf32>
    %get3A_20 = vector.shape_cast %get3A_19 : vector<1x512x1xf32> to vector<512x1xf32>
    %add3A_21 = arith.addf %get3A_15, %get3A_20 : vector<512x1xf32>
    %max3A_22 = arith.constant 1.000000e+00 : f32
    %max3A_23 = vector.broadcast %max3A_22 : f32 to vector<512x1xf32>
    %max3A_24 = arith.maximumf %add3A_21, %max3A_23 : vector<512x1xf32>
    %get3A_25 = arith.constant 0 : index
    %get3A_26 = arith.constant 0 : index
    %get3A_27 = vector.load %arg7[%get3A_25, %get3A_26] : memref<512x64xf32, #tpu.memory_space<vmem>>, vector<512x64xf32>
    %get3A_28 = arith.constant 0 : index
    %get3A_29 = arith.constant 0 : index
    %get3A_30 = vector.load %arg8[%get3A_28, %get3A_29] : memref<512x64xf32, #tpu.memory_space<vmem>>, vector<512x64xf32>
    %get3A_31 = arith.constant 0 : index
    %get3A_32 = arith.constant 0 : index
    %get3A_33 = arith.constant 0 : index
    %get3A_34 = vector.load %arg1[%get3A_31, %get3A_32, %get3A_33] : memref<2x512x64xf32, #tpu.memory_space<vmem>>, vector<1x512x64xf32>
    %get3A_35 = vector.shape_cast %get3A_34 : vector<1x512x64xf32> to vector<512x64xf32>
    %get3A_36 = arith.constant 1 : index
    %get3A_37 = arith.constant 0 : index
    %get3A_38 = arith.constant 0 : index
    %get3A_39 = vector.load %arg1[%get3A_36, %get3A_37, %get3A_38] : memref<2x512x64xf32, #tpu.memory_space<vmem>>, vector<1x512x64xf32>
    %get3A_40 = vector.shape_cast %get3A_39 : vector<1x512x64xf32> to vector<512x64xf32>
    %add3A_41 = arith.addf %get3A_35, %get3A_40 : vector<512x64xf32>
    %div3A = vector.broadcast %max3A_10 : vector<512x1xf32> to vector<512x64xf32>
    %div3A_42 = arith.divf %add3A_41, %div3A : vector<512x64xf32>
    %get3A_43 = arith.constant 0 : index
    %get3A_44 = arith.constant 0 : index
    %get3A_45 = arith.constant 0 : index
    %get3A_46 = vector.load %arg4[%get3A_43, %get3A_44, %get3A_45] : memref<2x512x64xf32, #tpu.memory_space<vmem>>, vector<1x512x64xf32>
    %get3A_47 = vector.shape_cast %get3A_46 : vector<1x512x64xf32> to vector<512x64xf32>
    %get3A_48 = arith.constant 1 : index
    %get3A_49 = arith.constant 0 : index
    %get3A_50 = arith.constant 0 : index
    %get3A_51 = vector.load %arg4[%get3A_48, %get3A_49, %get3A_50] : memref<2x512x64xf32, #tpu.memory_space<vmem>>, vector<1x512x64xf32>
    %get3A_52 = vector.shape_cast %get3A_51 : vector<1x512x64xf32> to vector<512x64xf32>
    %add3A_53 = arith.addf %get3A_47, %get3A_52 : vector<512x64xf32>
    %div3A_54 = vector.broadcast %max3A_24 : vector<512x1xf32> to vector<512x64xf32>
    %div3A_55 = arith.divf %add3A_53, %div3A_54 : vector<512x64xf32>
    %concatenate3A = tpu.concatenate %div3A_42, %div3A_55, %get3A_27 in 1 : vector<512x64xf32>, vector<512x64xf32>, vector<512x64xf32> -> vector<512x192xf32>
    %get3A_56 = arith.constant 0 : index
    %get3A_57 = arith.constant 0 : index
    %get3A_58 = arith.constant 0 : index
    %get3A_59 = vector.load %arg3[%get3A_56, %get3A_57, %get3A_58] : memref<2x512x64xf32, #tpu.memory_space<vmem>>, vector<1x512x64xf32>
    %get3A_60 = vector.shape_cast %get3A_59 : vector<1x512x64xf32> to vector<512x64xf32>
    %get3A_61 = arith.constant 1 : index
    %get3A_62 = arith.constant 0 : index
    %get3A_63 = arith.constant 0 : index
    %get3A_64 = vector.load %arg3[%get3A_61, %get3A_62, %get3A_63] : memref<2x512x64xf32, #tpu.memory_space<vmem>>, vector<1x512x64xf32>
    %get3A_65 = vector.shape_cast %get3A_64 : vector<1x512x64xf32> to vector<512x64xf32>
    %add3A_66 = arith.addf %get3A_60, %get3A_65 : vector<512x64xf32>
    %div3A_67 = vector.broadcast %max3A_10 : vector<512x1xf32> to vector<512x64xf32>
    %div3A_68 = arith.divf %add3A_66, %div3A_67 : vector<512x64xf32>
    %get3A_69 = arith.constant 0 : index
    %get3A_70 = arith.constant 0 : index
    %get3A_71 = arith.constant 0 : index
    %get3A_72 = vector.load %arg2[%get3A_69, %get3A_70, %get3A_71] : memref<2x512x64xf32, #tpu.memory_space<vmem>>, vector<1x512x64xf32>
    %get3A_73 = vector.shape_cast %get3A_72 : vector<1x512x64xf32> to vector<512x64xf32>
    %get3A_74 = arith.constant 1 : index
    %get3A_75 = arith.constant 0 : index
    %get3A_76 = arith.constant 0 : index
    %get3A_77 = vector.load %arg2[%get3A_74, %get3A_75, %get3A_76] : memref<2x512x64xf32, #tpu.memory_space<vmem>>, vector<1x512x64xf32>
    %get3A_78 = vector.shape_cast %get3A_77 : vector<1x512x64xf32> to vector<512x64xf32>
    %add3A_79 = arith.addf %get3A_73, %get3A_78 : vector<512x64xf32>
    %div3A_80 = vector.broadcast %max3A_24 : vector<512x1xf32> to vector<512x64xf32>
    %div3A_81 = arith.divf %add3A_79, %div3A_80 : vector<512x64xf32>
    %concatenate3A_82 = tpu.concatenate %div3A_68, %div3A_81, %get3A_30 in 1 : vector<512x64xf32>, vector<512x64xf32>, vector<512x64xf32> -> vector<512x192xf32>
    %get3A_83 = arith.constant 0 : index
    %get3A_84 = arith.constant 0 : index
    %get3A_85 = vector.load %arg9[%get3A_83, %get3A_84] : memref<192x64xf32, #tpu.memory_space<vmem>>, vector<192x64xf32>
    %dot_general3A = arith.constant dense<0.000000e+00> : vector<512x64xf32>
    %dot_general3A_86 = tpu.matmul %concatenate3A, %get3A_85, %dot_general3A {dimension_numbers = #tpu.dot_dimension_numbers<[1], [0], [0], [1], [0, 0, 1, 1], [], []>, transpose_lhs_hint = false} : vector<512x192xf32>, vector<192x64xf32>, vector<512x64xf32> -> vector<512x64xf32>
    %get3A_87 = arith.constant 0 : index
    %get3A_88 = arith.constant 0 : index
    %get3A_89 = vector.load %arg11[%get3A_87, %get3A_88] : memref<1x64xf32, #tpu.memory_space<vmem>>, vector<1x64xf32>
    %add3A_90 = vector.broadcast %get3A_89 : vector<1x64xf32> to vector<512x64xf32>
    %add3A_91 = arith.addf %dot_general3A_86, %add3A_90 : vector<512x64xf32>
    %get3A_92 = arith.constant 0 : index
    %get3A_93 = arith.constant 0 : index
    %get3A_94 = vector.load %arg10[%get3A_92, %get3A_93] : memref<192x64xf32, #tpu.memory_space<vmem>>, vector<192x64xf32>
    %dot_general3A_95 = arith.constant dense<0.000000e+00> : vector<512x64xf32>
    %dot_general3A_96 = tpu.matmul %concatenate3A_82, %get3A_94, %dot_general3A_95 {dimension_numbers = #tpu.dot_dimension_numbers<[1], [0], [0], [1], [0, 0, 1, 1], [], []>, transpose_lhs_hint = false} : vector<512x192xf32>, vector<192x64xf32>, vector<512x64xf32> -> vector<512x64xf32>
    %get3A_97 = arith.constant 0 : index
    %get3A_98 = arith.constant 0 : index
    %get3A_99 = vector.load %arg12[%get3A_97, %get3A_98] : memref<1x64xf32, #tpu.memory_space<vmem>>, vector<1x64xf32>
    %add3A_100 = vector.broadcast %get3A_99 : vector<1x64xf32> to vector<512x64xf32>
    %add3A_101 = arith.addf %dot_general3A_96, %add3A_100 : vector<512x64xf32>
    %tanh3A = math.tanh %add3A_91 : vector<512x64xf32>
    %tanh3A_102 = math.tanh %add3A_101 : vector<512x64xf32>
    %concatenate3A_103 = tpu.concatenate %tanh3A, %tanh3A_102 in 1 : vector<512x64xf32>, vector<512x64xf32> -> vector<512x128xf32>
    %get3A_104 = arith.constant 0 : index
    %get3A_105 = arith.constant 0 : index
    %get3A_106 = vector.load %arg13[%get3A_104, %get3A_105] : memref<128x128xf32, #tpu.memory_space<vmem>>, vector<128x128xf32>
    %dot_general3A_107 = arith.constant dense<0.000000e+00> : vector<512x128xf32>
    %dot_general3A_108 = tpu.matmul %concatenate3A_103, %get3A_106, %dot_general3A_107 {dimension_numbers = #tpu.dot_dimension_numbers<[1], [0], [0], [1], [0, 0, 1, 1], [], []>, transpose_lhs_hint = false} : vector<512x128xf32>, vector<128x128xf32>, vector<512x128xf32> -> vector<512x128xf32>
    %get3A_109 = arith.constant 0 : index
    %get3A_110 = arith.constant 0 : index
    %get3A_111 = vector.load %arg14[%get3A_109, %get3A_110] : memref<1x128xf32, #tpu.memory_space<vmem>>, vector<1x128xf32>
    %add3A_112 = vector.broadcast %get3A_111 : vector<1x128xf32> to vector<512x128xf32>
    %add3A_113 = arith.addf %dot_general3A_108, %add3A_112 : vector<512x128xf32>
    %tanh3A_114 = math.tanh %add3A_113 : vector<512x128xf32>
    %swap3A = arith.constant 0 : index
    %swap3A_115 = arith.constant 0 : index
    %swap3A_116 = vector.load %arg25[%swap3A, %swap3A_115] : memref<512x128xf32, #tpu.memory_space<vmem>>, vector<512x128xf32>
    tpu.vector_store %arg25[%swap3A, %swap3A_115], %tanh3A_114 {strides = array<i32>} : memref<512x128xf32, #tpu.memory_space<vmem>>, vector<512x128xf32>,
    %sqrt3A = arith.constant 1.000010e+00 : f32
    %sqrt3A_117 = math.sqrt %sqrt3A : f32
    %div3A_118 = arith.constant 1.000000e+00 : f32
    %div3A_119 = arith.divf %div3A_118, %sqrt3A_117 : f32
    %get3A_120 = arith.constant 0 : index
    %get3A_121 = arith.constant 0 : index
    %get3A_122 = vector.load %arg17[%get3A_120, %get3A_121] : memref<1x128xf32, #tpu.memory_space<vmem>>, vector<1x128xf32>
    %get3A_123 = arith.constant 0 : index
    %get3A_124 = arith.constant 0 : index
    %get3A_125 = vector.load %arg15[%get3A_123, %get3A_124] : memref<128x128xf32, #tpu.memory_space<vmem>>, vector<128x128xf32>
    %dot_general3A_126 = arith.constant dense<0.000000e+00> : vector<512x128xf32>
    %dot_general3A_127 = tpu.matmul %tanh3A_114, %get3A_125, %dot_general3A_126 {dimension_numbers = #tpu.dot_dimension_numbers<[1], [0], [0], [1], [0, 0, 1, 1], [], []>, transpose_lhs_hint = false} : vector<512x128xf32>, vector<128x128xf32>, vector<512x128xf32> -> vector<512x128xf32>
    %get3A_128 = arith.constant 0 : index
    %get3A_129 = arith.constant 0 : index
    %get3A_130 = vector.load %arg16[%get3A_128, %get3A_129] : memref<1x128xf32, #tpu.memory_space<vmem>>, vector<1x128xf32>
    %add3A_131 = vector.broadcast %get3A_130 : vector<1x128xf32> to vector<512x128xf32>
    %add3A_132 = arith.addf %dot_general3A_127, %add3A_131 : vector<512x128xf32>
    %mul3A = vector.broadcast %get3A_122 : vector<1x128xf32> to vector<512x128xf32>
    %mul3A_133 = arith.mulf %mul3A, %add3A_132 : vector<512x128xf32>
    %mul3A_134 = vector.broadcast %div3A_119 : f32 to vector<512x128xf32>
    %mul3A_135 = arith.mulf %mul3A_133, %mul3A_134 : vector<512x128xf32>
    %get3A_136 = arith.constant 0 : index
    %get3A_137 = arith.constant 0 : index
    %get3A_138 = vector.load %arg18[%get3A_136, %get3A_137] : memref<1x128xf32, #tpu.memory_space<vmem>>, vector<1x128xf32>
    %add3A_139 = vector.broadcast %get3A_138 : vector<1x128xf32> to vector<512x128xf32>
    %add3A_140 = arith.addf %mul3A_135, %add3A_139 : vector<512x128xf32>
    %max3A_141 = arith.constant 0.000000e+00 : f32
    %max3A_142 = vector.broadcast %max3A_141 : f32 to vector<512x128xf32>
    %max3A_143 = arith.maximumf %add3A_140, %max3A_142 : vector<512x128xf32>
    %get3A_144 = arith.constant 0 : index
    %get3A_145 = arith.constant 0 : index
    %get3A_146 = vector.load %arg21[%get3A_144, %get3A_145] : memref<1x128xf32, #tpu.memory_space<vmem>>, vector<1x128xf32>
    %get3A_147 = arith.constant 0 : index
    %get3A_148 = arith.constant 0 : index
    %get3A_149 = vector.load %arg19[%get3A_147, %get3A_148] : memref<128x128xf32, #tpu.memory_space<vmem>>, vector<128x128xf32>
    %dot_general3A_150 = arith.constant dense<0.000000e+00> : vector<512x128xf32>
    %dot_general3A_151 = tpu.matmul %max3A_143, %get3A_149, %dot_general3A_150 {dimension_numbers = #tpu.dot_dimension_numbers<[1], [0], [0], [1], [0, 0, 1, 1], [], []>, transpose_lhs_hint = false} : vector<512x128xf32>, vector<128x128xf32>, vector<512x128xf32> -> vector<512x128xf32>
    %get3A_152 = arith.constant 0 : index
    %get3A_153 = arith.constant 0 : index
    %get3A_154 = vector.load %arg20[%get3A_152, %get3A_153] : memref<1x128xf32, #tpu.memory_space<vmem>>, vector<1x128xf32>
    %add3A_155 = vector.broadcast %get3A_154 : vector<1x128xf32> to vector<512x128xf32>
    %add3A_156 = arith.addf %dot_general3A_151, %add3A_155 : vector<512x128xf32>
    %mul3A_157 = vector.broadcast %get3A_146 : vector<1x128xf32> to vector<512x128xf32>
    %mul3A_158 = arith.mulf %mul3A_157, %add3A_156 : vector<512x128xf32>
    %mul3A_159 = vector.broadcast %div3A_119 : f32 to vector<512x128xf32>
    %mul3A_160 = arith.mulf %mul3A_158, %mul3A_159 : vector<512x128xf32>
    %get3A_161 = arith.constant 0 : index
    %get3A_162 = arith.constant 0 : index
    %get3A_163 = vector.load %arg22[%get3A_161, %get3A_162] : memref<1x128xf32, #tpu.memory_space<vmem>>, vector<1x128xf32>
    %add3A_164 = vector.broadcast %get3A_163 : vector<1x128xf32> to vector<512x128xf32>
    %add3A_165 = arith.addf %mul3A_160, %add3A_164 : vector<512x128xf32>
    %max3A_166 = arith.constant 0.000000e+00 : f32
    %max3A_167 = vector.broadcast %max3A_166 : f32 to vector<512x128xf32>
    %max3A_168 = arith.maximumf %add3A_165, %max3A_167 : vector<512x128xf32>
    %get3A_169 = arith.constant 0 : index
    %get3A_170 = arith.constant 0 : index
    %get3A_171 = vector.load %arg23[%get3A_169, %get3A_170] : memref<1x128xf32, #tpu.memory_space<vmem>>, vector<1x128xf32>
    %mul3A_172 = vector.broadcast %get3A_171 : vector<1x128xf32> to vector<512x128xf32>
    %mul3A_173 = arith.mulf %max3A_168, %mul3A_172 : vector<512x128xf32>
    %reduce_sum3A = arith.constant dense<0.000000e+00> : vector<512xf32>
    %reduce_sum3A_174 = vector.multi_reduction <add>, %mul3A_173, %reduce_sum3A [1] : vector<512x128xf32> to vector<512xf32>
    %broadcast_in_dim3A = vector.shape_cast %reduce_sum3A_174 : vector<512xf32> to vector<512x1xf32>
    %get3A_175 = arith.constant 0 : index
    %get3A_176 = arith.constant 0 : index
    %get3A_177 = vector.load %arg24[%get3A_175, %get3A_176] : memref<1x1xf32, #tpu.memory_space<vmem>>, vector<1x1xf32>
    %get3A_178 = vector.extract %get3A_177[0, 0] : f32 from vector<1x1xf32>
    %add3A_179 = vector.broadcast %get3A_178 : f32 to vector<512x1xf32>
    %add3A_180 = arith.addf %broadcast_in_dim3A, %add3A_179 : vector<512x1xf32>
    %logistic3A = arith.negf %add3A_180 : vector<512x1xf32>
    %logistic3A_181 = math.exp %logistic3A : vector<512x1xf32>
    %logistic3A_182 = arith.constant 1.000000e+00 : f32
    %logistic3A_183 = vector.broadcast %logistic3A_182 : f32 to vector<512x1xf32>
    %logistic3A_184 = arith.addf %logistic3A_183, %logistic3A_181 : vector<512x1xf32>
    %logistic3A_185 = arith.divf %logistic3A_183, %logistic3A_184 : vector<512x1xf32>
    %swap3A_186 = arith.constant 0 : index
    %swap3A_187 = arith.constant 0 : index
    %swap3A_188 = vector.load %arg26[%swap3A_186, %swap3A_187] : memref<512x1xf32, #tpu.memory_space<vmem>>, vector<512x1xf32>
    tpu.vector_store %arg26[%swap3A_186, %swap3A_187], %logistic3A_185 {strides = array<i32>} : memref<512x1xf32, #tpu.memory_space<vmem>>, vector<512x1xf32>,
    return
  }
  func.func @transform_0(%arg0: i32) -> (i32, i32, i32) {
    %add3A = arith.constant 0 : i32
    %add3A_0 = arith.addi %add3A, %arg0 : i32
    %min3A = arith.constant 39 : i32
    %min3A_1 = arith.minsi %add3A_0, %min3A : i32
    %c0_i32 = arith.constant 0 : i32
    %c0_i32_2 = arith.constant 0 : i32
    %c0_i32_3 = arith.constant 0 : i32
    return %c0_i32, %min3A_1, %c0_i32_2 : i32, i32, i32
  }
  func.func @transform_1(%arg0: i32) -> (i32, i32, i32) {
    %add3A = arith.constant 20 : i32
    %add3A_0 = arith.addi %add3A, %arg0 : i32
    %min3A = arith.constant 39 : i32
    %min3A_1 = arith.minsi %add3A_0, %min3A : i32
    %c0_i32 = arith.constant 0 : i32
    %c0_i32_2 = arith.constant 0 : i32
    %c0_i32_3 = arith.constant 0 : i32
    return %c0_i32, %min3A_1, %c0_i32_2 : i32, i32, i32
  }
  func.func @transform_2(%arg0: i32) -> (i32, i32, i32) {
    %add3A = arith.constant 0 : i32
    %add3A_0 = arith.addi %add3A, %arg0 : i32
    %min3A = arith.constant 39 : i32
    %min3A_1 = arith.minsi %add3A_0, %min3A : i32
    %c0_i32 = arith.constant 0 : i32
    %c0_i32_2 = arith.constant 0 : i32
    %c0_i32_3 = arith.constant 0 : i32
    return %c0_i32, %min3A_1, %c0_i32_2 : i32, i32, i32
  }
  func.func @transform_3(%arg0: i32) -> (i32, i32, i32) {
    %add3A = arith.constant 20 : i32
    %add3A_0 = arith.addi %add3A, %arg0 : i32
    %min3A = arith.constant 39 : i32
    %min3A_1 = arith.minsi %add3A_0, %min3A : i32
    %c0_i32 = arith.constant 0 : i32
    %c0_i32_2 = arith.constant 0 : i32
    %c0_i32_3 = arith.constant 0 : i32
    return %c0_i32, %min3A_1, %c0_i32_2 : i32, i32, i32
  }
  func.func @transform_4(%arg0: i32) -> (i32, i32, i32) {
    %add3A = arith.constant 0 : i32
    %add3A_0 = arith.addi %add3A, %arg0 : i32
    %min3A = arith.constant 39 : i32
    %min3A_1 = arith.minsi %add3A_0, %min3A : i32
    %c0_i32 = arith.constant 0 : i32
    %c0_i32_2 = arith.constant 0 : i32
    %c0_i32_3 = arith.constant 0 : i32
    return %c0_i32, %min3A_1, %c0_i32_2 : i32, i32, i32
  }
  func.func @transform_5(%arg0: i32) -> (i32, i32, i32) {
    %add3A = arith.constant 20 : i32
    %add3A_0 = arith.addi %add3A, %arg0 : i32
    %min3A = arith.constant 39 : i32
    %min3A_1 = arith.minsi %add3A_0, %min3A : i32
    %c0_i32 = arith.constant 0 : i32
    %c0_i32_2 = arith.constant 0 : i32
    %c0_i32_3 = arith.constant 0 : i32
    return %c0_i32, %min3A_1, %c0_i32_2 : i32, i32, i32
  }
  func.func @transform_6(%arg0: i32) -> (i32, i32) {
    %c0_i32 = arith.constant 0 : i32
    %c0_i32_0 = arith.constant 0 : i32
    return %arg0, %c0_i32 : i32, i32
  }
  func.func @transform_7(%arg0: i32) -> (i32, i32) {
    %c0_i32 = arith.constant 0 : i32
    %c0_i32_0 = arith.constant 0 : i32
    return %arg0, %c0_i32 : i32, i32
  }
  func.func @transform_8(%arg0: i32) -> (i32, i32) {
    %c0_i32 = arith.constant 0 : i32
    %c0_i32_0 = arith.constant 0 : i32
    %c0_i32_1 = arith.constant 0 : i32
    return %c0_i32, %c0_i32_0 : i32, i32
  }
  func.func @transform_9(%arg0: i32) -> (i32, i32) {
    %c0_i32 = arith.constant 0 : i32
    %c0_i32_0 = arith.constant 0 : i32
    %c0_i32_1 = arith.constant 0 : i32
    return %c0_i32, %c0_i32_0 : i32, i32
  }
  func.func @transform_10(%arg0: i32) -> (i32, i32) {
    %c0_i32 = arith.constant 0 : i32
    %c0_i32_0 = arith.constant 0 : i32
    %c0_i32_1 = arith.constant 0 : i32
    return %c0_i32, %c0_i32_0 : i32, i32
  }
  func.func @transform_11(%arg0: i32) -> (i32, i32) {
    %c0_i32 = arith.constant 0 : i32
    %c0_i32_0 = arith.constant 0 : i32
    %c0_i32_1 = arith.constant 0 : i32
    return %c0_i32, %c0_i32_0 : i32, i32
  }
  func.func @transform_12(%arg0: i32) -> (i32, i32) {
    %c0_i32 = arith.constant 0 : i32
    %c0_i32_0 = arith.constant 0 : i32
    %c0_i32_1 = arith.constant 0 : i32
    return %c0_i32, %c0_i32_0 : i32, i32
  }
  func.func @transform_13(%arg0: i32) -> (i32, i32) {
    %c0_i32 = arith.constant 0 : i32
    %c0_i32_0 = arith.constant 0 : i32
    %c0_i32_1 = arith.constant 0 : i32
    return %c0_i32, %c0_i32_0 : i32, i32
  }
  func.func @transform_14(%arg0: i32) -> (i32, i32) {
    %c0_i32 = arith.constant 0 : i32
    %c0_i32_0 = arith.constant 0 : i32
    %c0_i32_1 = arith.constant 0 : i32
    return %c0_i32, %c0_i32_0 : i32, i32
  }
  func.func @transform_15(%arg0: i32) -> (i32, i32) {
    %c0_i32 = arith.constant 0 : i32
    %c0_i32_0 = arith.constant 0 : i32
    %c0_i32_1 = arith.constant 0 : i32
    return %c0_i32, %c0_i32_0 : i32, i32
  }
  func.func @transform_16(%arg0: i32) -> (i32, i32) {
    %c0_i32 = arith.constant 0 : i32
    %c0_i32_0 = arith.constant 0 : i32
    %c0_i32_1 = arith.constant 0 : i32
    return %c0_i32, %c0_i32_0 : i32, i32
  }
  func.func @transform_17(%arg0: i32) -> (i32, i32) {
    %c0_i32 = arith.constant 0 : i32
    %c0_i32_0 = arith.constant 0 : i32
    %c0_i32_1 = arith.constant 0 : i32
    return %c0_i32, %c0_i32_0 : i32, i32
  }
  func.func @transform_18(%arg0: i32) -> (i32, i32) {
    %c0_i32 = arith.constant 0 : i32
    %c0_i32_0 = arith.constant 0 : i32
    %c0_i32_1 = arith.constant 0 : i32
    return %c0_i32, %c0_i32_0 : i32, i32
  }
  func.func @transform_19(%arg0: i32) -> (i32, i32) {
    %c0_i32 = arith.constant 0 : i32
    %c0_i32_0 = arith.constant 0 : i32
    %c0_i32_1 = arith.constant 0 : i32
    return %c0_i32, %c0_i32_0 : i32, i32
  }
  func.func @transform_20(%arg0: i32) -> (i32, i32) {
    %c0_i32 = arith.constant 0 : i32
    %c0_i32_0 = arith.constant 0 : i32
    %c0_i32_1 = arith.constant 0 : i32
    return %c0_i32, %c0_i32_0 : i32, i32
  }
  func.func @transform_21(%arg0: i32) -> (i32, i32) {
    %c0_i32 = arith.constant 0 : i32
    %c0_i32_0 = arith.constant 0 : i32
    %c0_i32_1 = arith.constant 0 : i32
    return %c0_i32, %c0_i32_0 : i32, i32
  }
  func.func @transform_22(%arg0: i32) -> (i32, i32) {
    %c0_i32 = arith.constant 0 : i32
    %c0_i32_0 = arith.constant 0 : i32
    %c0_i32_1 = arith.constant 0 : i32
    return %c0_i32, %c0_i32_0 : i32, i32
  }
  func.func @transform_23(%arg0: i32) -> (i32, i32) {
    %c0_i32 = arith.constant 0 : i32
    %c0_i32_0 = arith.constant 0 : i32
    %c0_i32_1 = arith.constant 0 : i32
    return %c0_i32, %c0_i32_0 : i32, i32
  }
  func.func @transform_24(%arg0: i32) -> (i32, i32) {
    %c0_i32 = arith.constant 0 : i32
    %c0_i32_0 = arith.constant 0 : i32
    return %arg0, %c0_i32 : i32, i32
  }
  func.func @transform_25(%arg0: i32) -> (i32, i32) {
    %c0_i32 = arith.constant 0 : i32
    %c0_i32_0 = arith.constant 0 : i32
    return %arg0, %c0_i32 : i32, i32
  }
}

</mosaic_0001>

<sc_bundles>
// kernel: kernel.11.cloned.1.call-start
scs
__scs_entry_jumppad:
0x0: {  	(pc) =	sbr.rel $0x88, $3  }
0x1: {  	(tag) =	ssettag $0x0;
	lr =	simm.s32 $0x1  }
0x2: {  	[smem:$0x3F89] =	sst lr;
	_ =	strace $0xD0000000  }
0x3: {  	_ = 	snop  }
0x4: {  	_ = 	snop  }
0x5: {  	_ = 	snop  }
0x6: {  	_ = 	snop  }
0x7: {  	_ = 	snop  }
__scs_overlays_trampoline_lowered:
0x8: {  	[smem:$0x3F98] =	sst s0  }
0x9: {  	[smem:$0x3F99] =	sst s1  }
0xa: {  	[smem:$0x3F9A] =	sst s2  }
0xb: {  	[smem:$0x3F9B] =	sst s3  }
0xc: {  	[smem:$0x3F9C] =	sst s4  }
0xd: {  	[smem:$0x3F9D] =	sst s5  }
0xe: {  	[smem:$0x3F9E] =	sst s6  }
0xf: {  	[smem:$0x3F9F] =	sst s7  }
0x10: {  	[smem:$0x3FA0] =	sst s8  }
0x11: {  	[smem:$0x3FA1] =	sst s9;
	s0 =	simm.s32 @!p0 $0x0  }
0x12: {  	s1 =	sld [smem:$0x3F87];
	s0 =	simm.s32 @p0 $0x1  }
0x13: {  	[smem:$0x3FA2] =	sst s0;
	s0 =	simm.s32 @!p1 $0x0  }
0x14: {  	s2 =	sld [smem:$0x3F86];
	s0 =	simm.s32 @p1 $0x1  }
0x15: {  	[smem:$0x3FA3] =	sst s0;
	s0 =	simm.s32 @!p2 $0x0  }
0x16: {  	s3 =	sld [smem:$0x3FDB];
	s0 =	simm.s32 @p2 $0x1  }
0x17: {  	s4 =	simm.s32 $0x1BF5;
	[smem:$0x3FA5] =	sst s0  }
0x18: {  	s0 =	sld [smem:$0x3F88];
	_ =	swait.ge [sflag:s4], $0x0  }
0x19: {  	s7 =	sld [smem:$0x3F89]  }
0x1a: {  	s8 =	sadd.s32 $0xFFFFE003, lr  }
0x1b: {  	s9 =	sadd.s32 $0xFFFFFEF7, lr;
	s5 =	simm.s32 $0xFFFFFFFF;
	p2 =	slt.u32 s8, $0xFFFFF086  }
0x1c: {  	p1 =	slt.u32 s9, $0xF7A;
	s5 =	simm.s32 @!p2 $0x0  }
0x1d: {  	s5 =	simm.s32 @p1 $0x1;
	p0 =	seq.s32 s7, s2  }
0x1e: {  	s7 =	smul.u32 @!p0 $0xF7A, s2;
	p2 =	seq.s32 @!p0 s5, $0x0  }
0x1f: {  	s9 =	smul.u32 $0xF7A, s1;
	s8 =	simm.s32 @!p0 $0x1BF5;
	p2 =	por !p2, p0  }
0x20: {  	[sflag:s8] =	ssyncset.s32 @!p0 $0xFFFFF086;
	s6 =	sadd.s32 @!p0 s3, s7;
	s7 =	simm.s32 @!p0 $0x108  }
0x21: {  	s3 =	sadd.s32 s3, s9;
	s6 =	sadd.s32 @!p0 $0x88, s6;
	s7 =	simm.s32 @p2 $0x1082  }
0x22: {  	[simem:s7], [sflag:s8] =	dma.local @!p0 [hbm:s6], $0xF7A  }
0x23: {  	s9 =	sor.u32 $0xD0000000, s2;
	s6 =	simm.s32 $0x108;
	_ =	swait.ge @!p0 [sflag:s8], $0x0  }
0x24: {  	s3 =	sadd.s32 $0x88, s3;
	s6 =	simm.s32 @!p1 $0x1082;
	[sflag:s4] =	ssyncset.s32 $0xFFFFF086  }
0x25: {  	[simem:s6], [sflag:s4] =	dma.local [hbm:s3], $0xF7A  }
0x26: {  	[smem:$0x3F89] =	sst s1;
	(tag) =	ssettag s2;
	_ =	strace s9  }
0x27: {  	s1 =	sld [smem:$0x3F99]  }
0x28: {  	s2 =	sld [smem:$0x3F9A]  }
0x29: {  	s4 =	sld [smem:$0x3F9C]  }
0x2a: {  	p0 =	seq.s32 s5, $0x0;
	s5 =	sld [smem:$0x3F9D]  }
0x2b: {  	s6 =	sld [smem:$0x3F9E]  }
0x2c: {  	s7 =	sld [smem:$0x3F9F]  }
0x2d: {  	s3 =	simm.s32 $0x108;
	s8 =	sld [smem:$0x3FA0]  }
0x2e: {  	s3 =	simm.s32 @!p0 $0x1082;
	s9 =	sld [smem:$0x3FA1]  }
0x2f: {  	lr =	sadd.s32 s0, s3;
	s0 =	sld [smem:$0x3F98]  }
0x30: {  	s3 =	sld [smem:$0x3F9B]  }
0x31: {  	[smem:$0x3FA4] =	sst s10  }
0x32: {  	s10 =	sld [smem:$0x3FA2];
	_ =	sdelay $0x3  }
0x33: {  	p0 =	seq.s32 s10, $0x1;
	s10 =	sld [smem:$0x3FA4];
	_ =	sdelay $0x3  }
0x34: {  	[smem:$0x3FA4] =	sst s10  }
0x35: {  	s10 =	sld [smem:$0x3FA3];
	_ =	sdelay $0x3  }
0x36: {  	p1 =	seq.s32 s10, $0x1;
	s10 =	sld [smem:$0x3FA4];
	_ =	sdelay $0x3  }
0x37: {  	[smem:$0x3FA4] =	sst s10  }
0x38: {  	s10 =	sld [smem:$0x3FA5]  }
0x39: {  	_ = 	snop;
	(pc) =	sbr.ind lr, $3  }
0x3a: {  	_ = 	snop  }
0x3b: {  	_ = 	snop  }
0x3c: {  	p2 =	seq.s32 s10, $0x1;
	s10 =	sld [smem:$0x3FA4]  }
0x3d: {  	_ =	shalt  }
0x3e: {  	_ =	shalt  }
0x3f: {  	_ =	shalt  }
0x40: {  	_ =	shalt  }
0x41: {  	_ =	shalt  }
0x42: {  	_ =	shalt  }
0x43: {  	_ =	shalt  }
0x44: {  	_ =	shalt  }
0x45: {  	_ =	shalt  }
0x46: {  	_ =	shalt  }
0x47: {  	_ =	shalt  }
0x48: {  	_ =	shalt  }
0x49: {  	_ =	shalt  }
0x4a: {  	_ =	shalt  }
0x4b: {  	_ =	shalt  }
0x4c: {  	_ =	shalt  }
0x4d: {  	_ =	shalt  }
0x4e: {  	_ =	shalt  }
0x4f: {  	_ =	shalt  }
0x50: {  	_ =	shalt  }
0x51: {  	_ =	shalt  }
0x52: {  	_ =	shalt  }
0x53: {  	_ =	shalt  }
0x54: {  	_ =	shalt  }
0x55: {  	_ =	shalt  }
0x56: {  	_ =	shalt  }
0x57: {  	_ =	shalt  }
0x58: {  	_ =	shalt  }
0x59: {  	_ =	shalt  }
0x5a: {  	_ =	shalt  }
0x5b: {  	_ =	shalt  }
0x5c: {  	_ =	shalt  }
0x5d: {  	_ =	shalt  }
0x5e: {  	_ =	shalt  }
0x5f: {  	_ =	shalt  }
0x60: {  	_ =	shalt  }
0x61: {  	_ =	shalt  }
0x62: {  	_ =	shalt  }
0x63: {  	_ =	shalt  }
0x64: {  	_ =	shalt  }
0x65: {  	_ =	shalt  }
0x66: {  	_ =	shalt  }
0x67: {  	_ =	shalt  }
0x68: {  	_ =	shalt  }
0x69: {  	_ =	shalt  }
0x6a: {  	_ =	shalt  }
0x6b: {  	_ =	shalt  }
0x6c: {  	_ =	shalt  }
0x6d: {  	_ =	shalt  }
0x6e: {  	_ =	shalt  }
0x6f: {  	_ =	shalt  }
0x70: {  	_ =	shalt  }
0x71: {  	_ =	shalt  }
0x72: {  	_ =	shalt  }
0x73: {  	_ =	shalt  }
0x74: {  	_ =	shalt  }
0x75: {  	_ =	shalt  }
0x76: {  	_ =	shalt  }
0x77: {  	_ =	shalt  }
0x78: {  	_ =	shalt  }
0x79: {  	_ =	shalt  }
0x7a: {  	_ =	shalt  }
0x7b: {  	_ =	shalt  }
0x7c: {  	_ =	shalt  }
0x7d: {  	_ =	shalt  }
0x7e: {  	_ =	shalt  }
0x7f: {  	_ =	shalt  }
0x80: {  	_ =	shalt  }
0x81: {  	_ =	shalt  }
0x82: {  	_ =	shalt  }
0x83: {  	_ =	shalt  }
0x84: {  	_ =	shalt  }
0x85: {  	_ =	shalt  }
0x86: {  	_ =	shalt  }
0x87: {  	_ =	shalt  }
.Lfunc_end0:
.L_simem_size_0:
called_computation.1_lowered:
.L_overlay_start_0:
0x88: {  	s2 =	sld [smem:$0x3FD9]  }
0x89: {  	s3 =	sld [smem:$0x3FFE];
	_ =	sdelay $0x1  }
0x8a: {  	s1 =	srdreg.scid  }
0x8b: {  	s0 =	sand.u32 $0x1, s1  }
0x8c: {  	s14 =	sshll.u32 s0, $0xA;
	s2 =	sadd.s32 s3, s2  }
0x8d: {  	s2 =	sadd.s32 s2, s14  }
0x8e: {  	[smem:$0x3FB0] =	sst s2  }
0x8f: {  	_ = 	snop  }
0x90: {  	s2 =	sld [smem:$0x3FD0];
	_ =	sdelay $0x2  }
0x91: {  	s15 =	simm.s32 $0xA;
	s4 =	simm.s32 $0x10  }
0x92: {  	[smem:s4], [sflag:s15] =	dma.local [hbm:s2], $0x1  }
0x93: {  	_ =	swait.eq [sflag:s15], $0x1  }
0x94: {  	[sflag:s15] =	ssyncset.done $0x0  }
0x95: {  	s16 =	sld [smem:$0x10];
	[sflag:s15] =	ssyncadd.s32 $0xFFFFFFFF  }
0x96: {  	s17 =	sld [smem:$0x11];
	(tm) =	ssettm $0x1  }
0x97: {  	s18 =	sld [smem:$0x3FFB];
	_ =	sdelay $0x3  }
0x98: {  	_ =	strace s18  }
0x99: {  	s4 =	sld [smem:$0x3FFC];
	_ =	sdelay $0x3  }
0x9a: {  	_ =	strace s4  }
0x9b: {  	s4 =	sld [smem:$0x3FFD];
	_ =	sdelay $0x3  }
0x9c: {  	_ =	strace s4  }
0x9d: {  	_ =	strace $0x8FFFFFFF  }
0x9e: {  	s19 =	sld [smem:$0x3FDB];
	_ =	sdelay $0x1  }
0x9f: {  	s5 =	simm.s32 $_scs_section_size  }
0xa0: {  	s6 =	simm.s32 $_size__tile_overlayer_lowered;
	s7 =	simm.s32 $_tile_overlayer_lowered  }
0xa1: {  	s22 =	simm.s32 $0x1BFF;
	s21 =	sshll.u32 s7, $0x1;
	s4 =	sadd.s32 s5, s19  }
0xa2: {  	s8 =	simm.s32 $0x0;
	s20 =	sshll.u32 s6, $0x1;
	s6 =	sadd.s32 s21, s4  }
0xa3: {  	[timem:s8], [sflag:s22] =	dma.local [hbm:s6], s20  }
0xa4: {  	_ =	swait.ge [sflag:s22], s20  }
0xa5: {  	s5 =	ssub.s32 $0x0, s20;
	[sflag:s22] =	ssyncset.done $0x0  }
0xa6: {  	[sflag:s22] =	ssyncadd.s32 s5;
	_ =	sdelay $0x1  }
0xa7: {  	s23 =	simm.s32 $0x1B8B  }
0xa8: {  	_ =	swait.ge [sflag:s23], $0x1  }
0xa9: {  	[sflag:s23] =	ssyncset.done $0x0  }
0xaa: {  	s25 =	simm.s32 $0x1B8E;
	s24 =	sld [smem:$0x3FFE];
	[sflag:s23] =	ssyncadd.s32 $0xFFFFFFFF  }
0xab: {  	s26 =	simm.s32 $execute0_lowered;
	[smem:$0x3FD2] =	sst s25  }
0xac: {  	s6 =	sshll.u32 s26, $0x1;
	_ =	strace $0x80000049;
	[dreg:$0x1] =	wrdreg $0xFFFFFFFF  }
0xad: {  	s28 =	simm.s32 $_size_execute0_lowered;
	s4 =	sadd.s32 s4, s6;
	[dreg:$0x0] =	wrdreg $0x0  }
0xae: {  	s6 =	sshll.u32 s28, $0x1;
	[dreg:$0x2] =	wrdreg s4  }
0xaf: {  	[dreg:$0x3] =	wrdreg s6  }
0xb0: {  	[dreg:$0x4] =	wrdreg $0xC0  }
0xb1: {  	_ =	task [dreg:s8], $0x5FFFF  }
0xb2: {  	[dreg:$0x1] =	wrdreg $0xFFFFFFFF  }
0xb3: {  	[dreg:$0x0] =	wrdreg $0x60  }
0xb4: {  	[dreg:$0x2] =	wrdreg s16  }
0xb5: {  	[dreg:$0x3] =	wrdreg s24  }
0xb6: {  	[dreg:$0x4] =	wrdreg s17  }
0xb7: {  	[dreg:$0x5] =	wrdreg $0xB9000  }
0xb8: {  	[dreg:$0x6] =	wrdreg $0x9  }
0xb9: {  	_ =	task.clear_ibuf [dreg:s8], $0x7FFFF;
	_ =	strace $0x90000049  }
0xba: {  	s29 =	simm.s32 $0x9;
	_ =	strace $0x8000004B  }
0xbb: {  	_ =	swait.ge [sflag:s29], $0x1  }
0xbc: {  	[sflag:s29] =	ssyncadd.s32 $0xFFFFFFFF  }
0xbd: {  	_ =	strace $0x9000004B  }
0xbe: {  	_ =	sfence  }
0xbf: {  	s30 =	sld [smem:$0x0];
	_ =	sdelay $0x2  }
0xc0: {  	s31 =	sshll.u32 s1, $0xD;
	s1 =	sshrl.u32 s1, $0x2  }
0xc1: {  	s3 =	sand.u32 $0x4000, s31;
	s1 =	sadd.s32 s1, s30  }
0xc2: {  	s0 =	sor.u32 s3, s0;
	s1 =	sshll.u32 s1, $0x11  }
0xc3: {  	s0 =	sor.u32 s1, s0  }
0xc4: {  	s0 =	sadd.s32 $0x8F2B, s0  }
0xc5: {  	[sflag:s0] =	ssyncadd.remote.s32 $0x1  }
0xc6: {  	_ =	sfence.sel $0xFFFF  }
0xc7: {  	[dreg:$0x0] =	wrdreg $0xFFFFFFFF;
	(pc) =	sbr.abs _section_cstart, $3  }
0xc8: {  	[dreg:$0x1] =	wrdreg $0xFFFFFFFF  }
0xc9: {  	_ =	task.clear_ibuf [dreg:s8], $0x2FFFF;
	_ =	strace $0x9FFFFFFF  }
0xca: {  	(tm) =	ssettm $0x7FFFFFFF  }
0xcb: {  	_ =	shalt  }
tec
execute0_lowered:
.L_overlay_start_1:
0x0: {  	(tag) =	ssettag $0x1  }
0x1: {  	s1 =	rddreg [dreg:$0x0]  }
0x2: {  	s0 =	rddreg [dreg:$0x1]  }
0x3: {  	s4 =	rddreg [dreg:$0x3]  }
0x4: {  	s2 =	srdreg.scid;
	s10 =	stileid.u32  }
0x5: {  	s5 =	simm.s32 $0x0;
	s28 =	simm.s32 $0x5900;
	s29 =	simm.s32 $0x7900  }
0x6: {  	s30 =	simm.s32 $0x1;
	s31 =	simm.s32 $0x2;
	s2 =	sand.u32 $0x1, s2  }
0x7: {  	s7 =	smul.u32 $0x14000, s10;
	[smem:$0x7FF] =	sst s5;
	s6 =	sadd.s32 $0x38C00, s0  }
0x8: {  	s3 =	sshll.u32 s2, $0x4;
	s8 =	smul.u32 $0x140000, s2;
	_ =	strace $0x8000004A  }
0x9: {  	s9 =	ssub.s32 $0x2, s2;
	s3 =	sor.u32 s10, s3;
	s10 =	smul.u32 $0x50000, s10  }
0xa: {  	p0 =	seq.s32 s2, $0x0;
	s11 =	sshrl.u32 s9, $0x1;
	s3 =	smul.u32 $0x590, s3  }
0xb: {  	s8 =	sadd.s32 s7, s8;
	s26 =	ssub.s32 s9, s11;
	s9 =	sadd.s32 s7, s4  }
0xc: {  	s8 =	sshrl.u32 s8, $0x3;
	s21 =	sshrl.u32 s10, $0x2;
	s26 =	smax.u32 s26, $0x1  }
0xd: {  	s3 =	sadd.s32 s3, s0;
	s0 =	sadd.s32 s8, s0;
	s23 =	sadd.s32 s21, s4  }
0xe: {  	[dreg:$0x9] =	wrdreg s26;
	s26 =	simm.s32 $0x80;
	s22 =	sadd.s32 $0x2DA00, s3  }
0xf: {  	s3 =	sadd.s32 $0x22800, s3;
	s10 =	sadd.s32 $0x2000, s23;
	s11 =	sadd.s32 $0x4000, s23  }
0x10: {  	s12 =	sadd.s32 $0x6000, s23;
	s13 =	sadd.s32 $0x8000, s23;
	s14 =	sadd.s32 $0xA000, s23  }
0x11: {  	s15 =	sadd.s32 $0xC000, s23;
	s16 =	sadd.s32 $0xE000, s23;
	[dreg:$0x5] =	wrdreg s22  }
0x12: {  	s17 =	sadd.s32 $0x10000, s23;
	s25 =	sadd.s32 $0x13EC00, s0;
	[dreg:$0x6] =	wrdreg s3  }
0x13: {  	s0 =	sadd.s32 $0xEEC00, s0;
	s3 =	simm.s32 $0x58;
	[dreg:$0x7] =	wrdreg s25  }
0x14: {  	s18 =	sadd.s32 $0x12000, s23;
	[dreg:$0x8] =	wrdreg s0;
	s3 =	simm.s32 @!p0 $0x44  }
0x15: {  	s25 =	simm.s32 $0x9900;
	s0 =	simm.s32 $0x0;
	s24 =	sshll.u32 s3, $0x7  }
0x16: {  	s19 =	sshrl.u32 s3, $0x1;
	s20 =	sadd.s32 $0x2C80, s24;
	s24 =	simm.s32 $0x3  }
.LBB2_1:
0x17: {  	s2 =	rddreg [dreg:$0x5]  }
0x18: {  	[tilespmem:s5], [sflag:$0x3] =	stream.linear.gather [hbm4b:s2+s5], $0x2C80, $0x38;
	[tilespmem:$0x1F900] =	vst v63  }
0x19: {  	_ =	swait.ge [sflag:s24], $0x2C80  }
0x1a: {  	[sflag:s24] =	ssyncset.done $0x0  }
0x1b: {  	s3 =	simm.s32 $0x2C80;
	s22 =	rddreg [dreg:$0x6];
	[sflag:s24] =	ssyncadd.s32 $0xFFFFD380  }
0x1c: {  	[tilespmem:s3], [sflag:$0x3] =	stream.linear.gather [hbm4b:s22+s5], $0x2C80, $0x38;
	[tilespmem:$0x1F900] =	vst v63  }
0x1d: {  	_ =	swait.ge [sflag:s24], $0x2C80  }
0x1e: {  	[sflag:s24] =	ssyncset.done $0x0  }
0x1f: {  	[sflag:s24] =	ssyncadd.s32 $0xFFFFD380  }
0x20: {  	s23 =	rddreg [dreg:$0x2]  }
0x21: {  	[tilespmem:s25], [sflag:$0x3] =	stream.linear.gather [hbm4b:s23+s5], $0x2000, $0x38;
	[tilespmem:$0x1F900] =	vst v63  }
0x22: {  	_ =	swait.ge [sflag:s24], $0x2000  }
0x23: {  	[sflag:s24] =	ssyncset.done $0x0  }
0x24: {  	[sflag:s24] =	ssyncadd.s32 $0xFFFFE000  }
0x25: {  	[spmem:s9] =	stream.linear.scatter [tilespmem:s25], [sflag:$0x3], $0x2000, $0x38;
	[tilespmem:$0x1F900] =	vst v63  }
0x26: {  	_ =	swait.ge [sflag:s24], $0x2000  }
0x27: {  	[sflag:s24] =	ssyncset.done $0x0  }
0x28: {  	[sflag:s24] =	ssyncadd.s32 $0xFFFFE000  }
0x29: {  	[spmem:s10] =	stream.linear.scatter [tilespmem:s25], [sflag:$0x3], $0x2000, $0x38;
	[tilespmem:$0x1F900] =	vst v63  }
0x2a: {  	_ =	swait.ge [sflag:s24], $0x2000  }
0x2b: {  	[sflag:s24] =	ssyncset.done $0x0  }
0x2c: {  	[sflag:s24] =	ssyncadd.s32 $0xFFFFE000  }
0x2d: {  	[spmem:s11] =	stream.linear.scatter [tilespmem:s25], [sflag:$0x3], $0x2000, $0x38;
	[tilespmem:$0x1F900] =	vst v63  }
0x2e: {  	_ =	swait.ge [sflag:s24], $0x2000  }
0x2f: {  	[sflag:s24] =	ssyncset.done $0x0  }
0x30: {  	[sflag:s24] =	ssyncadd.s32 $0xFFFFE000  }
0x31: {  	[spmem:s12] =	stream.linear.scatter [tilespmem:s25], [sflag:$0x3], $0x2000, $0x38;
	[tilespmem:$0x1F900] =	vst v63  }
0x32: {  	_ =	swait.ge [sflag:s24], $0x2000  }
0x33: {  	[sflag:s24] =	ssyncset.done $0x0  }
0x34: {  	[sflag:s24] =	ssyncadd.s32 $0xFFFFE000  }
0x35: {  	[spmem:s13] =	stream.linear.scatter [tilespmem:s25], [sflag:$0x3], $0x2000, $0x38;
	[tilespmem:$0x1F900] =	vst v63  }
0x36: {  	_ =	swait.ge [sflag:s24], $0x2000  }
0x37: {  	[sflag:s24] =	ssyncset.done $0x0  }
0x38: {  	[sflag:s24] =	ssyncadd.s32 $0xFFFFE000  }
0x39: {  	[spmem:s14] =	stream.linear.scatter [tilespmem:s25], [sflag:$0x3], $0x2000, $0x38;
	[tilespmem:$0x1F900] =	vst v63  }
0x3a: {  	_ =	swait.ge [sflag:s24], $0x2000  }
0x3b: {  	[sflag:s24] =	ssyncset.done $0x0  }
0x3c: {  	[sflag:s24] =	ssyncadd.s32 $0xFFFFE000  }
0x3d: {  	[spmem:s15] =	stream.linear.scatter [tilespmem:s25], [sflag:$0x3], $0x2000, $0x38;
	[tilespmem:$0x1F900] =	vst v63  }
0x3e: {  	_ =	swait.ge [sflag:s24], $0x2000  }
0x3f: {  	[sflag:s24] =	ssyncset.done $0x0  }
0x40: {  	[sflag:s24] =	ssyncadd.s32 $0xFFFFE000  }
0x41: {  	[spmem:s16] =	stream.linear.scatter [tilespmem:s25], [sflag:$0x3], $0x2000, $0x38;
	[tilespmem:$0x1F900] =	vst v63  }
0x42: {  	_ =	swait.ge [sflag:s24], $0x2000  }
0x43: {  	[sflag:s24] =	ssyncset.done $0x0  }
0x44: {  	[sflag:s24] =	ssyncadd.s32 $0xFFFFE000  }
0x45: {  	[spmem:s17] =	stream.linear.scatter [tilespmem:s25], [sflag:$0x3], $0x2000, $0x38;
	[tilespmem:$0x1F900] =	vst v63  }
0x46: {  	_ =	swait.ge [sflag:s24], $0x2000  }
0x47: {  	[sflag:s24] =	ssyncset.done $0x0  }
0x48: {  	p1 =	sne.s32 s19, $0x1;
	[sflag:s24] =	ssyncadd.s32 $0xFFFFE000  }
0x49: {  	[spmem:s18] =	stream.linear.scatter [tilespmem:s25], [sflag:$0x3], $0x2000, $0x38;
	[tilespmem:$0x1F900] =	vst v63  }
.Ltmp0:
0x4a: {  	_ =	swait.ge [sflag:s24], $0x2000;
	(pc) =	sbr.rel @!p1 .LBB2_5-.Ltmp0, $4  }
0x4b: {  	s7 =	sadd.s32 $0xFFFFFFFF, s19;
	p0 =	por $0x0, $0x0;
	[sflag:s24] =	ssyncset.done $0x0  }
0x4c: {  	s8 =	simm.s32 $0x100;
	s21 =	simm.s32 $0x2C80;
	[sflag:s24] =	ssyncadd.s32 $0xFFFFE000  }
0x4d: {  	p2 =	por $0x0, $0x0;
	s2 =	simm.s32 $0x100;
	[bflag:$0x0] =	sbarrier.arrive $0xFFFF  }
0x4e: {  	[tilespmem:s28], [sflag:$0x1] =	stream.indirect.gather [hbm4b:s1+s26], $0x40, s5, s26, $0xb8;
	[tilespmem:$0x1F900] =	vst v63  }
0x4f: {  	s8 =	simm.s32 $0x80  }
0x50: {  	[tilespmem:s29], [sflag:$0x2] =	stream.indirect.gather [hbm4b:s1+s26], $0x40, s8, s26, $0xb8;
	[tilespmem:$0x1F900] =	vst v63  }
0x51: {  	_ =	swait.ge [sflag:s30], $0x2000  }
0x52: {  	[sflag:s30] =	ssyncset.done $0x0  }
0x53: {  	[sflag:s30] =	ssyncadd.s32 $0xFFFFE000  }
0x54: {  	[spmem:s4] =	stream.indirect.scatter.add.f32 [tilespmem:s28], [sflag:$0x3], $0x40, s3, s26, $0xb8;
	[tilespmem:$0x1F900] =	vst v63  }
0x55: {  	_ =	swait.ge [sflag:s24], $0x2000  }
0x56: {  	[sflag:s24] =	ssyncset.done $0x0  }
0x57: {  	[sflag:s24] =	ssyncadd.s32 $0xFFFFE000  }
0x58: {  	[tilespmem:s28], [sflag:$0x1] =	stream.indirect.gather [hbm4b:s1+s26], $0x40, s2, s26, $0xb8;
	[tilespmem:$0x1F900] =	vst v63  }
0x59: {  	p3 =	sne.s32 s7, $0x1;
	_ =	swait.ge [sflag:s31], $0x2000  }
.Ltmp1:
0x5a: {  	[sflag:s31] =	ssyncset.done $0x0;
	(pc) =	sbr.rel @!p3 .LBB2_3-.Ltmp1, $4  }
0x5b: {  	s23 =	simm.s32 $0x2D00;
	[sflag:s31] =	ssyncadd.s32 $0xFFFFE000  }
0x5c: {  	[spmem:s4] =	stream.indirect.scatter.add.f32 [tilespmem:s29], [sflag:$0x3], $0x40, s23, s26, $0xb8;
	[tilespmem:$0x1F900] =	vst v63  }
0x5d: {  	s22 =	sadd.s32 $0xFFFFFFFF, s7;
	p2 =	por $0x1, $0x1;
	_ =	swait.ge [sflag:s24], $0x2000  }
0x5e: {  	s21 =	simm.s32 $0x2C80;
	s8 =	simm.s32 $0x200;
	[sflag:s24] =	ssyncset.done $0x0  }
.LBB2_4:
0x5f: {  	s23 =	sadd.s32 $0xFFFFFF80, s8;
	[sflag:s24] =	ssyncadd.s32 $0xFFFFE000;
	s21 =	sadd.s32 $0x100, s21  }
0x60: {  	[tilespmem:s29], [sflag:$0x2] =	stream.indirect.gather [hbm4b:s1+s26], $0x40, s23, s26, $0xb8;
	[tilespmem:$0x1F900] =	vst v63  }
0x61: {  	p3 =	sne.s32 s22, $0x1;
	s22 =	sadd.s32 $0xFFFFFFFF, s22;
	_ =	swait.ge [sflag:s30], $0x2000  }
0x62: {  	[sflag:s30] =	ssyncset.done $0x0  }
0x63: {  	[sflag:s30] =	ssyncadd.s32 $0xFFFFE000  }
0x64: {  	[spmem:s4] =	stream.indirect.scatter.add.f32 [tilespmem:s28], [sflag:$0x3], $0x40, s21, s26, $0xb8;
	[tilespmem:$0x1F900] =	vst v63  }
0x65: {  	_ =	swait.ge [sflag:s24], $0x2000  }
0x66: {  	[sflag:s24] =	ssyncset.done $0x0  }
0x67: {  	[sflag:s24] =	ssyncadd.s32 $0xFFFFE000  }
0x68: {  	[tilespmem:s28], [sflag:$0x1] =	stream.indirect.gather [hbm4b:s1+s26], $0x40, s8, s26, $0xb8;
	[tilespmem:$0x1F900] =	vst v63  }
0x69: {  	_ =	swait.ge [sflag:s31], $0x2000  }
.Ltmp2:
0x6a: {  	[sflag:s31] =	ssyncset.done $0x0;
	(pc) =	sbr.rel @p3 .LBB2_4-.Ltmp2, $4  }
0x6b: {  	s23 =	sadd.s32 $0x80, s21;
	[sflag:s31] =	ssyncadd.s32 $0xFFFFE000  }
0x6c: {  	[spmem:s4] =	stream.indirect.scatter.add.f32 [tilespmem:s29], [sflag:$0x3], $0x40, s23, s26, $0xb8;
	[tilespmem:$0x1F900] =	vst v63  }
0x6d: {  	_ =	swait.ge [sflag:s24], $0x2000  }
0x6e: {  	s8 =	sadd.s32 $0x100, s8;
	[sflag:s24] =	ssyncset.done $0x0  }
.LBB2_5:
0x6f: {  	s22 =	sadd.s32 $0xFFFFFF80, s8;
	[sflag:s24] =	ssyncadd.s32 @p2 $0xFFFFE000  }
0x70: {  	[tilespmem:s29], [sflag:$0x2] =	stream.indirect.gather [hbm4b:s1+s26], $0x40, s22, s26, $0xb8;
	[tilespmem:$0x1F900] =	vst v63  }
0x71: {  	_ =	swait.ge [sflag:s30], $0x2000  }
0x72: {  	s21 =	sadd.s32 @p2 $0x100, s21;
	s22 =	simm.s32 $0x2C80;
	[sflag:s30] =	ssyncset.done $0x0  }
0x73: {  	s22 =	smov.u32 @p2 s21;
	[sflag:s30] =	ssyncadd.s32 $0xFFFFE000  }
0x74: {  	[spmem:s4] =	stream.indirect.scatter.add.f32 [tilespmem:s28], [sflag:$0x3], $0x40, s22, s26, $0xb8;
	[tilespmem:$0x1F900] =	vst v63  }
0x75: {  	_ =	swait.ge [sflag:s24], $0x2000  }
0x76: {  	[sflag:s24] =	ssyncset.done $0x0  }
0x77: {  	[sflag:s24] =	ssyncadd.s32 $0xFFFFE000  }
0x78: {  	[tilespmem:s28], [sflag:$0x1] =	stream.indirect.gather [hbm4b:s1+s26], $0x40, s8, s26, $0xb8;
	[tilespmem:$0x1F900] =	vst v63  }
0x79: {  	_ =	swait.ge [sflag:s31], $0x2000  }
0x7a: {  	[sflag:s31] =	ssyncset.done $0x0  }
0x7b: {  	s21 =	sadd.s32 $0x80, s22;
	[sflag:s31] =	ssyncadd.s32 $0xFFFFE000  }
0x7c: {  	[spmem:s4] =	stream.indirect.scatter.add.f32 [tilespmem:s29], [sflag:$0x3], $0x40, s21, s26, $0xb8;
	[tilespmem:$0x1F900] =	vst v63  }
0x7d: {  	_ =	swait.ge [sflag:s24], $0x2000  }
0x7e: {  	[sflag:s24] =	ssyncset.done $0x0  }
0x7f: {  	[sflag:s24] =	ssyncadd.s32 $0xFFFFE000  }
0x80: {  	_ =	swait.ge [sflag:s30], $0x2000  }
0x81: {  	[sflag:s30] =	ssyncset.done $0x0  }
0x82: {  	[sflag:s30] =	ssyncadd.s32 $0xFFFFE000  }
0x83: {  	[spmem:s4] =	stream.indirect.scatter.add.f32 [tilespmem:s28], [sflag:$0x3], $0x40, s20, s26, $0xb8;
	[tilespmem:$0x1F900] =	vst v63  }
0x84: {  	_ =	swait.ge [sflag:s24], $0x2000  }
0x85: {  	[sflag:s24] =	ssyncset.done $0x0  }
0x86: {  	s22 =	stileid.u32;
	[sflag:s24] =	ssyncadd.s32 $0xFFFFE000  }
0x87: {  	s8 =	sshll.u32 s22, $0x6;
	[bflag:$0x0] =	sbarrier.arrive $0xFFFF  }
0x88: {  	s8 =	sor.u32 $0x1C03, s8;
	s21 =	sshrl.u32 s9, $0x3;
	s23 =	rddreg [dreg:$0x7]  }
0x89: {  	[hbm:s23], [sflag:s8] =	dma.local [spmem:s21], $0x2800  }
0x8a: {  	_ =	swait.ge [sflag:s24], $0x2800  }
0x8b: {  	[sflag:s24] =	ssyncset.done $0x0  }
0x8c: {  	[sflag:s24] =	ssyncadd.s32 $0xFFFFD800  }
0x8d: {  	[bflag:$0x0] =	sbarrier.arrive $0xFFFF  }
0x8e: {  	[spmem:s9] =	stream.linear.scatter [tilespmem:s25], [sflag:$0x3], $0x2000, $0x38;
	[tilespmem:$0x1F900] =	vst v63  }
0x8f: {  	_ =	swait.ge [sflag:s24], $0x2000  }
0x90: {  	[sflag:s24] =	ssyncset.done $0x0  }
0x91: {  	[sflag:s24] =	ssyncadd.s32 $0xFFFFE000  }
0x92: {  	[spmem:s10] =	stream.linear.scatter [tilespmem:s25], [sflag:$0x3], $0x2000, $0x38;
	[tilespmem:$0x1F900] =	vst v63  }
0x93: {  	_ =	swait.ge [sflag:s24], $0x2000  }
0x94: {  	[sflag:s24] =	ssyncset.done $0x0  }
0x95: {  	[sflag:s24] =	ssyncadd.s32 $0xFFFFE000  }
0x96: {  	[spmem:s11] =	stream.linear.scatter [tilespmem:s25], [sflag:$0x3], $0x2000, $0x38;
	[tilespmem:$0x1F900] =	vst v63  }
0x97: {  	_ =	swait.ge [sflag:s24], $0x2000  }
0x98: {  	[sflag:s24] =	ssyncset.done $0x0  }
0x99: {  	[sflag:s24] =	ssyncadd.s32 $0xFFFFE000  }
0x9a: {  	[spmem:s12] =	stream.linear.scatter [tilespmem:s25], [sflag:$0x3], $0x2000, $0x38;
	[tilespmem:$0x1F900] =	vst v63  }
0x9b: {  	_ =	swait.ge [sflag:s24], $0x2000  }
0x9c: {  	[sflag:s24] =	ssyncset.done $0x0  }
0x9d: {  	[sflag:s24] =	ssyncadd.s32 $0xFFFFE000  }
0x9e: {  	[spmem:s13] =	stream.linear.scatter [tilespmem:s25], [sflag:$0x3], $0x2000, $0x38;
	[tilespmem:$0x1F900] =	vst v63  }
0x9f: {  	_ =	swait.ge [sflag:s24], $0x2000  }
0xa0: {  	[sflag:s24] =	ssyncset.done $0x0  }
0xa1: {  	[sflag:s24] =	ssyncadd.s32 $0xFFFFE000  }
0xa2: {  	[spmem:s14] =	stream.linear.scatter [tilespmem:s25], [sflag:$0x3], $0x2000, $0x38;
	[tilespmem:$0x1F900] =	vst v63  }
0xa3: {  	_ =	swait.ge [sflag:s24], $0x2000  }
0xa4: {  	[sflag:s24] =	ssyncset.done $0x0  }
0xa5: {  	[sflag:s24] =	ssyncadd.s32 $0xFFFFE000  }
0xa6: {  	[spmem:s15] =	stream.linear.scatter [tilespmem:s25], [sflag:$0x3], $0x2000, $0x38;
	[tilespmem:$0x1F900] =	vst v63  }
0xa7: {  	_ =	swait.ge [sflag:s24], $0x2000  }
0xa8: {  	[sflag:s24] =	ssyncset.done $0x0  }
0xa9: {  	[sflag:s24] =	ssyncadd.s32 $0xFFFFE000  }
0xaa: {  	[spmem:s16] =	stream.linear.scatter [tilespmem:s25], [sflag:$0x3], $0x2000, $0x38;
	[tilespmem:$0x1F900] =	vst v63  }
0xab: {  	_ =	swait.ge [sflag:s24], $0x2000  }
0xac: {  	[sflag:s24] =	ssyncset.done $0x0  }
0xad: {  	[sflag:s24] =	ssyncadd.s32 $0xFFFFE000  }
0xae: {  	[spmem:s17] =	stream.linear.scatter [tilespmem:s25], [sflag:$0x3], $0x2000, $0x38;
	[tilespmem:$0x1F900] =	vst v63  }
0xaf: {  	_ =	swait.ge [sflag:s24], $0x2000  }
0xb0: {  	[sflag:s24] =	ssyncset.done $0x0  }
0xb1: {  	[sflag:s24] =	ssyncadd.s32 $0xFFFFE000  }
0xb2: {  	[spmem:s18] =	stream.linear.scatter [tilespmem:s25], [sflag:$0x3], $0x2000, $0x38;
	[tilespmem:$0x1F900] =	vst v63  }
.Ltmp3:
0xb3: {  	_ =	swait.ge [sflag:s24], $0x2000;
	(pc) =	sbr.rel @!p1 .LBB2_6-.Ltmp3, $4  }
0xb4: {  	[sflag:s24] =	ssyncset.done $0x0  }
0xb5: {  	[sflag:s24] =	ssyncadd.s32 $0xFFFFE000  }
0xb6: {  	[bflag:$0x0] =	sbarrier.arrive $0xFFFF  }
0xb7: {  	[tilespmem:s28], [sflag:$0x1] =	stream.indirect.gather [hbm4b:s6+s26], $0x40, s5, s26, $0xb8;
	[tilespmem:$0x1F900] =	vst v63  }
0xb8: {  	s22 =	simm.s32 $0x80  }
0xb9: {  	[tilespmem:s29], [sflag:$0x2] =	stream.indirect.gather [hbm4b:s6+s26], $0x40, s22, s26, $0xb8;
	[tilespmem:$0x1F900] =	vst v63  }
0xba: {  	_ =	swait.ge [sflag:s30], $0x2000  }
0xbb: {  	[sflag:s30] =	ssyncset.done $0x0  }
0xbc: {  	[sflag:s30] =	ssyncadd.s32 $0xFFFFE000  }
0xbd: {  	[spmem:s4] =	stream.indirect.scatter.add.f32 [tilespmem:s28], [sflag:$0x3], $0x40, s3, s26, $0xb8;
	[tilespmem:$0x1F900] =	vst v63  }
0xbe: {  	_ =	swait.ge [sflag:s24], $0x2000  }
0xbf: {  	[sflag:s24] =	ssyncset.done $0x0  }
0xc0: {  	[sflag:s24] =	ssyncadd.s32 $0xFFFFE000  }
0xc1: {  	[tilespmem:s28], [sflag:$0x1] =	stream.indirect.gather [hbm4b:s6+s26], $0x40, s2, s26, $0xb8;
	[tilespmem:$0x1F900] =	vst v63  }
0xc2: {  	p1 =	sne.s32 s7, $0x1;
	_ =	swait.ge [sflag:s31], $0x2000  }
.Ltmp4:
0xc3: {  	[sflag:s31] =	ssyncset.done $0x0;
	(pc) =	sbr.rel @!p1 .LBB2_8-.Ltmp4, $4  }
0xc4: {  	s23 =	simm.s32 $0x2D00;
	[sflag:s31] =	ssyncadd.s32 $0xFFFFE000  }
0xc5: {  	[spmem:s4] =	stream.indirect.scatter.add.f32 [tilespmem:s29], [sflag:$0x3], $0x40, s23, s26, $0xb8;
	[tilespmem:$0x1F900] =	vst v63  }
0xc6: {  	p0 =	por $0x1, $0x1;
	s22 =	sadd.s32 $0xFFFFFFFF, s7;
	_ =	swait.ge [sflag:s24], $0x2000  }
0xc7: {  	s7 =	simm.s32 $0x2C80;
	s2 =	simm.s32 $0x200;
	[sflag:s24] =	ssyncset.done $0x0  }
.LBB2_9:
0xc8: {  	s23 =	sadd.s32 $0xFFFFFF80, s2;
	[sflag:s24] =	ssyncadd.s32 $0xFFFFE000;
	s7 =	sadd.s32 $0x100, s7  }
0xc9: {  	[tilespmem:s29], [sflag:$0x2] =	stream.indirect.gather [hbm4b:s6+s26], $0x40, s23, s26, $0xb8;
	[tilespmem:$0x1F900] =	vst v63  }
0xca: {  	p1 =	sne.s32 s22, $0x1;
	s22 =	sadd.s32 $0xFFFFFFFF, s22;
	_ =	swait.ge [sflag:s30], $0x2000  }
0xcb: {  	[sflag:s30] =	ssyncset.done $0x0  }
0xcc: {  	[sflag:s30] =	ssyncadd.s32 $0xFFFFE000  }
0xcd: {  	[spmem:s4] =	stream.indirect.scatter.add.f32 [tilespmem:s28], [sflag:$0x3], $0x40, s7, s26, $0xb8;
	[tilespmem:$0x1F900] =	vst v63  }
0xce: {  	_ =	swait.ge [sflag:s24], $0x2000  }
0xcf: {  	[sflag:s24] =	ssyncset.done $0x0  }
0xd0: {  	[sflag:s24] =	ssyncadd.s32 $0xFFFFE000  }
0xd1: {  	[tilespmem:s28], [sflag:$0x1] =	stream.indirect.gather [hbm4b:s6+s26], $0x40, s2, s26, $0xb8;
	[tilespmem:$0x1F900] =	vst v63  }
0xd2: {  	_ =	swait.ge [sflag:s31], $0x2000  }
.Ltmp5:
0xd3: {  	[sflag:s31] =	ssyncset.done $0x0;
	(pc) =	sbr.rel @p1 .LBB2_9-.Ltmp5, $4  }
0xd4: {  	s23 =	sadd.s32 $0x80, s7;
	[sflag:s31] =	ssyncadd.s32 $0xFFFFE000  }
0xd5: {  	[spmem:s4] =	stream.indirect.scatter.add.f32 [tilespmem:s29], [sflag:$0x3], $0x40, s23, s26, $0xb8;
	[tilespmem:$0x1F900] =	vst v63  }
0xd6: {  	_ =	swait.ge [sflag:s24], $0x2000  }
0xd7: {  	s2 =	sadd.s32 $0x100, s2;
	[sflag:s24] =	ssyncset.done $0x0  }
.LBB2_10:
0xd8: {  	s22 =	sadd.s32 $0xFFFFFF80, s2;
	[sflag:s24] =	ssyncadd.s32 @p0 $0xFFFFE000  }
0xd9: {  	[tilespmem:s29], [sflag:$0x2] =	stream.indirect.gather [hbm4b:s6+s26], $0x40, s22, s26, $0xb8;
	[tilespmem:$0x1F900] =	vst v63  }
0xda: {  	_ =	swait.ge [sflag:s30], $0x2000  }
0xdb: {  	s7 =	sadd.s32 @p0 $0x100, s7;
	[sflag:s30] =	ssyncset.done $0x0  }
0xdc: {  	s3 =	smov.u32 @p0 s7;
	[sflag:s30] =	ssyncadd.s32 $0xFFFFE000  }
0xdd: {  	[spmem:s4] =	stream.indirect.scatter.add.f32 [tilespmem:s28], [sflag:$0x3], $0x40, s3, s26, $0xb8;
	[tilespmem:$0x1F900] =	vst v63  }
0xde: {  	_ =	swait.ge [sflag:s24], $0x2000  }
0xdf: {  	[sflag:s24] =	ssyncset.done $0x0  }
0xe0: {  	[sflag:s24] =	ssyncadd.s32 $0xFFFFE000  }
0xe1: {  	[tilespmem:s28], [sflag:$0x1] =	stream.indirect.gather [hbm4b:s6+s26], $0x40, s2, s26, $0xb8;
	[tilespmem:$0x1F900] =	vst v63  }
0xe2: {  	_ =	swait.ge [sflag:s31], $0x2000  }
0xe3: {  	[sflag:s31] =	ssyncset.done $0x0  }
0xe4: {  	s7 =	sadd.s32 $0x80, s3;
	[sflag:s31] =	ssyncadd.s32 $0xFFFFE000  }
0xe5: {  	[spmem:s4] =	stream.indirect.scatter.add.f32 [tilespmem:s29], [sflag:$0x3], $0x40, s7, s26, $0xb8;
	[tilespmem:$0x1F900] =	vst v63  }
0xe6: {  	_ =	swait.ge [sflag:s24], $0x2000  }
0xe7: {  	[sflag:s24] =	ssyncset.done $0x0  }
0xe8: {  	[sflag:s24] =	ssyncadd.s32 $0xFFFFE000  }
0xe9: {  	_ =	swait.ge [sflag:s30], $0x2000  }
0xea: {  	[sflag:s30] =	ssyncset.done $0x0  }
0xeb: {  	[sflag:s30] =	ssyncadd.s32 $0xFFFFE000  }
0xec: {  	[spmem:s4] =	stream.indirect.scatter.add.f32 [tilespmem:s28], [sflag:$0x3], $0x40, s20, s26, $0xb8;
	[tilespmem:$0x1F900] =	vst v63  }
0xed: {  	_ =	swait.ge [sflag:s24], $0x2000  }
0xee: {  	[sflag:s24] =	ssyncset.done $0x0  }
0xef: {  	[sflag:s24] =	ssyncadd.s32 $0xFFFFE000  }
0xf0: {  	[bflag:$0x0] =	sbarrier.arrive $0xFFFF  }
0xf1: {  	s22 =	rddreg [dreg:$0x8]  }
0xf2: {  	[hbm:s22], [sflag:s8] =	dma.local [spmem:s21], $0x2800  }
0xf3: {  	_ =	swait.ge [sflag:s24], $0x2800  }
0xf4: {  	s0 =	sadd.s32 $0x1, s0;
	s23 =	rddreg [dreg:$0x9]  }
0xf5: {  	p0 =	sne.s32 s0, s23  }
.Ltmp6:
0xf6: {  	_ = 	snop;
	(pc) =	sbr.rel @p0 .LBB2_1-.Ltmp6, $4  }
.Ltmp7:
0xf7: {  	_ = 	snop;
	(pc) =	sbr.rel @!p0 .LBB2_11-.Ltmp7, $4  }
0xf8: {  	_ = 	snop  }
0xf9: {  	[sflag:s24] =	ssyncset.done $0x0  }
0xfa: {  	[sflag:s24] =	ssyncadd.s32 $0xFFFFD800  }
0xfb: {  	_ = 	snop  }
.LBB2_6:
.Ltmp8:
0xfc: {  	(pc) =	sbr.rel .LBB2_10-.Ltmp8, $2  }
0xfd: {  	_ =	sdelay $0x2  }
0xfe: {  	s7 =	simm.s32 $0x2C80  }
.LBB2_3:
.Ltmp9:
0xff: {  	(pc) =	sbr.rel .LBB2_5-.Ltmp9, $2  }
0x100: {  	_ =	sdelay $0x2  }
0x101: {  	s21 =	simm.s32 $0x2C80  }
.LBB2_8:
.Ltmp10:
0x102: {  	(pc) =	sbr.rel .LBB2_10-.Ltmp10, $2  }
0x103: {  	_ =	sdelay $0x2  }
0x104: {  	s7 =	simm.s32 $0x2C80  }
.LBB2_11:
0x105: {  	_ =	sfence.sel $0x180000  }
0x106: {  	[bflag:$0x0] =	sbarrier.arrive $0xFFFF  }
0x107: {  	_ =	strace $0x9000004A  }
0x108: {  	s0 =	stileid.u32;
	[bflag:$0x2] =	sbarrier.arrive $0xFFFF  }
0x109: {  	p0 =	sne.s32 s0, $0x0;
	s0 =	rddreg [dreg:$0x4]  }
0x10a: {  	s0 =	sadd.s32 @!p0 $0x100000, s0  }
0x10b: {  	[sflag:s0] =	ssyncadd.tile.s32 @!p0 $0x1;
	_ =	shalt  }
.Lfunc_end2:
_tile_overlayer_lowered:
.L_overlay_start_2:
0x10c: {  	(tag) =	ssettag $0x2  }
0x10d: {  	s0 =	rddreg [dreg:$0x0];
	s2 =	stileid.u32  }
0x10e: {  	s1 =	rddreg [dreg:$0x1];
	p0 =	sne.s32 s2, $0x0  }
0x10f: {  	s3 =	rddreg [dreg:$0x2];
	[bflag:$0x3] =	sbarrier.arrive $0xFFFF;
	s2 =	simm.s32 @!p0 $0x1C03  }
0x110: {  	[timem:s3], [sflag:s2] =	dma.local @!p0 [hbm:s0], s1  }
0x111: {  	s0 =	simm.s32 @!p0 $0x3  }
0x112: {  	_ =	swait.ge @!p0 [sflag:s0], s1  }
0x113: {  	s1 =	ssub.s32 @!p0 $0x0, s1;
	[sflag:s0] =	ssyncset.done @!p0 $0x0  }
0x114: {  	[sflag:s0] =	ssyncadd.s32 @!p0 s1  }
0x115: {  	[bflag:$0x3] =	sbarrier.arrive $0xFFFF  }
0x116: {  	_ =	shalt  }

// kernel: kernel.14.cloned.1.call-start
scs
__scs_entry_jumppad:
0x0: {  	(pc) =	sbr.rel $0x88, $3  }
0x1: {  	(tag) =	ssettag $0x0;
	lr =	simm.s32 $0x1  }
0x2: {  	[smem:$0x3F89] =	sst lr;
	_ =	strace $0xD0000000  }
0x3: {  	_ = 	snop  }
0x4: {  	_ = 	snop  }
0x5: {  	_ = 	snop  }
0x6: {  	_ = 	snop  }
0x7: {  	_ = 	snop  }
__scs_overlays_trampoline_lowered:
0x8: {  	[smem:$0x3F98] =	sst s0  }
0x9: {  	[smem:$0x3F99] =	sst s1  }
0xa: {  	[smem:$0x3F9A] =	sst s2  }
0xb: {  	[smem:$0x3F9B] =	sst s3  }
0xc: {  	[smem:$0x3F9C] =	sst s4  }
0xd: {  	[smem:$0x3F9D] =	sst s5  }
0xe: {  	[smem:$0x3F9E] =	sst s6  }
0xf: {  	[smem:$0x3F9F] =	sst s7  }
0x10: {  	[smem:$0x3FA0] =	sst s8  }
0x11: {  	[smem:$0x3FA1] =	sst s9;
	s0 =	simm.s32 @!p0 $0x0  }
0x12: {  	s1 =	sld [smem:$0x3F87];
	s0 =	simm.s32 @p0 $0x1  }
0x13: {  	[smem:$0x3FA2] =	sst s0;
	s0 =	simm.s32 @!p1 $0x0  }
0x14: {  	s2 =	sld [smem:$0x3F86];
	s0 =	simm.s32 @p1 $0x1  }
0x15: {  	[smem:$0x3FA3] =	sst s0;
	s0 =	simm.s32 @!p2 $0x0  }
0x16: {  	s3 =	sld [smem:$0x3FDB];
	s0 =	simm.s32 @p2 $0x1  }
0x17: {  	s4 =	simm.s32 $0x1BF5;
	[smem:$0x3FA5] =	sst s0  }
0x18: {  	s0 =	sld [smem:$0x3F88];
	_ =	swait.ge [sflag:s4], $0x0  }
0x19: {  	s7 =	sld [smem:$0x3F89]  }
0x1a: {  	s8 =	sadd.s32 $0xFFFFE003, lr  }
0x1b: {  	s9 =	sadd.s32 $0xFFFFFEF7, lr;
	s5 =	simm.s32 $0xFFFFFFFF;
	p2 =	slt.u32 s8, $0xFFFFF086  }
0x1c: {  	p1 =	slt.u32 s9, $0xF7A;
	s5 =	simm.s32 @!p2 $0x0  }
0x1d: {  	s5 =	simm.s32 @p1 $0x1;
	p0 =	seq.s32 s7, s2  }
0x1e: {  	s7 =	smul.u32 @!p0 $0xF7A, s2;
	p2 =	seq.s32 @!p0 s5, $0x0  }
0x1f: {  	s9 =	smul.u32 $0xF7A, s1;
	s8 =	simm.s32 @!p0 $0x1BF5;
	p2 =	por !p2, p0  }
0x20: {  	[sflag:s8] =	ssyncset.s32 @!p0 $0xFFFFF086;
	s6 =	sadd.s32 @!p0 s3, s7;
	s7 =	simm.s32 @!p0 $0x108  }
0x21: {  	s3 =	sadd.s32 s3, s9;
	s6 =	sadd.s32 @!p0 $0x88, s6;
	s7 =	simm.s32 @p2 $0x1082  }
0x22: {  	[simem:s7], [sflag:s8] =	dma.local @!p0 [hbm:s6], $0xF7A  }
0x23: {  	s9 =	sor.u32 $0xD0000000, s2;
	s6 =	simm.s32 $0x108;
	_ =	swait.ge @!p0 [sflag:s8], $0x0  }
0x24: {  	s3 =	sadd.s32 $0x88, s3;
	s6 =	simm.s32 @!p1 $0x1082;
	[sflag:s4] =	ssyncset.s32 $0xFFFFF086  }
0x25: {  	[simem:s6], [sflag:s4] =	dma.local [hbm:s3], $0xF7A  }
0x26: {  	[smem:$0x3F89] =	sst s1;
	(tag) =	ssettag s2;
	_ =	strace s9  }
0x27: {  	s1 =	sld [smem:$0x3F99]  }
0x28: {  	s2 =	sld [smem:$0x3F9A]  }
0x29: {  	s4 =	sld [smem:$0x3F9C]  }
0x2a: {  	p0 =	seq.s32 s5, $0x0;
	s5 =	sld [smem:$0x3F9D]  }
0x2b: {  	s6 =	sld [smem:$0x3F9E]  }
0x2c: {  	s7 =	sld [smem:$0x3F9F]  }
0x2d: {  	s3 =	simm.s32 $0x108;
	s8 =	sld [smem:$0x3FA0]  }
0x2e: {  	s3 =	simm.s32 @!p0 $0x1082;
	s9 =	sld [smem:$0x3FA1]  }
0x2f: {  	lr =	sadd.s32 s0, s3;
	s0 =	sld [smem:$0x3F98]  }
0x30: {  	s3 =	sld [smem:$0x3F9B]  }
0x31: {  	[smem:$0x3FA4] =	sst s10  }
0x32: {  	s10 =	sld [smem:$0x3FA2];
	_ =	sdelay $0x3  }
0x33: {  	p0 =	seq.s32 s10, $0x1;
	s10 =	sld [smem:$0x3FA4];
	_ =	sdelay $0x3  }
0x34: {  	[smem:$0x3FA4] =	sst s10  }
0x35: {  	s10 =	sld [smem:$0x3FA3];
	_ =	sdelay $0x3  }
0x36: {  	p1 =	seq.s32 s10, $0x1;
	s10 =	sld [smem:$0x3FA4];
	_ =	sdelay $0x3  }
0x37: {  	[smem:$0x3FA4] =	sst s10  }
0x38: {  	s10 =	sld [smem:$0x3FA5]  }
0x39: {  	_ = 	snop;
	(pc) =	sbr.ind lr, $3  }
0x3a: {  	_ = 	snop  }
0x3b: {  	_ = 	snop  }
0x3c: {  	p2 =	seq.s32 s10, $0x1;
	s10 =	sld [smem:$0x3FA4]  }
0x3d: {  	_ =	shalt  }
0x3e: {  	_ =	shalt  }
0x3f: {  	_ =	shalt  }
0x40: {  	_ =	shalt  }
0x41: {  	_ =	shalt  }
0x42: {  	_ =	shalt  }
0x43: {  	_ =	shalt  }
0x44: {  	_ =	shalt  }
0x45: {  	_ =	shalt  }
0x46: {  	_ =	shalt  }
0x47: {  	_ =	shalt  }
0x48: {  	_ =	shalt  }
0x49: {  	_ =	shalt  }
0x4a: {  	_ =	shalt  }
0x4b: {  	_ =	shalt  }
0x4c: {  	_ =	shalt  }
0x4d: {  	_ =	shalt  }
0x4e: {  	_ =	shalt  }
0x4f: {  	_ =	shalt  }
0x50: {  	_ =	shalt  }
0x51: {  	_ =	shalt  }
0x52: {  	_ =	shalt  }
0x53: {  	_ =	shalt  }
0x54: {  	_ =	shalt  }
0x55: {  	_ =	shalt  }
0x56: {  	_ =	shalt  }
0x57: {  	_ =	shalt  }
0x58: {  	_ =	shalt  }
0x59: {  	_ =	shalt  }
0x5a: {  	_ =	shalt  }
0x5b: {  	_ =	shalt  }
0x5c: {  	_ =	shalt  }
0x5d: {  	_ =	shalt  }
0x5e: {  	_ =	shalt  }
0x5f: {  	_ =	shalt  }
0x60: {  	_ =	shalt  }
0x61: {  	_ =	shalt  }
0x62: {  	_ =	shalt  }
0x63: {  	_ =	shalt  }
0x64: {  	_ =	shalt  }
0x65: {  	_ =	shalt  }
0x66: {  	_ =	shalt  }
0x67: {  	_ =	shalt  }
0x68: {  	_ =	shalt  }
0x69: {  	_ =	shalt  }
0x6a: {  	_ =	shalt  }
0x6b: {  	_ =	shalt  }
0x6c: {  	_ =	shalt  }
0x6d: {  	_ =	shalt  }
0x6e: {  	_ =	shalt  }
0x6f: {  	_ =	shalt  }
0x70: {  	_ =	shalt  }
0x71: {  	_ =	shalt  }
0x72: {  	_ =	shalt  }
0x73: {  	_ =	shalt  }
0x74: {  	_ =	shalt  }
0x75: {  	_ =	shalt  }
0x76: {  	_ =	shalt  }
0x77: {  	_ =	shalt  }
0x78: {  	_ =	shalt  }
0x79: {  	_ =	shalt  }
0x7a: {  	_ =	shalt  }
0x7b: {  	_ =	shalt  }
0x7c: {  	_ =	shalt  }
0x7d: {  	_ =	shalt  }
0x7e: {  	_ =	shalt  }
0x7f: {  	_ =	shalt  }
0x80: {  	_ =	shalt  }
0x81: {  	_ =	shalt  }
0x82: {  	_ =	shalt  }
0x83: {  	_ =	shalt  }
0x84: {  	_ =	shalt  }
0x85: {  	_ =	shalt  }
0x86: {  	_ =	shalt  }
0x87: {  	_ =	shalt  }
.Lfunc_end0:
.L_simem_size_0:
called_computation.2_lowered:
.L_overlay_start_0:
0x88: {  	s2 =	sld [smem:$0x3FD9]  }
0x89: {  	s3 =	sld [smem:$0x3FFE];
	_ =	sdelay $0x1  }
0x8a: {  	s1 =	srdreg.scid  }
0x8b: {  	s0 =	sand.u32 $0x1, s1  }
0x8c: {  	s14 =	sshll.u32 s0, $0xA;
	s2 =	sadd.s32 s3, s2  }
0x8d: {  	s2 =	sadd.s32 s2, s14  }
0x8e: {  	[smem:$0x3FB0] =	sst s2  }
0x8f: {  	_ = 	snop  }
0x90: {  	s2 =	sld [smem:$0x3FD0];
	_ =	sdelay $0x2  }
0x91: {  	s15 =	simm.s32 $0xA;
	s4 =	simm.s32 $0x10  }
0x92: {  	[smem:s4], [sflag:s15] =	dma.local [hbm:s2], $0x1  }
0x93: {  	_ =	swait.eq [sflag:s15], $0x1  }
0x94: {  	[sflag:s15] =	ssyncset.done $0x0  }
0x95: {  	s16 =	sld [smem:$0x10];
	[sflag:s15] =	ssyncadd.s32 $0xFFFFFFFF  }
0x96: {  	s17 =	sld [smem:$0x11];
	(tm) =	ssettm $0x1  }
0x97: {  	s18 =	sld [smem:$0x3FFB];
	_ =	sdelay $0x3  }
0x98: {  	_ =	strace s18  }
0x99: {  	s4 =	sld [smem:$0x3FFC];
	_ =	sdelay $0x3  }
0x9a: {  	_ =	strace s4  }
0x9b: {  	s4 =	sld [smem:$0x3FFD];
	_ =	sdelay $0x3  }
0x9c: {  	_ =	strace s4  }
0x9d: {  	_ =	strace $0x8FFFFFFF  }
0x9e: {  	s19 =	sld [smem:$0x3FDB];
	_ =	sdelay $0x1  }
0x9f: {  	s5 =	simm.s32 $_scs_section_size  }
0xa0: {  	s6 =	simm.s32 $_size__tile_overlayer_lowered;
	s7 =	simm.s32 $_tile_overlayer_lowered  }
0xa1: {  	s22 =	simm.s32 $0x1BFF;
	s21 =	sshll.u32 s7, $0x1;
	s4 =	sadd.s32 s5, s19  }
0xa2: {  	s8 =	simm.s32 $0x0;
	s20 =	sshll.u32 s6, $0x1;
	s6 =	sadd.s32 s21, s4  }
0xa3: {  	[timem:s8], [sflag:s22] =	dma.local [hbm:s6], s20  }
0xa4: {  	_ =	swait.ge [sflag:s22], s20  }
0xa5: {  	s5 =	ssub.s32 $0x0, s20;
	[sflag:s22] =	ssyncset.done $0x0  }
0xa6: {  	[sflag:s22] =	ssyncadd.s32 s5;
	_ =	sdelay $0x1  }
0xa7: {  	s23 =	simm.s32 $0x1B8B  }
0xa8: {  	_ =	swait.ge [sflag:s23], $0x1  }
0xa9: {  	[sflag:s23] =	ssyncset.done $0x0  }
0xaa: {  	s25 =	simm.s32 $0x1B8E;
	s24 =	sld [smem:$0x3FFE];
	[sflag:s23] =	ssyncadd.s32 $0xFFFFFFFF  }
0xab: {  	s26 =	simm.s32 $execute0_lowered;
	[smem:$0x3FD2] =	sst s25  }
0xac: {  	s6 =	sshll.u32 s26, $0x1;
	_ =	strace $0x8000004C;
	[dreg:$0x1] =	wrdreg $0xFFFFFFFF  }
0xad: {  	s28 =	simm.s32 $_size_execute0_lowered;
	s4 =	sadd.s32 s4, s6;
	[dreg:$0x0] =	wrdreg $0x0  }
0xae: {  	s6 =	sshll.u32 s28, $0x1;
	[dreg:$0x2] =	wrdreg s4  }
0xaf: {  	[dreg:$0x3] =	wrdreg s6  }
0xb0: {  	[dreg:$0x4] =	wrdreg $0xC0  }
0xb1: {  	_ =	task [dreg:s8], $0x5FFFF  }
0xb2: {  	[dreg:$0x1] =	wrdreg $0xFFFFFFFF  }
0xb3: {  	[dreg:$0x0] =	wrdreg $0x60  }
0xb4: {  	[dreg:$0x2] =	wrdreg s16  }
0xb5: {  	[dreg:$0x3] =	wrdreg s24  }
0xb6: {  	[dreg:$0x4] =	wrdreg s17  }
0xb7: {  	[dreg:$0x5] =	wrdreg $0xB9000  }
0xb8: {  	[dreg:$0x6] =	wrdreg $0x9  }
0xb9: {  	_ =	task.clear_ibuf [dreg:s8], $0x7FFFF;
	_ =	strace $0x9000004C  }
0xba: {  	s29 =	simm.s32 $0x9;
	_ =	strace $0x8000004E  }
0xbb: {  	_ =	swait.ge [sflag:s29], $0x1  }
0xbc: {  	[sflag:s29] =	ssyncadd.s32 $0xFFFFFFFF  }
0xbd: {  	_ =	strace $0x9000004E  }
0xbe: {  	_ =	sfence  }
0xbf: {  	s30 =	sld [smem:$0x0];
	_ =	sdelay $0x2  }
0xc0: {  	s31 =	sshll.u32 s1, $0xD;
	s1 =	sshrl.u32 s1, $0x2  }
0xc1: {  	s3 =	sand.u32 $0x4000, s31;
	s1 =	sadd.s32 s1, s30  }
0xc2: {  	s0 =	sor.u32 s3, s0;
	s1 =	sshll.u32 s1, $0x11  }
0xc3: {  	s0 =	sor.u32 s1, s0  }
0xc4: {  	s0 =	sadd.s32 $0x8F2B, s0  }
0xc5: {  	[sflag:s0] =	ssyncadd.remote.s32 $0x1  }
0xc6: {  	_ =	sfence.sel $0xFFFF  }
0xc7: {  	[dreg:$0x0] =	wrdreg $0xFFFFFFFF;
	(pc) =	sbr.abs _section_cstart, $3  }
0xc8: {  	[dreg:$0x1] =	wrdreg $0xFFFFFFFF  }
0xc9: {  	_ =	task.clear_ibuf [dreg:s8], $0x2FFFF;
	_ =	strace $0x9FFFFFFF  }
0xca: {  	(tm) =	ssettm $0x7FFFFFFF  }
0xcb: {  	_ =	shalt  }
tec
execute0_lowered:
.L_overlay_start_1:
0x0: {  	(tag) =	ssettag $0x1  }
0x1: {  	s1 =	rddreg [dreg:$0x0]  }
0x2: {  	s0 =	rddreg [dreg:$0x1]  }
0x3: {  	s4 =	rddreg [dreg:$0x3]  }
0x4: {  	s2 =	srdreg.scid;
	s10 =	stileid.u32  }
0x5: {  	s5 =	simm.s32 $0x0;
	s28 =	simm.s32 $0x5900;
	s29 =	simm.s32 $0x7900  }
0x6: {  	s30 =	simm.s32 $0x1;
	s31 =	simm.s32 $0x2;
	s2 =	sand.u32 $0x1, s2  }
0x7: {  	s7 =	smul.u32 $0x14000, s10;
	[smem:$0x7FF] =	sst s5;
	s6 =	sadd.s32 $0x38C00, s0  }
0x8: {  	s3 =	sshll.u32 s2, $0x4;
	s8 =	smul.u32 $0x140000, s2;
	_ =	strace $0x8000004D  }
0x9: {  	s9 =	ssub.s32 $0x2, s2;
	s3 =	sor.u32 s10, s3;
	s10 =	smul.u32 $0x50000, s10  }
0xa: {  	p0 =	seq.s32 s2, $0x0;
	s11 =	sshrl.u32 s9, $0x1;
	s3 =	smul.u32 $0x590, s3  }
0xb: {  	s8 =	sadd.s32 s7, s8;
	s26 =	ssub.s32 s9, s11;
	s9 =	sadd.s32 s7, s4  }
0xc: {  	s8 =	sshrl.u32 s8, $0x3;
	s21 =	sshrl.u32 s10, $0x2;
	s26 =	smax.u32 s26, $0x1  }
0xd: {  	s3 =	sadd.s32 s3, s0;
	s0 =	sadd.s32 s8, s0;
	s23 =	sadd.s32 s21, s4  }
0xe: {  	[dreg:$0x9] =	wrdreg s26;
	s26 =	simm.s32 $0x80;
	s22 =	sadd.s32 $0x2DA00, s3  }
0xf: {  	s3 =	sadd.s32 $0x22800, s3;
	s10 =	sadd.s32 $0x2000, s23;
	s11 =	sadd.s32 $0x4000, s23  }
0x10: {  	s12 =	sadd.s32 $0x6000, s23;
	s13 =	sadd.s32 $0x8000, s23;
	s14 =	sadd.s32 $0xA000, s23  }
0x11: {  	s15 =	sadd.s32 $0xC000, s23;
	s16 =	sadd.s32 $0xE000, s23;
	[dreg:$0x5] =	wrdreg s22  }
0x12: {  	s17 =	sadd.s32 $0x10000, s23;
	s25 =	sadd.s32 $0x168C00, s0;
	[dreg:$0x6] =	wrdreg s3  }
0x13: {  	s0 =	sadd.s32 $0x118C00, s0;
	s3 =	simm.s32 $0x58;
	[dreg:$0x7] =	wrdreg s25  }
0x14: {  	s18 =	sadd.s32 $0x12000, s23;
	[dreg:$0x8] =	wrdreg s0;
	s3 =	simm.s32 @!p0 $0x44  }
0x15: {  	s25 =	simm.s32 $0x9900;
	s0 =	simm.s32 $0x0;
	s24 =	sshll.u32 s3, $0x7  }
0x16: {  	s20 =	sshrl.u32 s3, $0x1;
	s19 =	sadd.s32 $0x2C80, s24;
	s24 =	simm.s32 $0x3  }
.LBB2_1:
0x17: {  	s2 =	rddreg [dreg:$0x5]  }
0x18: {  	[tilespmem:s5], [sflag:$0x3] =	stream.linear.gather [hbm4b:s2+s5], $0x2C80, $0x38;
	[tilespmem:$0x1F900] =	vst v63  }
0x19: {  	_ =	swait.ge [sflag:s24], $0x2C80  }
0x1a: {  	[sflag:s24] =	ssyncset.done $0x0  }
0x1b: {  	s3 =	simm.s32 $0x2C80;
	s22 =	rddreg [dreg:$0x6];
	[sflag:s24] =	ssyncadd.s32 $0xFFFFD380  }
0x1c: {  	[tilespmem:s3], [sflag:$0x3] =	stream.linear.gather [hbm4b:s22+s5], $0x2C80, $0x38;
	[tilespmem:$0x1F900] =	vst v63  }
0x1d: {  	_ =	swait.ge [sflag:s24], $0x2C80  }
0x1e: {  	[sflag:s24] =	ssyncset.done $0x0  }
0x1f: {  	[sflag:s24] =	ssyncadd.s32 $0xFFFFD380  }
0x20: {  	s23 =	rddreg [dreg:$0x2]  }
0x21: {  	[tilespmem:s25], [sflag:$0x3] =	stream.linear.gather [hbm4b:s23+s5], $0x2000, $0x38;
	[tilespmem:$0x1F900] =	vst v63  }
0x22: {  	_ =	swait.ge [sflag:s24], $0x2000  }
0x23: {  	[sflag:s24] =	ssyncset.done $0x0  }
0x24: {  	[sflag:s24] =	ssyncadd.s32 $0xFFFFE000  }
0x25: {  	[spmem:s9] =	stream.linear.scatter [tilespmem:s25], [sflag:$0x3], $0x2000, $0x38;
	[tilespmem:$0x1F900] =	vst v63  }
0x26: {  	_ =	swait.ge [sflag:s24], $0x2000  }
0x27: {  	[sflag:s24] =	ssyncset.done $0x0  }
0x28: {  	[sflag:s24] =	ssyncadd.s32 $0xFFFFE000  }
0x29: {  	[spmem:s10] =	stream.linear.scatter [tilespmem:s25], [sflag:$0x3], $0x2000, $0x38;
	[tilespmem:$0x1F900] =	vst v63  }
0x2a: {  	_ =	swait.ge [sflag:s24], $0x2000  }
0x2b: {  	[sflag:s24] =	ssyncset.done $0x0  }
0x2c: {  	[sflag:s24] =	ssyncadd.s32 $0xFFFFE000  }
0x2d: {  	[spmem:s11] =	stream.linear.scatter [tilespmem:s25], [sflag:$0x3], $0x2000, $0x38;
	[tilespmem:$0x1F900] =	vst v63  }
0x2e: {  	_ =	swait.ge [sflag:s24], $0x2000  }
0x2f: {  	[sflag:s24] =	ssyncset.done $0x0  }
0x30: {  	[sflag:s24] =	ssyncadd.s32 $0xFFFFE000  }
0x31: {  	[spmem:s12] =	stream.linear.scatter [tilespmem:s25], [sflag:$0x3], $0x2000, $0x38;
	[tilespmem:$0x1F900] =	vst v63  }
0x32: {  	_ =	swait.ge [sflag:s24], $0x2000  }
0x33: {  	[sflag:s24] =	ssyncset.done $0x0  }
0x34: {  	[sflag:s24] =	ssyncadd.s32 $0xFFFFE000  }
0x35: {  	[spmem:s13] =	stream.linear.scatter [tilespmem:s25], [sflag:$0x3], $0x2000, $0x38;
	[tilespmem:$0x1F900] =	vst v63  }
0x36: {  	_ =	swait.ge [sflag:s24], $0x2000  }
0x37: {  	[sflag:s24] =	ssyncset.done $0x0  }
0x38: {  	[sflag:s24] =	ssyncadd.s32 $0xFFFFE000  }
0x39: {  	[spmem:s14] =	stream.linear.scatter [tilespmem:s25], [sflag:$0x3], $0x2000, $0x38;
	[tilespmem:$0x1F900] =	vst v63  }
0x3a: {  	_ =	swait.ge [sflag:s24], $0x2000  }
0x3b: {  	[sflag:s24] =	ssyncset.done $0x0  }
0x3c: {  	[sflag:s24] =	ssyncadd.s32 $0xFFFFE000  }
0x3d: {  	[spmem:s15] =	stream.linear.scatter [tilespmem:s25], [sflag:$0x3], $0x2000, $0x38;
	[tilespmem:$0x1F900] =	vst v63  }
0x3e: {  	_ =	swait.ge [sflag:s24], $0x2000  }
0x3f: {  	[sflag:s24] =	ssyncset.done $0x0  }
0x40: {  	[sflag:s24] =	ssyncadd.s32 $0xFFFFE000  }
0x41: {  	[spmem:s16] =	stream.linear.scatter [tilespmem:s25], [sflag:$0x3], $0x2000, $0x38;
	[tilespmem:$0x1F900] =	vst v63  }
0x42: {  	_ =	swait.ge [sflag:s24], $0x2000  }
0x43: {  	[sflag:s24] =	ssyncset.done $0x0  }
0x44: {  	[sflag:s24] =	ssyncadd.s32 $0xFFFFE000  }
0x45: {  	[spmem:s17] =	stream.linear.scatter [tilespmem:s25], [sflag:$0x3], $0x2000, $0x38;
	[tilespmem:$0x1F900] =	vst v63  }
0x46: {  	_ =	swait.ge [sflag:s24], $0x2000  }
0x47: {  	[sflag:s24] =	ssyncset.done $0x0  }
0x48: {  	p1 =	sne.s32 s20, $0x1;
	[sflag:s24] =	ssyncadd.s32 $0xFFFFE000  }
0x49: {  	[spmem:s18] =	stream.linear.scatter [tilespmem:s25], [sflag:$0x3], $0x2000, $0x38;
	[tilespmem:$0x1F900] =	vst v63  }
.Ltmp0:
0x4a: {  	_ =	swait.ge [sflag:s24], $0x2000;
	(pc) =	sbr.rel @!p1 .LBB2_5-.Ltmp0, $4  }
0x4b: {  	s7 =	sadd.s32 $0xFFFFFFFF, s20;
	p0 =	por $0x0, $0x0;
	[sflag:s24] =	ssyncset.done $0x0  }
0x4c: {  	s8 =	simm.s32 $0x100;
	s21 =	simm.s32 $0x2C80;
	[sflag:s24] =	ssyncadd.s32 $0xFFFFE000  }
0x4d: {  	p2 =	por $0x0, $0x0;
	s2 =	simm.s32 $0x100;
	[bflag:$0x0] =	sbarrier.arrive $0xFFFF  }
0x4e: {  	[tilespmem:s28], [sflag:$0x1] =	stream.indirect.gather [hbm4b:s1+s26], $0x40, s5, s26, $0xb8;
	[tilespmem:$0x1F900] =	vst v63  }
0x4f: {  	s8 =	simm.s32 $0x80  }
0x50: {  	[tilespmem:s29], [sflag:$0x2] =	stream.indirect.gather [hbm4b:s1+s26], $0x40, s8, s26, $0xb8;
	[tilespmem:$0x1F900] =	vst v63  }
0x51: {  	_ =	swait.ge [sflag:s30], $0x2000  }
0x52: {  	[sflag:s30] =	ssyncset.done $0x0  }
0x53: {  	[sflag:s30] =	ssyncadd.s32 $0xFFFFE000  }
0x54: {  	[spmem:s4] =	stream.indirect.scatter.add.f32 [tilespmem:s28], [sflag:$0x3], $0x40, s3, s26, $0xb8;
	[tilespmem:$0x1F900] =	vst v63  }
0x55: {  	_ =	swait.ge [sflag:s24], $0x2000  }
0x56: {  	[sflag:s24] =	ssyncset.done $0x0  }
0x57: {  	[sflag:s24] =	ssyncadd.s32 $0xFFFFE000  }
0x58: {  	[tilespmem:s28], [sflag:$0x1] =	stream.indirect.gather [hbm4b:s1+s26], $0x40, s2, s26, $0xb8;
	[tilespmem:$0x1F900] =	vst v63  }
0x59: {  	p3 =	sne.s32 s7, $0x1;
	_ =	swait.ge [sflag:s31], $0x2000  }
.Ltmp1:
0x5a: {  	[sflag:s31] =	ssyncset.done $0x0;
	(pc) =	sbr.rel @!p3 .LBB2_3-.Ltmp1, $4  }
0x5b: {  	s23 =	simm.s32 $0x2D00;
	[sflag:s31] =	ssyncadd.s32 $0xFFFFE000  }
0x5c: {  	[spmem:s4] =	stream.indirect.scatter.add.f32 [tilespmem:s29], [sflag:$0x3], $0x40, s23, s26, $0xb8;
	[tilespmem:$0x1F900] =	vst v63  }
0x5d: {  	s22 =	sadd.s32 $0xFFFFFFFF, s7;
	p2 =	por $0x1, $0x1;
	_ =	swait.ge [sflag:s24], $0x2000  }
0x5e: {  	s21 =	simm.s32 $0x2C80;
	s8 =	simm.s32 $0x200;
	[sflag:s24] =	ssyncset.done $0x0  }
.LBB2_4:
0x5f: {  	s23 =	sadd.s32 $0xFFFFFF80, s8;
	[sflag:s24] =	ssyncadd.s32 $0xFFFFE000;
	s21 =	sadd.s32 $0x100, s21  }
0x60: {  	[tilespmem:s29], [sflag:$0x2] =	stream.indirect.gather [hbm4b:s1+s26], $0x40, s23, s26, $0xb8;
	[tilespmem:$0x1F900] =	vst v63  }
0x61: {  	p3 =	sne.s32 s22, $0x1;
	s22 =	sadd.s32 $0xFFFFFFFF, s22;
	_ =	swait.ge [sflag:s30], $0x2000  }
0x62: {  	[sflag:s30] =	ssyncset.done $0x0  }
0x63: {  	[sflag:s30] =	ssyncadd.s32 $0xFFFFE000  }
0x64: {  	[spmem:s4] =	stream.indirect.scatter.add.f32 [tilespmem:s28], [sflag:$0x3], $0x40, s21, s26, $0xb8;
	[tilespmem:$0x1F900] =	vst v63  }
0x65: {  	_ =	swait.ge [sflag:s24], $0x2000  }
0x66: {  	[sflag:s24] =	ssyncset.done $0x0  }
0x67: {  	[sflag:s24] =	ssyncadd.s32 $0xFFFFE000  }
0x68: {  	[tilespmem:s28], [sflag:$0x1] =	stream.indirect.gather [hbm4b:s1+s26], $0x40, s8, s26, $0xb8;
	[tilespmem:$0x1F900] =	vst v63  }
0x69: {  	_ =	swait.ge [sflag:s31], $0x2000  }
.Ltmp2:
0x6a: {  	[sflag:s31] =	ssyncset.done $0x0;
	(pc) =	sbr.rel @p3 .LBB2_4-.Ltmp2, $4  }
0x6b: {  	s23 =	sadd.s32 $0x80, s21;
	[sflag:s31] =	ssyncadd.s32 $0xFFFFE000  }
0x6c: {  	[spmem:s4] =	stream.indirect.scatter.add.f32 [tilespmem:s29], [sflag:$0x3], $0x40, s23, s26, $0xb8;
	[tilespmem:$0x1F900] =	vst v63  }
0x6d: {  	_ =	swait.ge [sflag:s24], $0x2000  }
0x6e: {  	s8 =	sadd.s32 $0x100, s8;
	[sflag:s24] =	ssyncset.done $0x0  }
.LBB2_5:
0x6f: {  	s22 =	sadd.s32 $0xFFFFFF80, s8;
	[sflag:s24] =	ssyncadd.s32 @p2 $0xFFFFE000  }
0x70: {  	[tilespmem:s29], [sflag:$0x2] =	stream.indirect.gather [hbm4b:s1+s26], $0x40, s22, s26, $0xb8;
	[tilespmem:$0x1F900] =	vst v63  }
0x71: {  	_ =	swait.ge [sflag:s30], $0x2000  }
0x72: {  	s21 =	sadd.s32 @p2 $0x100, s21;
	s22 =	simm.s32 $0x2C80;
	[sflag:s30] =	ssyncset.done $0x0  }
0x73: {  	s22 =	smov.u32 @p2 s21;
	[sflag:s30] =	ssyncadd.s32 $0xFFFFE000  }
0x74: {  	[spmem:s4] =	stream.indirect.scatter.add.f32 [tilespmem:s28], [sflag:$0x3], $0x40, s22, s26, $0xb8;
	[tilespmem:$0x1F900] =	vst v63  }
0x75: {  	_ =	swait.ge [sflag:s24], $0x2000  }
0x76: {  	[sflag:s24] =	ssyncset.done $0x0  }
0x77: {  	[sflag:s24] =	ssyncadd.s32 $0xFFFFE000  }
0x78: {  	[tilespmem:s28], [sflag:$0x1] =	stream.indirect.gather [hbm4b:s1+s26], $0x40, s8, s26, $0xb8;
	[tilespmem:$0x1F900] =	vst v63  }
0x79: {  	_ =	swait.ge [sflag:s31], $0x2000  }
0x7a: {  	[sflag:s31] =	ssyncset.done $0x0  }
0x7b: {  	s21 =	sadd.s32 $0x80, s22;
	[sflag:s31] =	ssyncadd.s32 $0xFFFFE000  }
0x7c: {  	[spmem:s4] =	stream.indirect.scatter.add.f32 [tilespmem:s29], [sflag:$0x3], $0x40, s21, s26, $0xb8;
	[tilespmem:$0x1F900] =	vst v63  }
0x7d: {  	_ =	swait.ge [sflag:s24], $0x2000  }
0x7e: {  	[sflag:s24] =	ssyncset.done $0x0  }
0x7f: {  	[sflag:s24] =	ssyncadd.s32 $0xFFFFE000  }
0x80: {  	_ =	swait.ge [sflag:s30], $0x2000  }
0x81: {  	[sflag:s30] =	ssyncset.done $0x0  }
0x82: {  	[sflag:s30] =	ssyncadd.s32 $0xFFFFE000  }
0x83: {  	[spmem:s4] =	stream.indirect.scatter.add.f32 [tilespmem:s28], [sflag:$0x3], $0x40, s19, s26, $0xb8;
	[tilespmem:$0x1F900] =	vst v63  }
0x84: {  	_ =	swait.ge [sflag:s24], $0x2000  }
0x85: {  	[sflag:s24] =	ssyncset.done $0x0  }
0x86: {  	s22 =	stileid.u32;
	[sflag:s24] =	ssyncadd.s32 $0xFFFFE000  }
0x87: {  	s8 =	sshll.u32 s22, $0x6;
	[bflag:$0x0] =	sbarrier.arrive $0xFFFF  }
0x88: {  	s8 =	sor.u32 $0x1C03, s8;
	s21 =	sshrl.u32 s9, $0x3;
	s23 =	rddreg [dreg:$0x7]  }
0x89: {  	[hbm:s23], [sflag:s8] =	dma.local [spmem:s21], $0x2800  }
0x8a: {  	_ =	swait.ge [sflag:s24], $0x2800  }
0x8b: {  	[sflag:s24] =	ssyncset.done $0x0  }
0x8c: {  	[sflag:s24] =	ssyncadd.s32 $0xFFFFD800  }
0x8d: {  	[bflag:$0x0] =	sbarrier.arrive $0xFFFF  }
0x8e: {  	[spmem:s9] =	stream.linear.scatter [tilespmem:s25], [sflag:$0x3], $0x2000, $0x38;
	[tilespmem:$0x1F900] =	vst v63  }
0x8f: {  	_ =	swait.ge [sflag:s24], $0x2000  }
0x90: {  	[sflag:s24] =	ssyncset.done $0x0  }
0x91: {  	[sflag:s24] =	ssyncadd.s32 $0xFFFFE000  }
0x92: {  	[spmem:s10] =	stream.linear.scatter [tilespmem:s25], [sflag:$0x3], $0x2000, $0x38;
	[tilespmem:$0x1F900] =	vst v63  }
0x93: {  	_ =	swait.ge [sflag:s24], $0x2000  }
0x94: {  	[sflag:s24] =	ssyncset.done $0x0  }
0x95: {  	[sflag:s24] =	ssyncadd.s32 $0xFFFFE000  }
0x96: {  	[spmem:s11] =	stream.linear.scatter [tilespmem:s25], [sflag:$0x3], $0x2000, $0x38;
	[tilespmem:$0x1F900] =	vst v63  }
0x97: {  	_ =	swait.ge [sflag:s24], $0x2000  }
0x98: {  	[sflag:s24] =	ssyncset.done $0x0  }
0x99: {  	[sflag:s24] =	ssyncadd.s32 $0xFFFFE000  }
0x9a: {  	[spmem:s12] =	stream.linear.scatter [tilespmem:s25], [sflag:$0x3], $0x2000, $0x38;
	[tilespmem:$0x1F900] =	vst v63  }
0x9b: {  	_ =	swait.ge [sflag:s24], $0x2000  }
0x9c: {  	[sflag:s24] =	ssyncset.done $0x0  }
0x9d: {  	[sflag:s24] =	ssyncadd.s32 $0xFFFFE000  }
0x9e: {  	[spmem:s13] =	stream.linear.scatter [tilespmem:s25], [sflag:$0x3], $0x2000, $0x38;
	[tilespmem:$0x1F900] =	vst v63  }
0x9f: {  	_ =	swait.ge [sflag:s24], $0x2000  }
0xa0: {  	[sflag:s24] =	ssyncset.done $0x0  }
0xa1: {  	[sflag:s24] =	ssyncadd.s32 $0xFFFFE000  }
0xa2: {  	[spmem:s14] =	stream.linear.scatter [tilespmem:s25], [sflag:$0x3], $0x2000, $0x38;
	[tilespmem:$0x1F900] =	vst v63  }
0xa3: {  	_ =	swait.ge [sflag:s24], $0x2000  }
0xa4: {  	[sflag:s24] =	ssyncset.done $0x0  }
0xa5: {  	[sflag:s24] =	ssyncadd.s32 $0xFFFFE000  }
0xa6: {  	[spmem:s15] =	stream.linear.scatter [tilespmem:s25], [sflag:$0x3], $0x2000, $0x38;
	[tilespmem:$0x1F900] =	vst v63  }
0xa7: {  	_ =	swait.ge [sflag:s24], $0x2000  }
0xa8: {  	[sflag:s24] =	ssyncset.done $0x0  }
0xa9: {  	[sflag:s24] =	ssyncadd.s32 $0xFFFFE000  }
0xaa: {  	[spmem:s16] =	stream.linear.scatter [tilespmem:s25], [sflag:$0x3], $0x2000, $0x38;
	[tilespmem:$0x1F900] =	vst v63  }
0xab: {  	_ =	swait.ge [sflag:s24], $0x2000  }
0xac: {  	[sflag:s24] =	ssyncset.done $0x0  }
0xad: {  	[sflag:s24] =	ssyncadd.s32 $0xFFFFE000  }
0xae: {  	[spmem:s17] =	stream.linear.scatter [tilespmem:s25], [sflag:$0x3], $0x2000, $0x38;
	[tilespmem:$0x1F900] =	vst v63  }
0xaf: {  	_ =	swait.ge [sflag:s24], $0x2000  }
0xb0: {  	[sflag:s24] =	ssyncset.done $0x0  }
0xb1: {  	[sflag:s24] =	ssyncadd.s32 $0xFFFFE000  }
0xb2: {  	[spmem:s18] =	stream.linear.scatter [tilespmem:s25], [sflag:$0x3], $0x2000, $0x38;
	[tilespmem:$0x1F900] =	vst v63  }
.Ltmp3:
0xb3: {  	_ =	swait.ge [sflag:s24], $0x2000;
	(pc) =	sbr.rel @!p1 .LBB2_6-.Ltmp3, $4  }
0xb4: {  	[sflag:s24] =	ssyncset.done $0x0  }
0xb5: {  	[sflag:s24] =	ssyncadd.s32 $0xFFFFE000  }
0xb6: {  	[bflag:$0x0] =	sbarrier.arrive $0xFFFF  }
0xb7: {  	[tilespmem:s28], [sflag:$0x1] =	stream.indirect.gather [hbm4b:s6+s26], $0x40, s5, s26, $0xb8;
	[tilespmem:$0x1F900] =	vst v63  }
0xb8: {  	s22 =	simm.s32 $0x80  }
0xb9: {  	[tilespmem:s29], [sflag:$0x2] =	stream.indirect.gather [hbm4b:s6+s26], $0x40, s22, s26, $0xb8;
	[tilespmem:$0x1F900] =	vst v63  }
0xba: {  	_ =	swait.ge [sflag:s30], $0x2000  }
0xbb: {  	[sflag:s30] =	ssyncset.done $0x0  }
0xbc: {  	[sflag:s30] =	ssyncadd.s32 $0xFFFFE000  }
0xbd: {  	[spmem:s4] =	stream.indirect.scatter.add.f32 [tilespmem:s28], [sflag:$0x3], $0x40, s3, s26, $0xb8;
	[tilespmem:$0x1F900] =	vst v63  }
0xbe: {  	_ =	swait.ge [sflag:s24], $0x2000  }
0xbf: {  	[sflag:s24] =	ssyncset.done $0x0  }
0xc0: {  	[sflag:s24] =	ssyncadd.s32 $0xFFFFE000  }
0xc1: {  	[tilespmem:s28], [sflag:$0x1] =	stream.indirect.gather [hbm4b:s6+s26], $0x40, s2, s26, $0xb8;
	[tilespmem:$0x1F900] =	vst v63  }
0xc2: {  	p1 =	sne.s32 s7, $0x1;
	_ =	swait.ge [sflag:s31], $0x2000  }
.Ltmp4:
0xc3: {  	[sflag:s31] =	ssyncset.done $0x0;
	(pc) =	sbr.rel @!p1 .LBB2_8-.Ltmp4, $4  }
0xc4: {  	s23 =	simm.s32 $0x2D00;
	[sflag:s31] =	ssyncadd.s32 $0xFFFFE000  }
0xc5: {  	[spmem:s4] =	stream.indirect.scatter.add.f32 [tilespmem:s29], [sflag:$0x3], $0x40, s23, s26, $0xb8;
	[tilespmem:$0x1F900] =	vst v63  }
0xc6: {  	p0 =	por $0x1, $0x1;
	s22 =	sadd.s32 $0xFFFFFFFF, s7;
	_ =	swait.ge [sflag:s24], $0x2000  }
0xc7: {  	s7 =	simm.s32 $0x2C80;
	s2 =	simm.s32 $0x200;
	[sflag:s24] =	ssyncset.done $0x0  }
.LBB2_9:
0xc8: {  	s23 =	sadd.s32 $0xFFFFFF80, s2;
	[sflag:s24] =	ssyncadd.s32 $0xFFFFE000;
	s7 =	sadd.s32 $0x100, s7  }
0xc9: {  	[tilespmem:s29], [sflag:$0x2] =	stream.indirect.gather [hbm4b:s6+s26], $0x40, s23, s26, $0xb8;
	[tilespmem:$0x1F900] =	vst v63  }
0xca: {  	p1 =	sne.s32 s22, $0x1;
	s22 =	sadd.s32 $0xFFFFFFFF, s22;
	_ =	swait.ge [sflag:s30], $0x2000  }
0xcb: {  	[sflag:s30] =	ssyncset.done $0x0  }
0xcc: {  	[sflag:s30] =	ssyncadd.s32 $0xFFFFE000  }
0xcd: {  	[spmem:s4] =	stream.indirect.scatter.add.f32 [tilespmem:s28], [sflag:$0x3], $0x40, s7, s26, $0xb8;
	[tilespmem:$0x1F900] =	vst v63  }
0xce: {  	_ =	swait.ge [sflag:s24], $0x2000  }
0xcf: {  	[sflag:s24] =	ssyncset.done $0x0  }
0xd0: {  	[sflag:s24] =	ssyncadd.s32 $0xFFFFE000  }
0xd1: {  	[tilespmem:s28], [sflag:$0x1] =	stream.indirect.gather [hbm4b:s6+s26], $0x40, s2, s26, $0xb8;
	[tilespmem:$0x1F900] =	vst v63  }
0xd2: {  	_ =	swait.ge [sflag:s31], $0x2000  }
.Ltmp5:
0xd3: {  	[sflag:s31] =	ssyncset.done $0x0;
	(pc) =	sbr.rel @p1 .LBB2_9-.Ltmp5, $4  }
0xd4: {  	s23 =	sadd.s32 $0x80, s7;
	[sflag:s31] =	ssyncadd.s32 $0xFFFFE000  }
0xd5: {  	[spmem:s4] =	stream.indirect.scatter.add.f32 [tilespmem:s29], [sflag:$0x3], $0x40, s23, s26, $0xb8;
	[tilespmem:$0x1F900] =	vst v63  }
0xd6: {  	_ =	swait.ge [sflag:s24], $0x2000  }
0xd7: {  	s2 =	sadd.s32 $0x100, s2;
	[sflag:s24] =	ssyncset.done $0x0  }
.LBB2_10:
0xd8: {  	s22 =	sadd.s32 $0xFFFFFF80, s2;
	[sflag:s24] =	ssyncadd.s32 @p0 $0xFFFFE000  }
0xd9: {  	[tilespmem:s29], [sflag:$0x2] =	stream.indirect.gather [hbm4b:s6+s26], $0x40, s22, s26, $0xb8;
	[tilespmem:$0x1F900] =	vst v63  }
0xda: {  	_ =	swait.ge [sflag:s30], $0x2000  }
0xdb: {  	s7 =	sadd.s32 @p0 $0x100, s7;
	[sflag:s30] =	ssyncset.done $0x0  }
0xdc: {  	s3 =	smov.u32 @p0 s7;
	[sflag:s30] =	ssyncadd.s32 $0xFFFFE000  }
0xdd: {  	[spmem:s4] =	stream.indirect.scatter.add.f32 [tilespmem:s28], [sflag:$0x3], $0x40, s3, s26, $0xb8;
	[tilespmem:$0x1F900] =	vst v63  }
0xde: {  	_ =	swait.ge [sflag:s24], $0x2000  }
0xdf: {  	[sflag:s24] =	ssyncset.done $0x0  }
0xe0: {  	[sflag:s24] =	ssyncadd.s32 $0xFFFFE000  }
0xe1: {  	[tilespmem:s28], [sflag:$0x1] =	stream.indirect.gather [hbm4b:s6+s26], $0x40, s2, s26, $0xb8;
	[tilespmem:$0x1F900] =	vst v63  }
0xe2: {  	_ =	swait.ge [sflag:s31], $0x2000  }
0xe3: {  	[sflag:s31] =	ssyncset.done $0x0  }
0xe4: {  	s7 =	sadd.s32 $0x80, s3;
	[sflag:s31] =	ssyncadd.s32 $0xFFFFE000  }
0xe5: {  	[spmem:s4] =	stream.indirect.scatter.add.f32 [tilespmem:s29], [sflag:$0x3], $0x40, s7, s26, $0xb8;
	[tilespmem:$0x1F900] =	vst v63  }
0xe6: {  	_ =	swait.ge [sflag:s24], $0x2000  }
0xe7: {  	[sflag:s24] =	ssyncset.done $0x0  }
0xe8: {  	[sflag:s24] =	ssyncadd.s32 $0xFFFFE000  }
0xe9: {  	_ =	swait.ge [sflag:s30], $0x2000  }
0xea: {  	[sflag:s30] =	ssyncset.done $0x0  }
0xeb: {  	[sflag:s30] =	ssyncadd.s32 $0xFFFFE000  }
0xec: {  	[spmem:s4] =	stream.indirect.scatter.add.f32 [tilespmem:s28], [sflag:$0x3], $0x40, s19, s26, $0xb8;
	[tilespmem:$0x1F900] =	vst v63  }
0xed: {  	_ =	swait.ge [sflag:s24], $0x2000  }
0xee: {  	[sflag:s24] =	ssyncset.done $0x0  }
0xef: {  	[sflag:s24] =	ssyncadd.s32 $0xFFFFE000  }
0xf0: {  	[bflag:$0x0] =	sbarrier.arrive $0xFFFF  }
0xf1: {  	s22 =	rddreg [dreg:$0x8]  }
0xf2: {  	[hbm:s22], [sflag:s8] =	dma.local [spmem:s21], $0x2800  }
0xf3: {  	_ =	swait.ge [sflag:s24], $0x2800  }
0xf4: {  	s0 =	sadd.s32 $0x1, s0;
	s23 =	rddreg [dreg:$0x9]  }
0xf5: {  	p0 =	sne.s32 s0, s23  }
.Ltmp6:
0xf6: {  	_ = 	snop;
	(pc) =	sbr.rel @p0 .LBB2_1-.Ltmp6, $4  }
.Ltmp7:
0xf7: {  	_ = 	snop;
	(pc) =	sbr.rel @!p0 .LBB2_11-.Ltmp7, $4  }
0xf8: {  	_ = 	snop  }
0xf9: {  	[sflag:s24] =	ssyncset.done $0x0  }
0xfa: {  	[sflag:s24] =	ssyncadd.s32 $0xFFFFD800  }
0xfb: {  	_ = 	snop  }
.LBB2_6:
.Ltmp8:
0xfc: {  	(pc) =	sbr.rel .LBB2_10-.Ltmp8, $2  }
0xfd: {  	_ =	sdelay $0x2  }
0xfe: {  	s7 =	simm.s32 $0x2C80  }
.LBB2_3:
.Ltmp9:
0xff: {  	(pc) =	sbr.rel .LBB2_5-.Ltmp9, $2  }
0x100: {  	_ =	sdelay $0x2  }
0x101: {  	s21 =	simm.s32 $0x2C80  }
.LBB2_8:
.Ltmp10:
0x102: {  	(pc) =	sbr.rel .LBB2_10-.Ltmp10, $2  }
0x103: {  	_ =	sdelay $0x2  }
0x104: {  	s7 =	simm.s32 $0x2C80  }
.LBB2_11:
0x105: {  	_ =	sfence.sel $0x180000  }
0x106: {  	[bflag:$0x0] =	sbarrier.arrive $0xFFFF  }
0x107: {  	_ =	strace $0x9000004D  }
0x108: {  	s0 =	stileid.u32;
	[bflag:$0x2] =	sbarrier.arrive $0xFFFF  }
0x109: {  	p0 =	sne.s32 s0, $0x0;
	s0 =	rddreg [dreg:$0x4]  }
0x10a: {  	s0 =	sadd.s32 @!p0 $0x100000, s0  }
0x10b: {  	[sflag:s0] =	ssyncadd.tile.s32 @!p0 $0x1;
	_ =	shalt  }
.Lfunc_end2:
_tile_overlayer_lowered:
.L_overlay_start_2:
0x10c: {  	(tag) =	ssettag $0x2  }
0x10d: {  	s0 =	rddreg [dreg:$0x0];
	s2 =	stileid.u32  }
0x10e: {  	s1 =	rddreg [dreg:$0x1];
	p0 =	sne.s32 s2, $0x0  }
0x10f: {  	s3 =	rddreg [dreg:$0x2];
	[bflag:$0x3] =	sbarrier.arrive $0xFFFF;
	s2 =	simm.s32 @!p0 $0x1C03  }
0x110: {  	[timem:s3], [sflag:s2] =	dma.local @!p0 [hbm:s0], s1  }
0x111: {  	s0 =	simm.s32 @!p0 $0x3  }
0x112: {  	_ =	swait.ge @!p0 [sflag:s0], s1  }
0x113: {  	s1 =	ssub.s32 @!p0 $0x0, s1;
	[sflag:s0] =	ssyncset.done @!p0 $0x0  }
0x114: {  	[sflag:s0] =	ssyncadd.s32 @!p0 s1  }
0x115: {  	[bflag:$0x3] =	sbarrier.arrive $0xFFFF  }
0x116: {  	_ =	shalt  }

// kernel: kernel.8.cloned.1.call-start
scs
__scs_entry_jumppad:
0x0: {  	(pc) =	sbr.rel $0x88, $3  }
0x1: {  	(tag) =	ssettag $0x0;
	lr =	simm.s32 $0x1  }
0x2: {  	[smem:$0x3F89] =	sst lr;
	_ =	strace $0xD0000000  }
0x3: {  	_ = 	snop  }
0x4: {  	_ = 	snop  }
0x5: {  	_ = 	snop  }
0x6: {  	_ = 	snop  }
0x7: {  	_ = 	snop  }
__scs_overlays_trampoline_lowered:
0x8: {  	[smem:$0x3F98] =	sst s0  }
0x9: {  	[smem:$0x3F99] =	sst s1  }
0xa: {  	[smem:$0x3F9A] =	sst s2  }
0xb: {  	[smem:$0x3F9B] =	sst s3  }
0xc: {  	[smem:$0x3F9C] =	sst s4  }
0xd: {  	[smem:$0x3F9D] =	sst s5  }
0xe: {  	[smem:$0x3F9E] =	sst s6  }
0xf: {  	[smem:$0x3F9F] =	sst s7  }
0x10: {  	[smem:$0x3FA0] =	sst s8  }
0x11: {  	[smem:$0x3FA1] =	sst s9;
	s0 =	simm.s32 @!p0 $0x0  }
0x12: {  	s1 =	sld [smem:$0x3F87];
	s0 =	simm.s32 @p0 $0x1  }
0x13: {  	[smem:$0x3FA2] =	sst s0;
	s0 =	simm.s32 @!p1 $0x0  }
0x14: {  	s2 =	sld [smem:$0x3F86];
	s0 =	simm.s32 @p1 $0x1  }
0x15: {  	[smem:$0x3FA3] =	sst s0;
	s0 =	simm.s32 @!p2 $0x0  }
0x16: {  	s3 =	sld [smem:$0x3FDB];
	s0 =	simm.s32 @p2 $0x1  }
0x17: {  	s4 =	simm.s32 $0x1BF5;
	[smem:$0x3FA5] =	sst s0  }
0x18: {  	s0 =	sld [smem:$0x3F88];
	_ =	swait.ge [sflag:s4], $0x0  }
0x19: {  	s7 =	sld [smem:$0x3F89]  }
0x1a: {  	s8 =	sadd.s32 $0xFFFFE003, lr  }
0x1b: {  	s9 =	sadd.s32 $0xFFFFFEF7, lr;
	s5 =	simm.s32 $0xFFFFFFFF;
	p2 =	slt.u32 s8, $0xFFFFF086  }
0x1c: {  	p1 =	slt.u32 s9, $0xF7A;
	s5 =	simm.s32 @!p2 $0x0  }
0x1d: {  	s5 =	simm.s32 @p1 $0x1;
	p0 =	seq.s32 s7, s2  }
0x1e: {  	s7 =	smul.u32 @!p0 $0xF7A, s2;
	p2 =	seq.s32 @!p0 s5, $0x0  }
0x1f: {  	s9 =	smul.u32 $0xF7A, s1;
	s8 =	simm.s32 @!p0 $0x1BF5;
	p2 =	por !p2, p0  }
0x20: {  	[sflag:s8] =	ssyncset.s32 @!p0 $0xFFFFF086;
	s6 =	sadd.s32 @!p0 s3, s7;
	s7 =	simm.s32 @!p0 $0x108  }
0x21: {  	s3 =	sadd.s32 s3, s9;
	s6 =	sadd.s32 @!p0 $0x88, s6;
	s7 =	simm.s32 @p2 $0x1082  }
0x22: {  	[simem:s7], [sflag:s8] =	dma.local @!p0 [hbm:s6], $0xF7A  }
0x23: {  	s9 =	sor.u32 $0xD0000000, s2;
	s6 =	simm.s32 $0x108;
	_ =	swait.ge @!p0 [sflag:s8], $0x0  }
0x24: {  	s3 =	sadd.s32 $0x88, s3;
	s6 =	simm.s32 @!p1 $0x1082;
	[sflag:s4] =	ssyncset.s32 $0xFFFFF086  }
0x25: {  	[simem:s6], [sflag:s4] =	dma.local [hbm:s3], $0xF7A  }
0x26: {  	[smem:$0x3F89] =	sst s1;
	(tag) =	ssettag s2;
	_ =	strace s9  }
0x27: {  	s1 =	sld [smem:$0x3F99]  }
0x28: {  	s2 =	sld [smem:$0x3F9A]  }
0x29: {  	s4 =	sld [smem:$0x3F9C]  }
0x2a: {  	p0 =	seq.s32 s5, $0x0;
	s5 =	sld [smem:$0x3F9D]  }
0x2b: {  	s6 =	sld [smem:$0x3F9E]  }
0x2c: {  	s7 =	sld [smem:$0x3F9F]  }
0x2d: {  	s3 =	simm.s32 $0x108;
	s8 =	sld [smem:$0x3FA0]  }
0x2e: {  	s3 =	simm.s32 @!p0 $0x1082;
	s9 =	sld [smem:$0x3FA1]  }
0x2f: {  	lr =	sadd.s32 s0, s3;
	s0 =	sld [smem:$0x3F98]  }
0x30: {  	s3 =	sld [smem:$0x3F9B]  }
0x31: {  	[smem:$0x3FA4] =	sst s10  }
0x32: {  	s10 =	sld [smem:$0x3FA2];
	_ =	sdelay $0x3  }
0x33: {  	p0 =	seq.s32 s10, $0x1;
	s10 =	sld [smem:$0x3FA4];
	_ =	sdelay $0x3  }
0x34: {  	[smem:$0x3FA4] =	sst s10  }
0x35: {  	s10 =	sld [smem:$0x3FA3];
	_ =	sdelay $0x3  }
0x36: {  	p1 =	seq.s32 s10, $0x1;
	s10 =	sld [smem:$0x3FA4];
	_ =	sdelay $0x3  }
0x37: {  	[smem:$0x3FA4] =	sst s10  }
0x38: {  	s10 =	sld [smem:$0x3FA5]  }
0x39: {  	_ = 	snop;
	(pc) =	sbr.ind lr, $3  }
0x3a: {  	_ = 	snop  }
0x3b: {  	_ = 	snop  }
0x3c: {  	p2 =	seq.s32 s10, $0x1;
	s10 =	sld [smem:$0x3FA4]  }
0x3d: {  	_ =	shalt  }
0x3e: {  	_ =	shalt  }
0x3f: {  	_ =	shalt  }
0x40: {  	_ =	shalt  }
0x41: {  	_ =	shalt  }
0x42: {  	_ =	shalt  }
0x43: {  	_ =	shalt  }
0x44: {  	_ =	shalt  }
0x45: {  	_ =	shalt  }
0x46: {  	_ =	shalt  }
0x47: {  	_ =	shalt  }
0x48: {  	_ =	shalt  }
0x49: {  	_ =	shalt  }
0x4a: {  	_ =	shalt  }
0x4b: {  	_ =	shalt  }
0x4c: {  	_ =	shalt  }
0x4d: {  	_ =	shalt  }
0x4e: {  	_ =	shalt  }
0x4f: {  	_ =	shalt  }
0x50: {  	_ =	shalt  }
0x51: {  	_ =	shalt  }
0x52: {  	_ =	shalt  }
0x53: {  	_ =	shalt  }
0x54: {  	_ =	shalt  }
0x55: {  	_ =	shalt  }
0x56: {  	_ =	shalt  }
0x57: {  	_ =	shalt  }
0x58: {  	_ =	shalt  }
0x59: {  	_ =	shalt  }
0x5a: {  	_ =	shalt  }
0x5b: {  	_ =	shalt  }
0x5c: {  	_ =	shalt  }
0x5d: {  	_ =	shalt  }
0x5e: {  	_ =	shalt  }
0x5f: {  	_ =	shalt  }
0x60: {  	_ =	shalt  }
0x61: {  	_ =	shalt  }
0x62: {  	_ =	shalt  }
0x63: {  	_ =	shalt  }
0x64: {  	_ =	shalt  }
0x65: {  	_ =	shalt  }
0x66: {  	_ =	shalt  }
0x67: {  	_ =	shalt  }
0x68: {  	_ =	shalt  }
0x69: {  	_ =	shalt  }
0x6a: {  	_ =	shalt  }
0x6b: {  	_ =	shalt  }
0x6c: {  	_ =	shalt  }
0x6d: {  	_ =	shalt  }
0x6e: {  	_ =	shalt  }
0x6f: {  	_ =	shalt  }
0x70: {  	_ =	shalt  }
0x71: {  	_ =	shalt  }
0x72: {  	_ =	shalt  }
0x73: {  	_ =	shalt  }
0x74: {  	_ =	shalt  }
0x75: {  	_ =	shalt  }
0x76: {  	_ =	shalt  }
0x77: {  	_ =	shalt  }
0x78: {  	_ =	shalt  }
0x79: {  	_ =	shalt  }
0x7a: {  	_ =	shalt  }
0x7b: {  	_ =	shalt  }
0x7c: {  	_ =	shalt  }
0x7d: {  	_ =	shalt  }
0x7e: {  	_ =	shalt  }
0x7f: {  	_ =	shalt  }
0x80: {  	_ =	shalt  }
0x81: {  	_ =	shalt  }
0x82: {  	_ =	shalt  }
0x83: {  	_ =	shalt  }
0x84: {  	_ =	shalt  }
0x85: {  	_ =	shalt  }
0x86: {  	_ =	shalt  }
0x87: {  	_ =	shalt  }
.Lfunc_end0:
.L_simem_size_0:
called_computation_lowered:
.L_overlay_start_0:
0x88: {  	s2 =	sld [smem:$0x3FD9]  }
0x89: {  	s3 =	sld [smem:$0x3FFE];
	_ =	sdelay $0x1  }
0x8a: {  	s1 =	srdreg.scid  }
0x8b: {  	s0 =	sand.u32 $0x1, s1  }
0x8c: {  	s14 =	sshll.u32 s0, $0xA;
	s2 =	sadd.s32 s3, s2  }
0x8d: {  	s2 =	sadd.s32 s2, s14  }
0x8e: {  	[smem:$0x3FB0] =	sst s2  }
0x8f: {  	_ = 	snop  }
0x90: {  	s2 =	sld [smem:$0x3FD0];
	_ =	sdelay $0x2  }
0x91: {  	s15 =	simm.s32 $0xA;
	s4 =	simm.s32 $0x10  }
0x92: {  	[smem:s4], [sflag:s15] =	dma.local [hbm:s2], $0x1  }
0x93: {  	_ =	swait.eq [sflag:s15], $0x1  }
0x94: {  	[sflag:s15] =	ssyncset.done $0x0  }
0x95: {  	[sflag:s15] =	ssyncadd.s32 $0xFFFFFFFF  }
0x96: {  	s16 =	sld [smem:$0x11];
	(tm) =	ssettm $0x1  }
0x97: {  	s17 =	sld [smem:$0x3FFB];
	_ =	sdelay $0x3  }
0x98: {  	_ =	strace s17  }
0x99: {  	s3 =	sld [smem:$0x3FFC];
	_ =	sdelay $0x3  }
0x9a: {  	_ =	strace s3  }
0x9b: {  	s3 =	sld [smem:$0x3FFD];
	_ =	sdelay $0x3  }
0x9c: {  	_ =	strace s3  }
0x9d: {  	_ =	strace $0x8FFFFFFF  }
0x9e: {  	s18 =	sld [smem:$0x3FDB];
	_ =	sdelay $0x1  }
0x9f: {  	s19 =	simm.s32 $_scs_section_size  }
0xa0: {  	s5 =	simm.s32 $_size__tile_overlayer_lowered;
	s6 =	simm.s32 $_tile_overlayer_lowered  }
0xa1: {  	s22 =	simm.s32 $0x1BFF;
	s21 =	sshll.u32 s6, $0x1;
	s3 =	sadd.s32 s19, s18  }
0xa2: {  	s7 =	simm.s32 $0x0;
	s20 =	sshll.u32 s5, $0x1;
	s5 =	sadd.s32 s21, s3  }
0xa3: {  	[timem:s7], [sflag:s22] =	dma.local [hbm:s5], s20  }
0xa4: {  	_ =	swait.ge [sflag:s22], s20  }
0xa5: {  	s4 =	ssub.s32 $0x0, s20;
	[sflag:s22] =	ssyncset.done $0x0  }
0xa6: {  	[sflag:s22] =	ssyncadd.s32 s4;
	_ =	sdelay $0x1  }
0xa7: {  	s23 =	simm.s32 $0x1B8B  }
0xa8: {  	_ =	swait.ge [sflag:s23], $0x1  }
0xa9: {  	[sflag:s23] =	ssyncset.done $0x0  }
0xaa: {  	s25 =	simm.s32 $0x1B8E;
	s24 =	sld [smem:$0x3FFE];
	[sflag:s23] =	ssyncadd.s32 $0xFFFFFFFF  }
0xab: {  	s26 =	simm.s32 $execute0_lowered;
	[smem:$0x3FD2] =	sst s25  }
0xac: {  	s5 =	sshll.u32 s26, $0x1;
	_ =	strace $0x80000046;
	[dreg:$0x1] =	wrdreg $0xFFFFFFFF  }
0xad: {  	s28 =	simm.s32 $_size_execute0_lowered;
	s3 =	sadd.s32 s3, s5;
	[dreg:$0x0] =	wrdreg $0x0  }
0xae: {  	s5 =	sshll.u32 s28, $0x1;
	[dreg:$0x2] =	wrdreg s3  }
0xaf: {  	[dreg:$0x3] =	wrdreg s5  }
0xb0: {  	[dreg:$0x4] =	wrdreg $0xC0  }
0xb1: {  	_ =	task [dreg:s7], $0x5FFFF  }
0xb2: {  	[dreg:$0x1] =	wrdreg $0xFFFFFFFF  }
0xb3: {  	[dreg:$0x0] =	wrdreg $0x60  }
0xb4: {  	[dreg:$0x2] =	wrdreg s24  }
0xb5: {  	[dreg:$0x3] =	wrdreg s16  }
0xb6: {  	[dreg:$0x4] =	wrdreg $0x37800  }
0xb7: {  	[dreg:$0x5] =	wrdreg $0x9  }
0xb8: {  	_ =	task.clear_ibuf [dreg:s7], $0x6FFFF;
	_ =	strace $0x90000046  }
0xb9: {  	s29 =	simm.s32 $0x9;
	_ =	strace $0x80000048  }
0xba: {  	_ =	swait.ge [sflag:s29], $0x1  }
0xbb: {  	[sflag:s29] =	ssyncadd.s32 $0xFFFFFFFF  }
0xbc: {  	_ =	strace $0x90000048  }
0xbd: {  	_ =	sfence  }
0xbe: {  	s30 =	sld [smem:$0x0];
	_ =	sdelay $0x2  }
0xbf: {  	s31 =	sshll.u32 s1, $0xD;
	s1 =	sshrl.u32 s1, $0x2  }
0xc0: {  	s3 =	sand.u32 $0x4000, s31;
	s1 =	sadd.s32 s1, s30  }
0xc1: {  	s0 =	sor.u32 s3, s0;
	s1 =	sshll.u32 s1, $0x11  }
0xc2: {  	s0 =	sor.u32 s1, s0  }
0xc3: {  	s0 =	sadd.s32 $0x8F2B, s0  }
0xc4: {  	[sflag:s0] =	ssyncadd.remote.s32 $0x1  }
0xc5: {  	_ =	sfence.sel $0xFFFF  }
0xc6: {  	[dreg:$0x0] =	wrdreg $0xFFFFFFFF;
	(pc) =	sbr.abs _section_cstart, $3  }
0xc7: {  	[dreg:$0x1] =	wrdreg $0xFFFFFFFF  }
0xc8: {  	_ =	task.clear_ibuf [dreg:s7], $0x2FFFF;
	_ =	strace $0x9FFFFFFF  }
0xc9: {  	(tm) =	ssettm $0x7FFFFFFF  }
tec
execute0_lowered:
.L_overlay_start_1:
0x0: {  	(tag) =	ssettag $0x1  }
0x1: {  	s6 =	rddreg [dreg:$0x0]  }
0x2: {  	s1 =	srdreg.scid;
	s2 =	rddreg [dreg:$0x1]  }
0x3: {  	s0 =	stileid.u32;
	s3 =	rddreg [dreg:$0x2];
	s4 =	simm.s32 $0x0  }
0x4: {  	s20 =	simm.s32 $0x1;
	s21 =	simm.s32 $0x2780;
	s22 =	simm.s32 $0x2F80  }
0x5: {  	s23 =	simm.s32 $0x80;
	s26 =	simm.s32 $0x0;
	s7 =	sand.u32 $0x1, s1  }
0x6: {  	s29 =	sshll.u32 s0, $0x1;
	s8 =	smul.u32 $0x5080, s0;
	[smem:$0x7FF] =	sst s4  }
0x7: {  	s11 =	smul.u32 $0x14200, s0;
	s24 =	sshll.u32 s0, $0x6;
	s1 =	sor.u32 s7, s29  }
0x8: {  	s9 =	smul.u32 $0x50800, s7;
	s7 =	ssub.s32 $0x2, s7;
	s24 =	sor.u32 $0x1C01, s24  }
0x9: {  	s5 =	smul.u32 $0x4F0, s1;
	s1 =	rddreg [dreg:$0x3];
	_ =	strace $0x80000047  }
0xa: {  	s30 =	sshrl.u32 s7, $0x1;
	s31 =	sshrl.u32 s11, $0x2;
	s9 =	sadd.s32 s8, s9  }
0xb: {  	s19 =	ssub.s32 s7, s30;
	s17 =	sadd.s32 s31, s3;
	s7 =	sadd.s32 s8, s3  }
0xc: {  	s10 =	sadd.s32 s5, s6;
	s5 =	sadd.s32 $0xE400, s6;
	s9 =	sshrl.u32 s9, $0x3  }
0xd: {  	s8 =	sadd.s32 $0x800, s17;
	s11 =	sadd.s32 $0x2000, s17;
	s12 =	sadd.s32 $0x2800, s17  }
0xe: {  	s13 =	sadd.s32 $0x3000, s17;
	s14 =	sadd.s32 $0x3800, s17;
	s15 =	sadd.s32 $0x4000, s17  }
0xf: {  	s16 =	sadd.s32 $0x4800, s17;
	s19 =	smax.u32 s19, $0x1;
	s25 =	sshrl.u32 s7, $0x3  }
0x10: {  	s18 =	sadd.s32 s9, s6;
	s6 =	sadd.s32 $0x4600, s10;
	s9 =	sadd.s32 $0x1000, s17  }
0x11: {  	s10 =	sadd.s32 $0x1800, s17;
	s17 =	sadd.s32 $0x5000, s17;
	s18 =	sadd.s32 $0xE600, s18  }
.LBB2_1:
0x12: {  	[tilespmem:s4], [sflag:$0x1] =	stream.linear.gather [hbm4b:s6+s4], $0x2780, $0x38;
	[tilespmem:$0x8800] =	vst v63  }
0x13: {  	_ =	swait.ge [sflag:s20], $0x2780  }
0x14: {  	[sflag:s20] =	ssyncset.done $0x0  }
0x15: {  	[sflag:s20] =	ssyncadd.s32 $0xFFFFD880  }
0x16: {  	[tilespmem:s21], [sflag:$0x1] =	stream.linear.gather [hbm4b:s2+s4], $0x800, $0x38;
	[tilespmem:$0x8800] =	vst v63  }
0x17: {  	_ =	swait.ge [sflag:s20], $0x800  }
0x18: {  	[sflag:s20] =	ssyncset.done $0x0  }
0x19: {  	[sflag:s20] =	ssyncadd.s32 $0xFFFFF800  }
0x1a: {  	[tilespmem:s22], [sflag:$0x1] =	stream.linear.gather [hbm4b:s5+s4], $0x800, $0x38;
	[tilespmem:$0x8800] =	vst v63  }
0x1b: {  	_ =	swait.ge [sflag:s20], $0x800  }
0x1c: {  	[sflag:s20] =	ssyncset.done $0x0  }
0x1d: {  	[sflag:s20] =	ssyncadd.s32 $0xFFFFF800  }
0x1e: {  	[spmem:s7] =	stream.linear.scatter [tilespmem:s22], [sflag:$0x1], $0x800, $0x38;
	[tilespmem:$0x8800] =	vst v63  }
0x1f: {  	_ =	swait.ge [sflag:s20], $0x800  }
0x20: {  	[sflag:s20] =	ssyncset.done $0x0  }
0x21: {  	[sflag:s20] =	ssyncadd.s32 $0xFFFFF800  }
0x22: {  	[spmem:s8] =	stream.linear.scatter [tilespmem:s22], [sflag:$0x1], $0x800, $0x38;
	[tilespmem:$0x8800] =	vst v63  }
0x23: {  	_ =	swait.ge [sflag:s20], $0x800  }
0x24: {  	[sflag:s20] =	ssyncset.done $0x0  }
0x25: {  	[sflag:s20] =	ssyncadd.s32 $0xFFFFF800  }
0x26: {  	[spmem:s9] =	stream.linear.scatter [tilespmem:s22], [sflag:$0x1], $0x800, $0x38;
	[tilespmem:$0x8800] =	vst v63  }
0x27: {  	_ =	swait.ge [sflag:s20], $0x800  }
0x28: {  	[sflag:s20] =	ssyncset.done $0x0  }
0x29: {  	[sflag:s20] =	ssyncadd.s32 $0xFFFFF800  }
0x2a: {  	[spmem:s10] =	stream.linear.scatter [tilespmem:s22], [sflag:$0x1], $0x800, $0x38;
	[tilespmem:$0x8800] =	vst v63  }
0x2b: {  	_ =	swait.ge [sflag:s20], $0x800  }
0x2c: {  	[sflag:s20] =	ssyncset.done $0x0  }
0x2d: {  	[sflag:s20] =	ssyncadd.s32 $0xFFFFF800  }
0x2e: {  	[spmem:s11] =	stream.linear.scatter [tilespmem:s22], [sflag:$0x1], $0x800, $0x38;
	[tilespmem:$0x8800] =	vst v63  }
0x2f: {  	_ =	swait.ge [sflag:s20], $0x800  }
0x30: {  	[sflag:s20] =	ssyncset.done $0x0  }
0x31: {  	[sflag:s20] =	ssyncadd.s32 $0xFFFFF800  }
0x32: {  	[spmem:s12] =	stream.linear.scatter [tilespmem:s22], [sflag:$0x1], $0x800, $0x38;
	[tilespmem:$0x8800] =	vst v63  }
0x33: {  	_ =	swait.ge [sflag:s20], $0x800  }
0x34: {  	[sflag:s20] =	ssyncset.done $0x0  }
0x35: {  	[sflag:s20] =	ssyncadd.s32 $0xFFFFF800  }
0x36: {  	[spmem:s13] =	stream.linear.scatter [tilespmem:s22], [sflag:$0x1], $0x800, $0x38;
	[tilespmem:$0x8800] =	vst v63  }
0x37: {  	_ =	swait.ge [sflag:s20], $0x800  }
0x38: {  	[sflag:s20] =	ssyncset.done $0x0  }
0x39: {  	[sflag:s20] =	ssyncadd.s32 $0xFFFFF800  }
0x3a: {  	[spmem:s14] =	stream.linear.scatter [tilespmem:s22], [sflag:$0x1], $0x800, $0x38;
	[tilespmem:$0x8800] =	vst v63  }
0x3b: {  	_ =	swait.ge [sflag:s20], $0x800  }
0x3c: {  	[sflag:s20] =	ssyncset.done $0x0  }
0x3d: {  	[sflag:s20] =	ssyncadd.s32 $0xFFFFF800  }
0x3e: {  	[spmem:s15] =	stream.linear.scatter [tilespmem:s22], [sflag:$0x1], $0x800, $0x38;
	[tilespmem:$0x8800] =	vst v63  }
0x3f: {  	_ =	swait.ge [sflag:s20], $0x800  }
0x40: {  	[sflag:s20] =	ssyncset.done $0x0  }
0x41: {  	[sflag:s20] =	ssyncadd.s32 $0xFFFFF800  }
0x42: {  	[spmem:s16] =	stream.linear.scatter [tilespmem:s22], [sflag:$0x1], $0x800, $0x38;
	[tilespmem:$0x8800] =	vst v63  }
0x43: {  	_ =	swait.ge [sflag:s20], $0x800  }
0x44: {  	[sflag:s20] =	ssyncset.done $0x0  }
0x45: {  	[sflag:s20] =	ssyncadd.s32 $0xFFFFF800  }
0x46: {  	[spmem:s17] =	stream.linear.scatter [tilespmem:s22], [sflag:$0x1], $0x80, $0x38;
	[tilespmem:$0x8800] =	vst v63  }
0x47: {  	_ =	swait.ge [sflag:s20], $0x80  }
0x48: {  	[sflag:s20] =	ssyncset.done $0x0  }
0x49: {  	[sflag:s20] =	ssyncadd.s32 $0xFFFFFF80  }
0x4a: {  	s28 =	simm.s32 $0x0;
	[bflag:$0x0] =	sbarrier.arrive $0xFFFF  }
0x4b: {  	[spmem:s3] =	stream.indirect.scatter.add.f32 [tilespmem:s21], [sflag:$0x1], $0x10, s28, s23, $0xb8;
	[tilespmem:$0x8800] =	vst v63  }
0x4c: {  	_ =	swait.ge [sflag:s20], $0x800  }
0x4d: {  	s28 =	simm.s32 $0x200;
	[sflag:s20] =	ssyncset.done $0x0  }
.LBB2_2:
0x4e: {  	s29 =	sshra.s32 s28, $0x2;
	[sflag:s20] =	ssyncadd.s32 $0xFFFFF800;
	p0 =	sne.s32 s28, $0x9C00  }
0x4f: {  	[spmem:s3] =	stream.indirect.scatter.add.f32 [tilespmem:s21], [sflag:$0x1], $0x10, s29, s23, $0xb8;
	[tilespmem:$0x8800] =	vst v63  }
.Ltmp0:
0x50: {  	_ = 	snop;
	(pc) =	sbr.rel @p0 .LBB2_2-.Ltmp0, $4  }
0x51: {  	_ = 	snop  }
0x52: {  	s28 =	sadd.s32 $0x200, s28  }
0x53: {  	_ =	swait.ge [sflag:s20], $0x800  }
0x54: {  	[sflag:s20] =	ssyncset.done $0x0  }
0x55: {  	s26 =	sadd.s32 $0x1, s26  }
0x56: {  	[sflag:s20] =	ssyncadd.s32 $0xFFFFF800;
	p0 =	sne.s32 s26, s19  }
.Ltmp1:
0x57: {  	[bflag:$0x0] =	sbarrier.arrive $0xFFFF;
	(pc) =	sbr.rel @p0 .LBB2_1-.Ltmp1, $4  }
0x58: {  	[hbm:s18], [sflag:s24] =	dma.local [spmem:s25], $0xA10  }
0x59: {  	_ =	swait.ge [sflag:s20], $0xA10  }
0x5a: {  	[sflag:s20] =	ssyncset.done $0x0  }
0x5b: {  	[sflag:s20] =	ssyncadd.s32 $0xFFFFF5F0  }
0x5c: {  	_ =	sfence.sel $0x180000  }
0x5d: {  	[bflag:$0x0] =	sbarrier.arrive $0xFFFF  }
0x5e: {  	p0 =	sne.s32 s0, $0x0;
	_ =	strace $0x90000047  }
0x5f: {  	s0 =	sadd.s32 @!p0 $0x100000, s1;
	[bflag:$0x2] =	sbarrier.arrive $0xFFFF  }
0x60: {  	[sflag:s0] =	ssyncadd.tile.s32 @!p0 $0x1;
	_ =	shalt  }
.Lfunc_end2:
_tile_overlayer_lowered:
.L_overlay_start_2:
0x61: {  	(tag) =	ssettag $0x2  }
0x62: {  	s0 =	rddreg [dreg:$0x0];
	s2 =	stileid.u32  }
0x63: {  	s1 =	rddreg [dreg:$0x1];
	p0 =	sne.s32 s2, $0x0  }
0x64: {  	s3 =	rddreg [dreg:$0x2];
	[bflag:$0x3] =	sbarrier.arrive $0xFFFF;
	s2 =	simm.s32 @!p0 $0x1C01  }
0x65: {  	[timem:s3], [sflag:s2] =	dma.local @!p0 [hbm:s0], s1  }
0x66: {  	s0 =	simm.s32 @!p0 $0x1  }
0x67: {  	_ =	swait.ge @!p0 [sflag:s0], s1  }
0x68: {  	s1 =	ssub.s32 @!p0 $0x0, s1;
	[sflag:s0] =	ssyncset.done @!p0 $0x0  }
0x69: {  	[sflag:s0] =	ssyncadd.s32 @!p0 s1  }
0x6a: {  	[bflag:$0x3] =	sbarrier.arrive $0xFFFF  }
0x6b: {  	_ =	shalt  }

</sc_bundles>
